<compile_context>
chip_gen: v7x
topology: tpu7x:2x2x1
jax: 0.10.2.dev20260603
libtpu: 0.0.44.dev20260713+nightly
codegen_flags: <defaults>
</compile_context>

<pallas_src>
import functools
import math

import jax
import jax.numpy as jnp
from jax import lax
from jax.experimental import pallas as pl
from jax.experimental.pallas import tpu as pltpu
from jax.experimental.pallas import tpu_sc as plsc

N = 10000
E = 160000
H = 128
S = 16
FE = 16
TW = 256
NC = 2
NS = 16
NW = NC * NS
EPW = E // NW
BE = 200
NBLK = EPW // BE
NP = 10240
RPT = NP // NS
NVREG = BE // 16 + 1
TAIL = BE - (NVREG - 1) * 16
BEPAD = NVREG * 16
NZCH = NP // 16
BEK2 = 1280
GRID2 = E // BEK2
BN = 1024
EPS = 1e-9
INV_TEMP = 1.0 / math.sqrt(float(H))

_MESH = plsc.VectorSubcoreMesh(core_axis_name="c", subcore_axis_name="s")


NBLK2 = NBLK // 2


@functools.partial(
    pl.kernel,
    mesh=_MESH,
    compiler_params=pltpu.CompilerParams(needs_layout_passes=False),
    out_type=(
        jax.ShapeDtypeStruct((E, H), jnp.int32),
        jax.ShapeDtypeStruct((E, H), jnp.int32),
        jax.ShapeDtypeStruct((E, H), jnp.int32),
        jax.ShapeDtypeStruct((E, H), jnp.int32),
    ),
    scratch_types=[
        pltpu.VMEM((EPW,), jnp.int32),
        pltpu.VMEM((EPW,), jnp.int32),
        pltpu.VMEM((2, BE, H), jnp.int32),
        pltpu.VMEM((2, BE, H), jnp.int32),
        pltpu.SemaphoreType.DMA,
        pltpu.SemaphoreType.DMA,
        pltpu.SemaphoreType.DMA,
        pltpu.SemaphoreType.DMA,
        pltpu.SemaphoreType.DMA,
        pltpu.SemaphoreType.DMA,
        pltpu.SemaphoreType.DMA,
        pltpu.SemaphoreType.DMA,
    ],
)
def _k1_gather(tab, us, ud, dns, dnd, gsu, gdu, gsd, gdd,
               ia_s, ia_d, rs, rd,
               sg0, sg1, sg2, sg3, sw0, sw1, sw2, sw3):
    c = lax.axis_index("c")
    s = lax.axis_index("s")
    wid = s * NC + c
    ebase = wid * EPW
    sgs = ((sg0, sg1), (sg2, sg3))
    sws = ((sw0, sw1), (sw2, sw3))

    for src, dst, gs, gd in ((us, ud, gsu, gdu), (dns, dnd, gsd, gdd)):
        pltpu.sync_copy(src.at[pl.ds(ebase, EPW)], ia_s)
        pltpu.sync_copy(dst.at[pl.ds(ebase, EPW)], ia_d)

        def gissue(b, k):
            pltpu.async_copy(
                tab.at[ia_s.at[pl.ds(b * BE, BE)]], rs.at[k], sgs[0][k])
            pltpu.async_copy(
                tab.at[ia_d.at[pl.ds(b * BE, BE)]], rd.at[k], sgs[1][k])

        def handle(b, k, last):
            pltpu.make_async_copy(
                tab.at[pl.ds(0, BE)], rs.at[k], sgs[0][k]).wait()
            pltpu.make_async_copy(
                tab.at[pl.ds(0, BE)], rd.at[k], sgs[1][k]).wait()
            base = ebase + b * BE
            pltpu.async_copy(rs.at[k], gs.at[pl.ds(base, BE)], sws[0][k])
            pltpu.async_copy(rd.at[k], gd.at[pl.ds(base, BE)], sws[1][k])
            pltpu.make_async_copy(
                rs.at[k], gs.at[pl.ds(base, BE)], sws[0][k]).wait()
            pltpu.make_async_copy(
                rd.at[k], gd.at[pl.ds(base, BE)], sws[1][k]).wait()
            if not last:
                @pl.when(b + 2 < NBLK)
                def _():
                    gissue(b + 2, k)

        gissue(0, 0)
        gissue(1, 1)

        def pair(i, carry):
            handle(i * 2, 0, False)
            handle(i * 2 + 1, 1, False)
            return carry

        lax.fori_loop(0, NBLK2, pair, 0)
        handle(NBLK - 1, 0, True)


def _k2_body(gsu, gdu, efu, gsd, gdd, efd,
             w1xu, w1seu, b1u, w2u, b2u,
             w1xd, w1sed, b1d, w2d, b2d,
             eu_ref, mvu_ref, ed_ref, mvd_ref):
    for (gs, gd, ef, w1x, w1se, b1, w2, b2, e_ref, mv_ref) in (
        (gsu, gdu, efu, w1xu, w1seu, b1u, w2u, b2u, eu_ref, mvu_ref),
        (gsd, gdd, efd, w1xd, w1sed, b1d, w2d, b2d, ed_ref, mvd_ref),
    ):
        def unpack_x(words):
            return jax.lax.bitcast_convert_type(
                jnp.bitwise_and(words, jnp.int32(-65536)), jnp.float32)

        def unpack_xs(words):
            return jax.lax.bitcast_convert_type(
                jnp.left_shift(words[:, 0:S], 16), jnp.float32)

        gsw = gs[...]
        gdw = gd[...]
        gsx = unpack_x(gsw)
        gx = jnp.concatenate([gsx, unpack_x(gdw)], axis=1)
        gss = jnp.concatenate(
            [unpack_xs(gsw), unpack_xs(gdw), ef[...]], axis=1)
        acc = jnp.dot(gx.astype(jnp.bfloat16), w1x[...], preferred_element_type=jnp.float32)
        acc = acc + jnp.dot(gss.astype(jnp.bfloat16), w1se[...], preferred_element_type=jnp.float32)
        h = jnp.maximum(acc + b1[...], 0.0)
        sc = jnp.dot(h, w2[...], preferred_element_type=jnp.float32) + b2[...]
        sc = jnp.where(sc >= 0.0, sc, 0.01 * sc) * INV_TEMP
        ev = jnp.exp(sc)
        e_ref[...] = ev
        mv_ref[...] = gsx * ev


def _k2_call(gsu, gdu, efu, gsd, gdd, efd, wu, wd):
    blk_e = pl.BlockSpec((BEK2, H), lambda i: (i, 0))
    blk_f = pl.BlockSpec((BEK2, FE), lambda i: (i, 0))
    full = lambda shape: pl.BlockSpec(shape, lambda i: tuple(0 for _ in shape))
    w1xu, w1seu, b1u, w2u, b2u = wu
    w1xd, w1sed, b1d, w2d, b2d = wd
    return pl.pallas_call(
        _k2_body,
        grid=(GRID2,),
        in_specs=[
            blk_e, blk_e, blk_f, blk_e, blk_e, blk_f,
            full((2 * H, 2 * H)), full((2 * S + FE, 2 * H)),
            full((1, 2 * H)), full((2 * H, 1)), full((1, 1)),
            full((2 * H, 2 * H)), full((2 * S + FE, 2 * H)),
            full((1, 2 * H)), full((2 * H, 1)), full((1, 1)),
        ],
        out_specs=[
            pl.BlockSpec((BEK2, 1), lambda i: (i, 0)),
            pl.BlockSpec((BEK2, H), lambda i: (i, 0)),
            pl.BlockSpec((BEK2, 1), lambda i: (i, 0)),
            pl.BlockSpec((BEK2, H), lambda i: (i, 0)),
        ],
        out_shape=[
            jax.ShapeDtypeStruct((E, 1), jnp.float32),
            jax.ShapeDtypeStruct((E, H), jnp.float32),
            jax.ShapeDtypeStruct((E, 1), jnp.float32),
            jax.ShapeDtypeStruct((E, H), jnp.float32),
        ],
    )(gsu, gdu, efu, gsd, gdd, efd,
      w1xu, w1seu, b1u, w2u, b2u,
      w1xd, w1sed, b1d, w2d, b2d)


@functools.partial(
    pl.kernel,
    mesh=_MESH,
    compiler_params=pltpu.CompilerParams(needs_layout_passes=False),
    out_type=(
        jax.ShapeDtypeStruct((NC, NP, H), jnp.float32),
        jax.ShapeDtypeStruct((NC, NP, H), jnp.float32),
        jax.ShapeDtypeStruct((NW * NP,), jnp.float32),
        jax.ShapeDtypeStruct((NW * NP,), jnp.float32),
    ),
    scratch_types=[
        pltpu.VMEM_SHARED((NP, H), jnp.float32),
        pltpu.VMEM((NP,), jnp.float32),
        pltpu.VMEM((BEPAD,), jnp.int32),
        pltpu.VMEM((BEPAD,), jnp.float32),
        pltpu.VMEM((BE, H), jnp.float32),
    ],
)
def _k3_scatter(dstu, dstd, mvu, mvd, eu, ed, zeros,
                pu, pd, dpu, dpd, acc, dacc, idx_v, e_v, mv_v):
    c = lax.axis_index("c")
    s = lax.axis_index("s")
    wid = s * NC + c
    row0 = s * RPT
    lanes = lax.iota(jnp.int32, 16)
    zero16 = jnp.zeros((16,), jnp.float32)
    for dst, mv, e, part, dpart in ((dstu, mvu, eu, pu, dpu),
                                    (dstd, mvd, ed, pd, dpd)):
        pltpu.sync_copy(zeros.at[pl.ds(row0, RPT)], acc.at[pl.ds(row0, RPT)])

        def zstep(i, carry):
            dacc[pl.ds(i * 16, 16)] = zero16
            return carry

        lax.fori_loop(0, NZCH, zstep, 0)
        plsc.subcore_barrier()

        def step(i, carry):
            base = wid * EPW + i * BE
            pltpu.sync_copy(dst.at[pl.ds(base, BE)], idx_v.at[pl.ds(0, BE)])
            pltpu.sync_copy(e.at[pl.ds(base, BE)], e_v.at[pl.ds(0, BE)])
            pltpu.sync_copy(mv.at[pl.ds(base, BE)], mv_v)
            pltpu.sync_copy(mv_v, acc.at[idx_v.at[pl.ds(0, BE)]], add=True)
            for j in range(NVREG):
                idx16 = idx_v[pl.ds(j * 16, 16)]
                e16 = e_v[pl.ds(j * 16, 16)]
                if j == NVREG - 1:
                    idx16 = jnp.where(lanes < TAIL, idx16, 0)
                    e16 = jnp.where(lanes < TAIL, e16, 0.0)
                plsc.addupdate_scatter(dacc, [idx16], e16)
            return carry

        lax.fori_loop(0, NBLK, step, 0)
        plsc.subcore_barrier()
        pltpu.sync_copy(acc.at[pl.ds(row0, RPT)], part.at[c, pl.ds(row0, RPT)])
        pltpu.sync_copy(dacc, dpart.at[pl.ds(wid * NP, NP)])
        plsc.subcore_barrier()


def _k4_body(x, pu, pd, dpu, dpd, w1t, b1, w2t, b2,
             out, dinvu_ref, dinvd_ref):
    mu = pu[0] + pu[1]
    md = pd[0] + pd[1]
    du = jnp.sum(dpu[...], axis=0)[:, None] + EPS
    dd = jnp.sum(dpd[...], axis=0)[:, None] + EPS
    aggu = mu / du
    aggd = md / dd
    upd_in = jnp.concatenate([x[...], aggu, aggd], axis=1)
    h = jnp.maximum(jnp.dot(upd_in, w1t[...], preferred_element_type=jnp.float32) + b1[...], 0.0)
    o = jnp.maximum(jnp.dot(h, w2t[...], preferred_element_type=jnp.float32) + b2[...], 0.0)
    out[...] = o
    dinvu_ref[...] = 1.0 / du
    dinvd_ref[...] = 1.0 / dd


def _k4_call(x, pu, pd, dpu, dpd, w1t, b1, w2t, b2):
    grid = NP // BN
    return pl.pallas_call(
        _k4_body,
        grid=(grid,),
        in_specs=[
            pl.BlockSpec((BN, H), lambda i: (i, 0)),
            pl.BlockSpec((NC, BN, H), lambda i: (0, i, 0)),
            pl.BlockSpec((NC, BN, H), lambda i: (0, i, 0)),
            pl.BlockSpec((NW, BN), lambda i: (0, i)),
            pl.BlockSpec((NW, BN), lambda i: (0, i)),
            pl.BlockSpec((3 * H, 3 * H), lambda i: (0, 0)),
            pl.BlockSpec((1, 3 * H), lambda i: (0, 0)),
            pl.BlockSpec((3 * H, H), lambda i: (0, 0)),
            pl.BlockSpec((1, H), lambda i: (0, 0)),
        ],
        out_specs=[
            pl.BlockSpec((BN, H), lambda i: (i, 0)),
            pl.BlockSpec((BN, 1), lambda i: (i, 0)),
            pl.BlockSpec((BN, 1), lambda i: (i, 0)),
        ],
        out_shape=[
            jax.ShapeDtypeStruct((N, H), jnp.float32),
            jax.ShapeDtypeStruct((N, 1), jnp.float32),
            jax.ShapeDtypeStruct((N, 1), jnp.float32),
        ],
    )(x, pu, pd, dpu, dpd, w1t, b1, w2t, b2)


@functools.partial(
    pl.kernel,
    mesh=_MESH,
    compiler_params=pltpu.CompilerParams(needs_layout_passes=False),
    out_type=(
        jax.ShapeDtypeStruct((E,), jnp.float32),
        jax.ShapeDtypeStruct((E,), jnp.float32),
    ),
    scratch_types=[
        pltpu.VMEM((N,), jnp.float32),
        pltpu.VMEM((N,), jnp.float32),
        pltpu.VMEM((BEPAD,), jnp.int32),
        pltpu.VMEM((BEPAD,), jnp.float32),
        pltpu.VMEM((BEPAD,), jnp.float32),
    ],
)
def _k5_weights(dstu, dstd, eu, ed, dinvu, dinvd, wu, wd,
                dv_u, dv_d, idx_v, e_v, w_v):
    c = lax.axis_index("c")
    s = lax.axis_index("s")
    wid = s * NC + c
    pltpu.sync_copy(dinvu, dv_u)
    pltpu.sync_copy(dinvd, dv_d)
    lanes = lax.iota(jnp.int32, 16)
    for dst, e, dv_ref, w in ((dstu, eu, dv_u, wu), (dstd, ed, dv_d, wd)):
        def step(i, carry):
            base = wid * EPW + i * BE
            pltpu.sync_copy(dst.at[pl.ds(base, BE)], idx_v.at[pl.ds(0, BE)])
            pltpu.sync_copy(e.at[pl.ds(base, BE)], e_v.at[pl.ds(0, BE)])
            for j in range(NVREG):
                idx16 = idx_v[pl.ds(j * 16, 16)]
                if j == NVREG - 1:
                    idx16 = jnp.where(lanes < TAIL, idx16, 0)
                d16 = plsc.load_gather(dv_ref, [idx16])
                w_v[pl.ds(j * 16, 16)] = e_v[pl.ds(j * 16, 16)] * d16
            pltpu.sync_copy(w_v.at[pl.ds(0, BE)], w.at[pl.ds(base, BE)])
            return carry

        lax.fori_loop(0, NBLK, step, 0)


def kernel(x, x_s, node_mask, up_edge_index, up_edge_features,
           down_edge_index, down_edge_features,
           up_W1, up_b1, up_W2, up_b2,
           down_W1, down_b1, down_W2, down_b2,
           upd_W1, upd_b1, upd_W2, upd_b2):
    f32 = jnp.float32
    bf16 = jnp.bfloat16
    u32 = jnp.uint32
    tabb = jnp.concatenate(
        [x, x_s, jnp.zeros((N, TW - H - S), f32)], axis=1).astype(bf16)
    hi_b = jax.lax.bitcast_convert_type(tabb[:, 0:H], jnp.uint16).astype(u32)
    lo_b = jax.lax.bitcast_convert_type(tabb[:, H:TW], jnp.uint16).astype(u32)
    tab = jax.lax.bitcast_convert_type(
        jnp.bitwise_or(jnp.left_shift(hi_b, 16), lo_b), jnp.int32)
    us = up_edge_index[0].astype(jnp.int32)
    udst = up_edge_index[1].astype(jnp.int32)
    dns = down_edge_index[0].astype(jnp.int32)
    dndst = down_edge_index[1].astype(jnp.int32)

    def att_weights(W1, b1, W2, b2):
        w1x = W1[:, 0:2 * H].T.astype(bf16)
        w1se = W1[:, 2 * H:].T.astype(bf16)
        return (w1x, w1se,
                b1.reshape(1, 2 * H).astype(f32), W2.reshape(2 * H, 1).astype(f32),
                b2.reshape(1, 1).astype(f32))

    wu = att_weights(up_W1, up_b1, up_W2, up_b2)
    wd = att_weights(down_W1, down_b1, down_W2, down_b2)

    gsu, gdu, gsd, gdd = _k1_gather(tab, us, udst, dns, dndst)

    eu2, mvu, ed2, mvd = _k2_call(
        gsu, gdu, up_edge_features,
        gsd, gdd, down_edge_features, wu, wd)

    eu = eu2.reshape(E)
    ed = ed2.reshape(E)
    zeros = jnp.zeros((NP, H), f32)
    pu, pd, dpuf, dpdf = _k3_scatter(udst, dndst, mvu, mvd, eu, ed, zeros)
    dpu = dpuf.reshape(NW, NP)
    dpd = dpdf.reshape(NW, NP)

    w1t = upd_W1.T.astype(f32)
    w2t = upd_W2.T.astype(f32)
    b1r = upd_b1.reshape(1, 3 * H).astype(f32)
    b2r = upd_b2.reshape(1, H).astype(f32)
    update, dinvu2, dinvd2 = _k4_call(x, pu, pd, dpu, dpd, w1t, b1r, w2t, b2r)

    dinvu = dinvu2.reshape(N)
    dinvd = dinvd2.reshape(N)
    wup, wdn = _k5_weights(udst, dndst, eu, ed, dinvu, dinvd)
    return update, wup, wdn

# --- scband reference (transcript-rebuilt; emitter-appended) ---
"""Pipeline reference for scband-directional-gat-47519518163251 (READ-ONLY COPY).

The authoritative reference and input builder live on the scoring server;
editing this copy changes nothing except your own understanding.
"""

import jax, jax.numpy as jnp
import numpy as np

N, E = 10000, 160000
H, S, FE = 128, 16, 16
IN_ATT = 2 * H + 2 * S + FE  # 304
W_ATT = 2 * H                # 256
IN_UPD = 3 * H               # 384
W_UPD = 3 * H                # 384


def segment_softmax(scores, segment_ids, num_segments):
    max_scores = jax.ops.segment_max(scores, segment_ids, num_segments=num_segments)
    stable_scores = scores - max_scores[segment_ids]
    exp_scores = jnp.exp(stable_scores)
    sum_exp_scores = jax.ops.segment_sum(exp_scores, segment_ids, num_segments=num_segments)
    return exp_scores / (sum_exp_scores[segment_ids] + 1e-09)


def mlp(x, W1, b1, W2, b2):
    # eqx.nn.MLP depth=1: Linear -> relu -> Linear (identity final activation)
    h = jax.nn.relu(x @ W1.T + b1)
    return h @ W2.T + b2


def _lin_init(k, out_dim, in_dim):
    lim = 1.0 / np.sqrt(in_dim)
    return jax.random.uniform(k, (out_dim, in_dim), minval=-lim, maxval=lim, dtype=jnp.float32)


def setup_inputs(seed: int = 0) -> dict:
    key = jax.random.key(seed)
    ks = jax.random.split(key, 16)
    inp = {}
    inp['x'] = jax.random.normal(ks[0], (N, H), dtype=jnp.float32)
    inp['x_s'] = jax.random.normal(ks[1], (N, S), dtype=jnp.float32)
    inp['node_mask'] = jnp.zeros((N,), dtype=bool)
    inp['up_edge_index'] = jax.random.randint(ks[2], (2, E), 0, N)
    inp['up_edge_features'] = jax.random.normal(ks[3], (E, FE), dtype=jnp.float32)
    inp['down_edge_index'] = jax.random.randint(ks[4], (2, E), 0, N)
    inp['down_edge_features'] = jax.random.normal(ks[5], (E, FE), dtype=jnp.float32)
    # up attention MLP params
    inp['up_W1'] = _lin_init(ks[6], W_ATT, IN_ATT)
    inp['up_b1'] = jnp.zeros((W_ATT,), dtype=jnp.float32)
    inp['up_W2'] = _lin_init(ks[7], 1, W_ATT)
    inp['up_b2'] = jnp.zeros((1,), dtype=jnp.float32)
    # down attention MLP params
    inp['down_W1'] = _lin_init(ks[8], W_ATT, IN_ATT)
    inp['down_b1'] = jnp.zeros((W_ATT,), dtype=jnp.float32)
    inp['down_W2'] = _lin_init(ks[9], 1, W_ATT)
    inp['down_b2'] = jnp.zeros((1,), dtype=jnp.float32)
    # update MLP params
    inp['upd_W1'] = _lin_init(ks[10], W_UPD, IN_UPD)
    inp['upd_b1'] = jnp.zeros((W_UPD,), dtype=jnp.float32)
    inp['upd_W2'] = _lin_init(ks[11], H, W_UPD)
    inp['upd_b2'] = jnp.zeros((H,), dtype=jnp.float32)
    return inp


def _compute_messages(x, x_s, node_mask, src, dst, edge_features, W1, b1, W2, b2):
    num_nodes = x.shape[0]
    source_hidden_feats = x[src]
    dest_hidden_feats = x[dst]
    source_static_feats = x_s[src]
    dest_static_feats = x_s[dst]
    attention_input = jnp.concatenate([source_hidden_feats, dest_hidden_feats, source_static_feats, dest_static_feats, edge_features], axis=-1)
    raw_scores = mlp(attention_input, W1, b1, W2, b2).squeeze(-1)
    raw_scores = jax.nn.leaky_relu(raw_scores)
    temperature = jnp.sqrt(jnp.asarray(x.shape[-1], dtype=raw_scores.dtype))
    scaled_scores = raw_scores / temperature
    source_mask = node_mask[src]
    masked_scores = jnp.where(source_mask, jnp.finfo(scaled_scores.dtype).min, scaled_scores)
    attention_weights = segment_softmax(masked_scores, dst, num_nodes)
    weighted_messages = source_hidden_feats * attention_weights[:, None]
    aggregated_feats = jax.ops.segment_sum(weighted_messages, dst, num_segments=num_nodes)
    return aggregated_feats, attention_weights


def reference(x, x_s, node_mask, up_edge_index, up_edge_features, down_edge_index, down_edge_features, up_W1, up_b1, up_W2, up_b2, down_W1, down_b1, down_W2, down_b2, upd_W1, upd_b1, upd_W2, upd_b2):
    up_messages, up_w = _compute_messages(x, x_s, node_mask, up_edge_index[0], up_edge_index[1], up_edge_features, up_W1, up_b1, up_W2, up_b2)
    down_messages, down_w = _compute_messages(x, x_s, node_mask, down_edge_index[0], down_edge_index[1], down_edge_features, down_W1, down_b1, down_W2, down_b2)
    update_input = jnp.concatenate([x, up_messages, down_messages], axis=-1)
    update = jax.nn.relu(mlp(update_input, upd_W1, upd_b1, upd_W2, upd_b2))
    return (update, up_w, down_w)

if __name__ == "__main__":
    import jax
    _d = setup_inputs()
    print(jax.jit(kernel)(*tuple(_d.values())))

</pallas_src>

<mosaic_0001>
#map = affine_map<(d0, d1) -> (0)>
module attributes {stable_mosaic.version = 14 : i64} {
  func.func @_k5_weights(%arg0: i32, %arg1: i32, %arg2: memref<160000xi32, #tpu.memory_space<hbm>>, %arg3: memref<160000xi32, #tpu.memory_space<hbm>>, %arg4: memref<160000xf32, #tpu.memory_space<hbm>>, %arg5: memref<160000xf32, #tpu.memory_space<hbm>>, %arg6: memref<10000xf32, #tpu.memory_space<hbm>>, %arg7: memref<10000xf32, #tpu.memory_space<hbm>>, %arg8: memref<160000xf32, #tpu.memory_space<hbm>>, %arg9: memref<160000xf32, #tpu.memory_space<hbm>>, %arg10: memref<10000xf32, #tpu.memory_space<vmem>>, %arg11: memref<10000xf32, #tpu.memory_space<vmem>>, %arg12: memref<208xi32, #tpu.memory_space<vmem>>, %arg13: memref<208xf32, #tpu.memory_space<vmem>>, %arg14: memref<208xf32, #tpu.memory_space<vmem>>) attributes {dimension_semantics = [#tpu.dimension_semantics<core_parallel>, #tpu.dimension_semantics<subcore_parallel>], iteration_bounds = array<i64: 2, 16>, scalar_prefetch = 0 : i64, scratch_operands = 5 : i64, tpu.core_type = #tpu.core_type<sc_vector_subcore>, window_params = [{transform_indices = #map}, {transform_indices = #map}, {transform_indices = #map}, {transform_indices = #map}, {transform_indices = #map}, {transform_indices = #map}, {transform_indices = #map}, {transform_indices = #map}]} {
    %mul3A = arith.constant 2 : i32
    %mul3A_0 = arith.muli %arg1, %mul3A : i32
    %add3A = arith.addi %mul3A_0, %arg0 : i32
    "tpu.region"() ({
      %run_scoped3A = tpu.sem_alloc : memref<!tpu.dma_semaphore, #tpu.memory_space<semaphore_mem>>
      tpu.enqueue_dma source(%arg6 : memref<10000xf32, #tpu.memory_space<hbm>>) target(%arg10 : memref<10000xf32, #tpu.memory_space<vmem>>) target_semaphore(%run_scoped3A : memref<!tpu.dma_semaphore, #tpu.memory_space<semaphore_mem>>)
      tpu.wait_dma2 semaphore(%run_scoped3A : memref<!tpu.dma_semaphore, #tpu.memory_space<semaphore_mem>>) src(%arg6 : memref<10000xf32, #tpu.memory_space<hbm>>) dst(%arg10 : memref<10000xf32, #tpu.memory_space<vmem>>)
      tpu.yield
    }) : () -> ()
    "tpu.region"() ({
      %run_scoped3A = tpu.sem_alloc : memref<!tpu.dma_semaphore, #tpu.memory_space<semaphore_mem>>
      tpu.enqueue_dma source(%arg7 : memref<10000xf32, #tpu.memory_space<hbm>>) target(%arg11 : memref<10000xf32, #tpu.memory_space<vmem>>) target_semaphore(%run_scoped3A : memref<!tpu.dma_semaphore, #tpu.memory_space<semaphore_mem>>)
      tpu.wait_dma2 semaphore(%run_scoped3A : memref<!tpu.dma_semaphore, #tpu.memory_space<semaphore_mem>>) src(%arg7 : memref<10000xf32, #tpu.memory_space<hbm>>) dst(%arg11 : memref<10000xf32, #tpu.memory_space<vmem>>)
      tpu.yield
    }) : () -> ()
    %iota3A = tpu.iota {dimensions = array<i32: 0>} : vector<16xi32>
    %scan3A = arith.constant 0 : i32
    %scan3A_1 = arith.constant 0 : i32
    %scan3A_2 = arith.constant 25 : i32
    %scan3A_3 = arith.addi %scan3A_1, %scan3A_2 : i32
    %scan3A_4 = arith.constant 1 : i32
    scf.for %scan3A_12 = %scan3A_1 to %scan3A_3 step %scan3A_4  : i32 {
      %mul3A_13 = arith.constant 5000 : i32
      %mul3A_14 = arith.muli %add3A, %mul3A_13 : i32
      %mul3A_15 = arith.constant 200 : i32
      %mul3A_16 = arith.muli %scan3A_12, %mul3A_15 : i32
      %add3A_17 = arith.addi %mul3A_14, %mul3A_16 : i32
      "tpu.region"() ({
        %run_scoped3A = tpu.sem_alloc : memref<!tpu.dma_semaphore, #tpu.memory_space<semaphore_mem>>
        %dma_start3A = arith.constant 0 : i32
        %dma_start3A_121 = tpu.memref_slice %arg12[%dma_start3A] : memref<208xi32, #tpu.memory_space<vmem>> -> memref<200xi32, #tpu.memory_space<vmem>>
        %dma_start3A_122 = tpu.memref_slice %arg2[%add3A_17] : memref<160000xi32, #tpu.memory_space<hbm>> -> memref<200xi32, #tpu.memory_space<hbm>>
        %dma_start3A_123 = arith.constant 0 : i32
        %dma_start3A_124 = tpu.memref_slice %arg12[%dma_start3A_123] : memref<208xi32, #tpu.memory_space<vmem>> -> memref<200xi32, #tpu.memory_space<vmem>>
        %dma_start3A_125 = tpu.memref_slice %arg2[%add3A_17] : memref<160000xi32, #tpu.memory_space<hbm>> -> memref<200xi32, #tpu.memory_space<hbm>>
        tpu.enqueue_dma source(%dma_start3A_125 : memref<200xi32, #tpu.memory_space<hbm>>) target(%dma_start3A_124 : memref<200xi32, #tpu.memory_space<vmem>>) target_semaphore(%run_scoped3A : memref<!tpu.dma_semaphore, #tpu.memory_space<semaphore_mem>>)
        %dma_wait3A = arith.constant 0 : i32
        %dma_wait3A_126 = tpu.memref_slice %arg12[%dma_wait3A] : memref<208xi32, #tpu.memory_space<vmem>> -> memref<200xi32, #tpu.memory_space<vmem>>
        %dma_wait3A_127 = tpu.memref_slice %arg2[%add3A_17] : memref<160000xi32, #tpu.memory_space<hbm>> -> memref<200xi32, #tpu.memory_space<hbm>>
        %dma_wait3A_128 = arith.constant 0 : i32
        %dma_wait3A_129 = tpu.memref_slice %arg12[%dma_wait3A_128] : memref<208xi32, #tpu.memory_space<vmem>> -> memref<200xi32, #tpu.memory_space<vmem>>
        %dma_wait3A_130 = tpu.memref_slice %arg2[%add3A_17] : memref<160000xi32, #tpu.memory_space<hbm>> -> memref<200xi32, #tpu.memory_space<hbm>>
        tpu.wait_dma2 semaphore(%run_scoped3A : memref<!tpu.dma_semaphore, #tpu.memory_space<semaphore_mem>>) src(%dma_wait3A_130 : memref<200xi32, #tpu.memory_space<hbm>>) dst(%dma_wait3A_129 : memref<200xi32, #tpu.memory_space<vmem>>)
        tpu.yield
      }) : () -> ()
      "tpu.region"() ({
        %run_scoped3A = tpu.sem_alloc : memref<!tpu.dma_semaphore, #tpu.memory_space<semaphore_mem>>
        %dma_start3A = arith.constant 0 : i32
        %dma_start3A_121 = tpu.memref_slice %arg13[%dma_start3A] : memref<208xf32, #tpu.memory_space<vmem>> -> memref<200xf32, #tpu.memory_space<vmem>>
        %dma_start3A_122 = tpu.memref_slice %arg4[%add3A_17] : memref<160000xf32, #tpu.memory_space<hbm>> -> memref<200xf32, #tpu.memory_space<hbm>>
        %dma_start3A_123 = arith.constant 0 : i32
        %dma_start3A_124 = tpu.memref_slice %arg13[%dma_start3A_123] : memref<208xf32, #tpu.memory_space<vmem>> -> memref<200xf32, #tpu.memory_space<vmem>>
        %dma_start3A_125 = tpu.memref_slice %arg4[%add3A_17] : memref<160000xf32, #tpu.memory_space<hbm>> -> memref<200xf32, #tpu.memory_space<hbm>>
        tpu.enqueue_dma source(%dma_start3A_125 : memref<200xf32, #tpu.memory_space<hbm>>) target(%dma_start3A_124 : memref<200xf32, #tpu.memory_space<vmem>>) target_semaphore(%run_scoped3A : memref<!tpu.dma_semaphore, #tpu.memory_space<semaphore_mem>>)
        %dma_wait3A = arith.constant 0 : i32
        %dma_wait3A_126 = tpu.memref_slice %arg13[%dma_wait3A] : memref<208xf32, #tpu.memory_space<vmem>> -> memref<200xf32, #tpu.memory_space<vmem>>
        %dma_wait3A_127 = tpu.memref_slice %arg4[%add3A_17] : memref<160000xf32, #tpu.memory_space<hbm>> -> memref<200xf32, #tpu.memory_space<hbm>>
        %dma_wait3A_128 = arith.constant 0 : i32
        %dma_wait3A_129 = tpu.memref_slice %arg13[%dma_wait3A_128] : memref<208xf32, #tpu.memory_space<vmem>> -> memref<200xf32, #tpu.memory_space<vmem>>
        %dma_wait3A_130 = tpu.memref_slice %arg4[%add3A_17] : memref<160000xf32, #tpu.memory_space<hbm>> -> memref<200xf32, #tpu.memory_space<hbm>>
        tpu.wait_dma2 semaphore(%run_scoped3A : memref<!tpu.dma_semaphore, #tpu.memory_space<semaphore_mem>>) src(%dma_wait3A_130 : memref<200xf32, #tpu.memory_space<hbm>>) dst(%dma_wait3A_129 : memref<200xf32, #tpu.memory_space<vmem>>)
        tpu.yield
      }) : () -> ()
      %get3A = arith.constant 0 : index
      %get3A_18 = tpu.vector_load %arg12[%get3A] {strides = array<i32>} : memref<208xi32, #tpu.memory_space<vmem>>, vector<16xi32>,
      %gather3A = tpu.vector_load_idx %arg10[%get3A_18] : memref<10000xf32, #tpu.memory_space<vmem>>[vector<16xi32>], vector<16xf32>,
      %get3A_19 = arith.constant 0 : index
      %get3A_20 = tpu.vector_load %arg13[%get3A_19] {strides = array<i32>} : memref<208xf32, #tpu.memory_space<vmem>>, vector<16xf32>,
      %mul3A_21 = arith.mulf %get3A_20, %gather3A : vector<16xf32>
      %swap3A = arith.constant 0 : index
      %swap3A_22 = tpu.vector_load %arg14[%swap3A] {strides = array<i32>} : memref<208xf32, #tpu.memory_space<vmem>>, vector<16xf32>,
      tpu.vector_store %arg14[%swap3A], %mul3A_21 {strides = array<i32>} : memref<208xf32, #tpu.memory_space<vmem>>, vector<16xf32>,
      %get3A_23 = arith.constant 16 : index
      %get3A_24 = tpu.vector_load %arg12[%get3A_23] {strides = array<i32>} : memref<208xi32, #tpu.memory_space<vmem>>, vector<16xi32>,
      %gather3A_25 = tpu.vector_load_idx %arg10[%get3A_24] : memref<10000xf32, #tpu.memory_space<vmem>>[vector<16xi32>], vector<16xf32>,
      %get3A_26 = arith.constant 16 : index
      %get3A_27 = tpu.vector_load %arg13[%get3A_26] {strides = array<i32>} : memref<208xf32, #tpu.memory_space<vmem>>, vector<16xf32>,
      %mul3A_28 = arith.mulf %get3A_27, %gather3A_25 : vector<16xf32>
      %swap3A_29 = arith.constant 16 : index
      %swap3A_30 = tpu.vector_load %arg14[%swap3A_29] {strides = array<i32>} : memref<208xf32, #tpu.memory_space<vmem>>, vector<16xf32>,
      tpu.vector_store %arg14[%swap3A_29], %mul3A_28 {strides = array<i32>} : memref<208xf32, #tpu.memory_space<vmem>>, vector<16xf32>,
      %get3A_31 = arith.constant 32 : index
      %get3A_32 = tpu.vector_load %arg12[%get3A_31] {strides = array<i32>} : memref<208xi32, #tpu.memory_space<vmem>>, vector<16xi32>,
      %gather3A_33 = tpu.vector_load_idx %arg10[%get3A_32] : memref<10000xf32, #tpu.memory_space<vmem>>[vector<16xi32>], vector<16xf32>,
      %get3A_34 = arith.constant 32 : index
      %get3A_35 = tpu.vector_load %arg13[%get3A_34] {strides = array<i32>} : memref<208xf32, #tpu.memory_space<vmem>>, vector<16xf32>,
      %mul3A_36 = arith.mulf %get3A_35, %gather3A_33 : vector<16xf32>
      %swap3A_37 = arith.constant 32 : index
      %swap3A_38 = tpu.vector_load %arg14[%swap3A_37] {strides = array<i32>} : memref<208xf32, #tpu.memory_space<vmem>>, vector<16xf32>,
      tpu.vector_store %arg14[%swap3A_37], %mul3A_36 {strides = array<i32>} : memref<208xf32, #tpu.memory_space<vmem>>, vector<16xf32>,
      %get3A_39 = arith.constant 48 : index
      %get3A_40 = tpu.vector_load %arg12[%get3A_39] {strides = array<i32>} : memref<208xi32, #tpu.memory_space<vmem>>, vector<16xi32>,
      %gather3A_41 = tpu.vector_load_idx %arg10[%get3A_40] : memref<10000xf32, #tpu.memory_space<vmem>>[vector<16xi32>], vector<16xf32>,
      %get3A_42 = arith.constant 48 : index
      %get3A_43 = tpu.vector_load %arg13[%get3A_42] {strides = array<i32>} : memref<208xf32, #tpu.memory_space<vmem>>, vector<16xf32>,
      %mul3A_44 = arith.mulf %get3A_43, %gather3A_41 : vector<16xf32>
      %swap3A_45 = arith.constant 48 : index
      %swap3A_46 = tpu.vector_load %arg14[%swap3A_45] {strides = array<i32>} : memref<208xf32, #tpu.memory_space<vmem>>, vector<16xf32>,
      tpu.vector_store %arg14[%swap3A_45], %mul3A_44 {strides = array<i32>} : memref<208xf32, #tpu.memory_space<vmem>>, vector<16xf32>,
      %get3A_47 = arith.constant 64 : index
      %get3A_48 = tpu.vector_load %arg12[%get3A_47] {strides = array<i32>} : memref<208xi32, #tpu.memory_space<vmem>>, vector<16xi32>,
      %gather3A_49 = tpu.vector_load_idx %arg10[%get3A_48] : memref<10000xf32, #tpu.memory_space<vmem>>[vector<16xi32>], vector<16xf32>,
      %get3A_50 = arith.constant 64 : index
      %get3A_51 = tpu.vector_load %arg13[%get3A_50] {strides = array<i32>} : memref<208xf32, #tpu.memory_space<vmem>>, vector<16xf32>,
      %mul3A_52 = arith.mulf %get3A_51, %gather3A_49 : vector<16xf32>
      %swap3A_53 = arith.constant 64 : index
      %swap3A_54 = tpu.vector_load %arg14[%swap3A_53] {strides = array<i32>} : memref<208xf32, #tpu.memory_space<vmem>>, vector<16xf32>,
      tpu.vector_store %arg14[%swap3A_53], %mul3A_52 {strides = array<i32>} : memref<208xf32, #tpu.memory_space<vmem>>, vector<16xf32>,
      %get3A_55 = arith.constant 80 : index
      %get3A_56 = tpu.vector_load %arg12[%get3A_55] {strides = array<i32>} : memref<208xi32, #tpu.memory_space<vmem>>, vector<16xi32>,
      %gather3A_57 = tpu.vector_load_idx %arg10[%get3A_56] : memref<10000xf32, #tpu.memory_space<vmem>>[vector<16xi32>], vector<16xf32>,
      %get3A_58 = arith.constant 80 : index
      %get3A_59 = tpu.vector_load %arg13[%get3A_58] {strides = array<i32>} : memref<208xf32, #tpu.memory_space<vmem>>, vector<16xf32>,
      %mul3A_60 = arith.mulf %get3A_59, %gather3A_57 : vector<16xf32>
      %swap3A_61 = arith.constant 80 : index
      %swap3A_62 = tpu.vector_load %arg14[%swap3A_61] {strides = array<i32>} : memref<208xf32, #tpu.memory_space<vmem>>, vector<16xf32>,
      tpu.vector_store %arg14[%swap3A_61], %mul3A_60 {strides = array<i32>} : memref<208xf32, #tpu.memory_space<vmem>>, vector<16xf32>,
      %get3A_63 = arith.constant 96 : index
      %get3A_64 = tpu.vector_load %arg12[%get3A_63] {strides = array<i32>} : memref<208xi32, #tpu.memory_space<vmem>>, vector<16xi32>,
      %gather3A_65 = tpu.vector_load_idx %arg10[%get3A_64] : memref<10000xf32, #tpu.memory_space<vmem>>[vector<16xi32>], vector<16xf32>,
      %get3A_66 = arith.constant 96 : index
      %get3A_67 = tpu.vector_load %arg13[%get3A_66] {strides = array<i32>} : memref<208xf32, #tpu.memory_space<vmem>>, vector<16xf32>,
      %mul3A_68 = arith.mulf %get3A_67, %gather3A_65 : vector<16xf32>
      %swap3A_69 = arith.constant 96 : index
      %swap3A_70 = tpu.vector_load %arg14[%swap3A_69] {strides = array<i32>} : memref<208xf32, #tpu.memory_space<vmem>>, vector<16xf32>,
      tpu.vector_store %arg14[%swap3A_69], %mul3A_68 {strides = array<i32>} : memref<208xf32, #tpu.memory_space<vmem>>, vector<16xf32>,
      %get3A_71 = arith.constant 112 : index
      %get3A_72 = tpu.vector_load %arg12[%get3A_71] {strides = array<i32>} : memref<208xi32, #tpu.memory_space<vmem>>, vector<16xi32>,
      %gather3A_73 = tpu.vector_load_idx %arg10[%get3A_72] : memref<10000xf32, #tpu.memory_space<vmem>>[vector<16xi32>], vector<16xf32>,
      %get3A_74 = arith.constant 112 : index
      %get3A_75 = tpu.vector_load %arg13[%get3A_74] {strides = array<i32>} : memref<208xf32, #tpu.memory_space<vmem>>, vector<16xf32>,
      %mul3A_76 = arith.mulf %get3A_75, %gather3A_73 : vector<16xf32>
      %swap3A_77 = arith.constant 112 : index
      %swap3A_78 = tpu.vector_load %arg14[%swap3A_77] {strides = array<i32>} : memref<208xf32, #tpu.memory_space<vmem>>, vector<16xf32>,
      tpu.vector_store %arg14[%swap3A_77], %mul3A_76 {strides = array<i32>} : memref<208xf32, #tpu.memory_space<vmem>>, vector<16xf32>,
      %get3A_79 = arith.constant 128 : index
      %get3A_80 = tpu.vector_load %arg12[%get3A_79] {strides = array<i32>} : memref<208xi32, #tpu.memory_space<vmem>>, vector<16xi32>,
      %gather3A_81 = tpu.vector_load_idx %arg10[%get3A_80] : memref<10000xf32, #tpu.memory_space<vmem>>[vector<16xi32>], vector<16xf32>,
      %get3A_82 = arith.constant 128 : index
      %get3A_83 = tpu.vector_load %arg13[%get3A_82] {strides = array<i32>} : memref<208xf32, #tpu.memory_space<vmem>>, vector<16xf32>,
      %mul3A_84 = arith.mulf %get3A_83, %gather3A_81 : vector<16xf32>
      %swap3A_85 = arith.constant 128 : index
      %swap3A_86 = tpu.vector_load %arg14[%swap3A_85] {strides = array<i32>} : memref<208xf32, #tpu.memory_space<vmem>>, vector<16xf32>,
      tpu.vector_store %arg14[%swap3A_85], %mul3A_84 {strides = array<i32>} : memref<208xf32, #tpu.memory_space<vmem>>, vector<16xf32>,
      %get3A_87 = arith.constant 144 : index
      %get3A_88 = tpu.vector_load %arg12[%get3A_87] {strides = array<i32>} : memref<208xi32, #tpu.memory_space<vmem>>, vector<16xi32>,
      %gather3A_89 = tpu.vector_load_idx %arg10[%get3A_88] : memref<10000xf32, #tpu.memory_space<vmem>>[vector<16xi32>], vector<16xf32>,
      %get3A_90 = arith.constant 144 : index
      %get3A_91 = tpu.vector_load %arg13[%get3A_90] {strides = array<i32>} : memref<208xf32, #tpu.memory_space<vmem>>, vector<16xf32>,
      %mul3A_92 = arith.mulf %get3A_91, %gather3A_89 : vector<16xf32>
      %swap3A_93 = arith.constant 144 : index
      %swap3A_94 = tpu.vector_load %arg14[%swap3A_93] {strides = array<i32>} : memref<208xf32, #tpu.memory_space<vmem>>, vector<16xf32>,
      tpu.vector_store %arg14[%swap3A_93], %mul3A_92 {strides = array<i32>} : memref<208xf32, #tpu.memory_space<vmem>>, vector<16xf32>,
      %get3A_95 = arith.constant 160 : index
      %get3A_96 = tpu.vector_load %arg12[%get3A_95] {strides = array<i32>} : memref<208xi32, #tpu.memory_space<vmem>>, vector<16xi32>,
      %gather3A_97 = tpu.vector_load_idx %arg10[%get3A_96] : memref<10000xf32, #tpu.memory_space<vmem>>[vector<16xi32>], vector<16xf32>,
      %get3A_98 = arith.constant 160 : index
      %get3A_99 = tpu.vector_load %arg13[%get3A_98] {strides = array<i32>} : memref<208xf32, #tpu.memory_space<vmem>>, vector<16xf32>,
      %mul3A_100 = arith.mulf %get3A_99, %gather3A_97 : vector<16xf32>
      %swap3A_101 = arith.constant 160 : index
      %swap3A_102 = tpu.vector_load %arg14[%swap3A_101] {strides = array<i32>} : memref<208xf32, #tpu.memory_space<vmem>>, vector<16xf32>,
      tpu.vector_store %arg14[%swap3A_101], %mul3A_100 {strides = array<i32>} : memref<208xf32, #tpu.memory_space<vmem>>, vector<16xf32>,
      %get3A_103 = arith.constant 176 : index
      %get3A_104 = tpu.vector_load %arg12[%get3A_103] {strides = array<i32>} : memref<208xi32, #tpu.memory_space<vmem>>, vector<16xi32>,
      %gather3A_105 = tpu.vector_load_idx %arg10[%get3A_104] : memref<10000xf32, #tpu.memory_space<vmem>>[vector<16xi32>], vector<16xf32>,
      %get3A_106 = arith.constant 176 : index
      %get3A_107 = tpu.vector_load %arg13[%get3A_106] {strides = array<i32>} : memref<208xf32, #tpu.memory_space<vmem>>, vector<16xf32>,
      %mul3A_108 = arith.mulf %get3A_107, %gather3A_105 : vector<16xf32>
      %swap3A_109 = arith.constant 176 : index
      %swap3A_110 = tpu.vector_load %arg14[%swap3A_109] {strides = array<i32>} : memref<208xf32, #tpu.memory_space<vmem>>, vector<16xf32>,
      tpu.vector_store %arg14[%swap3A_109], %mul3A_108 {strides = array<i32>} : memref<208xf32, #tpu.memory_space<vmem>>, vector<16xf32>,
      %get3A_111 = arith.constant 192 : index
      %get3A_112 = tpu.vector_load %arg12[%get3A_111] {strides = array<i32>} : memref<208xi32, #tpu.memory_space<vmem>>, vector<16xi32>,
      %lt3A = arith.constant 8 : i32
      %lt3A_113 = vector.broadcast %lt3A : i32 to vector<16xi32>
      %lt3A_114 = arith.cmpi slt, %iota3A, %lt3A_113 : vector<16xi32>
      %jit3A = arith.constant 0 : i32
      %broadcast_in_dim3A = vector.broadcast %jit3A : i32 to vector<16xi32>
      %select_n3A = arith.select %lt3A_114, %get3A_112, %broadcast_in_dim3A : vector<16xi1>, vector<16xi32>
      %gather3A_115 = tpu.vector_load_idx %arg10[%select_n3A] : memref<10000xf32, #tpu.memory_space<vmem>>[vector<16xi32>], vector<16xf32>,
      %get3A_116 = arith.constant 192 : index
      %get3A_117 = tpu.vector_load %arg13[%get3A_116] {strides = array<i32>} : memref<208xf32, #tpu.memory_space<vmem>>, vector<16xf32>,
      %mul3A_118 = arith.mulf %get3A_117, %gather3A_115 : vector<16xf32>
      %swap3A_119 = arith.constant 192 : index
      %swap3A_120 = tpu.vector_load %arg14[%swap3A_119] {strides = array<i32>} : memref<208xf32, #tpu.memory_space<vmem>>, vector<16xf32>,
      tpu.vector_store %arg14[%swap3A_119], %mul3A_118 {strides = array<i32>} : memref<208xf32, #tpu.memory_space<vmem>>, vector<16xf32>,
      "tpu.region"() ({
        %run_scoped3A = tpu.sem_alloc : memref<!tpu.dma_semaphore, #tpu.memory_space<semaphore_mem>>
        %dma_start3A = arith.constant 0 : i32
        %dma_start3A_121 = tpu.memref_slice %arg14[%dma_start3A] : memref<208xf32, #tpu.memory_space<vmem>> -> memref<200xf32, #tpu.memory_space<vmem>>
        %dma_start3A_122 = tpu.memref_slice %arg8[%add3A_17] : memref<160000xf32, #tpu.memory_space<hbm>> -> memref<200xf32, #tpu.memory_space<hbm>>
        %dma_start3A_123 = tpu.memref_slice %arg8[%add3A_17] : memref<160000xf32, #tpu.memory_space<hbm>> -> memref<200xf32, #tpu.memory_space<hbm>>
        %dma_start3A_124 = arith.constant 0 : i32
        %dma_start3A_125 = tpu.memref_slice %arg14[%dma_start3A_124] : memref<208xf32, #tpu.memory_space<vmem>> -> memref<200xf32, #tpu.memory_space<vmem>>
        tpu.enqueue_dma source(%dma_start3A_125 : memref<200xf32, #tpu.memory_space<vmem>>) target(%dma_start3A_123 : memref<200xf32, #tpu.memory_space<hbm>>) target_semaphore(%run_scoped3A : memref<!tpu.dma_semaphore, #tpu.memory_space<semaphore_mem>>)
        %dma_wait3A = arith.constant 0 : i32
        %dma_wait3A_126 = tpu.memref_slice %arg14[%dma_wait3A] : memref<208xf32, #tpu.memory_space<vmem>> -> memref<200xf32, #tpu.memory_space<vmem>>
        %dma_wait3A_127 = tpu.memref_slice %arg8[%add3A_17] : memref<160000xf32, #tpu.memory_space<hbm>> -> memref<200xf32, #tpu.memory_space<hbm>>
        %dma_wait3A_128 = tpu.memref_slice %arg8[%add3A_17] : memref<160000xf32, #tpu.memory_space<hbm>> -> memref<200xf32, #tpu.memory_space<hbm>>
        %dma_wait3A_129 = arith.constant 0 : i32
        %dma_wait3A_130 = tpu.memref_slice %arg14[%dma_wait3A_129] : memref<208xf32, #tpu.memory_space<vmem>> -> memref<200xf32, #tpu.memory_space<vmem>>
        tpu.wait_dma2 semaphore(%run_scoped3A : memref<!tpu.dma_semaphore, #tpu.memory_space<semaphore_mem>>) src(%dma_wait3A_130 : memref<200xf32, #tpu.memory_space<vmem>>) dst(%dma_wait3A_128 : memref<200xf32, #tpu.memory_space<hbm>>)
        tpu.yield
      }) : () -> ()
    }
    %scan3A_5 = arith.constant 25 : i32
    %scan3A_6 = arith.constant 0 : i32
    %scan3A_7 = arith.constant 0 : i32
    %scan3A_8 = arith.constant 25 : i32
    %scan3A_9 = arith.addi %scan3A_7, %scan3A_8 : i32
    %scan3A_10 = arith.constant 1 : i32
    scf.for %scan3A_12 = %scan3A_7 to %scan3A_9 step %scan3A_10  : i32 {
      %mul3A_13 = arith.constant 5000 : i32
      %mul3A_14 = arith.muli %add3A, %mul3A_13 : i32
      %mul3A_15 = arith.constant 200 : i32
      %mul3A_16 = arith.muli %scan3A_12, %mul3A_15 : i32
      %add3A_17 = arith.addi %mul3A_14, %mul3A_16 : i32
      "tpu.region"() ({
        %run_scoped3A = tpu.sem_alloc : memref<!tpu.dma_semaphore, #tpu.memory_space<semaphore_mem>>
        %dma_start3A = arith.constant 0 : i32
        %dma_start3A_121 = tpu.memref_slice %arg12[%dma_start3A] : memref<208xi32, #tpu.memory_space<vmem>> -> memref<200xi32, #tpu.memory_space<vmem>>
        %dma_start3A_122 = tpu.memref_slice %arg3[%add3A_17] : memref<160000xi32, #tpu.memory_space<hbm>> -> memref<200xi32, #tpu.memory_space<hbm>>
        %dma_start3A_123 = arith.constant 0 : i32
        %dma_start3A_124 = tpu.memref_slice %arg12[%dma_start3A_123] : memref<208xi32, #tpu.memory_space<vmem>> -> memref<200xi32, #tpu.memory_space<vmem>>
        %dma_start3A_125 = tpu.memref_slice %arg3[%add3A_17] : memref<160000xi32, #tpu.memory_space<hbm>> -> memref<200xi32, #tpu.memory_space<hbm>>
        tpu.enqueue_dma source(%dma_start3A_125 : memref<200xi32, #tpu.memory_space<hbm>>) target(%dma_start3A_124 : memref<200xi32, #tpu.memory_space<vmem>>) target_semaphore(%run_scoped3A : memref<!tpu.dma_semaphore, #tpu.memory_space<semaphore_mem>>)
        %dma_wait3A = arith.constant 0 : i32
        %dma_wait3A_126 = tpu.memref_slice %arg12[%dma_wait3A] : memref<208xi32, #tpu.memory_space<vmem>> -> memref<200xi32, #tpu.memory_space<vmem>>
        %dma_wait3A_127 = tpu.memref_slice %arg3[%add3A_17] : memref<160000xi32, #tpu.memory_space<hbm>> -> memref<200xi32, #tpu.memory_space<hbm>>
        %dma_wait3A_128 = arith.constant 0 : i32
        %dma_wait3A_129 = tpu.memref_slice %arg12[%dma_wait3A_128] : memref<208xi32, #tpu.memory_space<vmem>> -> memref<200xi32, #tpu.memory_space<vmem>>
        %dma_wait3A_130 = tpu.memref_slice %arg3[%add3A_17] : memref<160000xi32, #tpu.memory_space<hbm>> -> memref<200xi32, #tpu.memory_space<hbm>>
        tpu.wait_dma2 semaphore(%run_scoped3A : memref<!tpu.dma_semaphore, #tpu.memory_space<semaphore_mem>>) src(%dma_wait3A_130 : memref<200xi32, #tpu.memory_space<hbm>>) dst(%dma_wait3A_129 : memref<200xi32, #tpu.memory_space<vmem>>)
        tpu.yield
      }) : () -> ()
      "tpu.region"() ({
        %run_scoped3A = tpu.sem_alloc : memref<!tpu.dma_semaphore, #tpu.memory_space<semaphore_mem>>
        %dma_start3A = arith.constant 0 : i32
        %dma_start3A_121 = tpu.memref_slice %arg13[%dma_start3A] : memref<208xf32, #tpu.memory_space<vmem>> -> memref<200xf32, #tpu.memory_space<vmem>>
        %dma_start3A_122 = tpu.memref_slice %arg5[%add3A_17] : memref<160000xf32, #tpu.memory_space<hbm>> -> memref<200xf32, #tpu.memory_space<hbm>>
        %dma_start3A_123 = arith.constant 0 : i32
        %dma_start3A_124 = tpu.memref_slice %arg13[%dma_start3A_123] : memref<208xf32, #tpu.memory_space<vmem>> -> memref<200xf32, #tpu.memory_space<vmem>>
        %dma_start3A_125 = tpu.memref_slice %arg5[%add3A_17] : memref<160000xf32, #tpu.memory_space<hbm>> -> memref<200xf32, #tpu.memory_space<hbm>>
        tpu.enqueue_dma source(%dma_start3A_125 : memref<200xf32, #tpu.memory_space<hbm>>) target(%dma_start3A_124 : memref<200xf32, #tpu.memory_space<vmem>>) target_semaphore(%run_scoped3A : memref<!tpu.dma_semaphore, #tpu.memory_space<semaphore_mem>>)
        %dma_wait3A = arith.constant 0 : i32
        %dma_wait3A_126 = tpu.memref_slice %arg13[%dma_wait3A] : memref<208xf32, #tpu.memory_space<vmem>> -> memref<200xf32, #tpu.memory_space<vmem>>
        %dma_wait3A_127 = tpu.memref_slice %arg5[%add3A_17] : memref<160000xf32, #tpu.memory_space<hbm>> -> memref<200xf32, #tpu.memory_space<hbm>>
        %dma_wait3A_128 = arith.constant 0 : i32
        %dma_wait3A_129 = tpu.memref_slice %arg13[%dma_wait3A_128] : memref<208xf32, #tpu.memory_space<vmem>> -> memref<200xf32, #tpu.memory_space<vmem>>
        %dma_wait3A_130 = tpu.memref_slice %arg5[%add3A_17] : memref<160000xf32, #tpu.memory_space<hbm>> -> memref<200xf32, #tpu.memory_space<hbm>>
        tpu.wait_dma2 semaphore(%run_scoped3A : memref<!tpu.dma_semaphore, #tpu.memory_space<semaphore_mem>>) src(%dma_wait3A_130 : memref<200xf32, #tpu.memory_space<hbm>>) dst(%dma_wait3A_129 : memref<200xf32, #tpu.memory_space<vmem>>)
        tpu.yield
      }) : () -> ()
      %get3A = arith.constant 0 : index
      %get3A_18 = tpu.vector_load %arg12[%get3A] {strides = array<i32>} : memref<208xi32, #tpu.memory_space<vmem>>, vector<16xi32>,
      %gather3A = tpu.vector_load_idx %arg11[%get3A_18] : memref<10000xf32, #tpu.memory_space<vmem>>[vector<16xi32>], vector<16xf32>,
      %get3A_19 = arith.constant 0 : index
      %get3A_20 = tpu.vector_load %arg13[%get3A_19] {strides = array<i32>} : memref<208xf32, #tpu.memory_space<vmem>>, vector<16xf32>,
      %mul3A_21 = arith.mulf %get3A_20, %gather3A : vector<16xf32>
      %swap3A = arith.constant 0 : index
      %swap3A_22 = tpu.vector_load %arg14[%swap3A] {strides = array<i32>} : memref<208xf32, #tpu.memory_space<vmem>>, vector<16xf32>,
      tpu.vector_store %arg14[%swap3A], %mul3A_21 {strides = array<i32>} : memref<208xf32, #tpu.memory_space<vmem>>, vector<16xf32>,
      %get3A_23 = arith.constant 16 : index
      %get3A_24 = tpu.vector_load %arg12[%get3A_23] {strides = array<i32>} : memref<208xi32, #tpu.memory_space<vmem>>, vector<16xi32>,
      %gather3A_25 = tpu.vector_load_idx %arg11[%get3A_24] : memref<10000xf32, #tpu.memory_space<vmem>>[vector<16xi32>], vector<16xf32>,
      %get3A_26 = arith.constant 16 : index
      %get3A_27 = tpu.vector_load %arg13[%get3A_26] {strides = array<i32>} : memref<208xf32, #tpu.memory_space<vmem>>, vector<16xf32>,
      %mul3A_28 = arith.mulf %get3A_27, %gather3A_25 : vector<16xf32>
      %swap3A_29 = arith.constant 16 : index
      %swap3A_30 = tpu.vector_load %arg14[%swap3A_29] {strides = array<i32>} : memref<208xf32, #tpu.memory_space<vmem>>, vector<16xf32>,
      tpu.vector_store %arg14[%swap3A_29], %mul3A_28 {strides = array<i32>} : memref<208xf32, #tpu.memory_space<vmem>>, vector<16xf32>,
      %get3A_31 = arith.constant 32 : index
      %get3A_32 = tpu.vector_load %arg12[%get3A_31] {strides = array<i32>} : memref<208xi32, #tpu.memory_space<vmem>>, vector<16xi32>,
      %gather3A_33 = tpu.vector_load_idx %arg11[%get3A_32] : memref<10000xf32, #tpu.memory_space<vmem>>[vector<16xi32>], vector<16xf32>,
      %get3A_34 = arith.constant 32 : index
      %get3A_35 = tpu.vector_load %arg13[%get3A_34] {strides = array<i32>} : memref<208xf32, #tpu.memory_space<vmem>>, vector<16xf32>,
      %mul3A_36 = arith.mulf %get3A_35, %gather3A_33 : vector<16xf32>
      %swap3A_37 = arith.constant 32 : index
      %swap3A_38 = tpu.vector_load %arg14[%swap3A_37] {strides = array<i32>} : memref<208xf32, #tpu.memory_space<vmem>>, vector<16xf32>,
      tpu.vector_store %arg14[%swap3A_37], %mul3A_36 {strides = array<i32>} : memref<208xf32, #tpu.memory_space<vmem>>, vector<16xf32>,
      %get3A_39 = arith.constant 48 : index
      %get3A_40 = tpu.vector_load %arg12[%get3A_39] {strides = array<i32>} : memref<208xi32, #tpu.memory_space<vmem>>, vector<16xi32>,
      %gather3A_41 = tpu.vector_load_idx %arg11[%get3A_40] : memref<10000xf32, #tpu.memory_space<vmem>>[vector<16xi32>], vector<16xf32>,
      %get3A_42 = arith.constant 48 : index
      %get3A_43 = tpu.vector_load %arg13[%get3A_42] {strides = array<i32>} : memref<208xf32, #tpu.memory_space<vmem>>, vector<16xf32>,
      %mul3A_44 = arith.mulf %get3A_43, %gather3A_41 : vector<16xf32>
      %swap3A_45 = arith.constant 48 : index
      %swap3A_46 = tpu.vector_load %arg14[%swap3A_45] {strides = array<i32>} : memref<208xf32, #tpu.memory_space<vmem>>, vector<16xf32>,
      tpu.vector_store %arg14[%swap3A_45], %mul3A_44 {strides = array<i32>} : memref<208xf32, #tpu.memory_space<vmem>>, vector<16xf32>,
      %get3A_47 = arith.constant 64 : index
      %get3A_48 = tpu.vector_load %arg12[%get3A_47] {strides = array<i32>} : memref<208xi32, #tpu.memory_space<vmem>>, vector<16xi32>,
      %gather3A_49 = tpu.vector_load_idx %arg11[%get3A_48] : memref<10000xf32, #tpu.memory_space<vmem>>[vector<16xi32>], vector<16xf32>,
      %get3A_50 = arith.constant 64 : index
      %get3A_51 = tpu.vector_load %arg13[%get3A_50] {strides = array<i32>} : memref<208xf32, #tpu.memory_space<vmem>>, vector<16xf32>,
      %mul3A_52 = arith.mulf %get3A_51, %gather3A_49 : vector<16xf32>
      %swap3A_53 = arith.constant 64 : index
      %swap3A_54 = tpu.vector_load %arg14[%swap3A_53] {strides = array<i32>} : memref<208xf32, #tpu.memory_space<vmem>>, vector<16xf32>,
      tpu.vector_store %arg14[%swap3A_53], %mul3A_52 {strides = array<i32>} : memref<208xf32, #tpu.memory_space<vmem>>, vector<16xf32>,
      %get3A_55 = arith.constant 80 : index
      %get3A_56 = tpu.vector_load %arg12[%get3A_55] {strides = array<i32>} : memref<208xi32, #tpu.memory_space<vmem>>, vector<16xi32>,
      %gather3A_57 = tpu.vector_load_idx %arg11[%get3A_56] : memref<10000xf32, #tpu.memory_space<vmem>>[vector<16xi32>], vector<16xf32>,
      %get3A_58 = arith.constant 80 : index
      %get3A_59 = tpu.vector_load %arg13[%get3A_58] {strides = array<i32>} : memref<208xf32, #tpu.memory_space<vmem>>, vector<16xf32>,
      %mul3A_60 = arith.mulf %get3A_59, %gather3A_57 : vector<16xf32>
      %swap3A_61 = arith.constant 80 : index
      %swap3A_62 = tpu.vector_load %arg14[%swap3A_61] {strides = array<i32>} : memref<208xf32, #tpu.memory_space<vmem>>, vector<16xf32>,
      tpu.vector_store %arg14[%swap3A_61], %mul3A_60 {strides = array<i32>} : memref<208xf32, #tpu.memory_space<vmem>>, vector<16xf32>,
      %get3A_63 = arith.constant 96 : index
      %get3A_64 = tpu.vector_load %arg12[%get3A_63] {strides = array<i32>} : memref<208xi32, #tpu.memory_space<vmem>>, vector<16xi32>,
      %gather3A_65 = tpu.vector_load_idx %arg11[%get3A_64] : memref<10000xf32, #tpu.memory_space<vmem>>[vector<16xi32>], vector<16xf32>,
      %get3A_66 = arith.constant 96 : index
      %get3A_67 = tpu.vector_load %arg13[%get3A_66] {strides = array<i32>} : memref<208xf32, #tpu.memory_space<vmem>>, vector<16xf32>,
      %mul3A_68 = arith.mulf %get3A_67, %gather3A_65 : vector<16xf32>
      %swap3A_69 = arith.constant 96 : index
      %swap3A_70 = tpu.vector_load %arg14[%swap3A_69] {strides = array<i32>} : memref<208xf32, #tpu.memory_space<vmem>>, vector<16xf32>,
      tpu.vector_store %arg14[%swap3A_69], %mul3A_68 {strides = array<i32>} : memref<208xf32, #tpu.memory_space<vmem>>, vector<16xf32>,
      %get3A_71 = arith.constant 112 : index
      %get3A_72 = tpu.vector_load %arg12[%get3A_71] {strides = array<i32>} : memref<208xi32, #tpu.memory_space<vmem>>, vector<16xi32>,
      %gather3A_73 = tpu.vector_load_idx %arg11[%get3A_72] : memref<10000xf32, #tpu.memory_space<vmem>>[vector<16xi32>], vector<16xf32>,
      %get3A_74 = arith.constant 112 : index
      %get3A_75 = tpu.vector_load %arg13[%get3A_74] {strides = array<i32>} : memref<208xf32, #tpu.memory_space<vmem>>, vector<16xf32>,
      %mul3A_76 = arith.mulf %get3A_75, %gather3A_73 : vector<16xf32>
      %swap3A_77 = arith.constant 112 : index
      %swap3A_78 = tpu.vector_load %arg14[%swap3A_77] {strides = array<i32>} : memref<208xf32, #tpu.memory_space<vmem>>, vector<16xf32>,
      tpu.vector_store %arg14[%swap3A_77], %mul3A_76 {strides = array<i32>} : memref<208xf32, #tpu.memory_space<vmem>>, vector<16xf32>,
      %get3A_79 = arith.constant 128 : index
      %get3A_80 = tpu.vector_load %arg12[%get3A_79] {strides = array<i32>} : memref<208xi32, #tpu.memory_space<vmem>>, vector<16xi32>,
      %gather3A_81 = tpu.vector_load_idx %arg11[%get3A_80] : memref<10000xf32, #tpu.memory_space<vmem>>[vector<16xi32>], vector<16xf32>,
      %get3A_82 = arith.constant 128 : index
      %get3A_83 = tpu.vector_load %arg13[%get3A_82] {strides = array<i32>} : memref<208xf32, #tpu.memory_space<vmem>>, vector<16xf32>,
      %mul3A_84 = arith.mulf %get3A_83, %gather3A_81 : vector<16xf32>
      %swap3A_85 = arith.constant 128 : index
      %swap3A_86 = tpu.vector_load %arg14[%swap3A_85] {strides = array<i32>} : memref<208xf32, #tpu.memory_space<vmem>>, vector<16xf32>,
      tpu.vector_store %arg14[%swap3A_85], %mul3A_84 {strides = array<i32>} : memref<208xf32, #tpu.memory_space<vmem>>, vector<16xf32>,
      %get3A_87 = arith.constant 144 : index
      %get3A_88 = tpu.vector_load %arg12[%get3A_87] {strides = array<i32>} : memref<208xi32, #tpu.memory_space<vmem>>, vector<16xi32>,
      %gather3A_89 = tpu.vector_load_idx %arg11[%get3A_88] : memref<10000xf32, #tpu.memory_space<vmem>>[vector<16xi32>], vector<16xf32>,
      %get3A_90 = arith.constant 144 : index
      %get3A_91 = tpu.vector_load %arg13[%get3A_90] {strides = array<i32>} : memref<208xf32, #tpu.memory_space<vmem>>, vector<16xf32>,
      %mul3A_92 = arith.mulf %get3A_91, %gather3A_89 : vector<16xf32>
      %swap3A_93 = arith.constant 144 : index
      %swap3A_94 = tpu.vector_load %arg14[%swap3A_93] {strides = array<i32>} : memref<208xf32, #tpu.memory_space<vmem>>, vector<16xf32>,
      tpu.vector_store %arg14[%swap3A_93], %mul3A_92 {strides = array<i32>} : memref<208xf32, #tpu.memory_space<vmem>>, vector<16xf32>,
      %get3A_95 = arith.constant 160 : index
      %get3A_96 = tpu.vector_load %arg12[%get3A_95] {strides = array<i32>} : memref<208xi32, #tpu.memory_space<vmem>>, vector<16xi32>,
      %gather3A_97 = tpu.vector_load_idx %arg11[%get3A_96] : memref<10000xf32, #tpu.memory_space<vmem>>[vector<16xi32>], vector<16xf32>,
      %get3A_98 = arith.constant 160 : index
      %get3A_99 = tpu.vector_load %arg13[%get3A_98] {strides = array<i32>} : memref<208xf32, #tpu.memory_space<vmem>>, vector<16xf32>,
      %mul3A_100 = arith.mulf %get3A_99, %gather3A_97 : vector<16xf32>
      %swap3A_101 = arith.constant 160 : index
      %swap3A_102 = tpu.vector_load %arg14[%swap3A_101] {strides = array<i32>} : memref<208xf32, #tpu.memory_space<vmem>>, vector<16xf32>,
      tpu.vector_store %arg14[%swap3A_101], %mul3A_100 {strides = array<i32>} : memref<208xf32, #tpu.memory_space<vmem>>, vector<16xf32>,
      %get3A_103 = arith.constant 176 : index
      %get3A_104 = tpu.vector_load %arg12[%get3A_103] {strides = array<i32>} : memref<208xi32, #tpu.memory_space<vmem>>, vector<16xi32>,
      %gather3A_105 = tpu.vector_load_idx %arg11[%get3A_104] : memref<10000xf32, #tpu.memory_space<vmem>>[vector<16xi32>], vector<16xf32>,
      %get3A_106 = arith.constant 176 : index
      %get3A_107 = tpu.vector_load %arg13[%get3A_106] {strides = array<i32>} : memref<208xf32, #tpu.memory_space<vmem>>, vector<16xf32>,
      %mul3A_108 = arith.mulf %get3A_107, %gather3A_105 : vector<16xf32>
      %swap3A_109 = arith.constant 176 : index
      %swap3A_110 = tpu.vector_load %arg14[%swap3A_109] {strides = array<i32>} : memref<208xf32, #tpu.memory_space<vmem>>, vector<16xf32>,
      tpu.vector_store %arg14[%swap3A_109], %mul3A_108 {strides = array<i32>} : memref<208xf32, #tpu.memory_space<vmem>>, vector<16xf32>,
      %get3A_111 = arith.constant 192 : index
      %get3A_112 = tpu.vector_load %arg12[%get3A_111] {strides = array<i32>} : memref<208xi32, #tpu.memory_space<vmem>>, vector<16xi32>,
      %lt3A = arith.constant 8 : i32
      %lt3A_113 = vector.broadcast %lt3A : i32 to vector<16xi32>
      %lt3A_114 = arith.cmpi slt, %iota3A, %lt3A_113 : vector<16xi32>
      %jit3A = arith.constant 0 : i32
      %broadcast_in_dim3A = vector.broadcast %jit3A : i32 to vector<16xi32>
      %select_n3A = arith.select %lt3A_114, %get3A_112, %broadcast_in_dim3A : vector<16xi1>, vector<16xi32>
      %gather3A_115 = tpu.vector_load_idx %arg11[%select_n3A] : memref<10000xf32, #tpu.memory_space<vmem>>[vector<16xi32>], vector<16xf32>,
      %get3A_116 = arith.constant 192 : index
      %get3A_117 = tpu.vector_load %arg13[%get3A_116] {strides = array<i32>} : memref<208xf32, #tpu.memory_space<vmem>>, vector<16xf32>,
      %mul3A_118 = arith.mulf %get3A_117, %gather3A_115 : vector<16xf32>
      %swap3A_119 = arith.constant 192 : index
      %swap3A_120 = tpu.vector_load %arg14[%swap3A_119] {strides = array<i32>} : memref<208xf32, #tpu.memory_space<vmem>>, vector<16xf32>,
      tpu.vector_store %arg14[%swap3A_119], %mul3A_118 {strides = array<i32>} : memref<208xf32, #tpu.memory_space<vmem>>, vector<16xf32>,
      "tpu.region"() ({
        %run_scoped3A = tpu.sem_alloc : memref<!tpu.dma_semaphore, #tpu.memory_space<semaphore_mem>>
        %dma_start3A = arith.constant 0 : i32
        %dma_start3A_121 = tpu.memref_slice %arg14[%dma_start3A] : memref<208xf32, #tpu.memory_space<vmem>> -> memref<200xf32, #tpu.memory_space<vmem>>
        %dma_start3A_122 = tpu.memref_slice %arg9[%add3A_17] : memref<160000xf32, #tpu.memory_space<hbm>> -> memref<200xf32, #tpu.memory_space<hbm>>
        %dma_start3A_123 = tpu.memref_slice %arg9[%add3A_17] : memref<160000xf32, #tpu.memory_space<hbm>> -> memref<200xf32, #tpu.memory_space<hbm>>
        %dma_start3A_124 = arith.constant 0 : i32
        %dma_start3A_125 = tpu.memref_slice %arg14[%dma_start3A_124] : memref<208xf32, #tpu.memory_space<vmem>> -> memref<200xf32, #tpu.memory_space<vmem>>
        tpu.enqueue_dma source(%dma_start3A_125 : memref<200xf32, #tpu.memory_space<vmem>>) target(%dma_start3A_123 : memref<200xf32, #tpu.memory_space<hbm>>) target_semaphore(%run_scoped3A : memref<!tpu.dma_semaphore, #tpu.memory_space<semaphore_mem>>)
        %dma_wait3A = arith.constant 0 : i32
        %dma_wait3A_126 = tpu.memref_slice %arg14[%dma_wait3A] : memref<208xf32, #tpu.memory_space<vmem>> -> memref<200xf32, #tpu.memory_space<vmem>>
        %dma_wait3A_127 = tpu.memref_slice %arg9[%add3A_17] : memref<160000xf32, #tpu.memory_space<hbm>> -> memref<200xf32, #tpu.memory_space<hbm>>
        %dma_wait3A_128 = tpu.memref_slice %arg9[%add3A_17] : memref<160000xf32, #tpu.memory_space<hbm>> -> memref<200xf32, #tpu.memory_space<hbm>>
        %dma_wait3A_129 = arith.constant 0 : i32
        %dma_wait3A_130 = tpu.memref_slice %arg14[%dma_wait3A_129] : memref<208xf32, #tpu.memory_space<vmem>> -> memref<200xf32, #tpu.memory_space<vmem>>
        tpu.wait_dma2 semaphore(%run_scoped3A : memref<!tpu.dma_semaphore, #tpu.memory_space<semaphore_mem>>) src(%dma_wait3A_130 : memref<200xf32, #tpu.memory_space<vmem>>) dst(%dma_wait3A_128 : memref<200xf32, #tpu.memory_space<hbm>>)
        tpu.yield
      }) : () -> ()
    }
    %scan3A_11 = arith.constant 25 : i32
    return
  }
}

#map = affine_map<(d0, d1) -> (0, 0)>
#map1 = affine_map<(d0, d1) -> (0)>
module attributes {stable_mosaic.version = 14 : i64} {
  func.func @_k1_gather(%arg0: i32, %arg1: i32, %arg2: memref<10000x128xi32, #tpu.memory_space<hbm>>, %arg3: memref<160000xi32, #tpu.memory_space<hbm>>, %arg4: memref<160000xi32, #tpu.memory_space<hbm>>, %arg5: memref<160000xi32, #tpu.memory_space<hbm>>, %arg6: memref<160000xi32, #tpu.memory_space<hbm>>, %arg7: memref<160000x128xi32, #tpu.memory_space<hbm>>, %arg8: memref<160000x128xi32, #tpu.memory_space<hbm>>, %arg9: memref<160000x128xi32, #tpu.memory_space<hbm>>, %arg10: memref<160000x128xi32, #tpu.memory_space<hbm>>, %arg11: memref<5000xi32, #tpu.memory_space<vmem>>, %arg12: memref<5000xi32, #tpu.memory_space<vmem>>, %arg13: memref<2x200x128xi32, #tpu.memory_space<vmem>>, %arg14: memref<2x200x128xi32, #tpu.memory_space<vmem>>, %arg15: memref<!tpu.dma_semaphore, #tpu.memory_space<semaphore_mem>>, %arg16: memref<!tpu.dma_semaphore, #tpu.memory_space<semaphore_mem>>, %arg17: memref<!tpu.dma_semaphore, #tpu.memory_space<semaphore_mem>>, %arg18: memref<!tpu.dma_semaphore, #tpu.memory_space<semaphore_mem>>, %arg19: memref<!tpu.dma_semaphore, #tpu.memory_space<semaphore_mem>>, %arg20: memref<!tpu.dma_semaphore, #tpu.memory_space<semaphore_mem>>, %arg21: memref<!tpu.dma_semaphore, #tpu.memory_space<semaphore_mem>>, %arg22: memref<!tpu.dma_semaphore, #tpu.memory_space<semaphore_mem>>) attributes {dimension_semantics = [#tpu.dimension_semantics<core_parallel>, #tpu.dimension_semantics<subcore_parallel>], iteration_bounds = array<i64: 2, 16>, scalar_prefetch = 0 : i64, scratch_operands = 12 : i64, tpu.core_type = #tpu.core_type<sc_vector_subcore>, window_params = [{transform_indices = #map}, {transform_indices = #map1}, {transform_indices = #map1}, {transform_indices = #map1}, {transform_indices = #map1}, {transform_indices = #map}, {transform_indices = #map}, {transform_indices = #map}, {transform_indices = #map}]} {
    %mul3A = arith.constant 2 : i32
    %mul3A_0 = arith.muli %arg1, %mul3A : i32
    %add3A = arith.addi %mul3A_0, %arg0 : i32
    %mul3A_1 = arith.constant 5000 : i32
    %mul3A_2 = arith.muli %add3A, %mul3A_1 : i32
    "tpu.region"() ({
      %run_scoped3A = tpu.sem_alloc : memref<!tpu.dma_semaphore, #tpu.memory_space<semaphore_mem>>
      %dma_start3A_260 = tpu.memref_slice %arg3[%mul3A_2] : memref<160000xi32, #tpu.memory_space<hbm>> -> memref<5000xi32, #tpu.memory_space<hbm>>
      %dma_start3A_261 = tpu.memref_slice %arg3[%mul3A_2] : memref<160000xi32, #tpu.memory_space<hbm>> -> memref<5000xi32, #tpu.memory_space<hbm>>
      tpu.enqueue_dma source(%dma_start3A_261 : memref<5000xi32, #tpu.memory_space<hbm>>) target(%arg11 : memref<5000xi32, #tpu.memory_space<vmem>>) target_semaphore(%run_scoped3A : memref<!tpu.dma_semaphore, #tpu.memory_space<semaphore_mem>>)
      %dma_wait3A_262 = tpu.memref_slice %arg3[%mul3A_2] : memref<160000xi32, #tpu.memory_space<hbm>> -> memref<5000xi32, #tpu.memory_space<hbm>>
      %dma_wait3A_263 = tpu.memref_slice %arg3[%mul3A_2] : memref<160000xi32, #tpu.memory_space<hbm>> -> memref<5000xi32, #tpu.memory_space<hbm>>
      tpu.wait_dma2 semaphore(%run_scoped3A : memref<!tpu.dma_semaphore, #tpu.memory_space<semaphore_mem>>) src(%dma_wait3A_263 : memref<5000xi32, #tpu.memory_space<hbm>>) dst(%arg11 : memref<5000xi32, #tpu.memory_space<vmem>>)
      tpu.yield
    }) : () -> ()
    "tpu.region"() ({
      %run_scoped3A = tpu.sem_alloc : memref<!tpu.dma_semaphore, #tpu.memory_space<semaphore_mem>>
      %dma_start3A_260 = tpu.memref_slice %arg4[%mul3A_2] : memref<160000xi32, #tpu.memory_space<hbm>> -> memref<5000xi32, #tpu.memory_space<hbm>>
      %dma_start3A_261 = tpu.memref_slice %arg4[%mul3A_2] : memref<160000xi32, #tpu.memory_space<hbm>> -> memref<5000xi32, #tpu.memory_space<hbm>>
      tpu.enqueue_dma source(%dma_start3A_261 : memref<5000xi32, #tpu.memory_space<hbm>>) target(%arg12 : memref<5000xi32, #tpu.memory_space<vmem>>) target_semaphore(%run_scoped3A : memref<!tpu.dma_semaphore, #tpu.memory_space<semaphore_mem>>)
      %dma_wait3A_262 = tpu.memref_slice %arg4[%mul3A_2] : memref<160000xi32, #tpu.memory_space<hbm>> -> memref<5000xi32, #tpu.memory_space<hbm>>
      %dma_wait3A_263 = tpu.memref_slice %arg4[%mul3A_2] : memref<160000xi32, #tpu.memory_space<hbm>> -> memref<5000xi32, #tpu.memory_space<hbm>>
      tpu.wait_dma2 semaphore(%run_scoped3A : memref<!tpu.dma_semaphore, #tpu.memory_space<semaphore_mem>>) src(%dma_wait3A_263 : memref<5000xi32, #tpu.memory_space<hbm>>) dst(%arg12 : memref<5000xi32, #tpu.memory_space<vmem>>)
      tpu.yield
    }) : () -> ()
    %dma_start3A = arith.constant 0 : i32
    %dma_start3A_3 = arith.constant 0 : i32
    %dma_start3A_4 = arith.constant 0 : i32
    %dma_start3A_5 = tpu.memref_slice %arg13[%dma_start3A, %dma_start3A_3, %dma_start3A_4] : memref<2x200x128xi32, #tpu.memory_space<vmem>> -> memref<1x200x128xi32, #tpu.memory_space<vmem>>
    %dma_start3A_6 = tpu.memref_squeeze %dma_start3A_5 : memref<1x200x128xi32, #tpu.memory_space<vmem>> -> memref<200x128xi32, #tpu.memory_space<vmem>>
    %dma_start3A_7 = arith.constant 0 : i32
    %dma_start3A_8 = tpu.memref_slice %arg11[%dma_start3A_7] : memref<5000xi32, #tpu.memory_space<vmem>> -> memref<200xi32, #tpu.memory_space<vmem>>
    %dma_start3A_9 = arith.constant 0 : i32
    %dma_start3A_10 = arith.constant 0 : i32
    %dma_start3A_11 = tpu.memref_slice %arg2[%dma_start3A_9, %dma_start3A_10] : memref<10000x128xi32, #tpu.memory_space<hbm>> -> memref<10000x128xi32, #tpu.memory_space<hbm>>
    tpu.enqueue_indirect_dma source(%dma_start3A_11 : memref<10000x128xi32, #tpu.memory_space<hbm>>) target(%dma_start3A_6 : memref<200x128xi32, #tpu.memory_space<vmem>>) offsets(%dma_start3A_8 : memref<200xi32, #tpu.memory_space<vmem>>) semaphore(%arg15 : memref<!tpu.dma_semaphore, #tpu.memory_space<semaphore_mem>>)
    %dma_start3A_12 = arith.constant 0 : i32
    %dma_start3A_13 = arith.constant 0 : i32
    %dma_start3A_14 = arith.constant 0 : i32
    %dma_start3A_15 = tpu.memref_slice %arg14[%dma_start3A_12, %dma_start3A_13, %dma_start3A_14] : memref<2x200x128xi32, #tpu.memory_space<vmem>> -> memref<1x200x128xi32, #tpu.memory_space<vmem>>
    %dma_start3A_16 = tpu.memref_squeeze %dma_start3A_15 : memref<1x200x128xi32, #tpu.memory_space<vmem>> -> memref<200x128xi32, #tpu.memory_space<vmem>>
    %dma_start3A_17 = arith.constant 0 : i32
    %dma_start3A_18 = tpu.memref_slice %arg12[%dma_start3A_17] : memref<5000xi32, #tpu.memory_space<vmem>> -> memref<200xi32, #tpu.memory_space<vmem>>
    %dma_start3A_19 = arith.constant 0 : i32
    %dma_start3A_20 = arith.constant 0 : i32
    %dma_start3A_21 = tpu.memref_slice %arg2[%dma_start3A_19, %dma_start3A_20] : memref<10000x128xi32, #tpu.memory_space<hbm>> -> memref<10000x128xi32, #tpu.memory_space<hbm>>
    tpu.enqueue_indirect_dma source(%dma_start3A_21 : memref<10000x128xi32, #tpu.memory_space<hbm>>) target(%dma_start3A_16 : memref<200x128xi32, #tpu.memory_space<vmem>>) offsets(%dma_start3A_18 : memref<200xi32, #tpu.memory_space<vmem>>) semaphore(%arg17 : memref<!tpu.dma_semaphore, #tpu.memory_space<semaphore_mem>>)
    %dma_start3A_22 = arith.constant 1 : i32
    %dma_start3A_23 = arith.constant 0 : i32
    %dma_start3A_24 = arith.constant 0 : i32
    %dma_start3A_25 = tpu.memref_slice %arg13[%dma_start3A_22, %dma_start3A_23, %dma_start3A_24] : memref<2x200x128xi32, #tpu.memory_space<vmem>> -> memref<1x200x128xi32, #tpu.memory_space<vmem>>
    %dma_start3A_26 = tpu.memref_squeeze %dma_start3A_25 : memref<1x200x128xi32, #tpu.memory_space<vmem>> -> memref<200x128xi32, #tpu.memory_space<vmem>>
    %dma_start3A_27 = arith.constant 200 : i32
    %dma_start3A_28 = tpu.memref_slice %arg11[%dma_start3A_27] : memref<5000xi32, #tpu.memory_space<vmem>> -> memref<200xi32, #tpu.memory_space<vmem>>
    %dma_start3A_29 = arith.constant 0 : i32
    %dma_start3A_30 = arith.constant 0 : i32
    %dma_start3A_31 = tpu.memref_slice %arg2[%dma_start3A_29, %dma_start3A_30] : memref<10000x128xi32, #tpu.memory_space<hbm>> -> memref<10000x128xi32, #tpu.memory_space<hbm>>
    tpu.enqueue_indirect_dma source(%dma_start3A_31 : memref<10000x128xi32, #tpu.memory_space<hbm>>) target(%dma_start3A_26 : memref<200x128xi32, #tpu.memory_space<vmem>>) offsets(%dma_start3A_28 : memref<200xi32, #tpu.memory_space<vmem>>) semaphore(%arg16 : memref<!tpu.dma_semaphore, #tpu.memory_space<semaphore_mem>>)
    %dma_start3A_32 = arith.constant 1 : i32
    %dma_start3A_33 = arith.constant 0 : i32
    %dma_start3A_34 = arith.constant 0 : i32
    %dma_start3A_35 = tpu.memref_slice %arg14[%dma_start3A_32, %dma_start3A_33, %dma_start3A_34] : memref<2x200x128xi32, #tpu.memory_space<vmem>> -> memref<1x200x128xi32, #tpu.memory_space<vmem>>
    %dma_start3A_36 = tpu.memref_squeeze %dma_start3A_35 : memref<1x200x128xi32, #tpu.memory_space<vmem>> -> memref<200x128xi32, #tpu.memory_space<vmem>>
    %dma_start3A_37 = arith.constant 200 : i32
    %dma_start3A_38 = tpu.memref_slice %arg12[%dma_start3A_37] : memref<5000xi32, #tpu.memory_space<vmem>> -> memref<200xi32, #tpu.memory_space<vmem>>
    %dma_start3A_39 = arith.constant 0 : i32
    %dma_start3A_40 = arith.constant 0 : i32
    %dma_start3A_41 = tpu.memref_slice %arg2[%dma_start3A_39, %dma_start3A_40] : memref<10000x128xi32, #tpu.memory_space<hbm>> -> memref<10000x128xi32, #tpu.memory_space<hbm>>
    tpu.enqueue_indirect_dma source(%dma_start3A_41 : memref<10000x128xi32, #tpu.memory_space<hbm>>) target(%dma_start3A_36 : memref<200x128xi32, #tpu.memory_space<vmem>>) offsets(%dma_start3A_38 : memref<200xi32, #tpu.memory_space<vmem>>) semaphore(%arg18 : memref<!tpu.dma_semaphore, #tpu.memory_space<semaphore_mem>>)
    %scan3A = arith.constant 0 : i32
    %scan3A_42 = arith.constant 0 : i32
    %scan3A_43 = arith.constant 12 : i32
    %scan3A_44 = arith.addi %scan3A_42, %scan3A_43 : i32
    %scan3A_45 = arith.constant 1 : i32
    scf.for %scan3A_260 = %scan3A_42 to %scan3A_44 step %scan3A_45  : i32 {
      %mul3A_261 = arith.constant 2 : i32
      %mul3A_262 = arith.muli %scan3A_260, %mul3A_261 : i32
      %dma_wait3A_263 = arith.constant 0 : i32
      %dma_wait3A_264 = arith.constant 0 : i32
      %dma_wait3A_265 = arith.constant 0 : i32
      %dma_wait3A_266 = tpu.memref_slice %arg13[%dma_wait3A_263, %dma_wait3A_264, %dma_wait3A_265] : memref<2x200x128xi32, #tpu.memory_space<vmem>> -> memref<1x200x128xi32, #tpu.memory_space<vmem>>
      %dma_wait3A_267 = tpu.memref_squeeze %dma_wait3A_266 : memref<1x200x128xi32, #tpu.memory_space<vmem>> -> memref<200x128xi32, #tpu.memory_space<vmem>>
      %dma_wait3A_268 = arith.constant 0 : i32
      %dma_wait3A_269 = arith.constant 0 : i32
      %dma_wait3A_270 = tpu.memref_slice %arg2[%dma_wait3A_268, %dma_wait3A_269] : memref<10000x128xi32, #tpu.memory_space<hbm>> -> memref<200x128xi32, #tpu.memory_space<hbm>>
      %dma_wait3A_271 = arith.constant 0 : i32
      %dma_wait3A_272 = arith.constant 0 : i32
      %dma_wait3A_273 = tpu.memref_slice %arg13[%dma_wait3A_263, %dma_wait3A_271, %dma_wait3A_272] : memref<2x200x128xi32, #tpu.memory_space<vmem>> -> memref<1x200x128xi32, #tpu.memory_space<vmem>>
      %dma_wait3A_274 = tpu.memref_squeeze %dma_wait3A_273 : memref<1x200x128xi32, #tpu.memory_space<vmem>> -> memref<200x128xi32, #tpu.memory_space<vmem>>
      %dma_wait3A_275 = arith.constant 0 : i32
      %dma_wait3A_276 = arith.constant 0 : i32
      %dma_wait3A_277 = tpu.memref_slice %arg2[%dma_wait3A_275, %dma_wait3A_276] : memref<10000x128xi32, #tpu.memory_space<hbm>> -> memref<200x128xi32, #tpu.memory_space<hbm>>
      tpu.wait_dma2 semaphore(%arg15 : memref<!tpu.dma_semaphore, #tpu.memory_space<semaphore_mem>>) src(%dma_wait3A_277 : memref<200x128xi32, #tpu.memory_space<hbm>>) dst(%dma_wait3A_274 : memref<200x128xi32, #tpu.memory_space<vmem>>)
      %dma_wait3A_278 = arith.constant 0 : i32
      %dma_wait3A_279 = arith.constant 0 : i32
      %dma_wait3A_280 = arith.constant 0 : i32
      %dma_wait3A_281 = tpu.memref_slice %arg14[%dma_wait3A_278, %dma_wait3A_279, %dma_wait3A_280] : memref<2x200x128xi32, #tpu.memory_space<vmem>> -> memref<1x200x128xi32, #tpu.memory_space<vmem>>
      %dma_wait3A_282 = tpu.memref_squeeze %dma_wait3A_281 : memref<1x200x128xi32, #tpu.memory_space<vmem>> -> memref<200x128xi32, #tpu.memory_space<vmem>>
      %dma_wait3A_283 = arith.constant 0 : i32
      %dma_wait3A_284 = arith.constant 0 : i32
      %dma_wait3A_285 = tpu.memref_slice %arg2[%dma_wait3A_283, %dma_wait3A_284] : memref<10000x128xi32, #tpu.memory_space<hbm>> -> memref<200x128xi32, #tpu.memory_space<hbm>>
      %dma_wait3A_286 = arith.constant 0 : i32
      %dma_wait3A_287 = arith.constant 0 : i32
      %dma_wait3A_288 = tpu.memref_slice %arg14[%dma_wait3A_278, %dma_wait3A_286, %dma_wait3A_287] : memref<2x200x128xi32, #tpu.memory_space<vmem>> -> memref<1x200x128xi32, #tpu.memory_space<vmem>>
      %dma_wait3A_289 = tpu.memref_squeeze %dma_wait3A_288 : memref<1x200x128xi32, #tpu.memory_space<vmem>> -> memref<200x128xi32, #tpu.memory_space<vmem>>
      %dma_wait3A_290 = arith.constant 0 : i32
      %dma_wait3A_291 = arith.constant 0 : i32
      %dma_wait3A_292 = tpu.memref_slice %arg2[%dma_wait3A_290, %dma_wait3A_291] : memref<10000x128xi32, #tpu.memory_space<hbm>> -> memref<200x128xi32, #tpu.memory_space<hbm>>
      tpu.wait_dma2 semaphore(%arg17 : memref<!tpu.dma_semaphore, #tpu.memory_space<semaphore_mem>>) src(%dma_wait3A_292 : memref<200x128xi32, #tpu.memory_space<hbm>>) dst(%dma_wait3A_289 : memref<200x128xi32, #tpu.memory_space<vmem>>)
      %mul3A_293 = arith.constant 200 : i32
      %mul3A_294 = arith.muli %mul3A_262, %mul3A_293 : i32
      %add3A_295 = arith.addi %mul3A_2, %mul3A_294 : i32
      %dma_start3A_296 = arith.constant 0 : i32
      %dma_start3A_297 = arith.constant 0 : i32
      %dma_start3A_298 = arith.constant 0 : i32
      %dma_start3A_299 = tpu.memref_slice %arg13[%dma_start3A_296, %dma_start3A_297, %dma_start3A_298] : memref<2x200x128xi32, #tpu.memory_space<vmem>> -> memref<1x200x128xi32, #tpu.memory_space<vmem>>
      %dma_start3A_300 = tpu.memref_squeeze %dma_start3A_299 : memref<1x200x128xi32, #tpu.memory_space<vmem>> -> memref<200x128xi32, #tpu.memory_space<vmem>>
      %dma_start3A_301 = arith.constant 0 : i32
      %dma_start3A_302 = tpu.memref_slice %arg7[%add3A_295, %dma_start3A_301] : memref<160000x128xi32, #tpu.memory_space<hbm>> -> memref<200x128xi32, #tpu.memory_space<hbm>>
      %dma_start3A_303 = arith.constant 0 : i32
      %dma_start3A_304 = tpu.memref_slice %arg7[%add3A_295, %dma_start3A_303] : memref<160000x128xi32, #tpu.memory_space<hbm>> -> memref<200x128xi32, #tpu.memory_space<hbm>>
      %dma_start3A_305 = arith.constant 0 : i32
      %dma_start3A_306 = arith.constant 0 : i32
      %dma_start3A_307 = tpu.memref_slice %arg13[%dma_start3A_296, %dma_start3A_305, %dma_start3A_306] : memref<2x200x128xi32, #tpu.memory_space<vmem>> -> memref<1x200x128xi32, #tpu.memory_space<vmem>>
      %dma_start3A_308 = tpu.memref_squeeze %dma_start3A_307 : memref<1x200x128xi32, #tpu.memory_space<vmem>> -> memref<200x128xi32, #tpu.memory_space<vmem>>
      tpu.enqueue_dma source(%dma_start3A_308 : memref<200x128xi32, #tpu.memory_space<vmem>>) target(%dma_start3A_304 : memref<200x128xi32, #tpu.memory_space<hbm>>) target_semaphore(%arg19 : memref<!tpu.dma_semaphore, #tpu.memory_space<semaphore_mem>>)
      %dma_start3A_309 = arith.constant 0 : i32
      %dma_start3A_310 = arith.constant 0 : i32
      %dma_start3A_311 = arith.constant 0 : i32
      %dma_start3A_312 = tpu.memref_slice %arg14[%dma_start3A_309, %dma_start3A_310, %dma_start3A_311] : memref<2x200x128xi32, #tpu.memory_space<vmem>> -> memref<1x200x128xi32, #tpu.memory_space<vmem>>
      %dma_start3A_313 = tpu.memref_squeeze %dma_start3A_312 : memref<1x200x128xi32, #tpu.memory_space<vmem>> -> memref<200x128xi32, #tpu.memory_space<vmem>>
      %dma_start3A_314 = arith.constant 0 : i32
      %dma_start3A_315 = tpu.memref_slice %arg8[%add3A_295, %dma_start3A_314] : memref<160000x128xi32, #tpu.memory_space<hbm>> -> memref<200x128xi32, #tpu.memory_space<hbm>>
      %dma_start3A_316 = arith.constant 0 : i32
      %dma_start3A_317 = tpu.memref_slice %arg8[%add3A_295, %dma_start3A_316] : memref<160000x128xi32, #tpu.memory_space<hbm>> -> memref<200x128xi32, #tpu.memory_space<hbm>>
      %dma_start3A_318 = arith.constant 0 : i32
      %dma_start3A_319 = arith.constant 0 : i32
      %dma_start3A_320 = tpu.memref_slice %arg14[%dma_start3A_309, %dma_start3A_318, %dma_start3A_319] : memref<2x200x128xi32, #tpu.memory_space<vmem>> -> memref<1x200x128xi32, #tpu.memory_space<vmem>>
      %dma_start3A_321 = tpu.memref_squeeze %dma_start3A_320 : memref<1x200x128xi32, #tpu.memory_space<vmem>> -> memref<200x128xi32, #tpu.memory_space<vmem>>
      tpu.enqueue_dma source(%dma_start3A_321 : memref<200x128xi32, #tpu.memory_space<vmem>>) target(%dma_start3A_317 : memref<200x128xi32, #tpu.memory_space<hbm>>) target_semaphore(%arg21 : memref<!tpu.dma_semaphore, #tpu.memory_space<semaphore_mem>>)
      %dma_wait3A_322 = arith.constant 0 : i32
      %dma_wait3A_323 = arith.constant 0 : i32
      %dma_wait3A_324 = arith.constant 0 : i32
      %dma_wait3A_325 = tpu.memref_slice %arg13[%dma_wait3A_322, %dma_wait3A_323, %dma_wait3A_324] : memref<2x200x128xi32, #tpu.memory_space<vmem>> -> memref<1x200x128xi32, #tpu.memory_space<vmem>>
      %dma_wait3A_326 = tpu.memref_squeeze %dma_wait3A_325 : memref<1x200x128xi32, #tpu.memory_space<vmem>> -> memref<200x128xi32, #tpu.memory_space<vmem>>
      %dma_wait3A_327 = arith.constant 0 : i32
      %dma_wait3A_328 = tpu.memref_slice %arg7[%add3A_295, %dma_wait3A_327] : memref<160000x128xi32, #tpu.memory_space<hbm>> -> memref<200x128xi32, #tpu.memory_space<hbm>>
      %dma_wait3A_329 = arith.constant 0 : i32
      %dma_wait3A_330 = tpu.memref_slice %arg7[%add3A_295, %dma_wait3A_329] : memref<160000x128xi32, #tpu.memory_space<hbm>> -> memref<200x128xi32, #tpu.memory_space<hbm>>
      %dma_wait3A_331 = arith.constant 0 : i32
      %dma_wait3A_332 = arith.constant 0 : i32
      %dma_wait3A_333 = tpu.memref_slice %arg13[%dma_wait3A_322, %dma_wait3A_331, %dma_wait3A_332] : memref<2x200x128xi32, #tpu.memory_space<vmem>> -> memref<1x200x128xi32, #tpu.memory_space<vmem>>
      %dma_wait3A_334 = tpu.memref_squeeze %dma_wait3A_333 : memref<1x200x128xi32, #tpu.memory_space<vmem>> -> memref<200x128xi32, #tpu.memory_space<vmem>>
      tpu.wait_dma2 semaphore(%arg19 : memref<!tpu.dma_semaphore, #tpu.memory_space<semaphore_mem>>) src(%dma_wait3A_334 : memref<200x128xi32, #tpu.memory_space<vmem>>) dst(%dma_wait3A_330 : memref<200x128xi32, #tpu.memory_space<hbm>>)
      %dma_wait3A_335 = arith.constant 0 : i32
      %dma_wait3A_336 = arith.constant 0 : i32
      %dma_wait3A_337 = arith.constant 0 : i32
      %dma_wait3A_338 = tpu.memref_slice %arg14[%dma_wait3A_335, %dma_wait3A_336, %dma_wait3A_337] : memref<2x200x128xi32, #tpu.memory_space<vmem>> -> memref<1x200x128xi32, #tpu.memory_space<vmem>>
      %dma_wait3A_339 = tpu.memref_squeeze %dma_wait3A_338 : memref<1x200x128xi32, #tpu.memory_space<vmem>> -> memref<200x128xi32, #tpu.memory_space<vmem>>
      %dma_wait3A_340 = arith.constant 0 : i32
      %dma_wait3A_341 = tpu.memref_slice %arg8[%add3A_295, %dma_wait3A_340] : memref<160000x128xi32, #tpu.memory_space<hbm>> -> memref<200x128xi32, #tpu.memory_space<hbm>>
      %dma_wait3A_342 = arith.constant 0 : i32
      %dma_wait3A_343 = tpu.memref_slice %arg8[%add3A_295, %dma_wait3A_342] : memref<160000x128xi32, #tpu.memory_space<hbm>> -> memref<200x128xi32, #tpu.memory_space<hbm>>
      %dma_wait3A_344 = arith.constant 0 : i32
      %dma_wait3A_345 = arith.constant 0 : i32
      %dma_wait3A_346 = tpu.memref_slice %arg14[%dma_wait3A_335, %dma_wait3A_344, %dma_wait3A_345] : memref<2x200x128xi32, #tpu.memory_space<vmem>> -> memref<1x200x128xi32, #tpu.memory_space<vmem>>
      %dma_wait3A_347 = tpu.memref_squeeze %dma_wait3A_346 : memref<1x200x128xi32, #tpu.memory_space<vmem>> -> memref<200x128xi32, #tpu.memory_space<vmem>>
      tpu.wait_dma2 semaphore(%arg21 : memref<!tpu.dma_semaphore, #tpu.memory_space<semaphore_mem>>) src(%dma_wait3A_347 : memref<200x128xi32, #tpu.memory_space<vmem>>) dst(%dma_wait3A_343 : memref<200x128xi32, #tpu.memory_space<hbm>>)
      %add3A_348 = arith.constant 2 : i32
      %add3A_349 = arith.addi %mul3A_262, %add3A_348 : i32
      %lt3A = arith.constant 25 : i32
      %lt3A_350 = arith.cmpi slt, %add3A_349, %lt3A : i32
      %convert_element_type3A = arith.extui %lt3A_350 : i1 to i32
      %cond3A = arith.constant 0 : i32
      %cond3A_351 = arith.cmpi ne, %convert_element_type3A, %cond3A : i32
      scf.if %cond3A_351 {
        %add3A_448 = arith.constant 2 : i32
        %add3A_449 = arith.addi %mul3A_262, %add3A_448 : i32
        %mul3A_450 = arith.constant 200 : i32
        %mul3A_451 = arith.muli %add3A_449, %mul3A_450 : i32
        %dma_start3A_452 = arith.constant 0 : i32
        %dma_start3A_453 = arith.constant 0 : i32
        %dma_start3A_454 = arith.constant 0 : i32
        %dma_start3A_455 = tpu.memref_slice %arg13[%dma_start3A_452, %dma_start3A_453, %dma_start3A_454] : memref<2x200x128xi32, #tpu.memory_space<vmem>> -> memref<1x200x128xi32, #tpu.memory_space<vmem>>
        %dma_start3A_456 = tpu.memref_squeeze %dma_start3A_455 : memref<1x200x128xi32, #tpu.memory_space<vmem>> -> memref<200x128xi32, #tpu.memory_space<vmem>>
        %dma_start3A_457 = tpu.memref_slice %arg11[%mul3A_451] : memref<5000xi32, #tpu.memory_space<vmem>> -> memref<200xi32, #tpu.memory_space<vmem>>
        %dma_start3A_458 = arith.constant 0 : i32
        %dma_start3A_459 = arith.constant 0 : i32
        %dma_start3A_460 = tpu.memref_slice %arg2[%dma_start3A_458, %dma_start3A_459] : memref<10000x128xi32, #tpu.memory_space<hbm>> -> memref<10000x128xi32, #tpu.memory_space<hbm>>
        tpu.enqueue_indirect_dma source(%dma_start3A_460 : memref<10000x128xi32, #tpu.memory_space<hbm>>) target(%dma_start3A_456 : memref<200x128xi32, #tpu.memory_space<vmem>>) offsets(%dma_start3A_457 : memref<200xi32, #tpu.memory_space<vmem>>) semaphore(%arg15 : memref<!tpu.dma_semaphore, #tpu.memory_space<semaphore_mem>>)
        %mul3A_461 = arith.constant 200 : i32
        %mul3A_462 = arith.muli %add3A_449, %mul3A_461 : i32
        %dma_start3A_463 = arith.constant 0 : i32
        %dma_start3A_464 = arith.constant 0 : i32
        %dma_start3A_465 = arith.constant 0 : i32
        %dma_start3A_466 = tpu.memref_slice %arg14[%dma_start3A_463, %dma_start3A_464, %dma_start3A_465] : memref<2x200x128xi32, #tpu.memory_space<vmem>> -> memref<1x200x128xi32, #tpu.memory_space<vmem>>
        %dma_start3A_467 = tpu.memref_squeeze %dma_start3A_466 : memref<1x200x128xi32, #tpu.memory_space<vmem>> -> memref<200x128xi32, #tpu.memory_space<vmem>>
        %dma_start3A_468 = tpu.memref_slice %arg12[%mul3A_462] : memref<5000xi32, #tpu.memory_space<vmem>> -> memref<200xi32, #tpu.memory_space<vmem>>
        %dma_start3A_469 = arith.constant 0 : i32
        %dma_start3A_470 = arith.constant 0 : i32
        %dma_start3A_471 = tpu.memref_slice %arg2[%dma_start3A_469, %dma_start3A_470] : memref<10000x128xi32, #tpu.memory_space<hbm>> -> memref<10000x128xi32, #tpu.memory_space<hbm>>
        tpu.enqueue_indirect_dma source(%dma_start3A_471 : memref<10000x128xi32, #tpu.memory_space<hbm>>) target(%dma_start3A_467 : memref<200x128xi32, #tpu.memory_space<vmem>>) offsets(%dma_start3A_468 : memref<200xi32, #tpu.memory_space<vmem>>) semaphore(%arg17 : memref<!tpu.dma_semaphore, #tpu.memory_space<semaphore_mem>>)
      } else {
      }
      %mul3A_352 = arith.constant 2 : i32
      %mul3A_353 = arith.muli %scan3A_260, %mul3A_352 : i32
      %add3A_354 = arith.constant 1 : i32
      %add3A_355 = arith.addi %mul3A_353, %add3A_354 : i32
      %dma_wait3A_356 = arith.constant 1 : i32
      %dma_wait3A_357 = arith.constant 0 : i32
      %dma_wait3A_358 = arith.constant 0 : i32
      %dma_wait3A_359 = tpu.memref_slice %arg13[%dma_wait3A_356, %dma_wait3A_357, %dma_wait3A_358] : memref<2x200x128xi32, #tpu.memory_space<vmem>> -> memref<1x200x128xi32, #tpu.memory_space<vmem>>
      %dma_wait3A_360 = tpu.memref_squeeze %dma_wait3A_359 : memref<1x200x128xi32, #tpu.memory_space<vmem>> -> memref<200x128xi32, #tpu.memory_space<vmem>>
      %dma_wait3A_361 = arith.constant 0 : i32
      %dma_wait3A_362 = arith.constant 0 : i32
      %dma_wait3A_363 = tpu.memref_slice %arg2[%dma_wait3A_361, %dma_wait3A_362] : memref<10000x128xi32, #tpu.memory_space<hbm>> -> memref<200x128xi32, #tpu.memory_space<hbm>>
      %dma_wait3A_364 = arith.constant 0 : i32
      %dma_wait3A_365 = arith.constant 0 : i32
      %dma_wait3A_366 = tpu.memref_slice %arg13[%dma_wait3A_356, %dma_wait3A_364, %dma_wait3A_365] : memref<2x200x128xi32, #tpu.memory_space<vmem>> -> memref<1x200x128xi32, #tpu.memory_space<vmem>>
      %dma_wait3A_367 = tpu.memref_squeeze %dma_wait3A_366 : memref<1x200x128xi32, #tpu.memory_space<vmem>> -> memref<200x128xi32, #tpu.memory_space<vmem>>
      %dma_wait3A_368 = arith.constant 0 : i32
      %dma_wait3A_369 = arith.constant 0 : i32
      %dma_wait3A_370 = tpu.memref_slice %arg2[%dma_wait3A_368, %dma_wait3A_369] : memref<10000x128xi32, #tpu.memory_space<hbm>> -> memref<200x128xi32, #tpu.memory_space<hbm>>
      tpu.wait_dma2 semaphore(%arg16 : memref<!tpu.dma_semaphore, #tpu.memory_space<semaphore_mem>>) src(%dma_wait3A_370 : memref<200x128xi32, #tpu.memory_space<hbm>>) dst(%dma_wait3A_367 : memref<200x128xi32, #tpu.memory_space<vmem>>)
      %dma_wait3A_371 = arith.constant 1 : i32
      %dma_wait3A_372 = arith.constant 0 : i32
      %dma_wait3A_373 = arith.constant 0 : i32
      %dma_wait3A_374 = tpu.memref_slice %arg14[%dma_wait3A_371, %dma_wait3A_372, %dma_wait3A_373] : memref<2x200x128xi32, #tpu.memory_space<vmem>> -> memref<1x200x128xi32, #tpu.memory_space<vmem>>
      %dma_wait3A_375 = tpu.memref_squeeze %dma_wait3A_374 : memref<1x200x128xi32, #tpu.memory_space<vmem>> -> memref<200x128xi32, #tpu.memory_space<vmem>>
      %dma_wait3A_376 = arith.constant 0 : i32
      %dma_wait3A_377 = arith.constant 0 : i32
      %dma_wait3A_378 = tpu.memref_slice %arg2[%dma_wait3A_376, %dma_wait3A_377] : memref<10000x128xi32, #tpu.memory_space<hbm>> -> memref<200x128xi32, #tpu.memory_space<hbm>>
      %dma_wait3A_379 = arith.constant 0 : i32
      %dma_wait3A_380 = arith.constant 0 : i32
      %dma_wait3A_381 = tpu.memref_slice %arg14[%dma_wait3A_371, %dma_wait3A_379, %dma_wait3A_380] : memref<2x200x128xi32, #tpu.memory_space<vmem>> -> memref<1x200x128xi32, #tpu.memory_space<vmem>>
      %dma_wait3A_382 = tpu.memref_squeeze %dma_wait3A_381 : memref<1x200x128xi32, #tpu.memory_space<vmem>> -> memref<200x128xi32, #tpu.memory_space<vmem>>
      %dma_wait3A_383 = arith.constant 0 : i32
      %dma_wait3A_384 = arith.constant 0 : i32
      %dma_wait3A_385 = tpu.memref_slice %arg2[%dma_wait3A_383, %dma_wait3A_384] : memref<10000x128xi32, #tpu.memory_space<hbm>> -> memref<200x128xi32, #tpu.memory_space<hbm>>
      tpu.wait_dma2 semaphore(%arg18 : memref<!tpu.dma_semaphore, #tpu.memory_space<semaphore_mem>>) src(%dma_wait3A_385 : memref<200x128xi32, #tpu.memory_space<hbm>>) dst(%dma_wait3A_382 : memref<200x128xi32, #tpu.memory_space<vmem>>)
      %mul3A_386 = arith.constant 200 : i32
      %mul3A_387 = arith.muli %add3A_355, %mul3A_386 : i32
      %add3A_388 = arith.addi %mul3A_2, %mul3A_387 : i32
      %dma_start3A_389 = arith.constant 1 : i32
      %dma_start3A_390 = arith.constant 0 : i32
      %dma_start3A_391 = arith.constant 0 : i32
      %dma_start3A_392 = tpu.memref_slice %arg13[%dma_start3A_389, %dma_start3A_390, %dma_start3A_391] : memref<2x200x128xi32, #tpu.memory_space<vmem>> -> memref<1x200x128xi32, #tpu.memory_space<vmem>>
      %dma_start3A_393 = tpu.memref_squeeze %dma_start3A_392 : memref<1x200x128xi32, #tpu.memory_space<vmem>> -> memref<200x128xi32, #tpu.memory_space<vmem>>
      %dma_start3A_394 = arith.constant 0 : i32
      %dma_start3A_395 = tpu.memref_slice %arg7[%add3A_388, %dma_start3A_394] : memref<160000x128xi32, #tpu.memory_space<hbm>> -> memref<200x128xi32, #tpu.memory_space<hbm>>
      %dma_start3A_396 = arith.constant 0 : i32
      %dma_start3A_397 = tpu.memref_slice %arg7[%add3A_388, %dma_start3A_396] : memref<160000x128xi32, #tpu.memory_space<hbm>> -> memref<200x128xi32, #tpu.memory_space<hbm>>
      %dma_start3A_398 = arith.constant 0 : i32
      %dma_start3A_399 = arith.constant 0 : i32
      %dma_start3A_400 = tpu.memref_slice %arg13[%dma_start3A_389, %dma_start3A_398, %dma_start3A_399] : memref<2x200x128xi32, #tpu.memory_space<vmem>> -> memref<1x200x128xi32, #tpu.memory_space<vmem>>
      %dma_start3A_401 = tpu.memref_squeeze %dma_start3A_400 : memref<1x200x128xi32, #tpu.memory_space<vmem>> -> memref<200x128xi32, #tpu.memory_space<vmem>>
      tpu.enqueue_dma source(%dma_start3A_401 : memref<200x128xi32, #tpu.memory_space<vmem>>) target(%dma_start3A_397 : memref<200x128xi32, #tpu.memory_space<hbm>>) target_semaphore(%arg20 : memref<!tpu.dma_semaphore, #tpu.memory_space<semaphore_mem>>)
      %dma_start3A_402 = arith.constant 1 : i32
      %dma_start3A_403 = arith.constant 0 : i32
      %dma_start3A_404 = arith.constant 0 : i32
      %dma_start3A_405 = tpu.memref_slice %arg14[%dma_start3A_402, %dma_start3A_403, %dma_start3A_404] : memref<2x200x128xi32, #tpu.memory_space<vmem>> -> memref<1x200x128xi32, #tpu.memory_space<vmem>>
      %dma_start3A_406 = tpu.memref_squeeze %dma_start3A_405 : memref<1x200x128xi32, #tpu.memory_space<vmem>> -> memref<200x128xi32, #tpu.memory_space<vmem>>
      %dma_start3A_407 = arith.constant 0 : i32
      %dma_start3A_408 = tpu.memref_slice %arg8[%add3A_388, %dma_start3A_407] : memref<160000x128xi32, #tpu.memory_space<hbm>> -> memref<200x128xi32, #tpu.memory_space<hbm>>
      %dma_start3A_409 = arith.constant 0 : i32
      %dma_start3A_410 = tpu.memref_slice %arg8[%add3A_388, %dma_start3A_409] : memref<160000x128xi32, #tpu.memory_space<hbm>> -> memref<200x128xi32, #tpu.memory_space<hbm>>
      %dma_start3A_411 = arith.constant 0 : i32
      %dma_start3A_412 = arith.constant 0 : i32
      %dma_start3A_413 = tpu.memref_slice %arg14[%dma_start3A_402, %dma_start3A_411, %dma_start3A_412] : memref<2x200x128xi32, #tpu.memory_space<vmem>> -> memref<1x200x128xi32, #tpu.memory_space<vmem>>
      %dma_start3A_414 = tpu.memref_squeeze %dma_start3A_413 : memref<1x200x128xi32, #tpu.memory_space<vmem>> -> memref<200x128xi32, #tpu.memory_space<vmem>>
      tpu.enqueue_dma source(%dma_start3A_414 : memref<200x128xi32, #tpu.memory_space<vmem>>) target(%dma_start3A_410 : memref<200x128xi32, #tpu.memory_space<hbm>>) target_semaphore(%arg22 : memref<!tpu.dma_semaphore, #tpu.memory_space<semaphore_mem>>)
      %dma_wait3A_415 = arith.constant 1 : i32
      %dma_wait3A_416 = arith.constant 0 : i32
      %dma_wait3A_417 = arith.constant 0 : i32
      %dma_wait3A_418 = tpu.memref_slice %arg13[%dma_wait3A_415, %dma_wait3A_416, %dma_wait3A_417] : memref<2x200x128xi32, #tpu.memory_space<vmem>> -> memref<1x200x128xi32, #tpu.memory_space<vmem>>
      %dma_wait3A_419 = tpu.memref_squeeze %dma_wait3A_418 : memref<1x200x128xi32, #tpu.memory_space<vmem>> -> memref<200x128xi32, #tpu.memory_space<vmem>>
      %dma_wait3A_420 = arith.constant 0 : i32
      %dma_wait3A_421 = tpu.memref_slice %arg7[%add3A_388, %dma_wait3A_420] : memref<160000x128xi32, #tpu.memory_space<hbm>> -> memref<200x128xi32, #tpu.memory_space<hbm>>
      %dma_wait3A_422 = arith.constant 0 : i32
      %dma_wait3A_423 = tpu.memref_slice %arg7[%add3A_388, %dma_wait3A_422] : memref<160000x128xi32, #tpu.memory_space<hbm>> -> memref<200x128xi32, #tpu.memory_space<hbm>>
      %dma_wait3A_424 = arith.constant 0 : i32
      %dma_wait3A_425 = arith.constant 0 : i32
      %dma_wait3A_426 = tpu.memref_slice %arg13[%dma_wait3A_415, %dma_wait3A_424, %dma_wait3A_425] : memref<2x200x128xi32, #tpu.memory_space<vmem>> -> memref<1x200x128xi32, #tpu.memory_space<vmem>>
      %dma_wait3A_427 = tpu.memref_squeeze %dma_wait3A_426 : memref<1x200x128xi32, #tpu.memory_space<vmem>> -> memref<200x128xi32, #tpu.memory_space<vmem>>
      tpu.wait_dma2 semaphore(%arg20 : memref<!tpu.dma_semaphore, #tpu.memory_space<semaphore_mem>>) src(%dma_wait3A_427 : memref<200x128xi32, #tpu.memory_space<vmem>>) dst(%dma_wait3A_423 : memref<200x128xi32, #tpu.memory_space<hbm>>)
      %dma_wait3A_428 = arith.constant 1 : i32
      %dma_wait3A_429 = arith.constant 0 : i32
      %dma_wait3A_430 = arith.constant 0 : i32
      %dma_wait3A_431 = tpu.memref_slice %arg14[%dma_wait3A_428, %dma_wait3A_429, %dma_wait3A_430] : memref<2x200x128xi32, #tpu.memory_space<vmem>> -> memref<1x200x128xi32, #tpu.memory_space<vmem>>
      %dma_wait3A_432 = tpu.memref_squeeze %dma_wait3A_431 : memref<1x200x128xi32, #tpu.memory_space<vmem>> -> memref<200x128xi32, #tpu.memory_space<vmem>>
      %dma_wait3A_433 = arith.constant 0 : i32
      %dma_wait3A_434 = tpu.memref_slice %arg8[%add3A_388, %dma_wait3A_433] : memref<160000x128xi32, #tpu.memory_space<hbm>> -> memref<200x128xi32, #tpu.memory_space<hbm>>
      %dma_wait3A_435 = arith.constant 0 : i32
      %dma_wait3A_436 = tpu.memref_slice %arg8[%add3A_388, %dma_wait3A_435] : memref<160000x128xi32, #tpu.memory_space<hbm>> -> memref<200x128xi32, #tpu.memory_space<hbm>>
      %dma_wait3A_437 = arith.constant 0 : i32
      %dma_wait3A_438 = arith.constant 0 : i32
      %dma_wait3A_439 = tpu.memref_slice %arg14[%dma_wait3A_428, %dma_wait3A_437, %dma_wait3A_438] : memref<2x200x128xi32, #tpu.memory_space<vmem>> -> memref<1x200x128xi32, #tpu.memory_space<vmem>>
      %dma_wait3A_440 = tpu.memref_squeeze %dma_wait3A_439 : memref<1x200x128xi32, #tpu.memory_space<vmem>> -> memref<200x128xi32, #tpu.memory_space<vmem>>
      tpu.wait_dma2 semaphore(%arg22 : memref<!tpu.dma_semaphore, #tpu.memory_space<semaphore_mem>>) src(%dma_wait3A_440 : memref<200x128xi32, #tpu.memory_space<vmem>>) dst(%dma_wait3A_436 : memref<200x128xi32, #tpu.memory_space<hbm>>)
      %add3A_441 = arith.constant 2 : i32
      %add3A_442 = arith.addi %add3A_355, %add3A_441 : i32
      %lt3A_443 = arith.constant 25 : i32
      %lt3A_444 = arith.cmpi slt, %add3A_442, %lt3A_443 : i32
      %convert_element_type3A_445 = arith.extui %lt3A_444 : i1 to i32
      %cond3A_446 = arith.constant 0 : i32
      %cond3A_447 = arith.cmpi ne, %convert_element_type3A_445, %cond3A_446 : i32
      scf.if %cond3A_447 {
        %add3A_448 = arith.constant 2 : i32
        %add3A_449 = arith.addi %add3A_355, %add3A_448 : i32
        %mul3A_450 = arith.constant 200 : i32
        %mul3A_451 = arith.muli %add3A_449, %mul3A_450 : i32
        %dma_start3A_452 = arith.constant 1 : i32
        %dma_start3A_453 = arith.constant 0 : i32
        %dma_start3A_454 = arith.constant 0 : i32
        %dma_start3A_455 = tpu.memref_slice %arg13[%dma_start3A_452, %dma_start3A_453, %dma_start3A_454] : memref<2x200x128xi32, #tpu.memory_space<vmem>> -> memref<1x200x128xi32, #tpu.memory_space<vmem>>
        %dma_start3A_456 = tpu.memref_squeeze %dma_start3A_455 : memref<1x200x128xi32, #tpu.memory_space<vmem>> -> memref<200x128xi32, #tpu.memory_space<vmem>>
        %dma_start3A_457 = tpu.memref_slice %arg11[%mul3A_451] : memref<5000xi32, #tpu.memory_space<vmem>> -> memref<200xi32, #tpu.memory_space<vmem>>
        %dma_start3A_458 = arith.constant 0 : i32
        %dma_start3A_459 = arith.constant 0 : i32
        %dma_start3A_460 = tpu.memref_slice %arg2[%dma_start3A_458, %dma_start3A_459] : memref<10000x128xi32, #tpu.memory_space<hbm>> -> memref<10000x128xi32, #tpu.memory_space<hbm>>
        tpu.enqueue_indirect_dma source(%dma_start3A_460 : memref<10000x128xi32, #tpu.memory_space<hbm>>) target(%dma_start3A_456 : memref<200x128xi32, #tpu.memory_space<vmem>>) offsets(%dma_start3A_457 : memref<200xi32, #tpu.memory_space<vmem>>) semaphore(%arg16 : memref<!tpu.dma_semaphore, #tpu.memory_space<semaphore_mem>>)
        %mul3A_461 = arith.constant 200 : i32
        %mul3A_462 = arith.muli %add3A_449, %mul3A_461 : i32
        %dma_start3A_463 = arith.constant 1 : i32
        %dma_start3A_464 = arith.constant 0 : i32
        %dma_start3A_465 = arith.constant 0 : i32
        %dma_start3A_466 = tpu.memref_slice %arg14[%dma_start3A_463, %dma_start3A_464, %dma_start3A_465] : memref<2x200x128xi32, #tpu.memory_space<vmem>> -> memref<1x200x128xi32, #tpu.memory_space<vmem>>
        %dma_start3A_467 = tpu.memref_squeeze %dma_start3A_466 : memref<1x200x128xi32, #tpu.memory_space<vmem>> -> memref<200x128xi32, #tpu.memory_space<vmem>>
        %dma_start3A_468 = tpu.memref_slice %arg12[%mul3A_462] : memref<5000xi32, #tpu.memory_space<vmem>> -> memref<200xi32, #tpu.memory_space<vmem>>
        %dma_start3A_469 = arith.constant 0 : i32
        %dma_start3A_470 = arith.constant 0 : i32
        %dma_start3A_471 = tpu.memref_slice %arg2[%dma_start3A_469, %dma_start3A_470] : memref<10000x128xi32, #tpu.memory_space<hbm>> -> memref<10000x128xi32, #tpu.memory_space<hbm>>
        tpu.enqueue_indirect_dma source(%dma_start3A_471 : memref<10000x128xi32, #tpu.memory_space<hbm>>) target(%dma_start3A_467 : memref<200x128xi32, #tpu.memory_space<vmem>>) offsets(%dma_start3A_468 : memref<200xi32, #tpu.memory_space<vmem>>) semaphore(%arg18 : memref<!tpu.dma_semaphore, #tpu.memory_space<semaphore_mem>>)
      } else {
      }
    }
    %scan3A_46 = arith.constant 12 : i32
    %dma_wait3A = arith.constant 0 : i32
    %dma_wait3A_47 = arith.constant 0 : i32
    %dma_wait3A_48 = arith.constant 0 : i32
    %dma_wait3A_49 = tpu.memref_slice %arg13[%dma_wait3A, %dma_wait3A_47, %dma_wait3A_48] : memref<2x200x128xi32, #tpu.memory_space<vmem>> -> memref<1x200x128xi32, #tpu.memory_space<vmem>>
    %dma_wait3A_50 = tpu.memref_squeeze %dma_wait3A_49 : memref<1x200x128xi32, #tpu.memory_space<vmem>> -> memref<200x128xi32, #tpu.memory_space<vmem>>
    %dma_wait3A_51 = arith.constant 0 : i32
    %dma_wait3A_52 = arith.constant 0 : i32
    %dma_wait3A_53 = tpu.memref_slice %arg2[%dma_wait3A_51, %dma_wait3A_52] : memref<10000x128xi32, #tpu.memory_space<hbm>> -> memref<200x128xi32, #tpu.memory_space<hbm>>
    %dma_wait3A_54 = arith.constant 0 : i32
    %dma_wait3A_55 = arith.constant 0 : i32
    %dma_wait3A_56 = tpu.memref_slice %arg13[%dma_wait3A, %dma_wait3A_54, %dma_wait3A_55] : memref<2x200x128xi32, #tpu.memory_space<vmem>> -> memref<1x200x128xi32, #tpu.memory_space<vmem>>
    %dma_wait3A_57 = tpu.memref_squeeze %dma_wait3A_56 : memref<1x200x128xi32, #tpu.memory_space<vmem>> -> memref<200x128xi32, #tpu.memory_space<vmem>>
    %dma_wait3A_58 = arith.constant 0 : i32
    %dma_wait3A_59 = arith.constant 0 : i32
    %dma_wait3A_60 = tpu.memref_slice %arg2[%dma_wait3A_58, %dma_wait3A_59] : memref<10000x128xi32, #tpu.memory_space<hbm>> -> memref<200x128xi32, #tpu.memory_space<hbm>>
    tpu.wait_dma2 semaphore(%arg15 : memref<!tpu.dma_semaphore, #tpu.memory_space<semaphore_mem>>) src(%dma_wait3A_60 : memref<200x128xi32, #tpu.memory_space<hbm>>) dst(%dma_wait3A_57 : memref<200x128xi32, #tpu.memory_space<vmem>>)
    %dma_wait3A_61 = arith.constant 0 : i32
    %dma_wait3A_62 = arith.constant 0 : i32
    %dma_wait3A_63 = arith.constant 0 : i32
    %dma_wait3A_64 = tpu.memref_slice %arg14[%dma_wait3A_61, %dma_wait3A_62, %dma_wait3A_63] : memref<2x200x128xi32, #tpu.memory_space<vmem>> -> memref<1x200x128xi32, #tpu.memory_space<vmem>>
    %dma_wait3A_65 = tpu.memref_squeeze %dma_wait3A_64 : memref<1x200x128xi32, #tpu.memory_space<vmem>> -> memref<200x128xi32, #tpu.memory_space<vmem>>
    %dma_wait3A_66 = arith.constant 0 : i32
    %dma_wait3A_67 = arith.constant 0 : i32
    %dma_wait3A_68 = tpu.memref_slice %arg2[%dma_wait3A_66, %dma_wait3A_67] : memref<10000x128xi32, #tpu.memory_space<hbm>> -> memref<200x128xi32, #tpu.memory_space<hbm>>
    %dma_wait3A_69 = arith.constant 0 : i32
    %dma_wait3A_70 = arith.constant 0 : i32
    %dma_wait3A_71 = tpu.memref_slice %arg14[%dma_wait3A_61, %dma_wait3A_69, %dma_wait3A_70] : memref<2x200x128xi32, #tpu.memory_space<vmem>> -> memref<1x200x128xi32, #tpu.memory_space<vmem>>
    %dma_wait3A_72 = tpu.memref_squeeze %dma_wait3A_71 : memref<1x200x128xi32, #tpu.memory_space<vmem>> -> memref<200x128xi32, #tpu.memory_space<vmem>>
    %dma_wait3A_73 = arith.constant 0 : i32
    %dma_wait3A_74 = arith.constant 0 : i32
    %dma_wait3A_75 = tpu.memref_slice %arg2[%dma_wait3A_73, %dma_wait3A_74] : memref<10000x128xi32, #tpu.memory_space<hbm>> -> memref<200x128xi32, #tpu.memory_space<hbm>>
    tpu.wait_dma2 semaphore(%arg17 : memref<!tpu.dma_semaphore, #tpu.memory_space<semaphore_mem>>) src(%dma_wait3A_75 : memref<200x128xi32, #tpu.memory_space<hbm>>) dst(%dma_wait3A_72 : memref<200x128xi32, #tpu.memory_space<vmem>>)
    %add3A_76 = arith.constant 4800 : i32
    %add3A_77 = arith.addi %mul3A_2, %add3A_76 : i32
    %dma_start3A_78 = arith.constant 0 : i32
    %dma_start3A_79 = arith.constant 0 : i32
    %dma_start3A_80 = arith.constant 0 : i32
    %dma_start3A_81 = tpu.memref_slice %arg13[%dma_start3A_78, %dma_start3A_79, %dma_start3A_80] : memref<2x200x128xi32, #tpu.memory_space<vmem>> -> memref<1x200x128xi32, #tpu.memory_space<vmem>>
    %dma_start3A_82 = tpu.memref_squeeze %dma_start3A_81 : memref<1x200x128xi32, #tpu.memory_space<vmem>> -> memref<200x128xi32, #tpu.memory_space<vmem>>
    %dma_start3A_83 = arith.constant 0 : i32
    %dma_start3A_84 = tpu.memref_slice %arg7[%add3A_77, %dma_start3A_83] : memref<160000x128xi32, #tpu.memory_space<hbm>> -> memref<200x128xi32, #tpu.memory_space<hbm>>
    %dma_start3A_85 = arith.constant 0 : i32
    %dma_start3A_86 = tpu.memref_slice %arg7[%add3A_77, %dma_start3A_85] : memref<160000x128xi32, #tpu.memory_space<hbm>> -> memref<200x128xi32, #tpu.memory_space<hbm>>
    %dma_start3A_87 = arith.constant 0 : i32
    %dma_start3A_88 = arith.constant 0 : i32
    %dma_start3A_89 = tpu.memref_slice %arg13[%dma_start3A_78, %dma_start3A_87, %dma_start3A_88] : memref<2x200x128xi32, #tpu.memory_space<vmem>> -> memref<1x200x128xi32, #tpu.memory_space<vmem>>
    %dma_start3A_90 = tpu.memref_squeeze %dma_start3A_89 : memref<1x200x128xi32, #tpu.memory_space<vmem>> -> memref<200x128xi32, #tpu.memory_space<vmem>>
    tpu.enqueue_dma source(%dma_start3A_90 : memref<200x128xi32, #tpu.memory_space<vmem>>) target(%dma_start3A_86 : memref<200x128xi32, #tpu.memory_space<hbm>>) target_semaphore(%arg19 : memref<!tpu.dma_semaphore, #tpu.memory_space<semaphore_mem>>)
    %dma_start3A_91 = arith.constant 0 : i32
    %dma_start3A_92 = arith.constant 0 : i32
    %dma_start3A_93 = arith.constant 0 : i32
    %dma_start3A_94 = tpu.memref_slice %arg14[%dma_start3A_91, %dma_start3A_92, %dma_start3A_93] : memref<2x200x128xi32, #tpu.memory_space<vmem>> -> memref<1x200x128xi32, #tpu.memory_space<vmem>>
    %dma_start3A_95 = tpu.memref_squeeze %dma_start3A_94 : memref<1x200x128xi32, #tpu.memory_space<vmem>> -> memref<200x128xi32, #tpu.memory_space<vmem>>
    %dma_start3A_96 = arith.constant 0 : i32
    %dma_start3A_97 = tpu.memref_slice %arg8[%add3A_77, %dma_start3A_96] : memref<160000x128xi32, #tpu.memory_space<hbm>> -> memref<200x128xi32, #tpu.memory_space<hbm>>
    %dma_start3A_98 = arith.constant 0 : i32
    %dma_start3A_99 = tpu.memref_slice %arg8[%add3A_77, %dma_start3A_98] : memref<160000x128xi32, #tpu.memory_space<hbm>> -> memref<200x128xi32, #tpu.memory_space<hbm>>
    %dma_start3A_100 = arith.constant 0 : i32
    %dma_start3A_101 = arith.constant 0 : i32
    %dma_start3A_102 = tpu.memref_slice %arg14[%dma_start3A_91, %dma_start3A_100, %dma_start3A_101] : memref<2x200x128xi32, #tpu.memory_space<vmem>> -> memref<1x200x128xi32, #tpu.memory_space<vmem>>
    %dma_start3A_103 = tpu.memref_squeeze %dma_start3A_102 : memref<1x200x128xi32, #tpu.memory_space<vmem>> -> memref<200x128xi32, #tpu.memory_space<vmem>>
    tpu.enqueue_dma source(%dma_start3A_103 : memref<200x128xi32, #tpu.memory_space<vmem>>) target(%dma_start3A_99 : memref<200x128xi32, #tpu.memory_space<hbm>>) target_semaphore(%arg21 : memref<!tpu.dma_semaphore, #tpu.memory_space<semaphore_mem>>)
    %dma_wait3A_104 = arith.constant 0 : i32
    %dma_wait3A_105 = arith.constant 0 : i32
    %dma_wait3A_106 = arith.constant 0 : i32
    %dma_wait3A_107 = tpu.memref_slice %arg13[%dma_wait3A_104, %dma_wait3A_105, %dma_wait3A_106] : memref<2x200x128xi32, #tpu.memory_space<vmem>> -> memref<1x200x128xi32, #tpu.memory_space<vmem>>
    %dma_wait3A_108 = tpu.memref_squeeze %dma_wait3A_107 : memref<1x200x128xi32, #tpu.memory_space<vmem>> -> memref<200x128xi32, #tpu.memory_space<vmem>>
    %dma_wait3A_109 = arith.constant 0 : i32
    %dma_wait3A_110 = tpu.memref_slice %arg7[%add3A_77, %dma_wait3A_109] : memref<160000x128xi32, #tpu.memory_space<hbm>> -> memref<200x128xi32, #tpu.memory_space<hbm>>
    %dma_wait3A_111 = arith.constant 0 : i32
    %dma_wait3A_112 = tpu.memref_slice %arg7[%add3A_77, %dma_wait3A_111] : memref<160000x128xi32, #tpu.memory_space<hbm>> -> memref<200x128xi32, #tpu.memory_space<hbm>>
    %dma_wait3A_113 = arith.constant 0 : i32
    %dma_wait3A_114 = arith.constant 0 : i32
    %dma_wait3A_115 = tpu.memref_slice %arg13[%dma_wait3A_104, %dma_wait3A_113, %dma_wait3A_114] : memref<2x200x128xi32, #tpu.memory_space<vmem>> -> memref<1x200x128xi32, #tpu.memory_space<vmem>>
    %dma_wait3A_116 = tpu.memref_squeeze %dma_wait3A_115 : memref<1x200x128xi32, #tpu.memory_space<vmem>> -> memref<200x128xi32, #tpu.memory_space<vmem>>
    tpu.wait_dma2 semaphore(%arg19 : memref<!tpu.dma_semaphore, #tpu.memory_space<semaphore_mem>>) src(%dma_wait3A_116 : memref<200x128xi32, #tpu.memory_space<vmem>>) dst(%dma_wait3A_112 : memref<200x128xi32, #tpu.memory_space<hbm>>)
    %dma_wait3A_117 = arith.constant 0 : i32
    %dma_wait3A_118 = arith.constant 0 : i32
    %dma_wait3A_119 = arith.constant 0 : i32
    %dma_wait3A_120 = tpu.memref_slice %arg14[%dma_wait3A_117, %dma_wait3A_118, %dma_wait3A_119] : memref<2x200x128xi32, #tpu.memory_space<vmem>> -> memref<1x200x128xi32, #tpu.memory_space<vmem>>
    %dma_wait3A_121 = tpu.memref_squeeze %dma_wait3A_120 : memref<1x200x128xi32, #tpu.memory_space<vmem>> -> memref<200x128xi32, #tpu.memory_space<vmem>>
    %dma_wait3A_122 = arith.constant 0 : i32
    %dma_wait3A_123 = tpu.memref_slice %arg8[%add3A_77, %dma_wait3A_122] : memref<160000x128xi32, #tpu.memory_space<hbm>> -> memref<200x128xi32, #tpu.memory_space<hbm>>
    %dma_wait3A_124 = arith.constant 0 : i32
    %dma_wait3A_125 = tpu.memref_slice %arg8[%add3A_77, %dma_wait3A_124] : memref<160000x128xi32, #tpu.memory_space<hbm>> -> memref<200x128xi32, #tpu.memory_space<hbm>>
    %dma_wait3A_126 = arith.constant 0 : i32
    %dma_wait3A_127 = arith.constant 0 : i32
    %dma_wait3A_128 = tpu.memref_slice %arg14[%dma_wait3A_117, %dma_wait3A_126, %dma_wait3A_127] : memref<2x200x128xi32, #tpu.memory_space<vmem>> -> memref<1x200x128xi32, #tpu.memory_space<vmem>>
    %dma_wait3A_129 = tpu.memref_squeeze %dma_wait3A_128 : memref<1x200x128xi32, #tpu.memory_space<vmem>> -> memref<200x128xi32, #tpu.memory_space<vmem>>
    tpu.wait_dma2 semaphore(%arg21 : memref<!tpu.dma_semaphore, #tpu.memory_space<semaphore_mem>>) src(%dma_wait3A_129 : memref<200x128xi32, #tpu.memory_space<vmem>>) dst(%dma_wait3A_125 : memref<200x128xi32, #tpu.memory_space<hbm>>)
    "tpu.region"() ({
      %run_scoped3A = tpu.sem_alloc : memref<!tpu.dma_semaphore, #tpu.memory_space<semaphore_mem>>
      %dma_start3A_260 = tpu.memref_slice %arg5[%mul3A_2] : memref<160000xi32, #tpu.memory_space<hbm>> -> memref<5000xi32, #tpu.memory_space<hbm>>
      %dma_start3A_261 = tpu.memref_slice %arg5[%mul3A_2] : memref<160000xi32, #tpu.memory_space<hbm>> -> memref<5000xi32, #tpu.memory_space<hbm>>
      tpu.enqueue_dma source(%dma_start3A_261 : memref<5000xi32, #tpu.memory_space<hbm>>) target(%arg11 : memref<5000xi32, #tpu.memory_space<vmem>>) target_semaphore(%run_scoped3A : memref<!tpu.dma_semaphore, #tpu.memory_space<semaphore_mem>>)
      %dma_wait3A_262 = tpu.memref_slice %arg5[%mul3A_2] : memref<160000xi32, #tpu.memory_space<hbm>> -> memref<5000xi32, #tpu.memory_space<hbm>>
      %dma_wait3A_263 = tpu.memref_slice %arg5[%mul3A_2] : memref<160000xi32, #tpu.memory_space<hbm>> -> memref<5000xi32, #tpu.memory_space<hbm>>
      tpu.wait_dma2 semaphore(%run_scoped3A : memref<!tpu.dma_semaphore, #tpu.memory_space<semaphore_mem>>) src(%dma_wait3A_263 : memref<5000xi32, #tpu.memory_space<hbm>>) dst(%arg11 : memref<5000xi32, #tpu.memory_space<vmem>>)
      tpu.yield
    }) : () -> ()
    "tpu.region"() ({
      %run_scoped3A = tpu.sem_alloc : memref<!tpu.dma_semaphore, #tpu.memory_space<semaphore_mem>>
      %dma_start3A_260 = tpu.memref_slice %arg6[%mul3A_2] : memref<160000xi32, #tpu.memory_space<hbm>> -> memref<5000xi32, #tpu.memory_space<hbm>>
      %dma_start3A_261 = tpu.memref_slice %arg6[%mul3A_2] : memref<160000xi32, #tpu.memory_space<hbm>> -> memref<5000xi32, #tpu.memory_space<hbm>>
      tpu.enqueue_dma source(%dma_start3A_261 : memref<5000xi32, #tpu.memory_space<hbm>>) target(%arg12 : memref<5000xi32, #tpu.memory_space<vmem>>) target_semaphore(%run_scoped3A : memref<!tpu.dma_semaphore, #tpu.memory_space<semaphore_mem>>)
      %dma_wait3A_262 = tpu.memref_slice %arg6[%mul3A_2] : memref<160000xi32, #tpu.memory_space<hbm>> -> memref<5000xi32, #tpu.memory_space<hbm>>
      %dma_wait3A_263 = tpu.memref_slice %arg6[%mul3A_2] : memref<160000xi32, #tpu.memory_space<hbm>> -> memref<5000xi32, #tpu.memory_space<hbm>>
      tpu.wait_dma2 semaphore(%run_scoped3A : memref<!tpu.dma_semaphore, #tpu.memory_space<semaphore_mem>>) src(%dma_wait3A_263 : memref<5000xi32, #tpu.memory_space<hbm>>) dst(%arg12 : memref<5000xi32, #tpu.memory_space<vmem>>)
      tpu.yield
    }) : () -> ()
    %dma_start3A_130 = arith.constant 0 : i32
    %dma_start3A_131 = arith.constant 0 : i32
    %dma_start3A_132 = arith.constant 0 : i32
    %dma_start3A_133 = tpu.memref_slice %arg13[%dma_start3A_130, %dma_start3A_131, %dma_start3A_132] : memref<2x200x128xi32, #tpu.memory_space<vmem>> -> memref<1x200x128xi32, #tpu.memory_space<vmem>>
    %dma_start3A_134 = tpu.memref_squeeze %dma_start3A_133 : memref<1x200x128xi32, #tpu.memory_space<vmem>> -> memref<200x128xi32, #tpu.memory_space<vmem>>
    %dma_start3A_135 = arith.constant 0 : i32
    %dma_start3A_136 = tpu.memref_slice %arg11[%dma_start3A_135] : memref<5000xi32, #tpu.memory_space<vmem>> -> memref<200xi32, #tpu.memory_space<vmem>>
    %dma_start3A_137 = arith.constant 0 : i32
    %dma_start3A_138 = arith.constant 0 : i32
    %dma_start3A_139 = tpu.memref_slice %arg2[%dma_start3A_137, %dma_start3A_138] : memref<10000x128xi32, #tpu.memory_space<hbm>> -> memref<10000x128xi32, #tpu.memory_space<hbm>>
    tpu.enqueue_indirect_dma source(%dma_start3A_139 : memref<10000x128xi32, #tpu.memory_space<hbm>>) target(%dma_start3A_134 : memref<200x128xi32, #tpu.memory_space<vmem>>) offsets(%dma_start3A_136 : memref<200xi32, #tpu.memory_space<vmem>>) semaphore(%arg15 : memref<!tpu.dma_semaphore, #tpu.memory_space<semaphore_mem>>)
    %dma_start3A_140 = arith.constant 0 : i32
    %dma_start3A_141 = arith.constant 0 : i32
    %dma_start3A_142 = arith.constant 0 : i32
    %dma_start3A_143 = tpu.memref_slice %arg14[%dma_start3A_140, %dma_start3A_141, %dma_start3A_142] : memref<2x200x128xi32, #tpu.memory_space<vmem>> -> memref<1x200x128xi32, #tpu.memory_space<vmem>>
    %dma_start3A_144 = tpu.memref_squeeze %dma_start3A_143 : memref<1x200x128xi32, #tpu.memory_space<vmem>> -> memref<200x128xi32, #tpu.memory_space<vmem>>
    %dma_start3A_145 = arith.constant 0 : i32
    %dma_start3A_146 = tpu.memref_slice %arg12[%dma_start3A_145] : memref<5000xi32, #tpu.memory_space<vmem>> -> memref<200xi32, #tpu.memory_space<vmem>>
    %dma_start3A_147 = arith.constant 0 : i32
    %dma_start3A_148 = arith.constant 0 : i32
    %dma_start3A_149 = tpu.memref_slice %arg2[%dma_start3A_147, %dma_start3A_148] : memref<10000x128xi32, #tpu.memory_space<hbm>> -> memref<10000x128xi32, #tpu.memory_space<hbm>>
    tpu.enqueue_indirect_dma source(%dma_start3A_149 : memref<10000x128xi32, #tpu.memory_space<hbm>>) target(%dma_start3A_144 : memref<200x128xi32, #tpu.memory_space<vmem>>) offsets(%dma_start3A_146 : memref<200xi32, #tpu.memory_space<vmem>>) semaphore(%arg17 : memref<!tpu.dma_semaphore, #tpu.memory_space<semaphore_mem>>)
    %dma_start3A_150 = arith.constant 1 : i32
    %dma_start3A_151 = arith.constant 0 : i32
    %dma_start3A_152 = arith.constant 0 : i32
    %dma_start3A_153 = tpu.memref_slice %arg13[%dma_start3A_150, %dma_start3A_151, %dma_start3A_152] : memref<2x200x128xi32, #tpu.memory_space<vmem>> -> memref<1x200x128xi32, #tpu.memory_space<vmem>>
    %dma_start3A_154 = tpu.memref_squeeze %dma_start3A_153 : memref<1x200x128xi32, #tpu.memory_space<vmem>> -> memref<200x128xi32, #tpu.memory_space<vmem>>
    %dma_start3A_155 = arith.constant 200 : i32
    %dma_start3A_156 = tpu.memref_slice %arg11[%dma_start3A_155] : memref<5000xi32, #tpu.memory_space<vmem>> -> memref<200xi32, #tpu.memory_space<vmem>>
    %dma_start3A_157 = arith.constant 0 : i32
    %dma_start3A_158 = arith.constant 0 : i32
    %dma_start3A_159 = tpu.memref_slice %arg2[%dma_start3A_157, %dma_start3A_158] : memref<10000x128xi32, #tpu.memory_space<hbm>> -> memref<10000x128xi32, #tpu.memory_space<hbm>>
    tpu.enqueue_indirect_dma source(%dma_start3A_159 : memref<10000x128xi32, #tpu.memory_space<hbm>>) target(%dma_start3A_154 : memref<200x128xi32, #tpu.memory_space<vmem>>) offsets(%dma_start3A_156 : memref<200xi32, #tpu.memory_space<vmem>>) semaphore(%arg16 : memref<!tpu.dma_semaphore, #tpu.memory_space<semaphore_mem>>)
    %dma_start3A_160 = arith.constant 1 : i32
    %dma_start3A_161 = arith.constant 0 : i32
    %dma_start3A_162 = arith.constant 0 : i32
    %dma_start3A_163 = tpu.memref_slice %arg14[%dma_start3A_160, %dma_start3A_161, %dma_start3A_162] : memref<2x200x128xi32, #tpu.memory_space<vmem>> -> memref<1x200x128xi32, #tpu.memory_space<vmem>>
    %dma_start3A_164 = tpu.memref_squeeze %dma_start3A_163 : memref<1x200x128xi32, #tpu.memory_space<vmem>> -> memref<200x128xi32, #tpu.memory_space<vmem>>
    %dma_start3A_165 = arith.constant 200 : i32
    %dma_start3A_166 = tpu.memref_slice %arg12[%dma_start3A_165] : memref<5000xi32, #tpu.memory_space<vmem>> -> memref<200xi32, #tpu.memory_space<vmem>>
    %dma_start3A_167 = arith.constant 0 : i32
    %dma_start3A_168 = arith.constant 0 : i32
    %dma_start3A_169 = tpu.memref_slice %arg2[%dma_start3A_167, %dma_start3A_168] : memref<10000x128xi32, #tpu.memory_space<hbm>> -> memref<10000x128xi32, #tpu.memory_space<hbm>>
    tpu.enqueue_indirect_dma source(%dma_start3A_169 : memref<10000x128xi32, #tpu.memory_space<hbm>>) target(%dma_start3A_164 : memref<200x128xi32, #tpu.memory_space<vmem>>) offsets(%dma_start3A_166 : memref<200xi32, #tpu.memory_space<vmem>>) semaphore(%arg18 : memref<!tpu.dma_semaphore, #tpu.memory_space<semaphore_mem>>)
    %scan3A_170 = arith.constant 0 : i32
    %scan3A_171 = arith.constant 0 : i32
    %scan3A_172 = arith.constant 12 : i32
    %scan3A_173 = arith.addi %scan3A_171, %scan3A_172 : i32
    %scan3A_174 = arith.constant 1 : i32
    scf.for %scan3A_260 = %scan3A_171 to %scan3A_173 step %scan3A_174  : i32 {
      %mul3A_261 = arith.constant 2 : i32
      %mul3A_262 = arith.muli %scan3A_260, %mul3A_261 : i32
      %dma_wait3A_263 = arith.constant 0 : i32
      %dma_wait3A_264 = arith.constant 0 : i32
      %dma_wait3A_265 = arith.constant 0 : i32
      %dma_wait3A_266 = tpu.memref_slice %arg13[%dma_wait3A_263, %dma_wait3A_264, %dma_wait3A_265] : memref<2x200x128xi32, #tpu.memory_space<vmem>> -> memref<1x200x128xi32, #tpu.memory_space<vmem>>
      %dma_wait3A_267 = tpu.memref_squeeze %dma_wait3A_266 : memref<1x200x128xi32, #tpu.memory_space<vmem>> -> memref<200x128xi32, #tpu.memory_space<vmem>>
      %dma_wait3A_268 = arith.constant 0 : i32
      %dma_wait3A_269 = arith.constant 0 : i32
      %dma_wait3A_270 = tpu.memref_slice %arg2[%dma_wait3A_268, %dma_wait3A_269] : memref<10000x128xi32, #tpu.memory_space<hbm>> -> memref<200x128xi32, #tpu.memory_space<hbm>>
      %dma_wait3A_271 = arith.constant 0 : i32
      %dma_wait3A_272 = arith.constant 0 : i32
      %dma_wait3A_273 = tpu.memref_slice %arg13[%dma_wait3A_263, %dma_wait3A_271, %dma_wait3A_272] : memref<2x200x128xi32, #tpu.memory_space<vmem>> -> memref<1x200x128xi32, #tpu.memory_space<vmem>>
      %dma_wait3A_274 = tpu.memref_squeeze %dma_wait3A_273 : memref<1x200x128xi32, #tpu.memory_space<vmem>> -> memref<200x128xi32, #tpu.memory_space<vmem>>
      %dma_wait3A_275 = arith.constant 0 : i32
      %dma_wait3A_276 = arith.constant 0 : i32
      %dma_wait3A_277 = tpu.memref_slice %arg2[%dma_wait3A_275, %dma_wait3A_276] : memref<10000x128xi32, #tpu.memory_space<hbm>> -> memref<200x128xi32, #tpu.memory_space<hbm>>
      tpu.wait_dma2 semaphore(%arg15 : memref<!tpu.dma_semaphore, #tpu.memory_space<semaphore_mem>>) src(%dma_wait3A_277 : memref<200x128xi32, #tpu.memory_space<hbm>>) dst(%dma_wait3A_274 : memref<200x128xi32, #tpu.memory_space<vmem>>)
      %dma_wait3A_278 = arith.constant 0 : i32
      %dma_wait3A_279 = arith.constant 0 : i32
      %dma_wait3A_280 = arith.constant 0 : i32
      %dma_wait3A_281 = tpu.memref_slice %arg14[%dma_wait3A_278, %dma_wait3A_279, %dma_wait3A_280] : memref<2x200x128xi32, #tpu.memory_space<vmem>> -> memref<1x200x128xi32, #tpu.memory_space<vmem>>
      %dma_wait3A_282 = tpu.memref_squeeze %dma_wait3A_281 : memref<1x200x128xi32, #tpu.memory_space<vmem>> -> memref<200x128xi32, #tpu.memory_space<vmem>>
      %dma_wait3A_283 = arith.constant 0 : i32
      %dma_wait3A_284 = arith.constant 0 : i32
      %dma_wait3A_285 = tpu.memref_slice %arg2[%dma_wait3A_283, %dma_wait3A_284] : memref<10000x128xi32, #tpu.memory_space<hbm>> -> memref<200x128xi32, #tpu.memory_space<hbm>>
      %dma_wait3A_286 = arith.constant 0 : i32
      %dma_wait3A_287 = arith.constant 0 : i32
      %dma_wait3A_288 = tpu.memref_slice %arg14[%dma_wait3A_278, %dma_wait3A_286, %dma_wait3A_287] : memref<2x200x128xi32, #tpu.memory_space<vmem>> -> memref<1x200x128xi32, #tpu.memory_space<vmem>>
      %dma_wait3A_289 = tpu.memref_squeeze %dma_wait3A_288 : memref<1x200x128xi32, #tpu.memory_space<vmem>> -> memref<200x128xi32, #tpu.memory_space<vmem>>
      %dma_wait3A_290 = arith.constant 0 : i32
      %dma_wait3A_291 = arith.constant 0 : i32
      %dma_wait3A_292 = tpu.memref_slice %arg2[%dma_wait3A_290, %dma_wait3A_291] : memref<10000x128xi32, #tpu.memory_space<hbm>> -> memref<200x128xi32, #tpu.memory_space<hbm>>
      tpu.wait_dma2 semaphore(%arg17 : memref<!tpu.dma_semaphore, #tpu.memory_space<semaphore_mem>>) src(%dma_wait3A_292 : memref<200x128xi32, #tpu.memory_space<hbm>>) dst(%dma_wait3A_289 : memref<200x128xi32, #tpu.memory_space<vmem>>)
      %mul3A_293 = arith.constant 200 : i32
      %mul3A_294 = arith.muli %mul3A_262, %mul3A_293 : i32
      %add3A_295 = arith.addi %mul3A_2, %mul3A_294 : i32
      %dma_start3A_296 = arith.constant 0 : i32
      %dma_start3A_297 = arith.constant 0 : i32
      %dma_start3A_298 = arith.constant 0 : i32
      %dma_start3A_299 = tpu.memref_slice %arg13[%dma_start3A_296, %dma_start3A_297, %dma_start3A_298] : memref<2x200x128xi32, #tpu.memory_space<vmem>> -> memref<1x200x128xi32, #tpu.memory_space<vmem>>
      %dma_start3A_300 = tpu.memref_squeeze %dma_start3A_299 : memref<1x200x128xi32, #tpu.memory_space<vmem>> -> memref<200x128xi32, #tpu.memory_space<vmem>>
      %dma_start3A_301 = arith.constant 0 : i32
      %dma_start3A_302 = tpu.memref_slice %arg9[%add3A_295, %dma_start3A_301] : memref<160000x128xi32, #tpu.memory_space<hbm>> -> memref<200x128xi32, #tpu.memory_space<hbm>>
      %dma_start3A_303 = arith.constant 0 : i32
      %dma_start3A_304 = tpu.memref_slice %arg9[%add3A_295, %dma_start3A_303] : memref<160000x128xi32, #tpu.memory_space<hbm>> -> memref<200x128xi32, #tpu.memory_space<hbm>>
      %dma_start3A_305 = arith.constant 0 : i32
      %dma_start3A_306 = arith.constant 0 : i32
      %dma_start3A_307 = tpu.memref_slice %arg13[%dma_start3A_296, %dma_start3A_305, %dma_start3A_306] : memref<2x200x128xi32, #tpu.memory_space<vmem>> -> memref<1x200x128xi32, #tpu.memory_space<vmem>>
      %dma_start3A_308 = tpu.memref_squeeze %dma_start3A_307 : memref<1x200x128xi32, #tpu.memory_space<vmem>> -> memref<200x128xi32, #tpu.memory_space<vmem>>
      tpu.enqueue_dma source(%dma_start3A_308 : memref<200x128xi32, #tpu.memory_space<vmem>>) target(%dma_start3A_304 : memref<200x128xi32, #tpu.memory_space<hbm>>) target_semaphore(%arg19 : memref<!tpu.dma_semaphore, #tpu.memory_space<semaphore_mem>>)
      %dma_start3A_309 = arith.constant 0 : i32
      %dma_start3A_310 = arith.constant 0 : i32
      %dma_start3A_311 = arith.constant 0 : i32
      %dma_start3A_312 = tpu.memref_slice %arg14[%dma_start3A_309, %dma_start3A_310, %dma_start3A_311] : memref<2x200x128xi32, #tpu.memory_space<vmem>> -> memref<1x200x128xi32, #tpu.memory_space<vmem>>
      %dma_start3A_313 = tpu.memref_squeeze %dma_start3A_312 : memref<1x200x128xi32, #tpu.memory_space<vmem>> -> memref<200x128xi32, #tpu.memory_space<vmem>>
      %dma_start3A_314 = arith.constant 0 : i32
      %dma_start3A_315 = tpu.memref_slice %arg10[%add3A_295, %dma_start3A_314] : memref<160000x128xi32, #tpu.memory_space<hbm>> -> memref<200x128xi32, #tpu.memory_space<hbm>>
      %dma_start3A_316 = arith.constant 0 : i32
      %dma_start3A_317 = tpu.memref_slice %arg10[%add3A_295, %dma_start3A_316] : memref<160000x128xi32, #tpu.memory_space<hbm>> -> memref<200x128xi32, #tpu.memory_space<hbm>>
      %dma_start3A_318 = arith.constant 0 : i32
      %dma_start3A_319 = arith.constant 0 : i32
      %dma_start3A_320 = tpu.memref_slice %arg14[%dma_start3A_309, %dma_start3A_318, %dma_start3A_319] : memref<2x200x128xi32, #tpu.memory_space<vmem>> -> memref<1x200x128xi32, #tpu.memory_space<vmem>>
      %dma_start3A_321 = tpu.memref_squeeze %dma_start3A_320 : memref<1x200x128xi32, #tpu.memory_space<vmem>> -> memref<200x128xi32, #tpu.memory_space<vmem>>
      tpu.enqueue_dma source(%dma_start3A_321 : memref<200x128xi32, #tpu.memory_space<vmem>>) target(%dma_start3A_317 : memref<200x128xi32, #tpu.memory_space<hbm>>) target_semaphore(%arg21 : memref<!tpu.dma_semaphore, #tpu.memory_space<semaphore_mem>>)
      %dma_wait3A_322 = arith.constant 0 : i32
      %dma_wait3A_323 = arith.constant 0 : i32
      %dma_wait3A_324 = arith.constant 0 : i32
      %dma_wait3A_325 = tpu.memref_slice %arg13[%dma_wait3A_322, %dma_wait3A_323, %dma_wait3A_324] : memref<2x200x128xi32, #tpu.memory_space<vmem>> -> memref<1x200x128xi32, #tpu.memory_space<vmem>>
      %dma_wait3A_326 = tpu.memref_squeeze %dma_wait3A_325 : memref<1x200x128xi32, #tpu.memory_space<vmem>> -> memref<200x128xi32, #tpu.memory_space<vmem>>
      %dma_wait3A_327 = arith.constant 0 : i32
      %dma_wait3A_328 = tpu.memref_slice %arg9[%add3A_295, %dma_wait3A_327] : memref<160000x128xi32, #tpu.memory_space<hbm>> -> memref<200x128xi32, #tpu.memory_space<hbm>>
      %dma_wait3A_329 = arith.constant 0 : i32
      %dma_wait3A_330 = tpu.memref_slice %arg9[%add3A_295, %dma_wait3A_329] : memref<160000x128xi32, #tpu.memory_space<hbm>> -> memref<200x128xi32, #tpu.memory_space<hbm>>
      %dma_wait3A_331 = arith.constant 0 : i32
      %dma_wait3A_332 = arith.constant 0 : i32
      %dma_wait3A_333 = tpu.memref_slice %arg13[%dma_wait3A_322, %dma_wait3A_331, %dma_wait3A_332] : memref<2x200x128xi32, #tpu.memory_space<vmem>> -> memref<1x200x128xi32, #tpu.memory_space<vmem>>
      %dma_wait3A_334 = tpu.memref_squeeze %dma_wait3A_333 : memref<1x200x128xi32, #tpu.memory_space<vmem>> -> memref<200x128xi32, #tpu.memory_space<vmem>>
      tpu.wait_dma2 semaphore(%arg19 : memref<!tpu.dma_semaphore, #tpu.memory_space<semaphore_mem>>) src(%dma_wait3A_334 : memref<200x128xi32, #tpu.memory_space<vmem>>) dst(%dma_wait3A_330 : memref<200x128xi32, #tpu.memory_space<hbm>>)
      %dma_wait3A_335 = arith.constant 0 : i32
      %dma_wait3A_336 = arith.constant 0 : i32
      %dma_wait3A_337 = arith.constant 0 : i32
      %dma_wait3A_338 = tpu.memref_slice %arg14[%dma_wait3A_335, %dma_wait3A_336, %dma_wait3A_337] : memref<2x200x128xi32, #tpu.memory_space<vmem>> -> memref<1x200x128xi32, #tpu.memory_space<vmem>>
      %dma_wait3A_339 = tpu.memref_squeeze %dma_wait3A_338 : memref<1x200x128xi32, #tpu.memory_space<vmem>> -> memref<200x128xi32, #tpu.memory_space<vmem>>
      %dma_wait3A_340 = arith.constant 0 : i32
      %dma_wait3A_341 = tpu.memref_slice %arg10[%add3A_295, %dma_wait3A_340] : memref<160000x128xi32, #tpu.memory_space<hbm>> -> memref<200x128xi32, #tpu.memory_space<hbm>>
      %dma_wait3A_342 = arith.constant 0 : i32
      %dma_wait3A_343 = tpu.memref_slice %arg10[%add3A_295, %dma_wait3A_342] : memref<160000x128xi32, #tpu.memory_space<hbm>> -> memref<200x128xi32, #tpu.memory_space<hbm>>
      %dma_wait3A_344 = arith.constant 0 : i32
      %dma_wait3A_345 = arith.constant 0 : i32
      %dma_wait3A_346 = tpu.memref_slice %arg14[%dma_wait3A_335, %dma_wait3A_344, %dma_wait3A_345] : memref<2x200x128xi32, #tpu.memory_space<vmem>> -> memref<1x200x128xi32, #tpu.memory_space<vmem>>
      %dma_wait3A_347 = tpu.memref_squeeze %dma_wait3A_346 : memref<1x200x128xi32, #tpu.memory_space<vmem>> -> memref<200x128xi32, #tpu.memory_space<vmem>>
      tpu.wait_dma2 semaphore(%arg21 : memref<!tpu.dma_semaphore, #tpu.memory_space<semaphore_mem>>) src(%dma_wait3A_347 : memref<200x128xi32, #tpu.memory_space<vmem>>) dst(%dma_wait3A_343 : memref<200x128xi32, #tpu.memory_space<hbm>>)
      %add3A_348 = arith.constant 2 : i32
      %add3A_349 = arith.addi %mul3A_262, %add3A_348 : i32
      %lt3A = arith.constant 25 : i32
      %lt3A_350 = arith.cmpi slt, %add3A_349, %lt3A : i32
      %convert_element_type3A = arith.extui %lt3A_350 : i1 to i32
      %cond3A = arith.constant 0 : i32
      %cond3A_351 = arith.cmpi ne, %convert_element_type3A, %cond3A : i32
      scf.if %cond3A_351 {
        %add3A_448 = arith.constant 2 : i32
        %add3A_449 = arith.addi %mul3A_262, %add3A_448 : i32
        %mul3A_450 = arith.constant 200 : i32
        %mul3A_451 = arith.muli %add3A_449, %mul3A_450 : i32
        %dma_start3A_452 = arith.constant 0 : i32
        %dma_start3A_453 = arith.constant 0 : i32
        %dma_start3A_454 = arith.constant 0 : i32
        %dma_start3A_455 = tpu.memref_slice %arg13[%dma_start3A_452, %dma_start3A_453, %dma_start3A_454] : memref<2x200x128xi32, #tpu.memory_space<vmem>> -> memref<1x200x128xi32, #tpu.memory_space<vmem>>
        %dma_start3A_456 = tpu.memref_squeeze %dma_start3A_455 : memref<1x200x128xi32, #tpu.memory_space<vmem>> -> memref<200x128xi32, #tpu.memory_space<vmem>>
        %dma_start3A_457 = tpu.memref_slice %arg11[%mul3A_451] : memref<5000xi32, #tpu.memory_space<vmem>> -> memref<200xi32, #tpu.memory_space<vmem>>
        %dma_start3A_458 = arith.constant 0 : i32
        %dma_start3A_459 = arith.constant 0 : i32
        %dma_start3A_460 = tpu.memref_slice %arg2[%dma_start3A_458, %dma_start3A_459] : memref<10000x128xi32, #tpu.memory_space<hbm>> -> memref<10000x128xi32, #tpu.memory_space<hbm>>
        tpu.enqueue_indirect_dma source(%dma_start3A_460 : memref<10000x128xi32, #tpu.memory_space<hbm>>) target(%dma_start3A_456 : memref<200x128xi32, #tpu.memory_space<vmem>>) offsets(%dma_start3A_457 : memref<200xi32, #tpu.memory_space<vmem>>) semaphore(%arg15 : memref<!tpu.dma_semaphore, #tpu.memory_space<semaphore_mem>>)
        %mul3A_461 = arith.constant 200 : i32
        %mul3A_462 = arith.muli %add3A_449, %mul3A_461 : i32
        %dma_start3A_463 = arith.constant 0 : i32
        %dma_start3A_464 = arith.constant 0 : i32
        %dma_start3A_465 = arith.constant 0 : i32
        %dma_start3A_466 = tpu.memref_slice %arg14[%dma_start3A_463, %dma_start3A_464, %dma_start3A_465] : memref<2x200x128xi32, #tpu.memory_space<vmem>> -> memref<1x200x128xi32, #tpu.memory_space<vmem>>
        %dma_start3A_467 = tpu.memref_squeeze %dma_start3A_466 : memref<1x200x128xi32, #tpu.memory_space<vmem>> -> memref<200x128xi32, #tpu.memory_space<vmem>>
        %dma_start3A_468 = tpu.memref_slice %arg12[%mul3A_462] : memref<5000xi32, #tpu.memory_space<vmem>> -> memref<200xi32, #tpu.memory_space<vmem>>
        %dma_start3A_469 = arith.constant 0 : i32
        %dma_start3A_470 = arith.constant 0 : i32
        %dma_start3A_471 = tpu.memref_slice %arg2[%dma_start3A_469, %dma_start3A_470] : memref<10000x128xi32, #tpu.memory_space<hbm>> -> memref<10000x128xi32, #tpu.memory_space<hbm>>
        tpu.enqueue_indirect_dma source(%dma_start3A_471 : memref<10000x128xi32, #tpu.memory_space<hbm>>) target(%dma_start3A_467 : memref<200x128xi32, #tpu.memory_space<vmem>>) offsets(%dma_start3A_468 : memref<200xi32, #tpu.memory_space<vmem>>) semaphore(%arg17 : memref<!tpu.dma_semaphore, #tpu.memory_space<semaphore_mem>>)
      } else {
      }
      %mul3A_352 = arith.constant 2 : i32
      %mul3A_353 = arith.muli %scan3A_260, %mul3A_352 : i32
      %add3A_354 = arith.constant 1 : i32
      %add3A_355 = arith.addi %mul3A_353, %add3A_354 : i32
      %dma_wait3A_356 = arith.constant 1 : i32
      %dma_wait3A_357 = arith.constant 0 : i32
      %dma_wait3A_358 = arith.constant 0 : i32
      %dma_wait3A_359 = tpu.memref_slice %arg13[%dma_wait3A_356, %dma_wait3A_357, %dma_wait3A_358] : memref<2x200x128xi32, #tpu.memory_space<vmem>> -> memref<1x200x128xi32, #tpu.memory_space<vmem>>
      %dma_wait3A_360 = tpu.memref_squeeze %dma_wait3A_359 : memref<1x200x128xi32, #tpu.memory_space<vmem>> -> memref<200x128xi32, #tpu.memory_space<vmem>>
      %dma_wait3A_361 = arith.constant 0 : i32
      %dma_wait3A_362 = arith.constant 0 : i32
      %dma_wait3A_363 = tpu.memref_slice %arg2[%dma_wait3A_361, %dma_wait3A_362] : memref<10000x128xi32, #tpu.memory_space<hbm>> -> memref<200x128xi32, #tpu.memory_space<hbm>>
      %dma_wait3A_364 = arith.constant 0 : i32
      %dma_wait3A_365 = arith.constant 0 : i32
      %dma_wait3A_366 = tpu.memref_slice %arg13[%dma_wait3A_356, %dma_wait3A_364, %dma_wait3A_365] : memref<2x200x128xi32, #tpu.memory_space<vmem>> -> memref<1x200x128xi32, #tpu.memory_space<vmem>>
      %dma_wait3A_367 = tpu.memref_squeeze %dma_wait3A_366 : memref<1x200x128xi32, #tpu.memory_space<vmem>> -> memref<200x128xi32, #tpu.memory_space<vmem>>
      %dma_wait3A_368 = arith.constant 0 : i32
      %dma_wait3A_369 = arith.constant 0 : i32
      %dma_wait3A_370 = tpu.memref_slice %arg2[%dma_wait3A_368, %dma_wait3A_369] : memref<10000x128xi32, #tpu.memory_space<hbm>> -> memref<200x128xi32, #tpu.memory_space<hbm>>
      tpu.wait_dma2 semaphore(%arg16 : memref<!tpu.dma_semaphore, #tpu.memory_space<semaphore_mem>>) src(%dma_wait3A_370 : memref<200x128xi32, #tpu.memory_space<hbm>>) dst(%dma_wait3A_367 : memref<200x128xi32, #tpu.memory_space<vmem>>)
      %dma_wait3A_371 = arith.constant 1 : i32
      %dma_wait3A_372 = arith.constant 0 : i32
      %dma_wait3A_373 = arith.constant 0 : i32
      %dma_wait3A_374 = tpu.memref_slice %arg14[%dma_wait3A_371, %dma_wait3A_372, %dma_wait3A_373] : memref<2x200x128xi32, #tpu.memory_space<vmem>> -> memref<1x200x128xi32, #tpu.memory_space<vmem>>
      %dma_wait3A_375 = tpu.memref_squeeze %dma_wait3A_374 : memref<1x200x128xi32, #tpu.memory_space<vmem>> -> memref<200x128xi32, #tpu.memory_space<vmem>>
      %dma_wait3A_376 = arith.constant 0 : i32
      %dma_wait3A_377 = arith.constant 0 : i32
      %dma_wait3A_378 = tpu.memref_slice %arg2[%dma_wait3A_376, %dma_wait3A_377] : memref<10000x128xi32, #tpu.memory_space<hbm>> -> memref<200x128xi32, #tpu.memory_space<hbm>>
      %dma_wait3A_379 = arith.constant 0 : i32
      %dma_wait3A_380 = arith.constant 0 : i32
      %dma_wait3A_381 = tpu.memref_slice %arg14[%dma_wait3A_371, %dma_wait3A_379, %dma_wait3A_380] : memref<2x200x128xi32, #tpu.memory_space<vmem>> -> memref<1x200x128xi32, #tpu.memory_space<vmem>>
      %dma_wait3A_382 = tpu.memref_squeeze %dma_wait3A_381 : memref<1x200x128xi32, #tpu.memory_space<vmem>> -> memref<200x128xi32, #tpu.memory_space<vmem>>
      %dma_wait3A_383 = arith.constant 0 : i32
      %dma_wait3A_384 = arith.constant 0 : i32
      %dma_wait3A_385 = tpu.memref_slice %arg2[%dma_wait3A_383, %dma_wait3A_384] : memref<10000x128xi32, #tpu.memory_space<hbm>> -> memref<200x128xi32, #tpu.memory_space<hbm>>
      tpu.wait_dma2 semaphore(%arg18 : memref<!tpu.dma_semaphore, #tpu.memory_space<semaphore_mem>>) src(%dma_wait3A_385 : memref<200x128xi32, #tpu.memory_space<hbm>>) dst(%dma_wait3A_382 : memref<200x128xi32, #tpu.memory_space<vmem>>)
      %mul3A_386 = arith.constant 200 : i32
      %mul3A_387 = arith.muli %add3A_355, %mul3A_386 : i32
      %add3A_388 = arith.addi %mul3A_2, %mul3A_387 : i32
      %dma_start3A_389 = arith.constant 1 : i32
      %dma_start3A_390 = arith.constant 0 : i32
      %dma_start3A_391 = arith.constant 0 : i32
      %dma_start3A_392 = tpu.memref_slice %arg13[%dma_start3A_389, %dma_start3A_390, %dma_start3A_391] : memref<2x200x128xi32, #tpu.memory_space<vmem>> -> memref<1x200x128xi32, #tpu.memory_space<vmem>>
      %dma_start3A_393 = tpu.memref_squeeze %dma_start3A_392 : memref<1x200x128xi32, #tpu.memory_space<vmem>> -> memref<200x128xi32, #tpu.memory_space<vmem>>
      %dma_start3A_394 = arith.constant 0 : i32
      %dma_start3A_395 = tpu.memref_slice %arg9[%add3A_388, %dma_start3A_394] : memref<160000x128xi32, #tpu.memory_space<hbm>> -> memref<200x128xi32, #tpu.memory_space<hbm>>
      %dma_start3A_396 = arith.constant 0 : i32
      %dma_start3A_397 = tpu.memref_slice %arg9[%add3A_388, %dma_start3A_396] : memref<160000x128xi32, #tpu.memory_space<hbm>> -> memref<200x128xi32, #tpu.memory_space<hbm>>
      %dma_start3A_398 = arith.constant 0 : i32
      %dma_start3A_399 = arith.constant 0 : i32
      %dma_start3A_400 = tpu.memref_slice %arg13[%dma_start3A_389, %dma_start3A_398, %dma_start3A_399] : memref<2x200x128xi32, #tpu.memory_space<vmem>> -> memref<1x200x128xi32, #tpu.memory_space<vmem>>
      %dma_start3A_401 = tpu.memref_squeeze %dma_start3A_400 : memref<1x200x128xi32, #tpu.memory_space<vmem>> -> memref<200x128xi32, #tpu.memory_space<vmem>>
      tpu.enqueue_dma source(%dma_start3A_401 : memref<200x128xi32, #tpu.memory_space<vmem>>) target(%dma_start3A_397 : memref<200x128xi32, #tpu.memory_space<hbm>>) target_semaphore(%arg20 : memref<!tpu.dma_semaphore, #tpu.memory_space<semaphore_mem>>)
      %dma_start3A_402 = arith.constant 1 : i32
      %dma_start3A_403 = arith.constant 0 : i32
      %dma_start3A_404 = arith.constant 0 : i32
      %dma_start3A_405 = tpu.memref_slice %arg14[%dma_start3A_402, %dma_start3A_403, %dma_start3A_404] : memref<2x200x128xi32, #tpu.memory_space<vmem>> -> memref<1x200x128xi32, #tpu.memory_space<vmem>>
      %dma_start3A_406 = tpu.memref_squeeze %dma_start3A_405 : memref<1x200x128xi32, #tpu.memory_space<vmem>> -> memref<200x128xi32, #tpu.memory_space<vmem>>
      %dma_start3A_407 = arith.constant 0 : i32
      %dma_start3A_408 = tpu.memref_slice %arg10[%add3A_388, %dma_start3A_407] : memref<160000x128xi32, #tpu.memory_space<hbm>> -> memref<200x128xi32, #tpu.memory_space<hbm>>
      %dma_start3A_409 = arith.constant 0 : i32
      %dma_start3A_410 = tpu.memref_slice %arg10[%add3A_388, %dma_start3A_409] : memref<160000x128xi32, #tpu.memory_space<hbm>> -> memref<200x128xi32, #tpu.memory_space<hbm>>
      %dma_start3A_411 = arith.constant 0 : i32
      %dma_start3A_412 = arith.constant 0 : i32
      %dma_start3A_413 = tpu.memref_slice %arg14[%dma_start3A_402, %dma_start3A_411, %dma_start3A_412] : memref<2x200x128xi32, #tpu.memory_space<vmem>> -> memref<1x200x128xi32, #tpu.memory_space<vmem>>
      %dma_start3A_414 = tpu.memref_squeeze %dma_start3A_413 : memref<1x200x128xi32, #tpu.memory_space<vmem>> -> memref<200x128xi32, #tpu.memory_space<vmem>>
      tpu.enqueue_dma source(%dma_start3A_414 : memref<200x128xi32, #tpu.memory_space<vmem>>) target(%dma_start3A_410 : memref<200x128xi32, #tpu.memory_space<hbm>>) target_semaphore(%arg22 : memref<!tpu.dma_semaphore, #tpu.memory_space<semaphore_mem>>)
      %dma_wait3A_415 = arith.constant 1 : i32
      %dma_wait3A_416 = arith.constant 0 : i32
      %dma_wait3A_417 = arith.constant 0 : i32
      %dma_wait3A_418 = tpu.memref_slice %arg13[%dma_wait3A_415, %dma_wait3A_416, %dma_wait3A_417] : memref<2x200x128xi32, #tpu.memory_space<vmem>> -> memref<1x200x128xi32, #tpu.memory_space<vmem>>
      %dma_wait3A_419 = tpu.memref_squeeze %dma_wait3A_418 : memref<1x200x128xi32, #tpu.memory_space<vmem>> -> memref<200x128xi32, #tpu.memory_space<vmem>>
      %dma_wait3A_420 = arith.constant 0 : i32
      %dma_wait3A_421 = tpu.memref_slice %arg9[%add3A_388, %dma_wait3A_420] : memref<160000x128xi32, #tpu.memory_space<hbm>> -> memref<200x128xi32, #tpu.memory_space<hbm>>
      %dma_wait3A_422 = arith.constant 0 : i32
      %dma_wait3A_423 = tpu.memref_slice %arg9[%add3A_388, %dma_wait3A_422] : memref<160000x128xi32, #tpu.memory_space<hbm>> -> memref<200x128xi32, #tpu.memory_space<hbm>>
      %dma_wait3A_424 = arith.constant 0 : i32
      %dma_wait3A_425 = arith.constant 0 : i32
      %dma_wait3A_426 = tpu.memref_slice %arg13[%dma_wait3A_415, %dma_wait3A_424, %dma_wait3A_425] : memref<2x200x128xi32, #tpu.memory_space<vmem>> -> memref<1x200x128xi32, #tpu.memory_space<vmem>>
      %dma_wait3A_427 = tpu.memref_squeeze %dma_wait3A_426 : memref<1x200x128xi32, #tpu.memory_space<vmem>> -> memref<200x128xi32, #tpu.memory_space<vmem>>
      tpu.wait_dma2 semaphore(%arg20 : memref<!tpu.dma_semaphore, #tpu.memory_space<semaphore_mem>>) src(%dma_wait3A_427 : memref<200x128xi32, #tpu.memory_space<vmem>>) dst(%dma_wait3A_423 : memref<200x128xi32, #tpu.memory_space<hbm>>)
      %dma_wait3A_428 = arith.constant 1 : i32
      %dma_wait3A_429 = arith.constant 0 : i32
      %dma_wait3A_430 = arith.constant 0 : i32
      %dma_wait3A_431 = tpu.memref_slice %arg14[%dma_wait3A_428, %dma_wait3A_429, %dma_wait3A_430] : memref<2x200x128xi32, #tpu.memory_space<vmem>> -> memref<1x200x128xi32, #tpu.memory_space<vmem>>
      %dma_wait3A_432 = tpu.memref_squeeze %dma_wait3A_431 : memref<1x200x128xi32, #tpu.memory_space<vmem>> -> memref<200x128xi32, #tpu.memory_space<vmem>>
      %dma_wait3A_433 = arith.constant 0 : i32
      %dma_wait3A_434 = tpu.memref_slice %arg10[%add3A_388, %dma_wait3A_433] : memref<160000x128xi32, #tpu.memory_space<hbm>> -> memref<200x128xi32, #tpu.memory_space<hbm>>
      %dma_wait3A_435 = arith.constant 0 : i32
      %dma_wait3A_436 = tpu.memref_slice %arg10[%add3A_388, %dma_wait3A_435] : memref<160000x128xi32, #tpu.memory_space<hbm>> -> memref<200x128xi32, #tpu.memory_space<hbm>>
      %dma_wait3A_437 = arith.constant 0 : i32
      %dma_wait3A_438 = arith.constant 0 : i32
      %dma_wait3A_439 = tpu.memref_slice %arg14[%dma_wait3A_428, %dma_wait3A_437, %dma_wait3A_438] : memref<2x200x128xi32, #tpu.memory_space<vmem>> -> memref<1x200x128xi32, #tpu.memory_space<vmem>>
      %dma_wait3A_440 = tpu.memref_squeeze %dma_wait3A_439 : memref<1x200x128xi32, #tpu.memory_space<vmem>> -> memref<200x128xi32, #tpu.memory_space<vmem>>
      tpu.wait_dma2 semaphore(%arg22 : memref<!tpu.dma_semaphore, #tpu.memory_space<semaphore_mem>>) src(%dma_wait3A_440 : memref<200x128xi32, #tpu.memory_space<vmem>>) dst(%dma_wait3A_436 : memref<200x128xi32, #tpu.memory_space<hbm>>)
      %add3A_441 = arith.constant 2 : i32
      %add3A_442 = arith.addi %add3A_355, %add3A_441 : i32
      %lt3A_443 = arith.constant 25 : i32
      %lt3A_444 = arith.cmpi slt, %add3A_442, %lt3A_443 : i32
      %convert_element_type3A_445 = arith.extui %lt3A_444 : i1 to i32
      %cond3A_446 = arith.constant 0 : i32
      %cond3A_447 = arith.cmpi ne, %convert_element_type3A_445, %cond3A_446 : i32
      scf.if %cond3A_447 {
        %add3A_448 = arith.constant 2 : i32
        %add3A_449 = arith.addi %add3A_355, %add3A_448 : i32
        %mul3A_450 = arith.constant 200 : i32
        %mul3A_451 = arith.muli %add3A_449, %mul3A_450 : i32
        %dma_start3A_452 = arith.constant 1 : i32
        %dma_start3A_453 = arith.constant 0 : i32
        %dma_start3A_454 = arith.constant 0 : i32
        %dma_start3A_455 = tpu.memref_slice %arg13[%dma_start3A_452, %dma_start3A_453, %dma_start3A_454] : memref<2x200x128xi32, #tpu.memory_space<vmem>> -> memref<1x200x128xi32, #tpu.memory_space<vmem>>
        %dma_start3A_456 = tpu.memref_squeeze %dma_start3A_455 : memref<1x200x128xi32, #tpu.memory_space<vmem>> -> memref<200x128xi32, #tpu.memory_space<vmem>>
        %dma_start3A_457 = tpu.memref_slice %arg11[%mul3A_451] : memref<5000xi32, #tpu.memory_space<vmem>> -> memref<200xi32, #tpu.memory_space<vmem>>
        %dma_start3A_458 = arith.constant 0 : i32
        %dma_start3A_459 = arith.constant 0 : i32
        %dma_start3A_460 = tpu.memref_slice %arg2[%dma_start3A_458, %dma_start3A_459] : memref<10000x128xi32, #tpu.memory_space<hbm>> -> memref<10000x128xi32, #tpu.memory_space<hbm>>
        tpu.enqueue_indirect_dma source(%dma_start3A_460 : memref<10000x128xi32, #tpu.memory_space<hbm>>) target(%dma_start3A_456 : memref<200x128xi32, #tpu.memory_space<vmem>>) offsets(%dma_start3A_457 : memref<200xi32, #tpu.memory_space<vmem>>) semaphore(%arg16 : memref<!tpu.dma_semaphore, #tpu.memory_space<semaphore_mem>>)
        %mul3A_461 = arith.constant 200 : i32
        %mul3A_462 = arith.muli %add3A_449, %mul3A_461 : i32
        %dma_start3A_463 = arith.constant 1 : i32
        %dma_start3A_464 = arith.constant 0 : i32
        %dma_start3A_465 = arith.constant 0 : i32
        %dma_start3A_466 = tpu.memref_slice %arg14[%dma_start3A_463, %dma_start3A_464, %dma_start3A_465] : memref<2x200x128xi32, #tpu.memory_space<vmem>> -> memref<1x200x128xi32, #tpu.memory_space<vmem>>
        %dma_start3A_467 = tpu.memref_squeeze %dma_start3A_466 : memref<1x200x128xi32, #tpu.memory_space<vmem>> -> memref<200x128xi32, #tpu.memory_space<vmem>>
        %dma_start3A_468 = tpu.memref_slice %arg12[%mul3A_462] : memref<5000xi32, #tpu.memory_space<vmem>> -> memref<200xi32, #tpu.memory_space<vmem>>
        %dma_start3A_469 = arith.constant 0 : i32
        %dma_start3A_470 = arith.constant 0 : i32
        %dma_start3A_471 = tpu.memref_slice %arg2[%dma_start3A_469, %dma_start3A_470] : memref<10000x128xi32, #tpu.memory_space<hbm>> -> memref<10000x128xi32, #tpu.memory_space<hbm>>
        tpu.enqueue_indirect_dma source(%dma_start3A_471 : memref<10000x128xi32, #tpu.memory_space<hbm>>) target(%dma_start3A_467 : memref<200x128xi32, #tpu.memory_space<vmem>>) offsets(%dma_start3A_468 : memref<200xi32, #tpu.memory_space<vmem>>) semaphore(%arg18 : memref<!tpu.dma_semaphore, #tpu.memory_space<semaphore_mem>>)
      } else {
      }
    }
    %scan3A_175 = arith.constant 12 : i32
    %dma_wait3A_176 = arith.constant 0 : i32
    %dma_wait3A_177 = arith.constant 0 : i32
    %dma_wait3A_178 = arith.constant 0 : i32
    %dma_wait3A_179 = tpu.memref_slice %arg13[%dma_wait3A_176, %dma_wait3A_177, %dma_wait3A_178] : memref<2x200x128xi32, #tpu.memory_space<vmem>> -> memref<1x200x128xi32, #tpu.memory_space<vmem>>
    %dma_wait3A_180 = tpu.memref_squeeze %dma_wait3A_179 : memref<1x200x128xi32, #tpu.memory_space<vmem>> -> memref<200x128xi32, #tpu.memory_space<vmem>>
    %dma_wait3A_181 = arith.constant 0 : i32
    %dma_wait3A_182 = arith.constant 0 : i32
    %dma_wait3A_183 = tpu.memref_slice %arg2[%dma_wait3A_181, %dma_wait3A_182] : memref<10000x128xi32, #tpu.memory_space<hbm>> -> memref<200x128xi32, #tpu.memory_space<hbm>>
    %dma_wait3A_184 = arith.constant 0 : i32
    %dma_wait3A_185 = arith.constant 0 : i32
    %dma_wait3A_186 = tpu.memref_slice %arg13[%dma_wait3A_176, %dma_wait3A_184, %dma_wait3A_185] : memref<2x200x128xi32, #tpu.memory_space<vmem>> -> memref<1x200x128xi32, #tpu.memory_space<vmem>>
    %dma_wait3A_187 = tpu.memref_squeeze %dma_wait3A_186 : memref<1x200x128xi32, #tpu.memory_space<vmem>> -> memref<200x128xi32, #tpu.memory_space<vmem>>
    %dma_wait3A_188 = arith.constant 0 : i32
    %dma_wait3A_189 = arith.constant 0 : i32
    %dma_wait3A_190 = tpu.memref_slice %arg2[%dma_wait3A_188, %dma_wait3A_189] : memref<10000x128xi32, #tpu.memory_space<hbm>> -> memref<200x128xi32, #tpu.memory_space<hbm>>
    tpu.wait_dma2 semaphore(%arg15 : memref<!tpu.dma_semaphore, #tpu.memory_space<semaphore_mem>>) src(%dma_wait3A_190 : memref<200x128xi32, #tpu.memory_space<hbm>>) dst(%dma_wait3A_187 : memref<200x128xi32, #tpu.memory_space<vmem>>)
    %dma_wait3A_191 = arith.constant 0 : i32
    %dma_wait3A_192 = arith.constant 0 : i32
    %dma_wait3A_193 = arith.constant 0 : i32
    %dma_wait3A_194 = tpu.memref_slice %arg14[%dma_wait3A_191, %dma_wait3A_192, %dma_wait3A_193] : memref<2x200x128xi32, #tpu.memory_space<vmem>> -> memref<1x200x128xi32, #tpu.memory_space<vmem>>
    %dma_wait3A_195 = tpu.memref_squeeze %dma_wait3A_194 : memref<1x200x128xi32, #tpu.memory_space<vmem>> -> memref<200x128xi32, #tpu.memory_space<vmem>>
    %dma_wait3A_196 = arith.constant 0 : i32
    %dma_wait3A_197 = arith.constant 0 : i32
    %dma_wait3A_198 = tpu.memref_slice %arg2[%dma_wait3A_196, %dma_wait3A_197] : memref<10000x128xi32, #tpu.memory_space<hbm>> -> memref<200x128xi32, #tpu.memory_space<hbm>>
    %dma_wait3A_199 = arith.constant 0 : i32
    %dma_wait3A_200 = arith.constant 0 : i32
    %dma_wait3A_201 = tpu.memref_slice %arg14[%dma_wait3A_191, %dma_wait3A_199, %dma_wait3A_200] : memref<2x200x128xi32, #tpu.memory_space<vmem>> -> memref<1x200x128xi32, #tpu.memory_space<vmem>>
    %dma_wait3A_202 = tpu.memref_squeeze %dma_wait3A_201 : memref<1x200x128xi32, #tpu.memory_space<vmem>> -> memref<200x128xi32, #tpu.memory_space<vmem>>
    %dma_wait3A_203 = arith.constant 0 : i32
    %dma_wait3A_204 = arith.constant 0 : i32
    %dma_wait3A_205 = tpu.memref_slice %arg2[%dma_wait3A_203, %dma_wait3A_204] : memref<10000x128xi32, #tpu.memory_space<hbm>> -> memref<200x128xi32, #tpu.memory_space<hbm>>
    tpu.wait_dma2 semaphore(%arg17 : memref<!tpu.dma_semaphore, #tpu.memory_space<semaphore_mem>>) src(%dma_wait3A_205 : memref<200x128xi32, #tpu.memory_space<hbm>>) dst(%dma_wait3A_202 : memref<200x128xi32, #tpu.memory_space<vmem>>)
    %add3A_206 = arith.constant 4800 : i32
    %add3A_207 = arith.addi %mul3A_2, %add3A_206 : i32
    %dma_start3A_208 = arith.constant 0 : i32
    %dma_start3A_209 = arith.constant 0 : i32
    %dma_start3A_210 = arith.constant 0 : i32
    %dma_start3A_211 = tpu.memref_slice %arg13[%dma_start3A_208, %dma_start3A_209, %dma_start3A_210] : memref<2x200x128xi32, #tpu.memory_space<vmem>> -> memref<1x200x128xi32, #tpu.memory_space<vmem>>
    %dma_start3A_212 = tpu.memref_squeeze %dma_start3A_211 : memref<1x200x128xi32, #tpu.memory_space<vmem>> -> memref<200x128xi32, #tpu.memory_space<vmem>>
    %dma_start3A_213 = arith.constant 0 : i32
    %dma_start3A_214 = tpu.memref_slice %arg9[%add3A_207, %dma_start3A_213] : memref<160000x128xi32, #tpu.memory_space<hbm>> -> memref<200x128xi32, #tpu.memory_space<hbm>>
    %dma_start3A_215 = arith.constant 0 : i32
    %dma_start3A_216 = tpu.memref_slice %arg9[%add3A_207, %dma_start3A_215] : memref<160000x128xi32, #tpu.memory_space<hbm>> -> memref<200x128xi32, #tpu.memory_space<hbm>>
    %dma_start3A_217 = arith.constant 0 : i32
    %dma_start3A_218 = arith.constant 0 : i32
    %dma_start3A_219 = tpu.memref_slice %arg13[%dma_start3A_208, %dma_start3A_217, %dma_start3A_218] : memref<2x200x128xi32, #tpu.memory_space<vmem>> -> memref<1x200x128xi32, #tpu.memory_space<vmem>>
    %dma_start3A_220 = tpu.memref_squeeze %dma_start3A_219 : memref<1x200x128xi32, #tpu.memory_space<vmem>> -> memref<200x128xi32, #tpu.memory_space<vmem>>
    tpu.enqueue_dma source(%dma_start3A_220 : memref<200x128xi32, #tpu.memory_space<vmem>>) target(%dma_start3A_216 : memref<200x128xi32, #tpu.memory_space<hbm>>) target_semaphore(%arg19 : memref<!tpu.dma_semaphore, #tpu.memory_space<semaphore_mem>>)
    %dma_start3A_221 = arith.constant 0 : i32
    %dma_start3A_222 = arith.constant 0 : i32
    %dma_start3A_223 = arith.constant 0 : i32
    %dma_start3A_224 = tpu.memref_slice %arg14[%dma_start3A_221, %dma_start3A_222, %dma_start3A_223] : memref<2x200x128xi32, #tpu.memory_space<vmem>> -> memref<1x200x128xi32, #tpu.memory_space<vmem>>
    %dma_start3A_225 = tpu.memref_squeeze %dma_start3A_224 : memref<1x200x128xi32, #tpu.memory_space<vmem>> -> memref<200x128xi32, #tpu.memory_space<vmem>>
    %dma_start3A_226 = arith.constant 0 : i32
    %dma_start3A_227 = tpu.memref_slice %arg10[%add3A_207, %dma_start3A_226] : memref<160000x128xi32, #tpu.memory_space<hbm>> -> memref<200x128xi32, #tpu.memory_space<hbm>>
    %dma_start3A_228 = arith.constant 0 : i32
    %dma_start3A_229 = tpu.memref_slice %arg10[%add3A_207, %dma_start3A_228] : memref<160000x128xi32, #tpu.memory_space<hbm>> -> memref<200x128xi32, #tpu.memory_space<hbm>>
    %dma_start3A_230 = arith.constant 0 : i32
    %dma_start3A_231 = arith.constant 0 : i32
    %dma_start3A_232 = tpu.memref_slice %arg14[%dma_start3A_221, %dma_start3A_230, %dma_start3A_231] : memref<2x200x128xi32, #tpu.memory_space<vmem>> -> memref<1x200x128xi32, #tpu.memory_space<vmem>>
    %dma_start3A_233 = tpu.memref_squeeze %dma_start3A_232 : memref<1x200x128xi32, #tpu.memory_space<vmem>> -> memref<200x128xi32, #tpu.memory_space<vmem>>
    tpu.enqueue_dma source(%dma_start3A_233 : memref<200x128xi32, #tpu.memory_space<vmem>>) target(%dma_start3A_229 : memref<200x128xi32, #tpu.memory_space<hbm>>) target_semaphore(%arg21 : memref<!tpu.dma_semaphore, #tpu.memory_space<semaphore_mem>>)
    %dma_wait3A_234 = arith.constant 0 : i32
    %dma_wait3A_235 = arith.constant 0 : i32
    %dma_wait3A_236 = arith.constant 0 : i32
    %dma_wait3A_237 = tpu.memref_slice %arg13[%dma_wait3A_234, %dma_wait3A_235, %dma_wait3A_236] : memref<2x200x128xi32, #tpu.memory_space<vmem>> -> memref<1x200x128xi32, #tpu.memory_space<vmem>>
    %dma_wait3A_238 = tpu.memref_squeeze %dma_wait3A_237 : memref<1x200x128xi32, #tpu.memory_space<vmem>> -> memref<200x128xi32, #tpu.memory_space<vmem>>
    %dma_wait3A_239 = arith.constant 0 : i32
    %dma_wait3A_240 = tpu.memref_slice %arg9[%add3A_207, %dma_wait3A_239] : memref<160000x128xi32, #tpu.memory_space<hbm>> -> memref<200x128xi32, #tpu.memory_space<hbm>>
    %dma_wait3A_241 = arith.constant 0 : i32
    %dma_wait3A_242 = tpu.memref_slice %arg9[%add3A_207, %dma_wait3A_241] : memref<160000x128xi32, #tpu.memory_space<hbm>> -> memref<200x128xi32, #tpu.memory_space<hbm>>
    %dma_wait3A_243 = arith.constant 0 : i32
    %dma_wait3A_244 = arith.constant 0 : i32
    %dma_wait3A_245 = tpu.memref_slice %arg13[%dma_wait3A_234, %dma_wait3A_243, %dma_wait3A_244] : memref<2x200x128xi32, #tpu.memory_space<vmem>> -> memref<1x200x128xi32, #tpu.memory_space<vmem>>
    %dma_wait3A_246 = tpu.memref_squeeze %dma_wait3A_245 : memref<1x200x128xi32, #tpu.memory_space<vmem>> -> memref<200x128xi32, #tpu.memory_space<vmem>>
    tpu.wait_dma2 semaphore(%arg19 : memref<!tpu.dma_semaphore, #tpu.memory_space<semaphore_mem>>) src(%dma_wait3A_246 : memref<200x128xi32, #tpu.memory_space<vmem>>) dst(%dma_wait3A_242 : memref<200x128xi32, #tpu.memory_space<hbm>>)
    %dma_wait3A_247 = arith.constant 0 : i32
    %dma_wait3A_248 = arith.constant 0 : i32
    %dma_wait3A_249 = arith.constant 0 : i32
    %dma_wait3A_250 = tpu.memref_slice %arg14[%dma_wait3A_247, %dma_wait3A_248, %dma_wait3A_249] : memref<2x200x128xi32, #tpu.memory_space<vmem>> -> memref<1x200x128xi32, #tpu.memory_space<vmem>>
    %dma_wait3A_251 = tpu.memref_squeeze %dma_wait3A_250 : memref<1x200x128xi32, #tpu.memory_space<vmem>> -> memref<200x128xi32, #tpu.memory_space<vmem>>
    %dma_wait3A_252 = arith.constant 0 : i32
    %dma_wait3A_253 = tpu.memref_slice %arg10[%add3A_207, %dma_wait3A_252] : memref<160000x128xi32, #tpu.memory_space<hbm>> -> memref<200x128xi32, #tpu.memory_space<hbm>>
    %dma_wait3A_254 = arith.constant 0 : i32
    %dma_wait3A_255 = tpu.memref_slice %arg10[%add3A_207, %dma_wait3A_254] : memref<160000x128xi32, #tpu.memory_space<hbm>> -> memref<200x128xi32, #tpu.memory_space<hbm>>
    %dma_wait3A_256 = arith.constant 0 : i32
    %dma_wait3A_257 = arith.constant 0 : i32
    %dma_wait3A_258 = tpu.memref_slice %arg14[%dma_wait3A_247, %dma_wait3A_256, %dma_wait3A_257] : memref<2x200x128xi32, #tpu.memory_space<vmem>> -> memref<1x200x128xi32, #tpu.memory_space<vmem>>
    %dma_wait3A_259 = tpu.memref_squeeze %dma_wait3A_258 : memref<1x200x128xi32, #tpu.memory_space<vmem>> -> memref<200x128xi32, #tpu.memory_space<vmem>>
    tpu.wait_dma2 semaphore(%arg21 : memref<!tpu.dma_semaphore, #tpu.memory_space<semaphore_mem>>) src(%dma_wait3A_259 : memref<200x128xi32, #tpu.memory_space<vmem>>) dst(%dma_wait3A_255 : memref<200x128xi32, #tpu.memory_space<hbm>>)
    return
  }
}

#map = affine_map<(d0, d1) -> (0)>
#map1 = affine_map<(d0, d1) -> (0, 0)>
#map2 = affine_map<(d0, d1) -> (0, 0, 0)>
module attributes {stable_mosaic.version = 14 : i64} {
  func.func @_k3_scatter(%arg0: i32, %arg1: i32, %arg2: memref<160000xi32, #tpu.memory_space<hbm>>, %arg3: memref<160000xi32, #tpu.memory_space<hbm>>, %arg4: memref<160000x128xf32, #tpu.memory_space<hbm>>, %arg5: memref<160000x128xf32, #tpu.memory_space<hbm>>, %arg6: memref<160000xf32, #tpu.memory_space<hbm>>, %arg7: memref<160000xf32, #tpu.memory_space<hbm>>, %arg8: memref<10240x128xf32, #tpu.memory_space<hbm>>, %arg9: memref<2x10240x128xf32, #tpu.memory_space<hbm>>, %arg10: memref<2x10240x128xf32, #tpu.memory_space<hbm>>, %arg11: memref<327680xf32, #tpu.memory_space<hbm>>, %arg12: memref<327680xf32, #tpu.memory_space<hbm>>, %arg13: memref<10240x128xf32, #tpu.memory_space<vmem_shared>>, %arg14: memref<10240xf32, #tpu.memory_space<vmem>>, %arg15: memref<208xi32, #tpu.memory_space<vmem>>, %arg16: memref<208xf32, #tpu.memory_space<vmem>>, %arg17: memref<200x128xf32, #tpu.memory_space<vmem>>) attributes {dimension_semantics = [#tpu.dimension_semantics<core_parallel>, #tpu.dimension_semantics<subcore_parallel>], iteration_bounds = array<i64: 2, 16>, scalar_prefetch = 0 : i64, scratch_operands = 5 : i64, tpu.core_type = #tpu.core_type<sc_vector_subcore>, window_params = [{transform_indices = #map}, {transform_indices = #map}, {transform_indices = #map1}, {transform_indices = #map1}, {transform_indices = #map}, {transform_indices = #map}, {transform_indices = #map1}, {transform_indices = #map2}, {transform_indices = #map2}, {transform_indices = #map}, {transform_indices = #map}]} {
    %mul3A = arith.constant 2 : i32
    %mul3A_0 = arith.muli %arg1, %mul3A : i32
    %add3A = arith.addi %mul3A_0, %arg0 : i32
    %mul3A_1 = arith.constant 640 : i32
    %mul3A_2 = arith.muli %arg1, %mul3A_1 : i32
    %iota3A = tpu.iota {dimensions = array<i32: 0>} : vector<16xi32>
    %broadcast_in_dim3A = arith.constant 0.000000e+00 : f32
    %broadcast_in_dim3A_3 = vector.broadcast %broadcast_in_dim3A : f32 to vector<16xf32>
    "tpu.region"() ({
      %run_scoped3A = tpu.sem_alloc : memref<!tpu.dma_semaphore, #tpu.memory_space<semaphore_mem>>
      %dma_start3A = arith.constant 0 : i32
      %dma_start3A_36 = tpu.memref_slice %arg13[%mul3A_2, %dma_start3A] : memref<10240x128xf32, #tpu.memory_space<vmem_shared>> -> memref<640x128xf32, #tpu.memory_space<vmem_shared>>
      %dma_start3A_37 = arith.constant 0 : i32
      %dma_start3A_38 = tpu.memref_slice %arg8[%mul3A_2, %dma_start3A_37] : memref<10240x128xf32, #tpu.memory_space<hbm>> -> memref<640x128xf32, #tpu.memory_space<hbm>>
      tpu.enqueue_dma source(%dma_start3A_38 : memref<640x128xf32, #tpu.memory_space<hbm>>) target(%dma_start3A_36 : memref<640x128xf32, #tpu.memory_space<vmem_shared>>) target_semaphore(%run_scoped3A : memref<!tpu.dma_semaphore, #tpu.memory_space<semaphore_mem>>)
      %dma_wait3A = arith.constant 0 : i32
      %dma_wait3A_39 = tpu.memref_slice %arg13[%mul3A_2, %dma_wait3A] : memref<10240x128xf32, #tpu.memory_space<vmem_shared>> -> memref<640x128xf32, #tpu.memory_space<vmem_shared>>
      %dma_wait3A_40 = arith.constant 0 : i32
      %dma_wait3A_41 = tpu.memref_slice %arg8[%mul3A_2, %dma_wait3A_40] : memref<10240x128xf32, #tpu.memory_space<hbm>> -> memref<640x128xf32, #tpu.memory_space<hbm>>
      tpu.wait_dma2 semaphore(%run_scoped3A : memref<!tpu.dma_semaphore, #tpu.memory_space<semaphore_mem>>) src(%dma_wait3A_41 : memref<640x128xf32, #tpu.memory_space<hbm>>) dst(%dma_wait3A_39 : memref<640x128xf32, #tpu.memory_space<vmem_shared>>)
      tpu.yield
    }) : () -> ()
    %scan3A = arith.constant 0 : i32
    %scan3A_4 = arith.constant 0 : i32
    %scan3A_5 = arith.constant 640 : i32
    %scan3A_6 = arith.addi %scan3A_4, %scan3A_5 : i32
    %scan3A_7 = arith.constant 1 : i32
    scf.for %scan3A_36 = %scan3A_4 to %scan3A_6 step %scan3A_7  : i32 {
      %mul3A_37 = arith.constant 16 : i32
      %mul3A_38 = arith.muli %scan3A_36, %mul3A_37 : i32
      %swap3A = arith.index_cast %mul3A_38 : i32 to index
      %swap3A_39 = tpu.vector_load %arg14[%swap3A] {strides = array<i32>} : memref<10240xf32, #tpu.memory_space<vmem>>, vector<16xf32>,
      tpu.vector_store %arg14[%swap3A], %broadcast_in_dim3A_3 {strides = array<i32>} : memref<10240xf32, #tpu.memory_space<vmem>>, vector<16xf32>,
    }
    %scan3A_8 = arith.constant 640 : i32
    %barrier3A = arith.constant 0 : index
    tpu.barrier barrier_id(%barrier3A)
    %scan3A_9 = arith.constant 0 : i32
    %scan3A_10 = arith.constant 0 : i32
    %scan3A_11 = arith.constant 25 : i32
    %scan3A_12 = arith.addi %scan3A_10, %scan3A_11 : i32
    %scan3A_13 = arith.constant 1 : i32
    scf.for %scan3A_36 = %scan3A_10 to %scan3A_12 step %scan3A_13  : i32 {
      %mul3A_37 = arith.constant 5000 : i32
      %mul3A_38 = arith.muli %add3A, %mul3A_37 : i32
      %mul3A_39 = arith.constant 200 : i32
      %mul3A_40 = arith.muli %scan3A_36, %mul3A_39 : i32
      %add3A_41 = arith.addi %mul3A_38, %mul3A_40 : i32
      "tpu.region"() ({
        %run_scoped3A = tpu.sem_alloc : memref<!tpu.dma_semaphore, #tpu.memory_space<semaphore_mem>>
        %dma_start3A = arith.constant 0 : i32
        %dma_start3A_102 = tpu.memref_slice %arg15[%dma_start3A] : memref<208xi32, #tpu.memory_space<vmem>> -> memref<200xi32, #tpu.memory_space<vmem>>
        %dma_start3A_103 = tpu.memref_slice %arg2[%add3A_41] : memref<160000xi32, #tpu.memory_space<hbm>> -> memref<200xi32, #tpu.memory_space<hbm>>
        %dma_start3A_104 = arith.constant 0 : i32
        %dma_start3A_105 = tpu.memref_slice %arg15[%dma_start3A_104] : memref<208xi32, #tpu.memory_space<vmem>> -> memref<200xi32, #tpu.memory_space<vmem>>
        %dma_start3A_106 = tpu.memref_slice %arg2[%add3A_41] : memref<160000xi32, #tpu.memory_space<hbm>> -> memref<200xi32, #tpu.memory_space<hbm>>
        tpu.enqueue_dma source(%dma_start3A_106 : memref<200xi32, #tpu.memory_space<hbm>>) target(%dma_start3A_105 : memref<200xi32, #tpu.memory_space<vmem>>) target_semaphore(%run_scoped3A : memref<!tpu.dma_semaphore, #tpu.memory_space<semaphore_mem>>)
        %dma_wait3A = arith.constant 0 : i32
        %dma_wait3A_107 = tpu.memref_slice %arg15[%dma_wait3A] : memref<208xi32, #tpu.memory_space<vmem>> -> memref<200xi32, #tpu.memory_space<vmem>>
        %dma_wait3A_108 = tpu.memref_slice %arg2[%add3A_41] : memref<160000xi32, #tpu.memory_space<hbm>> -> memref<200xi32, #tpu.memory_space<hbm>>
        %dma_wait3A_109 = arith.constant 0 : i32
        %dma_wait3A_110 = tpu.memref_slice %arg15[%dma_wait3A_109] : memref<208xi32, #tpu.memory_space<vmem>> -> memref<200xi32, #tpu.memory_space<vmem>>
        %dma_wait3A_111 = tpu.memref_slice %arg2[%add3A_41] : memref<160000xi32, #tpu.memory_space<hbm>> -> memref<200xi32, #tpu.memory_space<hbm>>
        tpu.wait_dma2 semaphore(%run_scoped3A : memref<!tpu.dma_semaphore, #tpu.memory_space<semaphore_mem>>) src(%dma_wait3A_111 : memref<200xi32, #tpu.memory_space<hbm>>) dst(%dma_wait3A_110 : memref<200xi32, #tpu.memory_space<vmem>>)
        tpu.yield
      }) : () -> ()
      "tpu.region"() ({
        %run_scoped3A = tpu.sem_alloc : memref<!tpu.dma_semaphore, #tpu.memory_space<semaphore_mem>>
        %dma_start3A = arith.constant 0 : i32
        %dma_start3A_102 = tpu.memref_slice %arg16[%dma_start3A] : memref<208xf32, #tpu.memory_space<vmem>> -> memref<200xf32, #tpu.memory_space<vmem>>
        %dma_start3A_103 = tpu.memref_slice %arg6[%add3A_41] : memref<160000xf32, #tpu.memory_space<hbm>> -> memref<200xf32, #tpu.memory_space<hbm>>
        %dma_start3A_104 = arith.constant 0 : i32
        %dma_start3A_105 = tpu.memref_slice %arg16[%dma_start3A_104] : memref<208xf32, #tpu.memory_space<vmem>> -> memref<200xf32, #tpu.memory_space<vmem>>
        %dma_start3A_106 = tpu.memref_slice %arg6[%add3A_41] : memref<160000xf32, #tpu.memory_space<hbm>> -> memref<200xf32, #tpu.memory_space<hbm>>
        tpu.enqueue_dma source(%dma_start3A_106 : memref<200xf32, #tpu.memory_space<hbm>>) target(%dma_start3A_105 : memref<200xf32, #tpu.memory_space<vmem>>) target_semaphore(%run_scoped3A : memref<!tpu.dma_semaphore, #tpu.memory_space<semaphore_mem>>)
        %dma_wait3A = arith.constant 0 : i32
        %dma_wait3A_107 = tpu.memref_slice %arg16[%dma_wait3A] : memref<208xf32, #tpu.memory_space<vmem>> -> memref<200xf32, #tpu.memory_space<vmem>>
        %dma_wait3A_108 = tpu.memref_slice %arg6[%add3A_41] : memref<160000xf32, #tpu.memory_space<hbm>> -> memref<200xf32, #tpu.memory_space<hbm>>
        %dma_wait3A_109 = arith.constant 0 : i32
        %dma_wait3A_110 = tpu.memref_slice %arg16[%dma_wait3A_109] : memref<208xf32, #tpu.memory_space<vmem>> -> memref<200xf32, #tpu.memory_space<vmem>>
        %dma_wait3A_111 = tpu.memref_slice %arg6[%add3A_41] : memref<160000xf32, #tpu.memory_space<hbm>> -> memref<200xf32, #tpu.memory_space<hbm>>
        tpu.wait_dma2 semaphore(%run_scoped3A : memref<!tpu.dma_semaphore, #tpu.memory_space<semaphore_mem>>) src(%dma_wait3A_111 : memref<200xf32, #tpu.memory_space<hbm>>) dst(%dma_wait3A_110 : memref<200xf32, #tpu.memory_space<vmem>>)
        tpu.yield
      }) : () -> ()
      "tpu.region"() ({
        %run_scoped3A = tpu.sem_alloc : memref<!tpu.dma_semaphore, #tpu.memory_space<semaphore_mem>>
        %dma_start3A = arith.constant 0 : i32
        %dma_start3A_102 = tpu.memref_slice %arg4[%add3A_41, %dma_start3A] : memref<160000x128xf32, #tpu.memory_space<hbm>> -> memref<200x128xf32, #tpu.memory_space<hbm>>
        %dma_start3A_103 = arith.constant 0 : i32
        %dma_start3A_104 = tpu.memref_slice %arg4[%add3A_41, %dma_start3A_103] : memref<160000x128xf32, #tpu.memory_space<hbm>> -> memref<200x128xf32, #tpu.memory_space<hbm>>
        tpu.enqueue_dma source(%dma_start3A_104 : memref<200x128xf32, #tpu.memory_space<hbm>>) target(%arg17 : memref<200x128xf32, #tpu.memory_space<vmem>>) target_semaphore(%run_scoped3A : memref<!tpu.dma_semaphore, #tpu.memory_space<semaphore_mem>>)
        %dma_wait3A = arith.constant 0 : i32
        %dma_wait3A_105 = tpu.memref_slice %arg4[%add3A_41, %dma_wait3A] : memref<160000x128xf32, #tpu.memory_space<hbm>> -> memref<200x128xf32, #tpu.memory_space<hbm>>
        %dma_wait3A_106 = arith.constant 0 : i32
        %dma_wait3A_107 = tpu.memref_slice %arg4[%add3A_41, %dma_wait3A_106] : memref<160000x128xf32, #tpu.memory_space<hbm>> -> memref<200x128xf32, #tpu.memory_space<hbm>>
        tpu.wait_dma2 semaphore(%run_scoped3A : memref<!tpu.dma_semaphore, #tpu.memory_space<semaphore_mem>>) src(%dma_wait3A_107 : memref<200x128xf32, #tpu.memory_space<hbm>>) dst(%arg17 : memref<200x128xf32, #tpu.memory_space<vmem>>)
        tpu.yield
      }) : () -> ()
      "tpu.region"() ({
        %run_scoped3A = tpu.sem_alloc : memref<!tpu.dma_semaphore, #tpu.memory_space<semaphore_mem>>
        %dma_start3A = arith.constant 0 : i32
        %dma_start3A_102 = tpu.memref_slice %arg15[%dma_start3A] : memref<208xi32, #tpu.memory_space<vmem>> -> memref<200xi32, #tpu.memory_space<vmem>>
        %dma_start3A_103 = arith.constant 0 : i32
        %dma_start3A_104 = arith.constant 0 : i32
        %dma_start3A_105 = tpu.memref_slice %arg13[%dma_start3A_103, %dma_start3A_104] : memref<10240x128xf32, #tpu.memory_space<vmem_shared>> -> memref<10240x128xf32, #tpu.memory_space<vmem_shared>>
        tpu.enqueue_indirect_dma source(%arg17 : memref<200x128xf32, #tpu.memory_space<vmem>>) target(%dma_start3A_105 : memref<10240x128xf32, #tpu.memory_space<vmem_shared>>) offsets(%dma_start3A_102 : memref<200xi32, #tpu.memory_space<vmem>>) semaphore(%run_scoped3A : memref<!tpu.dma_semaphore, #tpu.memory_space<semaphore_mem>>) {add = true}
        %dma_wait3A = arith.constant 0 : i32
        %dma_wait3A_106 = tpu.memref_slice %arg15[%dma_wait3A] : memref<208xi32, #tpu.memory_space<vmem>> -> memref<200xi32, #tpu.memory_space<vmem>>
        %dma_wait3A_107 = arith.constant 0 : i32
        %dma_wait3A_108 = arith.constant 0 : i32
        %dma_wait3A_109 = tpu.memref_slice %arg13[%dma_wait3A_107, %dma_wait3A_108] : memref<10240x128xf32, #tpu.memory_space<vmem_shared>> -> memref<10240x128xf32, #tpu.memory_space<vmem_shared>>
        tpu.wait_indirect_dma semaphore(%run_scoped3A : memref<!tpu.dma_semaphore, #tpu.memory_space<semaphore_mem>>) src(%arg17 : memref<200x128xf32, #tpu.memory_space<vmem>>) dst(%dma_wait3A_109 : memref<10240x128xf32, #tpu.memory_space<vmem_shared>>)
        tpu.yield
      }) : () -> ()
      %get3A = arith.constant 0 : index
      %get3A_42 = tpu.vector_load %arg15[%get3A] {strides = array<i32>} : memref<208xi32, #tpu.memory_space<vmem>>, vector<16xi32>,
      %get3A_43 = arith.constant 0 : index
      %get3A_44 = tpu.vector_load %arg16[%get3A_43] {strides = array<i32>} : memref<208xf32, #tpu.memory_space<vmem>>, vector<16xf32>,
      tpu.vector_store_idx %arg14[%get3A_42], %get3A_44 {add = true} : memref<10240xf32, #tpu.memory_space<vmem>>[vector<16xi32>], vector<16xf32>,
      %get3A_45 = arith.constant 16 : index
      %get3A_46 = tpu.vector_load %arg15[%get3A_45] {strides = array<i32>} : memref<208xi32, #tpu.memory_space<vmem>>, vector<16xi32>,
      %get3A_47 = arith.constant 16 : index
      %get3A_48 = tpu.vector_load %arg16[%get3A_47] {strides = array<i32>} : memref<208xf32, #tpu.memory_space<vmem>>, vector<16xf32>,
      tpu.vector_store_idx %arg14[%get3A_46], %get3A_48 {add = true} : memref<10240xf32, #tpu.memory_space<vmem>>[vector<16xi32>], vector<16xf32>,
      %get3A_49 = arith.constant 32 : index
      %get3A_50 = tpu.vector_load %arg15[%get3A_49] {strides = array<i32>} : memref<208xi32, #tpu.memory_space<vmem>>, vector<16xi32>,
      %get3A_51 = arith.constant 32 : index
      %get3A_52 = tpu.vector_load %arg16[%get3A_51] {strides = array<i32>} : memref<208xf32, #tpu.memory_space<vmem>>, vector<16xf32>,
      tpu.vector_store_idx %arg14[%get3A_50], %get3A_52 {add = true} : memref<10240xf32, #tpu.memory_space<vmem>>[vector<16xi32>], vector<16xf32>,
      %get3A_53 = arith.constant 48 : index
      %get3A_54 = tpu.vector_load %arg15[%get3A_53] {strides = array<i32>} : memref<208xi32, #tpu.memory_space<vmem>>, vector<16xi32>,
      %get3A_55 = arith.constant 48 : index
      %get3A_56 = tpu.vector_load %arg16[%get3A_55] {strides = array<i32>} : memref<208xf32, #tpu.memory_space<vmem>>, vector<16xf32>,
      tpu.vector_store_idx %arg14[%get3A_54], %get3A_56 {add = true} : memref<10240xf32, #tpu.memory_space<vmem>>[vector<16xi32>], vector<16xf32>,
      %get3A_57 = arith.constant 64 : index
      %get3A_58 = tpu.vector_load %arg15[%get3A_57] {strides = array<i32>} : memref<208xi32, #tpu.memory_space<vmem>>, vector<16xi32>,
      %get3A_59 = arith.constant 64 : index
      %get3A_60 = tpu.vector_load %arg16[%get3A_59] {strides = array<i32>} : memref<208xf32, #tpu.memory_space<vmem>>, vector<16xf32>,
      tpu.vector_store_idx %arg14[%get3A_58], %get3A_60 {add = true} : memref<10240xf32, #tpu.memory_space<vmem>>[vector<16xi32>], vector<16xf32>,
      %get3A_61 = arith.constant 80 : index
      %get3A_62 = tpu.vector_load %arg15[%get3A_61] {strides = array<i32>} : memref<208xi32, #tpu.memory_space<vmem>>, vector<16xi32>,
      %get3A_63 = arith.constant 80 : index
      %get3A_64 = tpu.vector_load %arg16[%get3A_63] {strides = array<i32>} : memref<208xf32, #tpu.memory_space<vmem>>, vector<16xf32>,
      tpu.vector_store_idx %arg14[%get3A_62], %get3A_64 {add = true} : memref<10240xf32, #tpu.memory_space<vmem>>[vector<16xi32>], vector<16xf32>,
      %get3A_65 = arith.constant 96 : index
      %get3A_66 = tpu.vector_load %arg15[%get3A_65] {strides = array<i32>} : memref<208xi32, #tpu.memory_space<vmem>>, vector<16xi32>,
      %get3A_67 = arith.constant 96 : index
      %get3A_68 = tpu.vector_load %arg16[%get3A_67] {strides = array<i32>} : memref<208xf32, #tpu.memory_space<vmem>>, vector<16xf32>,
      tpu.vector_store_idx %arg14[%get3A_66], %get3A_68 {add = true} : memref<10240xf32, #tpu.memory_space<vmem>>[vector<16xi32>], vector<16xf32>,
      %get3A_69 = arith.constant 112 : index
      %get3A_70 = tpu.vector_load %arg15[%get3A_69] {strides = array<i32>} : memref<208xi32, #tpu.memory_space<vmem>>, vector<16xi32>,
      %get3A_71 = arith.constant 112 : index
      %get3A_72 = tpu.vector_load %arg16[%get3A_71] {strides = array<i32>} : memref<208xf32, #tpu.memory_space<vmem>>, vector<16xf32>,
      tpu.vector_store_idx %arg14[%get3A_70], %get3A_72 {add = true} : memref<10240xf32, #tpu.memory_space<vmem>>[vector<16xi32>], vector<16xf32>,
      %get3A_73 = arith.constant 128 : index
      %get3A_74 = tpu.vector_load %arg15[%get3A_73] {strides = array<i32>} : memref<208xi32, #tpu.memory_space<vmem>>, vector<16xi32>,
      %get3A_75 = arith.constant 128 : index
      %get3A_76 = tpu.vector_load %arg16[%get3A_75] {strides = array<i32>} : memref<208xf32, #tpu.memory_space<vmem>>, vector<16xf32>,
      tpu.vector_store_idx %arg14[%get3A_74], %get3A_76 {add = true} : memref<10240xf32, #tpu.memory_space<vmem>>[vector<16xi32>], vector<16xf32>,
      %get3A_77 = arith.constant 144 : index
      %get3A_78 = tpu.vector_load %arg15[%get3A_77] {strides = array<i32>} : memref<208xi32, #tpu.memory_space<vmem>>, vector<16xi32>,
      %get3A_79 = arith.constant 144 : index
      %get3A_80 = tpu.vector_load %arg16[%get3A_79] {strides = array<i32>} : memref<208xf32, #tpu.memory_space<vmem>>, vector<16xf32>,
      tpu.vector_store_idx %arg14[%get3A_78], %get3A_80 {add = true} : memref<10240xf32, #tpu.memory_space<vmem>>[vector<16xi32>], vector<16xf32>,
      %get3A_81 = arith.constant 160 : index
      %get3A_82 = tpu.vector_load %arg15[%get3A_81] {strides = array<i32>} : memref<208xi32, #tpu.memory_space<vmem>>, vector<16xi32>,
      %get3A_83 = arith.constant 160 : index
      %get3A_84 = tpu.vector_load %arg16[%get3A_83] {strides = array<i32>} : memref<208xf32, #tpu.memory_space<vmem>>, vector<16xf32>,
      tpu.vector_store_idx %arg14[%get3A_82], %get3A_84 {add = true} : memref<10240xf32, #tpu.memory_space<vmem>>[vector<16xi32>], vector<16xf32>,
      %get3A_85 = arith.constant 176 : index
      %get3A_86 = tpu.vector_load %arg15[%get3A_85] {strides = array<i32>} : memref<208xi32, #tpu.memory_space<vmem>>, vector<16xi32>,
      %get3A_87 = arith.constant 176 : index
      %get3A_88 = tpu.vector_load %arg16[%get3A_87] {strides = array<i32>} : memref<208xf32, #tpu.memory_space<vmem>>, vector<16xf32>,
      tpu.vector_store_idx %arg14[%get3A_86], %get3A_88 {add = true} : memref<10240xf32, #tpu.memory_space<vmem>>[vector<16xi32>], vector<16xf32>,
      %get3A_89 = arith.constant 192 : index
      %get3A_90 = tpu.vector_load %arg15[%get3A_89] {strides = array<i32>} : memref<208xi32, #tpu.memory_space<vmem>>, vector<16xi32>,
      %get3A_91 = arith.constant 192 : index
      %get3A_92 = tpu.vector_load %arg16[%get3A_91] {strides = array<i32>} : memref<208xf32, #tpu.memory_space<vmem>>, vector<16xf32>,
      %lt3A = arith.constant 8 : i32
      %lt3A_93 = vector.broadcast %lt3A : i32 to vector<16xi32>
      %lt3A_94 = arith.cmpi slt, %iota3A, %lt3A_93 : vector<16xi32>
      %jit3A = arith.constant 0 : i32
      %broadcast_in_dim3A_95 = vector.broadcast %jit3A : i32 to vector<16xi32>
      %select_n3A = arith.select %lt3A_94, %get3A_90, %broadcast_in_dim3A_95 : vector<16xi1>, vector<16xi32>
      %lt3A_96 = arith.constant 8 : i32
      %lt3A_97 = vector.broadcast %lt3A_96 : i32 to vector<16xi32>
      %lt3A_98 = arith.cmpi slt, %iota3A, %lt3A_97 : vector<16xi32>
      %jit3A_99 = arith.constant 0.000000e+00 : f32
      %broadcast_in_dim3A_100 = vector.broadcast %jit3A_99 : f32 to vector<16xf32>
      %select_n3A_101 = arith.select %lt3A_98, %get3A_92, %broadcast_in_dim3A_100 : vector<16xi1>, vector<16xf32>
      tpu.vector_store_idx %arg14[%select_n3A], %select_n3A_101 {add = true} : memref<10240xf32, #tpu.memory_space<vmem>>[vector<16xi32>], vector<16xf32>,
    }
    %scan3A_14 = arith.constant 25 : i32
    %barrier3A_15 = arith.constant 0 : index
    tpu.barrier barrier_id(%barrier3A_15)
    "tpu.region"() ({
      %run_scoped3A = tpu.sem_alloc : memref<!tpu.dma_semaphore, #tpu.memory_space<semaphore_mem>>
      %dma_start3A = arith.constant 0 : i32
      %dma_start3A_36 = tpu.memref_slice %arg9[%arg0, %mul3A_2, %dma_start3A] : memref<2x10240x128xf32, #tpu.memory_space<hbm>> -> memref<1x640x128xf32, #tpu.memory_space<hbm>>
      %dma_start3A_37 = tpu.memref_squeeze %dma_start3A_36 : memref<1x640x128xf32, #tpu.memory_space<hbm>> -> memref<640x128xf32, #tpu.memory_space<hbm>>
      %dma_start3A_38 = arith.constant 0 : i32
      %dma_start3A_39 = tpu.memref_slice %arg13[%mul3A_2, %dma_start3A_38] : memref<10240x128xf32, #tpu.memory_space<vmem_shared>> -> memref<640x128xf32, #tpu.memory_space<vmem_shared>>
      tpu.enqueue_dma source(%dma_start3A_39 : memref<640x128xf32, #tpu.memory_space<vmem_shared>>) target(%dma_start3A_37 : memref<640x128xf32, #tpu.memory_space<hbm>>) target_semaphore(%run_scoped3A : memref<!tpu.dma_semaphore, #tpu.memory_space<semaphore_mem>>)
      %dma_wait3A = arith.constant 0 : i32
      %dma_wait3A_40 = tpu.memref_slice %arg9[%arg0, %mul3A_2, %dma_wait3A] : memref<2x10240x128xf32, #tpu.memory_space<hbm>> -> memref<1x640x128xf32, #tpu.memory_space<hbm>>
      %dma_wait3A_41 = tpu.memref_squeeze %dma_wait3A_40 : memref<1x640x128xf32, #tpu.memory_space<hbm>> -> memref<640x128xf32, #tpu.memory_space<hbm>>
      %dma_wait3A_42 = arith.constant 0 : i32
      %dma_wait3A_43 = tpu.memref_slice %arg13[%mul3A_2, %dma_wait3A_42] : memref<10240x128xf32, #tpu.memory_space<vmem_shared>> -> memref<640x128xf32, #tpu.memory_space<vmem_shared>>
      tpu.wait_dma2 semaphore(%run_scoped3A : memref<!tpu.dma_semaphore, #tpu.memory_space<semaphore_mem>>) src(%dma_wait3A_43 : memref<640x128xf32, #tpu.memory_space<vmem_shared>>) dst(%dma_wait3A_41 : memref<640x128xf32, #tpu.memory_space<hbm>>)
      tpu.yield
    }) : () -> ()
    %mul3A_16 = arith.constant 10240 : i32
    %mul3A_17 = arith.muli %add3A, %mul3A_16 : i32
    "tpu.region"() ({
      %run_scoped3A = tpu.sem_alloc : memref<!tpu.dma_semaphore, #tpu.memory_space<semaphore_mem>>
      %dma_start3A = tpu.memref_slice %arg11[%mul3A_17] : memref<327680xf32, #tpu.memory_space<hbm>> -> memref<10240xf32, #tpu.memory_space<hbm>>
      %dma_start3A_36 = tpu.memref_slice %arg11[%mul3A_17] : memref<327680xf32, #tpu.memory_space<hbm>> -> memref<10240xf32, #tpu.memory_space<hbm>>
      tpu.enqueue_dma source(%arg14 : memref<10240xf32, #tpu.memory_space<vmem>>) target(%dma_start3A_36 : memref<10240xf32, #tpu.memory_space<hbm>>) target_semaphore(%run_scoped3A : memref<!tpu.dma_semaphore, #tpu.memory_space<semaphore_mem>>)
      %dma_wait3A = tpu.memref_slice %arg11[%mul3A_17] : memref<327680xf32, #tpu.memory_space<hbm>> -> memref<10240xf32, #tpu.memory_space<hbm>>
      %dma_wait3A_37 = tpu.memref_slice %arg11[%mul3A_17] : memref<327680xf32, #tpu.memory_space<hbm>> -> memref<10240xf32, #tpu.memory_space<hbm>>
      tpu.wait_dma2 semaphore(%run_scoped3A : memref<!tpu.dma_semaphore, #tpu.memory_space<semaphore_mem>>) src(%arg14 : memref<10240xf32, #tpu.memory_space<vmem>>) dst(%dma_wait3A_37 : memref<10240xf32, #tpu.memory_space<hbm>>)
      tpu.yield
    }) : () -> ()
    %barrier3A_18 = arith.constant 0 : index
    tpu.barrier barrier_id(%barrier3A_18)
    "tpu.region"() ({
      %run_scoped3A = tpu.sem_alloc : memref<!tpu.dma_semaphore, #tpu.memory_space<semaphore_mem>>
      %dma_start3A = arith.constant 0 : i32
      %dma_start3A_36 = tpu.memref_slice %arg13[%mul3A_2, %dma_start3A] : memref<10240x128xf32, #tpu.memory_space<vmem_shared>> -> memref<640x128xf32, #tpu.memory_space<vmem_shared>>
      %dma_start3A_37 = arith.constant 0 : i32
      %dma_start3A_38 = tpu.memref_slice %arg8[%mul3A_2, %dma_start3A_37] : memref<10240x128xf32, #tpu.memory_space<hbm>> -> memref<640x128xf32, #tpu.memory_space<hbm>>
      tpu.enqueue_dma source(%dma_start3A_38 : memref<640x128xf32, #tpu.memory_space<hbm>>) target(%dma_start3A_36 : memref<640x128xf32, #tpu.memory_space<vmem_shared>>) target_semaphore(%run_scoped3A : memref<!tpu.dma_semaphore, #tpu.memory_space<semaphore_mem>>)
      %dma_wait3A = arith.constant 0 : i32
      %dma_wait3A_39 = tpu.memref_slice %arg13[%mul3A_2, %dma_wait3A] : memref<10240x128xf32, #tpu.memory_space<vmem_shared>> -> memref<640x128xf32, #tpu.memory_space<vmem_shared>>
      %dma_wait3A_40 = arith.constant 0 : i32
      %dma_wait3A_41 = tpu.memref_slice %arg8[%mul3A_2, %dma_wait3A_40] : memref<10240x128xf32, #tpu.memory_space<hbm>> -> memref<640x128xf32, #tpu.memory_space<hbm>>
      tpu.wait_dma2 semaphore(%run_scoped3A : memref<!tpu.dma_semaphore, #tpu.memory_space<semaphore_mem>>) src(%dma_wait3A_41 : memref<640x128xf32, #tpu.memory_space<hbm>>) dst(%dma_wait3A_39 : memref<640x128xf32, #tpu.memory_space<vmem_shared>>)
      tpu.yield
    }) : () -> ()
    %scan3A_19 = arith.constant 0 : i32
    %scan3A_20 = arith.constant 0 : i32
    %scan3A_21 = arith.constant 640 : i32
    %scan3A_22 = arith.addi %scan3A_20, %scan3A_21 : i32
    %scan3A_23 = arith.constant 1 : i32
    scf.for %scan3A_36 = %scan3A_20 to %scan3A_22 step %scan3A_23  : i32 {
      %mul3A_37 = arith.constant 16 : i32
      %mul3A_38 = arith.muli %scan3A_36, %mul3A_37 : i32
      %swap3A = arith.index_cast %mul3A_38 : i32 to index
      %swap3A_39 = tpu.vector_load %arg14[%swap3A] {strides = array<i32>} : memref<10240xf32, #tpu.memory_space<vmem>>, vector<16xf32>,
      tpu.vector_store %arg14[%swap3A], %broadcast_in_dim3A_3 {strides = array<i32>} : memref<10240xf32, #tpu.memory_space<vmem>>, vector<16xf32>,
    }
    %scan3A_24 = arith.constant 640 : i32
    %barrier3A_25 = arith.constant 0 : index
    tpu.barrier barrier_id(%barrier3A_25)
    %scan3A_26 = arith.constant 0 : i32
    %scan3A_27 = arith.constant 0 : i32
    %scan3A_28 = arith.constant 25 : i32
    %scan3A_29 = arith.addi %scan3A_27, %scan3A_28 : i32
    %scan3A_30 = arith.constant 1 : i32
    scf.for %scan3A_36 = %scan3A_27 to %scan3A_29 step %scan3A_30  : i32 {
      %mul3A_37 = arith.constant 5000 : i32
      %mul3A_38 = arith.muli %add3A, %mul3A_37 : i32
      %mul3A_39 = arith.constant 200 : i32
      %mul3A_40 = arith.muli %scan3A_36, %mul3A_39 : i32
      %add3A_41 = arith.addi %mul3A_38, %mul3A_40 : i32
      "tpu.region"() ({
        %run_scoped3A = tpu.sem_alloc : memref<!tpu.dma_semaphore, #tpu.memory_space<semaphore_mem>>
        %dma_start3A = arith.constant 0 : i32
        %dma_start3A_102 = tpu.memref_slice %arg15[%dma_start3A] : memref<208xi32, #tpu.memory_space<vmem>> -> memref<200xi32, #tpu.memory_space<vmem>>
        %dma_start3A_103 = tpu.memref_slice %arg3[%add3A_41] : memref<160000xi32, #tpu.memory_space<hbm>> -> memref<200xi32, #tpu.memory_space<hbm>>
        %dma_start3A_104 = arith.constant 0 : i32
        %dma_start3A_105 = tpu.memref_slice %arg15[%dma_start3A_104] : memref<208xi32, #tpu.memory_space<vmem>> -> memref<200xi32, #tpu.memory_space<vmem>>
        %dma_start3A_106 = tpu.memref_slice %arg3[%add3A_41] : memref<160000xi32, #tpu.memory_space<hbm>> -> memref<200xi32, #tpu.memory_space<hbm>>
        tpu.enqueue_dma source(%dma_start3A_106 : memref<200xi32, #tpu.memory_space<hbm>>) target(%dma_start3A_105 : memref<200xi32, #tpu.memory_space<vmem>>) target_semaphore(%run_scoped3A : memref<!tpu.dma_semaphore, #tpu.memory_space<semaphore_mem>>)
        %dma_wait3A = arith.constant 0 : i32
        %dma_wait3A_107 = tpu.memref_slice %arg15[%dma_wait3A] : memref<208xi32, #tpu.memory_space<vmem>> -> memref<200xi32, #tpu.memory_space<vmem>>
        %dma_wait3A_108 = tpu.memref_slice %arg3[%add3A_41] : memref<160000xi32, #tpu.memory_space<hbm>> -> memref<200xi32, #tpu.memory_space<hbm>>
        %dma_wait3A_109 = arith.constant 0 : i32
        %dma_wait3A_110 = tpu.memref_slice %arg15[%dma_wait3A_109] : memref<208xi32, #tpu.memory_space<vmem>> -> memref<200xi32, #tpu.memory_space<vmem>>
        %dma_wait3A_111 = tpu.memref_slice %arg3[%add3A_41] : memref<160000xi32, #tpu.memory_space<hbm>> -> memref<200xi32, #tpu.memory_space<hbm>>
        tpu.wait_dma2 semaphore(%run_scoped3A : memref<!tpu.dma_semaphore, #tpu.memory_space<semaphore_mem>>) src(%dma_wait3A_111 : memref<200xi32, #tpu.memory_space<hbm>>) dst(%dma_wait3A_110 : memref<200xi32, #tpu.memory_space<vmem>>)
        tpu.yield
      }) : () -> ()
      "tpu.region"() ({
        %run_scoped3A = tpu.sem_alloc : memref<!tpu.dma_semaphore, #tpu.memory_space<semaphore_mem>>
        %dma_start3A = arith.constant 0 : i32
        %dma_start3A_102 = tpu.memref_slice %arg16[%dma_start3A] : memref<208xf32, #tpu.memory_space<vmem>> -> memref<200xf32, #tpu.memory_space<vmem>>
        %dma_start3A_103 = tpu.memref_slice %arg7[%add3A_41] : memref<160000xf32, #tpu.memory_space<hbm>> -> memref<200xf32, #tpu.memory_space<hbm>>
        %dma_start3A_104 = arith.constant 0 : i32
        %dma_start3A_105 = tpu.memref_slice %arg16[%dma_start3A_104] : memref<208xf32, #tpu.memory_space<vmem>> -> memref<200xf32, #tpu.memory_space<vmem>>
        %dma_start3A_106 = tpu.memref_slice %arg7[%add3A_41] : memref<160000xf32, #tpu.memory_space<hbm>> -> memref<200xf32, #tpu.memory_space<hbm>>
        tpu.enqueue_dma source(%dma_start3A_106 : memref<200xf32, #tpu.memory_space<hbm>>) target(%dma_start3A_105 : memref<200xf32, #tpu.memory_space<vmem>>) target_semaphore(%run_scoped3A : memref<!tpu.dma_semaphore, #tpu.memory_space<semaphore_mem>>)
        %dma_wait3A = arith.constant 0 : i32
        %dma_wait3A_107 = tpu.memref_slice %arg16[%dma_wait3A] : memref<208xf32, #tpu.memory_space<vmem>> -> memref<200xf32, #tpu.memory_space<vmem>>
        %dma_wait3A_108 = tpu.memref_slice %arg7[%add3A_41] : memref<160000xf32, #tpu.memory_space<hbm>> -> memref<200xf32, #tpu.memory_space<hbm>>
        %dma_wait3A_109 = arith.constant 0 : i32
        %dma_wait3A_110 = tpu.memref_slice %arg16[%dma_wait3A_109] : memref<208xf32, #tpu.memory_space<vmem>> -> memref<200xf32, #tpu.memory_space<vmem>>
        %dma_wait3A_111 = tpu.memref_slice %arg7[%add3A_41] : memref<160000xf32, #tpu.memory_space<hbm>> -> memref<200xf32, #tpu.memory_space<hbm>>
        tpu.wait_dma2 semaphore(%run_scoped3A : memref<!tpu.dma_semaphore, #tpu.memory_space<semaphore_mem>>) src(%dma_wait3A_111 : memref<200xf32, #tpu.memory_space<hbm>>) dst(%dma_wait3A_110 : memref<200xf32, #tpu.memory_space<vmem>>)
        tpu.yield
      }) : () -> ()
      "tpu.region"() ({
        %run_scoped3A = tpu.sem_alloc : memref<!tpu.dma_semaphore, #tpu.memory_space<semaphore_mem>>
        %dma_start3A = arith.constant 0 : i32
        %dma_start3A_102 = tpu.memref_slice %arg5[%add3A_41, %dma_start3A] : memref<160000x128xf32, #tpu.memory_space<hbm>> -> memref<200x128xf32, #tpu.memory_space<hbm>>
        %dma_start3A_103 = arith.constant 0 : i32
        %dma_start3A_104 = tpu.memref_slice %arg5[%add3A_41, %dma_start3A_103] : memref<160000x128xf32, #tpu.memory_space<hbm>> -> memref<200x128xf32, #tpu.memory_space<hbm>>
        tpu.enqueue_dma source(%dma_start3A_104 : memref<200x128xf32, #tpu.memory_space<hbm>>) target(%arg17 : memref<200x128xf32, #tpu.memory_space<vmem>>) target_semaphore(%run_scoped3A : memref<!tpu.dma_semaphore, #tpu.memory_space<semaphore_mem>>)
        %dma_wait3A = arith.constant 0 : i32
        %dma_wait3A_105 = tpu.memref_slice %arg5[%add3A_41, %dma_wait3A] : memref<160000x128xf32, #tpu.memory_space<hbm>> -> memref<200x128xf32, #tpu.memory_space<hbm>>
        %dma_wait3A_106 = arith.constant 0 : i32
        %dma_wait3A_107 = tpu.memref_slice %arg5[%add3A_41, %dma_wait3A_106] : memref<160000x128xf32, #tpu.memory_space<hbm>> -> memref<200x128xf32, #tpu.memory_space<hbm>>
        tpu.wait_dma2 semaphore(%run_scoped3A : memref<!tpu.dma_semaphore, #tpu.memory_space<semaphore_mem>>) src(%dma_wait3A_107 : memref<200x128xf32, #tpu.memory_space<hbm>>) dst(%arg17 : memref<200x128xf32, #tpu.memory_space<vmem>>)
        tpu.yield
      }) : () -> ()
      "tpu.region"() ({
        %run_scoped3A = tpu.sem_alloc : memref<!tpu.dma_semaphore, #tpu.memory_space<semaphore_mem>>
        %dma_start3A = arith.constant 0 : i32
        %dma_start3A_102 = tpu.memref_slice %arg15[%dma_start3A] : memref<208xi32, #tpu.memory_space<vmem>> -> memref<200xi32, #tpu.memory_space<vmem>>
        %dma_start3A_103 = arith.constant 0 : i32
        %dma_start3A_104 = arith.constant 0 : i32
        %dma_start3A_105 = tpu.memref_slice %arg13[%dma_start3A_103, %dma_start3A_104] : memref<10240x128xf32, #tpu.memory_space<vmem_shared>> -> memref<10240x128xf32, #tpu.memory_space<vmem_shared>>
        tpu.enqueue_indirect_dma source(%arg17 : memref<200x128xf32, #tpu.memory_space<vmem>>) target(%dma_start3A_105 : memref<10240x128xf32, #tpu.memory_space<vmem_shared>>) offsets(%dma_start3A_102 : memref<200xi32, #tpu.memory_space<vmem>>) semaphore(%run_scoped3A : memref<!tpu.dma_semaphore, #tpu.memory_space<semaphore_mem>>) {add = true}
        %dma_wait3A = arith.constant 0 : i32
        %dma_wait3A_106 = tpu.memref_slice %arg15[%dma_wait3A] : memref<208xi32, #tpu.memory_space<vmem>> -> memref<200xi32, #tpu.memory_space<vmem>>
        %dma_wait3A_107 = arith.constant 0 : i32
        %dma_wait3A_108 = arith.constant 0 : i32
        %dma_wait3A_109 = tpu.memref_slice %arg13[%dma_wait3A_107, %dma_wait3A_108] : memref<10240x128xf32, #tpu.memory_space<vmem_shared>> -> memref<10240x128xf32, #tpu.memory_space<vmem_shared>>
        tpu.wait_indirect_dma semaphore(%run_scoped3A : memref<!tpu.dma_semaphore, #tpu.memory_space<semaphore_mem>>) src(%arg17 : memref<200x128xf32, #tpu.memory_space<vmem>>) dst(%dma_wait3A_109 : memref<10240x128xf32, #tpu.memory_space<vmem_shared>>)
        tpu.yield
      }) : () -> ()
      %get3A = arith.constant 0 : index
      %get3A_42 = tpu.vector_load %arg15[%get3A] {strides = array<i32>} : memref<208xi32, #tpu.memory_space<vmem>>, vector<16xi32>,
      %get3A_43 = arith.constant 0 : index
      %get3A_44 = tpu.vector_load %arg16[%get3A_43] {strides = array<i32>} : memref<208xf32, #tpu.memory_space<vmem>>, vector<16xf32>,
      tpu.vector_store_idx %arg14[%get3A_42], %get3A_44 {add = true} : memref<10240xf32, #tpu.memory_space<vmem>>[vector<16xi32>], vector<16xf32>,
      %get3A_45 = arith.constant 16 : index
      %get3A_46 = tpu.vector_load %arg15[%get3A_45] {strides = array<i32>} : memref<208xi32, #tpu.memory_space<vmem>>, vector<16xi32>,
      %get3A_47 = arith.constant 16 : index
      %get3A_48 = tpu.vector_load %arg16[%get3A_47] {strides = array<i32>} : memref<208xf32, #tpu.memory_space<vmem>>, vector<16xf32>,
      tpu.vector_store_idx %arg14[%get3A_46], %get3A_48 {add = true} : memref<10240xf32, #tpu.memory_space<vmem>>[vector<16xi32>], vector<16xf32>,
      %get3A_49 = arith.constant 32 : index
      %get3A_50 = tpu.vector_load %arg15[%get3A_49] {strides = array<i32>} : memref<208xi32, #tpu.memory_space<vmem>>, vector<16xi32>,
      %get3A_51 = arith.constant 32 : index
      %get3A_52 = tpu.vector_load %arg16[%get3A_51] {strides = array<i32>} : memref<208xf32, #tpu.memory_space<vmem>>, vector<16xf32>,
      tpu.vector_store_idx %arg14[%get3A_50], %get3A_52 {add = true} : memref<10240xf32, #tpu.memory_space<vmem>>[vector<16xi32>], vector<16xf32>,
      %get3A_53 = arith.constant 48 : index
      %get3A_54 = tpu.vector_load %arg15[%get3A_53] {strides = array<i32>} : memref<208xi32, #tpu.memory_space<vmem>>, vector<16xi32>,
      %get3A_55 = arith.constant 48 : index
      %get3A_56 = tpu.vector_load %arg16[%get3A_55] {strides = array<i32>} : memref<208xf32, #tpu.memory_space<vmem>>, vector<16xf32>,
      tpu.vector_store_idx %arg14[%get3A_54], %get3A_56 {add = true} : memref<10240xf32, #tpu.memory_space<vmem>>[vector<16xi32>], vector<16xf32>,
      %get3A_57 = arith.constant 64 : index
      %get3A_58 = tpu.vector_load %arg15[%get3A_57] {strides = array<i32>} : memref<208xi32, #tpu.memory_space<vmem>>, vector<16xi32>,
      %get3A_59 = arith.constant 64 : index
      %get3A_60 = tpu.vector_load %arg16[%get3A_59] {strides = array<i32>} : memref<208xf32, #tpu.memory_space<vmem>>, vector<16xf32>,
      tpu.vector_store_idx %arg14[%get3A_58], %get3A_60 {add = true} : memref<10240xf32, #tpu.memory_space<vmem>>[vector<16xi32>], vector<16xf32>,
      %get3A_61 = arith.constant 80 : index
      %get3A_62 = tpu.vector_load %arg15[%get3A_61] {strides = array<i32>} : memref<208xi32, #tpu.memory_space<vmem>>, vector<16xi32>,
      %get3A_63 = arith.constant 80 : index
      %get3A_64 = tpu.vector_load %arg16[%get3A_63] {strides = array<i32>} : memref<208xf32, #tpu.memory_space<vmem>>, vector<16xf32>,
      tpu.vector_store_idx %arg14[%get3A_62], %get3A_64 {add = true} : memref<10240xf32, #tpu.memory_space<vmem>>[vector<16xi32>], vector<16xf32>,
      %get3A_65 = arith.constant 96 : index
      %get3A_66 = tpu.vector_load %arg15[%get3A_65] {strides = array<i32>} : memref<208xi32, #tpu.memory_space<vmem>>, vector<16xi32>,
      %get3A_67 = arith.constant 96 : index
      %get3A_68 = tpu.vector_load %arg16[%get3A_67] {strides = array<i32>} : memref<208xf32, #tpu.memory_space<vmem>>, vector<16xf32>,
      tpu.vector_store_idx %arg14[%get3A_66], %get3A_68 {add = true} : memref<10240xf32, #tpu.memory_space<vmem>>[vector<16xi32>], vector<16xf32>,
      %get3A_69 = arith.constant 112 : index
      %get3A_70 = tpu.vector_load %arg15[%get3A_69] {strides = array<i32>} : memref<208xi32, #tpu.memory_space<vmem>>, vector<16xi32>,
      %get3A_71 = arith.constant 112 : index
      %get3A_72 = tpu.vector_load %arg16[%get3A_71] {strides = array<i32>} : memref<208xf32, #tpu.memory_space<vmem>>, vector<16xf32>,
      tpu.vector_store_idx %arg14[%get3A_70], %get3A_72 {add = true} : memref<10240xf32, #tpu.memory_space<vmem>>[vector<16xi32>], vector<16xf32>,
      %get3A_73 = arith.constant 128 : index
      %get3A_74 = tpu.vector_load %arg15[%get3A_73] {strides = array<i32>} : memref<208xi32, #tpu.memory_space<vmem>>, vector<16xi32>,
      %get3A_75 = arith.constant 128 : index
      %get3A_76 = tpu.vector_load %arg16[%get3A_75] {strides = array<i32>} : memref<208xf32, #tpu.memory_space<vmem>>, vector<16xf32>,
      tpu.vector_store_idx %arg14[%get3A_74], %get3A_76 {add = true} : memref<10240xf32, #tpu.memory_space<vmem>>[vector<16xi32>], vector<16xf32>,
      %get3A_77 = arith.constant 144 : index
      %get3A_78 = tpu.vector_load %arg15[%get3A_77] {strides = array<i32>} : memref<208xi32, #tpu.memory_space<vmem>>, vector<16xi32>,
      %get3A_79 = arith.constant 144 : index
      %get3A_80 = tpu.vector_load %arg16[%get3A_79] {strides = array<i32>} : memref<208xf32, #tpu.memory_space<vmem>>, vector<16xf32>,
      tpu.vector_store_idx %arg14[%get3A_78], %get3A_80 {add = true} : memref<10240xf32, #tpu.memory_space<vmem>>[vector<16xi32>], vector<16xf32>,
      %get3A_81 = arith.constant 160 : index
      %get3A_82 = tpu.vector_load %arg15[%get3A_81] {strides = array<i32>} : memref<208xi32, #tpu.memory_space<vmem>>, vector<16xi32>,
      %get3A_83 = arith.constant 160 : index
      %get3A_84 = tpu.vector_load %arg16[%get3A_83] {strides = array<i32>} : memref<208xf32, #tpu.memory_space<vmem>>, vector<16xf32>,
      tpu.vector_store_idx %arg14[%get3A_82], %get3A_84 {add = true} : memref<10240xf32, #tpu.memory_space<vmem>>[vector<16xi32>], vector<16xf32>,
      %get3A_85 = arith.constant 176 : index
      %get3A_86 = tpu.vector_load %arg15[%get3A_85] {strides = array<i32>} : memref<208xi32, #tpu.memory_space<vmem>>, vector<16xi32>,
      %get3A_87 = arith.constant 176 : index
      %get3A_88 = tpu.vector_load %arg16[%get3A_87] {strides = array<i32>} : memref<208xf32, #tpu.memory_space<vmem>>, vector<16xf32>,
      tpu.vector_store_idx %arg14[%get3A_86], %get3A_88 {add = true} : memref<10240xf32, #tpu.memory_space<vmem>>[vector<16xi32>], vector<16xf32>,
      %get3A_89 = arith.constant 192 : index
      %get3A_90 = tpu.vector_load %arg15[%get3A_89] {strides = array<i32>} : memref<208xi32, #tpu.memory_space<vmem>>, vector<16xi32>,
      %get3A_91 = arith.constant 192 : index
      %get3A_92 = tpu.vector_load %arg16[%get3A_91] {strides = array<i32>} : memref<208xf32, #tpu.memory_space<vmem>>, vector<16xf32>,
      %lt3A = arith.constant 8 : i32
      %lt3A_93 = vector.broadcast %lt3A : i32 to vector<16xi32>
      %lt3A_94 = arith.cmpi slt, %iota3A, %lt3A_93 : vector<16xi32>
      %jit3A = arith.constant 0 : i32
      %broadcast_in_dim3A_95 = vector.broadcast %jit3A : i32 to vector<16xi32>
      %select_n3A = arith.select %lt3A_94, %get3A_90, %broadcast_in_dim3A_95 : vector<16xi1>, vector<16xi32>
      %lt3A_96 = arith.constant 8 : i32
      %lt3A_97 = vector.broadcast %lt3A_96 : i32 to vector<16xi32>
      %lt3A_98 = arith.cmpi slt, %iota3A, %lt3A_97 : vector<16xi32>
      %jit3A_99 = arith.constant 0.000000e+00 : f32
      %broadcast_in_dim3A_100 = vector.broadcast %jit3A_99 : f32 to vector<16xf32>
      %select_n3A_101 = arith.select %lt3A_98, %get3A_92, %broadcast_in_dim3A_100 : vector<16xi1>, vector<16xf32>
      tpu.vector_store_idx %arg14[%select_n3A], %select_n3A_101 {add = true} : memref<10240xf32, #tpu.memory_space<vmem>>[vector<16xi32>], vector<16xf32>,
    }
    %scan3A_31 = arith.constant 25 : i32
    %barrier3A_32 = arith.constant 0 : index
    tpu.barrier barrier_id(%barrier3A_32)
    "tpu.region"() ({
      %run_scoped3A = tpu.sem_alloc : memref<!tpu.dma_semaphore, #tpu.memory_space<semaphore_mem>>
      %dma_start3A = arith.constant 0 : i32
      %dma_start3A_36 = tpu.memref_slice %arg10[%arg0, %mul3A_2, %dma_start3A] : memref<2x10240x128xf32, #tpu.memory_space<hbm>> -> memref<1x640x128xf32, #tpu.memory_space<hbm>>
      %dma_start3A_37 = tpu.memref_squeeze %dma_start3A_36 : memref<1x640x128xf32, #tpu.memory_space<hbm>> -> memref<640x128xf32, #tpu.memory_space<hbm>>
      %dma_start3A_38 = arith.constant 0 : i32
      %dma_start3A_39 = tpu.memref_slice %arg13[%mul3A_2, %dma_start3A_38] : memref<10240x128xf32, #tpu.memory_space<vmem_shared>> -> memref<640x128xf32, #tpu.memory_space<vmem_shared>>
      tpu.enqueue_dma source(%dma_start3A_39 : memref<640x128xf32, #tpu.memory_space<vmem_shared>>) target(%dma_start3A_37 : memref<640x128xf32, #tpu.memory_space<hbm>>) target_semaphore(%run_scoped3A : memref<!tpu.dma_semaphore, #tpu.memory_space<semaphore_mem>>)
      %dma_wait3A = arith.constant 0 : i32
      %dma_wait3A_40 = tpu.memref_slice %arg10[%arg0, %mul3A_2, %dma_wait3A] : memref<2x10240x128xf32, #tpu.memory_space<hbm>> -> memref<1x640x128xf32, #tpu.memory_space<hbm>>
      %dma_wait3A_41 = tpu.memref_squeeze %dma_wait3A_40 : memref<1x640x128xf32, #tpu.memory_space<hbm>> -> memref<640x128xf32, #tpu.memory_space<hbm>>
      %dma_wait3A_42 = arith.constant 0 : i32
      %dma_wait3A_43 = tpu.memref_slice %arg13[%mul3A_2, %dma_wait3A_42] : memref<10240x128xf32, #tpu.memory_space<vmem_shared>> -> memref<640x128xf32, #tpu.memory_space<vmem_shared>>
      tpu.wait_dma2 semaphore(%run_scoped3A : memref<!tpu.dma_semaphore, #tpu.memory_space<semaphore_mem>>) src(%dma_wait3A_43 : memref<640x128xf32, #tpu.memory_space<vmem_shared>>) dst(%dma_wait3A_41 : memref<640x128xf32, #tpu.memory_space<hbm>>)
      tpu.yield
    }) : () -> ()
    %mul3A_33 = arith.constant 10240 : i32
    %mul3A_34 = arith.muli %add3A, %mul3A_33 : i32
    "tpu.region"() ({
      %run_scoped3A = tpu.sem_alloc : memref<!tpu.dma_semaphore, #tpu.memory_space<semaphore_mem>>
      %dma_start3A = tpu.memref_slice %arg12[%mul3A_34] : memref<327680xf32, #tpu.memory_space<hbm>> -> memref<10240xf32, #tpu.memory_space<hbm>>
      %dma_start3A_36 = tpu.memref_slice %arg12[%mul3A_34] : memref<327680xf32, #tpu.memory_space<hbm>> -> memref<10240xf32, #tpu.memory_space<hbm>>
      tpu.enqueue_dma source(%arg14 : memref<10240xf32, #tpu.memory_space<vmem>>) target(%dma_start3A_36 : memref<10240xf32, #tpu.memory_space<hbm>>) target_semaphore(%run_scoped3A : memref<!tpu.dma_semaphore, #tpu.memory_space<semaphore_mem>>)
      %dma_wait3A = tpu.memref_slice %arg12[%mul3A_34] : memref<327680xf32, #tpu.memory_space<hbm>> -> memref<10240xf32, #tpu.memory_space<hbm>>
      %dma_wait3A_37 = tpu.memref_slice %arg12[%mul3A_34] : memref<327680xf32, #tpu.memory_space<hbm>> -> memref<10240xf32, #tpu.memory_space<hbm>>
      tpu.wait_dma2 semaphore(%run_scoped3A : memref<!tpu.dma_semaphore, #tpu.memory_space<semaphore_mem>>) src(%arg14 : memref<10240xf32, #tpu.memory_space<vmem>>) dst(%dma_wait3A_37 : memref<10240xf32, #tpu.memory_space<hbm>>)
      tpu.yield
    }) : () -> ()
    %barrier3A_35 = arith.constant 0 : index
    tpu.barrier barrier_id(%barrier3A_35)
    return
  }
}

module attributes {stable_mosaic.version = 14 : i64} {
  func.func @_k2_body(%arg0: i32, %arg1: memref<1280x128xi32, #tpu.memory_space<vmem>>, %arg2: memref<1280x128xi32, #tpu.memory_space<vmem>>, %arg3: memref<1280x16xf32, #tpu.memory_space<vmem>>, %arg4: memref<1280x128xi32, #tpu.memory_space<vmem>>, %arg5: memref<1280x128xi32, #tpu.memory_space<vmem>>, %arg6: memref<1280x16xf32, #tpu.memory_space<vmem>>, %arg7: memref<256x256xbf16, #tpu.memory_space<vmem>>, %arg8: memref<48x256xbf16, #tpu.memory_space<vmem>>, %arg9: memref<1x256xf32, #tpu.memory_space<vmem>>, %arg10: memref<256x1xf32, #tpu.memory_space<vmem>>, %arg11: memref<1x1xf32, #tpu.memory_space<vmem>>, %arg12: memref<256x256xbf16, #tpu.memory_space<vmem>>, %arg13: memref<48x256xbf16, #tpu.memory_space<vmem>>, %arg14: memref<1x256xf32, #tpu.memory_space<vmem>>, %arg15: memref<256x1xf32, #tpu.memory_space<vmem>>, %arg16: memref<1x1xf32, #tpu.memory_space<vmem>>, %arg17: memref<1280x1xf32, #tpu.memory_space<vmem>>, %arg18: memref<1280x128xf32, #tpu.memory_space<vmem>>, %arg19: memref<1280x1xf32, #tpu.memory_space<vmem>>, %arg20: memref<1280x128xf32, #tpu.memory_space<vmem>>) attributes {dimension_semantics = [#tpu.dimension_semantics<arbitrary>], iteration_bounds = array<i64: 125>, scalar_prefetch = 0 : i64, scratch_operands = 0 : i64, tpu.core_type = #tpu.core_type<tc>, window_params = [{transform_indices = @transform_0, window_bounds = array<i64: 1280, 128>}, {transform_indices = @transform_1, window_bounds = array<i64: 1280, 128>}, {transform_indices = @transform_2, window_bounds = array<i64: 1280, 16>}, {transform_indices = @transform_3, window_bounds = array<i64: 1280, 128>}, {transform_indices = @transform_4, window_bounds = array<i64: 1280, 128>}, {transform_indices = @transform_5, window_bounds = array<i64: 1280, 16>}, {pipeline_mode = #tpu.pipeline_mode<synchronous>, transform_indices = @transform_6, window_bounds = array<i64: 256, 256>}, {pipeline_mode = #tpu.pipeline_mode<synchronous>, transform_indices = @transform_7, window_bounds = array<i64: 48, 256>}, {pipeline_mode = #tpu.pipeline_mode<synchronous>, transform_indices = @transform_8, window_bounds = array<i64: 1, 256>}, {pipeline_mode = #tpu.pipeline_mode<synchronous>, transform_indices = @transform_9, window_bounds = array<i64: 256, 1>}, {pipeline_mode = #tpu.pipeline_mode<synchronous>, transform_indices = @transform_10, window_bounds = array<i64: 1, 1>}, {pipeline_mode = #tpu.pipeline_mode<synchronous>, transform_indices = @transform_11, window_bounds = array<i64: 256, 256>}, {pipeline_mode = #tpu.pipeline_mode<synchronous>, transform_indices = @transform_12, window_bounds = array<i64: 48, 256>}, {pipeline_mode = #tpu.pipeline_mode<synchronous>, transform_indices = @transform_13, window_bounds = array<i64: 1, 256>}, {pipeline_mode = #tpu.pipeline_mode<synchronous>, transform_indices = @transform_14, window_bounds = array<i64: 256, 1>}, {pipeline_mode = #tpu.pipeline_mode<synchronous>, transform_indices = @transform_15, window_bounds = array<i64: 1, 1>}, {transform_indices = @transform_16, window_bounds = array<i64: 1280, 1>}, {transform_indices = @transform_17, window_bounds = array<i64: 1280, 128>}, {transform_indices = @transform_18, window_bounds = array<i64: 1280, 1>}, {transform_indices = @transform_19, window_bounds = array<i64: 1280, 128>}]} {
    %get3A = arith.constant 0 : index
    %get3A_0 = arith.constant 0 : index
    %get3A_1 = vector.load %arg1[%get3A, %get3A_0] : memref<1280x128xi32, #tpu.memory_space<vmem>>, vector<1280x128xi32>
    %get3A_2 = arith.constant 0 : index
    %get3A_3 = arith.constant 0 : index
    %get3A_4 = vector.load %arg2[%get3A_2, %get3A_3] : memref<1280x128xi32, #tpu.memory_space<vmem>>, vector<1280x128xi32>
    %and3A = arith.constant -65536 : i32
    %and3A_5 = vector.broadcast %and3A : i32 to vector<1280x128xi32>
    %and3A_6 = arith.andi %get3A_1, %and3A_5 : vector<1280x128xi32>
    %bitcast_convert_type3A = tpu.bitcast %and3A_6 : vector<1280x128xi32> -> vector<1280x128xf32>
    %and3A_7 = arith.constant -65536 : i32
    %and3A_8 = vector.broadcast %and3A_7 : i32 to vector<1280x128xi32>
    %and3A_9 = arith.andi %get3A_4, %and3A_8 : vector<1280x128xi32>
    %bitcast_convert_type3A_10 = tpu.bitcast %and3A_9 : vector<1280x128xi32> -> vector<1280x128xf32>
    %concatenate3A = tpu.concatenate %bitcast_convert_type3A, %bitcast_convert_type3A_10 in 1 : vector<1280x128xf32>, vector<1280x128xf32> -> vector<1280x256xf32>
    %slice3A = vector.extract_strided_slice %get3A_1 {offsets = [0, 0], sizes = [1280, 16], strides = [1, 1]} : vector<1280x128xi32> to vector<1280x16xi32>
    %shift_left3A = arith.constant 16 : i32
    %shift_left3A_11 = vector.broadcast %shift_left3A : i32 to vector<1280x16xi32>
    %shift_left3A_12 = arith.shli %slice3A, %shift_left3A_11 : vector<1280x16xi32>
    %bitcast_convert_type3A_13 = tpu.bitcast %shift_left3A_12 : vector<1280x16xi32> -> vector<1280x16xf32>
    %slice3A_14 = vector.extract_strided_slice %get3A_4 {offsets = [0, 0], sizes = [1280, 16], strides = [1, 1]} : vector<1280x128xi32> to vector<1280x16xi32>
    %shift_left3A_15 = arith.constant 16 : i32
    %shift_left3A_16 = vector.broadcast %shift_left3A_15 : i32 to vector<1280x16xi32>
    %shift_left3A_17 = arith.shli %slice3A_14, %shift_left3A_16 : vector<1280x16xi32>
    %bitcast_convert_type3A_18 = tpu.bitcast %shift_left3A_17 : vector<1280x16xi32> -> vector<1280x16xf32>
    %get3A_19 = arith.constant 0 : index
    %get3A_20 = arith.constant 0 : index
    %get3A_21 = vector.load %arg3[%get3A_19, %get3A_20] : memref<1280x16xf32, #tpu.memory_space<vmem>>, vector<1280x16xf32>
    %concatenate3A_22 = tpu.concatenate %bitcast_convert_type3A_13, %bitcast_convert_type3A_18, %get3A_21 in 1 : vector<1280x16xf32>, vector<1280x16xf32>, vector<1280x16xf32> -> vector<1280x48xf32>
    %convert_element_type3A = arith.truncf %concatenate3A : vector<1280x256xf32> to vector<1280x256xbf16>
    %get3A_23 = arith.constant 0 : index
    %get3A_24 = arith.constant 0 : index
    %get3A_25 = vector.load %arg7[%get3A_23, %get3A_24] : memref<256x256xbf16, #tpu.memory_space<vmem>>, vector<256x256xbf16>
    %dot_general3A = arith.constant dense<0.000000e+00> : vector<1280x256xf32>
    %dot_general3A_26 = tpu.matmul %convert_element_type3A, %get3A_25, %dot_general3A {dimension_numbers = #tpu.dot_dimension_numbers<[1], [0], [0], [1], [0, 0, 1, 1], [], []>, transpose_lhs_hint = false} : vector<1280x256xbf16>, vector<256x256xbf16>, vector<1280x256xf32> -> vector<1280x256xf32>
    %convert_element_type3A_27 = arith.truncf %concatenate3A_22 : vector<1280x48xf32> to vector<1280x48xbf16>
    %get3A_28 = arith.constant 0 : index
    %get3A_29 = arith.constant 0 : index
    %get3A_30 = vector.load %arg8[%get3A_28, %get3A_29] : memref<48x256xbf16, #tpu.memory_space<vmem>>, vector<48x256xbf16>
    %dot_general3A_31 = arith.constant dense<0.000000e+00> : vector<1280x256xf32>
    %dot_general3A_32 = tpu.matmul %convert_element_type3A_27, %get3A_30, %dot_general3A_31 {dimension_numbers = #tpu.dot_dimension_numbers<[1], [0], [0], [1], [0, 0, 1, 1], [], []>, transpose_lhs_hint = false} : vector<1280x48xbf16>, vector<48x256xbf16>, vector<1280x256xf32> -> vector<1280x256xf32>
    %add3A = arith.addf %dot_general3A_26, %dot_general3A_32 : vector<1280x256xf32>
    %get3A_33 = arith.constant 0 : index
    %get3A_34 = arith.constant 0 : index
    %get3A_35 = vector.load %arg9[%get3A_33, %get3A_34] : memref<1x256xf32, #tpu.memory_space<vmem>>, vector<1x256xf32>
    %add3A_36 = vector.broadcast %get3A_35 : vector<1x256xf32> to vector<1280x256xf32>
    %add3A_37 = arith.addf %add3A, %add3A_36 : vector<1280x256xf32>
    %max3A = arith.constant 0.000000e+00 : f32
    %max3A_38 = vector.broadcast %max3A : f32 to vector<1280x256xf32>
    %max3A_39 = arith.maximumf %add3A_37, %max3A_38 : vector<1280x256xf32>
    %get3A_40 = arith.constant 0 : index
    %get3A_41 = arith.constant 0 : index
    %get3A_42 = vector.load %arg10[%get3A_40, %get3A_41] : memref<256x1xf32, #tpu.memory_space<vmem>>, vector<256x1xf32>
    %dot_general3A_43 = arith.constant dense<0.000000e+00> : vector<1280x1xf32>
    %dot_general3A_44 = tpu.matmul %max3A_39, %get3A_42, %dot_general3A_43 {dimension_numbers = #tpu.dot_dimension_numbers<[1], [0], [0], [1], [0, 0, 1, 1], [], []>, transpose_lhs_hint = false} : vector<1280x256xf32>, vector<256x1xf32>, vector<1280x1xf32> -> vector<1280x1xf32>
    %get3A_45 = arith.constant 0 : index
    %get3A_46 = arith.constant 0 : index
    %get3A_47 = vector.load %arg11[%get3A_45, %get3A_46] : memref<1x1xf32, #tpu.memory_space<vmem>>, vector<1x1xf32>
    %add3A_48 = vector.broadcast %get3A_47 : vector<1x1xf32> to vector<1280x1xf32>
    %add3A_49 = arith.addf %dot_general3A_44, %add3A_48 : vector<1280x1xf32>
    %ge3A = arith.constant 0.000000e+00 : f32
    %ge3A_50 = vector.broadcast %ge3A : f32 to vector<1280x1xf32>
    %ge3A_51 = arith.cmpf oge, %add3A_49, %ge3A_50 : vector<1280x1xf32>
    %mul3A = arith.constant 0.00999999977 : f32
    %mul3A_52 = vector.broadcast %mul3A : f32 to vector<1280x1xf32>
    %mul3A_53 = arith.mulf %mul3A_52, %add3A_49 : vector<1280x1xf32>
    %select_n3A = arith.select %ge3A_51, %add3A_49, %mul3A_53 : vector<1280x1xi1>, vector<1280x1xf32>
    %mul3A_54 = arith.constant 0.0883883461 : f32
    %mul3A_55 = vector.broadcast %mul3A_54 : f32 to vector<1280x1xf32>
    %mul3A_56 = arith.mulf %select_n3A, %mul3A_55 : vector<1280x1xf32>
    %exp3A = math.exp %mul3A_56 : vector<1280x1xf32>
    %swap3A = arith.constant 0 : index
    %swap3A_57 = arith.constant 0 : index
    %swap3A_58 = vector.load %arg17[%swap3A, %swap3A_57] : memref<1280x1xf32, #tpu.memory_space<vmem>>, vector<1280x1xf32>
    tpu.vector_store %arg17[%swap3A, %swap3A_57], %exp3A {strides = array<i32>} : memref<1280x1xf32, #tpu.memory_space<vmem>>, vector<1280x1xf32>,
    %mul3A_59 = vector.broadcast %exp3A : vector<1280x1xf32> to vector<1280x128xf32>
    %mul3A_60 = arith.mulf %bitcast_convert_type3A, %mul3A_59 : vector<1280x128xf32>
    %swap3A_61 = arith.constant 0 : index
    %swap3A_62 = arith.constant 0 : index
    %swap3A_63 = vector.load %arg18[%swap3A_61, %swap3A_62] : memref<1280x128xf32, #tpu.memory_space<vmem>>, vector<1280x128xf32>
    tpu.vector_store %arg18[%swap3A_61, %swap3A_62], %mul3A_60 {strides = array<i32>} : memref<1280x128xf32, #tpu.memory_space<vmem>>, vector<1280x128xf32>,
    %get3A_64 = arith.constant 0 : index
    %get3A_65 = arith.constant 0 : index
    %get3A_66 = vector.load %arg4[%get3A_64, %get3A_65] : memref<1280x128xi32, #tpu.memory_space<vmem>>, vector<1280x128xi32>
    %get3A_67 = arith.constant 0 : index
    %get3A_68 = arith.constant 0 : index
    %get3A_69 = vector.load %arg5[%get3A_67, %get3A_68] : memref<1280x128xi32, #tpu.memory_space<vmem>>, vector<1280x128xi32>
    %and3A_70 = arith.constant -65536 : i32
    %and3A_71 = vector.broadcast %and3A_70 : i32 to vector<1280x128xi32>
    %and3A_72 = arith.andi %get3A_66, %and3A_71 : vector<1280x128xi32>
    %bitcast_convert_type3A_73 = tpu.bitcast %and3A_72 : vector<1280x128xi32> -> vector<1280x128xf32>
    %and3A_74 = arith.constant -65536 : i32
    %and3A_75 = vector.broadcast %and3A_74 : i32 to vector<1280x128xi32>
    %and3A_76 = arith.andi %get3A_69, %and3A_75 : vector<1280x128xi32>
    %bitcast_convert_type3A_77 = tpu.bitcast %and3A_76 : vector<1280x128xi32> -> vector<1280x128xf32>
    %concatenate3A_78 = tpu.concatenate %bitcast_convert_type3A_73, %bitcast_convert_type3A_77 in 1 : vector<1280x128xf32>, vector<1280x128xf32> -> vector<1280x256xf32>
    %slice3A_79 = vector.extract_strided_slice %get3A_66 {offsets = [0, 0], sizes = [1280, 16], strides = [1, 1]} : vector<1280x128xi32> to vector<1280x16xi32>
    %shift_left3A_80 = arith.constant 16 : i32
    %shift_left3A_81 = vector.broadcast %shift_left3A_80 : i32 to vector<1280x16xi32>
    %shift_left3A_82 = arith.shli %slice3A_79, %shift_left3A_81 : vector<1280x16xi32>
    %bitcast_convert_type3A_83 = tpu.bitcast %shift_left3A_82 : vector<1280x16xi32> -> vector<1280x16xf32>
    %slice3A_84 = vector.extract_strided_slice %get3A_69 {offsets = [0, 0], sizes = [1280, 16], strides = [1, 1]} : vector<1280x128xi32> to vector<1280x16xi32>
    %shift_left3A_85 = arith.constant 16 : i32
    %shift_left3A_86 = vector.broadcast %shift_left3A_85 : i32 to vector<1280x16xi32>
    %shift_left3A_87 = arith.shli %slice3A_84, %shift_left3A_86 : vector<1280x16xi32>
    %bitcast_convert_type3A_88 = tpu.bitcast %shift_left3A_87 : vector<1280x16xi32> -> vector<1280x16xf32>
    %get3A_89 = arith.constant 0 : index
    %get3A_90 = arith.constant 0 : index
    %get3A_91 = vector.load %arg6[%get3A_89, %get3A_90] : memref<1280x16xf32, #tpu.memory_space<vmem>>, vector<1280x16xf32>
    %concatenate3A_92 = tpu.concatenate %bitcast_convert_type3A_83, %bitcast_convert_type3A_88, %get3A_91 in 1 : vector<1280x16xf32>, vector<1280x16xf32>, vector<1280x16xf32> -> vector<1280x48xf32>
    %convert_element_type3A_93 = arith.truncf %concatenate3A_78 : vector<1280x256xf32> to vector<1280x256xbf16>
    %get3A_94 = arith.constant 0 : index
    %get3A_95 = arith.constant 0 : index
    %get3A_96 = vector.load %arg12[%get3A_94, %get3A_95] : memref<256x256xbf16, #tpu.memory_space<vmem>>, vector<256x256xbf16>
    %dot_general3A_97 = arith.constant dense<0.000000e+00> : vector<1280x256xf32>
    %dot_general3A_98 = tpu.matmul %convert_element_type3A_93, %get3A_96, %dot_general3A_97 {dimension_numbers = #tpu.dot_dimension_numbers<[1], [0], [0], [1], [0, 0, 1, 1], [], []>, transpose_lhs_hint = false} : vector<1280x256xbf16>, vector<256x256xbf16>, vector<1280x256xf32> -> vector<1280x256xf32>
    %convert_element_type3A_99 = arith.truncf %concatenate3A_92 : vector<1280x48xf32> to vector<1280x48xbf16>
    %get3A_100 = arith.constant 0 : index
    %get3A_101 = arith.constant 0 : index
    %get3A_102 = vector.load %arg13[%get3A_100, %get3A_101] : memref<48x256xbf16, #tpu.memory_space<vmem>>, vector<48x256xbf16>
    %dot_general3A_103 = arith.constant dense<0.000000e+00> : vector<1280x256xf32>
    %dot_general3A_104 = tpu.matmul %convert_element_type3A_99, %get3A_102, %dot_general3A_103 {dimension_numbers = #tpu.dot_dimension_numbers<[1], [0], [0], [1], [0, 0, 1, 1], [], []>, transpose_lhs_hint = false} : vector<1280x48xbf16>, vector<48x256xbf16>, vector<1280x256xf32> -> vector<1280x256xf32>
    %add3A_105 = arith.addf %dot_general3A_98, %dot_general3A_104 : vector<1280x256xf32>
    %get3A_106 = arith.constant 0 : index
    %get3A_107 = arith.constant 0 : index
    %get3A_108 = vector.load %arg14[%get3A_106, %get3A_107] : memref<1x256xf32, #tpu.memory_space<vmem>>, vector<1x256xf32>
    %add3A_109 = vector.broadcast %get3A_108 : vector<1x256xf32> to vector<1280x256xf32>
    %add3A_110 = arith.addf %add3A_105, %add3A_109 : vector<1280x256xf32>
    %max3A_111 = arith.constant 0.000000e+00 : f32
    %max3A_112 = vector.broadcast %max3A_111 : f32 to vector<1280x256xf32>
    %max3A_113 = arith.maximumf %add3A_110, %max3A_112 : vector<1280x256xf32>
    %get3A_114 = arith.constant 0 : index
    %get3A_115 = arith.constant 0 : index
    %get3A_116 = vector.load %arg15[%get3A_114, %get3A_115] : memref<256x1xf32, #tpu.memory_space<vmem>>, vector<256x1xf32>
    %dot_general3A_117 = arith.constant dense<0.000000e+00> : vector<1280x1xf32>
    %dot_general3A_118 = tpu.matmul %max3A_113, %get3A_116, %dot_general3A_117 {dimension_numbers = #tpu.dot_dimension_numbers<[1], [0], [0], [1], [0, 0, 1, 1], [], []>, transpose_lhs_hint = false} : vector<1280x256xf32>, vector<256x1xf32>, vector<1280x1xf32> -> vector<1280x1xf32>
    %get3A_119 = arith.constant 0 : index
    %get3A_120 = arith.constant 0 : index
    %get3A_121 = vector.load %arg16[%get3A_119, %get3A_120] : memref<1x1xf32, #tpu.memory_space<vmem>>, vector<1x1xf32>
    %add3A_122 = vector.broadcast %get3A_121 : vector<1x1xf32> to vector<1280x1xf32>
    %add3A_123 = arith.addf %dot_general3A_118, %add3A_122 : vector<1280x1xf32>
    %ge3A_124 = arith.constant 0.000000e+00 : f32
    %ge3A_125 = vector.broadcast %ge3A_124 : f32 to vector<1280x1xf32>
    %ge3A_126 = arith.cmpf oge, %add3A_123, %ge3A_125 : vector<1280x1xf32>
    %mul3A_127 = arith.constant 0.00999999977 : f32
    %mul3A_128 = vector.broadcast %mul3A_127 : f32 to vector<1280x1xf32>
    %mul3A_129 = arith.mulf %mul3A_128, %add3A_123 : vector<1280x1xf32>
    %select_n3A_130 = arith.select %ge3A_126, %add3A_123, %mul3A_129 : vector<1280x1xi1>, vector<1280x1xf32>
    %mul3A_131 = arith.constant 0.0883883461 : f32
    %mul3A_132 = vector.broadcast %mul3A_131 : f32 to vector<1280x1xf32>
    %mul3A_133 = arith.mulf %select_n3A_130, %mul3A_132 : vector<1280x1xf32>
    %exp3A_134 = math.exp %mul3A_133 : vector<1280x1xf32>
    %swap3A_135 = arith.constant 0 : index
    %swap3A_136 = arith.constant 0 : index
    %swap3A_137 = vector.load %arg19[%swap3A_135, %swap3A_136] : memref<1280x1xf32, #tpu.memory_space<vmem>>, vector<1280x1xf32>
    tpu.vector_store %arg19[%swap3A_135, %swap3A_136], %exp3A_134 {strides = array<i32>} : memref<1280x1xf32, #tpu.memory_space<vmem>>, vector<1280x1xf32>,
    %mul3A_138 = vector.broadcast %exp3A_134 : vector<1280x1xf32> to vector<1280x128xf32>
    %mul3A_139 = arith.mulf %bitcast_convert_type3A_73, %mul3A_138 : vector<1280x128xf32>
    %swap3A_140 = arith.constant 0 : index
    %swap3A_141 = arith.constant 0 : index
    %swap3A_142 = vector.load %arg20[%swap3A_140, %swap3A_141] : memref<1280x128xf32, #tpu.memory_space<vmem>>, vector<1280x128xf32>
    tpu.vector_store %arg20[%swap3A_140, %swap3A_141], %mul3A_139 {strides = array<i32>} : memref<1280x128xf32, #tpu.memory_space<vmem>>, vector<1280x128xf32>,
    return
  }
  func.func @transform_0(%arg0: i32) -> (i32, i32) {
    %c0_i32 = arith.constant 0 : i32
    %c0_i32_0 = arith.constant 0 : i32
    return %arg0, %c0_i32 : i32, i32
  }
  func.func @transform_1(%arg0: i32) -> (i32, i32) {
    %c0_i32 = arith.constant 0 : i32
    %c0_i32_0 = arith.constant 0 : i32
    return %arg0, %c0_i32 : i32, i32
  }
  func.func @transform_2(%arg0: i32) -> (i32, i32) {
    %c0_i32 = arith.constant 0 : i32
    %c0_i32_0 = arith.constant 0 : i32
    return %arg0, %c0_i32 : i32, i32
  }
  func.func @transform_3(%arg0: i32) -> (i32, i32) {
    %c0_i32 = arith.constant 0 : i32
    %c0_i32_0 = arith.constant 0 : i32
    return %arg0, %c0_i32 : i32, i32
  }
  func.func @transform_4(%arg0: i32) -> (i32, i32) {
    %c0_i32 = arith.constant 0 : i32
    %c0_i32_0 = arith.constant 0 : i32
    return %arg0, %c0_i32 : i32, i32
  }
  func.func @transform_5(%arg0: i32) -> (i32, i32) {
    %c0_i32 = arith.constant 0 : i32
    %c0_i32_0 = arith.constant 0 : i32
    return %arg0, %c0_i32 : i32, i32
  }
  func.func @transform_6(%arg0: i32) -> (i32, i32) {
    %c0_i32 = arith.constant 0 : i32
    %c0_i32_0 = arith.constant 0 : i32
    %c0_i32_1 = arith.constant 0 : i32
    return %c0_i32, %c0_i32_0 : i32, i32
  }
  func.func @transform_7(%arg0: i32) -> (i32, i32) {
    %c0_i32 = arith.constant 0 : i32
    %c0_i32_0 = arith.constant 0 : i32
    %c0_i32_1 = arith.constant 0 : i32
    return %c0_i32, %c0_i32_0 : i32, i32
  }
  func.func @transform_8(%arg0: i32) -> (i32, i32) {
    %c0_i32 = arith.constant 0 : i32
    %c0_i32_0 = arith.constant 0 : i32
    %c0_i32_1 = arith.constant 0 : i32
    return %c0_i32, %c0_i32_0 : i32, i32
  }
  func.func @transform_9(%arg0: i32) -> (i32, i32) {
    %c0_i32 = arith.constant 0 : i32
    %c0_i32_0 = arith.constant 0 : i32
    %c0_i32_1 = arith.constant 0 : i32
    return %c0_i32, %c0_i32_0 : i32, i32
  }
  func.func @transform_10(%arg0: i32) -> (i32, i32) {
    %c0_i32 = arith.constant 0 : i32
    %c0_i32_0 = arith.constant 0 : i32
    %c0_i32_1 = arith.constant 0 : i32
    return %c0_i32, %c0_i32_0 : i32, i32
  }
  func.func @transform_11(%arg0: i32) -> (i32, i32) {
    %c0_i32 = arith.constant 0 : i32
    %c0_i32_0 = arith.constant 0 : i32
    %c0_i32_1 = arith.constant 0 : i32
    return %c0_i32, %c0_i32_0 : i32, i32
  }
  func.func @transform_12(%arg0: i32) -> (i32, i32) {
    %c0_i32 = arith.constant 0 : i32
    %c0_i32_0 = arith.constant 0 : i32
    %c0_i32_1 = arith.constant 0 : i32
    return %c0_i32, %c0_i32_0 : i32, i32
  }
  func.func @transform_13(%arg0: i32) -> (i32, i32) {
    %c0_i32 = arith.constant 0 : i32
    %c0_i32_0 = arith.constant 0 : i32
    %c0_i32_1 = arith.constant 0 : i32
    return %c0_i32, %c0_i32_0 : i32, i32
  }
  func.func @transform_14(%arg0: i32) -> (i32, i32) {
    %c0_i32 = arith.constant 0 : i32
    %c0_i32_0 = arith.constant 0 : i32
    %c0_i32_1 = arith.constant 0 : i32
    return %c0_i32, %c0_i32_0 : i32, i32
  }
  func.func @transform_15(%arg0: i32) -> (i32, i32) {
    %c0_i32 = arith.constant 0 : i32
    %c0_i32_0 = arith.constant 0 : i32
    %c0_i32_1 = arith.constant 0 : i32
    return %c0_i32, %c0_i32_0 : i32, i32
  }
  func.func @transform_16(%arg0: i32) -> (i32, i32) {
    %c0_i32 = arith.constant 0 : i32
    %c0_i32_0 = arith.constant 0 : i32
    return %arg0, %c0_i32 : i32, i32
  }
  func.func @transform_17(%arg0: i32) -> (i32, i32) {
    %c0_i32 = arith.constant 0 : i32
    %c0_i32_0 = arith.constant 0 : i32
    return %arg0, %c0_i32 : i32, i32
  }
  func.func @transform_18(%arg0: i32) -> (i32, i32) {
    %c0_i32 = arith.constant 0 : i32
    %c0_i32_0 = arith.constant 0 : i32
    return %arg0, %c0_i32 : i32, i32
  }
  func.func @transform_19(%arg0: i32) -> (i32, i32) {
    %c0_i32 = arith.constant 0 : i32
    %c0_i32_0 = arith.constant 0 : i32
    return %arg0, %c0_i32 : i32, i32
  }
}

module attributes {stable_mosaic.version = 14 : i64} {
  func.func @_k4_body(%arg0: i32, %arg1: memref<1024x128xf32, #tpu.memory_space<vmem>>, %arg2: memref<2x1024x128xf32, #tpu.memory_space<vmem>>, %arg3: memref<2x1024x128xf32, #tpu.memory_space<vmem>>, %arg4: memref<32x1024xf32, #tpu.memory_space<vmem>>, %arg5: memref<32x1024xf32, #tpu.memory_space<vmem>>, %arg6: memref<384x384xf32, #tpu.memory_space<vmem>>, %arg7: memref<1x384xf32, #tpu.memory_space<vmem>>, %arg8: memref<384x128xf32, #tpu.memory_space<vmem>>, %arg9: memref<1x128xf32, #tpu.memory_space<vmem>>, %arg10: memref<1024x128xf32, #tpu.memory_space<vmem>>, %arg11: memref<1024x1xf32, #tpu.memory_space<vmem>>, %arg12: memref<1024x1xf32, #tpu.memory_space<vmem>>) attributes {dimension_semantics = [#tpu.dimension_semantics<arbitrary>], iteration_bounds = array<i64: 10>, scalar_prefetch = 0 : i64, scratch_operands = 0 : i64, tpu.core_type = #tpu.core_type<tc>, window_params = [{transform_indices = @transform_0, window_bounds = array<i64: 1024, 128>}, {transform_indices = @transform_1, window_bounds = array<i64: 2, 1024, 128>}, {transform_indices = @transform_2, window_bounds = array<i64: 2, 1024, 128>}, {transform_indices = @transform_3, window_bounds = array<i64: 32, 1024>}, {transform_indices = @transform_4, window_bounds = array<i64: 32, 1024>}, {pipeline_mode = #tpu.pipeline_mode<synchronous>, transform_indices = @transform_5, window_bounds = array<i64: 384, 384>}, {pipeline_mode = #tpu.pipeline_mode<synchronous>, transform_indices = @transform_6, window_bounds = array<i64: 1, 384>}, {pipeline_mode = #tpu.pipeline_mode<synchronous>, transform_indices = @transform_7, window_bounds = array<i64: 384, 128>}, {pipeline_mode = #tpu.pipeline_mode<synchronous>, transform_indices = @transform_8, window_bounds = array<i64: 1, 128>}, {transform_indices = @transform_9, window_bounds = array<i64: 1024, 128>}, {transform_indices = @transform_10, window_bounds = array<i64: 1024, 1>}, {transform_indices = @transform_11, window_bounds = array<i64: 1024, 1>}]} {
    %get3A = arith.constant 0 : index
    %get3A_0 = arith.constant 0 : index
    %get3A_1 = arith.constant 0 : index
    %get3A_2 = vector.load %arg2[%get3A, %get3A_0, %get3A_1] : memref<2x1024x128xf32, #tpu.memory_space<vmem>>, vector<1x1024x128xf32>
    %get3A_3 = vector.shape_cast %get3A_2 : vector<1x1024x128xf32> to vector<1024x128xf32>
    %get3A_4 = arith.constant 1 : index
    %get3A_5 = arith.constant 0 : index
    %get3A_6 = arith.constant 0 : index
    %get3A_7 = vector.load %arg2[%get3A_4, %get3A_5, %get3A_6] : memref<2x1024x128xf32, #tpu.memory_space<vmem>>, vector<1x1024x128xf32>
    %get3A_8 = vector.shape_cast %get3A_7 : vector<1x1024x128xf32> to vector<1024x128xf32>
    %add3A = arith.addf %get3A_3, %get3A_8 : vector<1024x128xf32>
    %get3A_9 = arith.constant 0 : index
    %get3A_10 = arith.constant 0 : index
    %get3A_11 = arith.constant 0 : index
    %get3A_12 = vector.load %arg3[%get3A_9, %get3A_10, %get3A_11] : memref<2x1024x128xf32, #tpu.memory_space<vmem>>, vector<1x1024x128xf32>
    %get3A_13 = vector.shape_cast %get3A_12 : vector<1x1024x128xf32> to vector<1024x128xf32>
    %get3A_14 = arith.constant 1 : index
    %get3A_15 = arith.constant 0 : index
    %get3A_16 = arith.constant 0 : index
    %get3A_17 = vector.load %arg3[%get3A_14, %get3A_15, %get3A_16] : memref<2x1024x128xf32, #tpu.memory_space<vmem>>, vector<1x1024x128xf32>
    %get3A_18 = vector.shape_cast %get3A_17 : vector<1x1024x128xf32> to vector<1024x128xf32>
    %add3A_19 = arith.addf %get3A_13, %get3A_18 : vector<1024x128xf32>
    %get3A_20 = arith.constant 0 : index
    %get3A_21 = arith.constant 0 : index
    %get3A_22 = vector.load %arg4[%get3A_20, %get3A_21] : memref<32x1024xf32, #tpu.memory_space<vmem>>, vector<32x1024xf32>
    %reduce_sum3A = arith.constant dense<0.000000e+00> : vector<1024xf32>
    %reduce_sum3A_23 = vector.multi_reduction <add>, %get3A_22, %reduce_sum3A [0] : vector<32x1024xf32> to vector<1024xf32>
    %broadcast_in_dim3A = vector.shape_cast %reduce_sum3A_23 : vector<1024xf32> to vector<1024x1xf32>
    %add3A_24 = arith.constant 9.99999971E-10 : f32
    %add3A_25 = vector.broadcast %add3A_24 : f32 to vector<1024x1xf32>
    %add3A_26 = arith.addf %broadcast_in_dim3A, %add3A_25 : vector<1024x1xf32>
    %get3A_27 = arith.constant 0 : index
    %get3A_28 = arith.constant 0 : index
    %get3A_29 = vector.load %arg5[%get3A_27, %get3A_28] : memref<32x1024xf32, #tpu.memory_space<vmem>>, vector<32x1024xf32>
    %reduce_sum3A_30 = arith.constant dense<0.000000e+00> : vector<1024xf32>
    %reduce_sum3A_31 = vector.multi_reduction <add>, %get3A_29, %reduce_sum3A_30 [0] : vector<32x1024xf32> to vector<1024xf32>
    %broadcast_in_dim3A_32 = vector.shape_cast %reduce_sum3A_31 : vector<1024xf32> to vector<1024x1xf32>
    %add3A_33 = arith.constant 9.99999971E-10 : f32
    %add3A_34 = vector.broadcast %add3A_33 : f32 to vector<1024x1xf32>
    %add3A_35 = arith.addf %broadcast_in_dim3A_32, %add3A_34 : vector<1024x1xf32>
    %div3A = vector.broadcast %add3A_26 : vector<1024x1xf32> to vector<1024x128xf32>
    %div3A_36 = arith.divf %add3A, %div3A : vector<1024x128xf32>
    %div3A_37 = vector.broadcast %add3A_35 : vector<1024x1xf32> to vector<1024x128xf32>
    %div3A_38 = arith.divf %add3A_19, %div3A_37 : vector<1024x128xf32>
    %get3A_39 = arith.constant 0 : index
    %get3A_40 = arith.constant 0 : index
    %get3A_41 = vector.load %arg1[%get3A_39, %get3A_40] : memref<1024x128xf32, #tpu.memory_space<vmem>>, vector<1024x128xf32>
    %concatenate3A = tpu.concatenate %get3A_41, %div3A_36, %div3A_38 in 1 : vector<1024x128xf32>, vector<1024x128xf32>, vector<1024x128xf32> -> vector<1024x384xf32>
    %get3A_42 = arith.constant 0 : index
    %get3A_43 = arith.constant 0 : index
    %get3A_44 = vector.load %arg6[%get3A_42, %get3A_43] : memref<384x384xf32, #tpu.memory_space<vmem>>, vector<384x384xf32>
    %dot_general3A = arith.constant dense<0.000000e+00> : vector<1024x384xf32>
    %dot_general3A_45 = tpu.matmul %concatenate3A, %get3A_44, %dot_general3A {dimension_numbers = #tpu.dot_dimension_numbers<[1], [0], [0], [1], [0, 0, 1, 1], [], []>, transpose_lhs_hint = false} : vector<1024x384xf32>, vector<384x384xf32>, vector<1024x384xf32> -> vector<1024x384xf32>
    %get3A_46 = arith.constant 0 : index
    %get3A_47 = arith.constant 0 : index
    %get3A_48 = vector.load %arg7[%get3A_46, %get3A_47] : memref<1x384xf32, #tpu.memory_space<vmem>>, vector<1x384xf32>
    %add3A_49 = vector.broadcast %get3A_48 : vector<1x384xf32> to vector<1024x384xf32>
    %add3A_50 = arith.addf %dot_general3A_45, %add3A_49 : vector<1024x384xf32>
    %max3A = arith.constant 0.000000e+00 : f32
    %max3A_51 = vector.broadcast %max3A : f32 to vector<1024x384xf32>
    %max3A_52 = arith.maximumf %add3A_50, %max3A_51 : vector<1024x384xf32>
    %get3A_53 = arith.constant 0 : index
    %get3A_54 = arith.constant 0 : index
    %get3A_55 = vector.load %arg8[%get3A_53, %get3A_54] : memref<384x128xf32, #tpu.memory_space<vmem>>, vector<384x128xf32>
    %dot_general3A_56 = arith.constant dense<0.000000e+00> : vector<1024x128xf32>
    %dot_general3A_57 = tpu.matmul %max3A_52, %get3A_55, %dot_general3A_56 {dimension_numbers = #tpu.dot_dimension_numbers<[1], [0], [0], [1], [0, 0, 1, 1], [], []>, transpose_lhs_hint = false} : vector<1024x384xf32>, vector<384x128xf32>, vector<1024x128xf32> -> vector<1024x128xf32>
    %get3A_58 = arith.constant 0 : index
    %get3A_59 = arith.constant 0 : index
    %get3A_60 = vector.load %arg9[%get3A_58, %get3A_59] : memref<1x128xf32, #tpu.memory_space<vmem>>, vector<1x128xf32>
    %add3A_61 = vector.broadcast %get3A_60 : vector<1x128xf32> to vector<1024x128xf32>
    %add3A_62 = arith.addf %dot_general3A_57, %add3A_61 : vector<1024x128xf32>
    %max3A_63 = arith.constant 0.000000e+00 : f32
    %max3A_64 = vector.broadcast %max3A_63 : f32 to vector<1024x128xf32>
    %max3A_65 = arith.maximumf %add3A_62, %max3A_64 : vector<1024x128xf32>
    %swap3A = arith.constant 0 : index
    %swap3A_66 = arith.constant 0 : index
    %swap3A_67 = vector.load %arg10[%swap3A, %swap3A_66] : memref<1024x128xf32, #tpu.memory_space<vmem>>, vector<1024x128xf32>
    tpu.vector_store %arg10[%swap3A, %swap3A_66], %max3A_65 {strides = array<i32>} : memref<1024x128xf32, #tpu.memory_space<vmem>>, vector<1024x128xf32>,
    %div3A_68 = arith.constant 1.000000e+00 : f32
    %div3A_69 = vector.broadcast %div3A_68 : f32 to vector<1024x1xf32>
    %div3A_70 = arith.divf %div3A_69, %add3A_26 : vector<1024x1xf32>
    %swap3A_71 = arith.constant 0 : index
    %swap3A_72 = arith.constant 0 : index
    %swap3A_73 = vector.load %arg11[%swap3A_71, %swap3A_72] : memref<1024x1xf32, #tpu.memory_space<vmem>>, vector<1024x1xf32>
    tpu.vector_store %arg11[%swap3A_71, %swap3A_72], %div3A_70 {strides = array<i32>} : memref<1024x1xf32, #tpu.memory_space<vmem>>, vector<1024x1xf32>,
    %div3A_74 = arith.constant 1.000000e+00 : f32
    %div3A_75 = vector.broadcast %div3A_74 : f32 to vector<1024x1xf32>
    %div3A_76 = arith.divf %div3A_75, %add3A_35 : vector<1024x1xf32>
    %swap3A_77 = arith.constant 0 : index
    %swap3A_78 = arith.constant 0 : index
    %swap3A_79 = vector.load %arg12[%swap3A_77, %swap3A_78] : memref<1024x1xf32, #tpu.memory_space<vmem>>, vector<1024x1xf32>
    tpu.vector_store %arg12[%swap3A_77, %swap3A_78], %div3A_76 {strides = array<i32>} : memref<1024x1xf32, #tpu.memory_space<vmem>>, vector<1024x1xf32>,
    return
  }
  func.func @transform_0(%arg0: i32) -> (i32, i32) {
    %c0_i32 = arith.constant 0 : i32
    %c0_i32_0 = arith.constant 0 : i32
    return %arg0, %c0_i32 : i32, i32
  }
  func.func @transform_1(%arg0: i32) -> (i32, i32, i32) {
    %c0_i32 = arith.constant 0 : i32
    %c0_i32_0 = arith.constant 0 : i32
    %c0_i32_1 = arith.constant 0 : i32
    return %c0_i32, %arg0, %c0_i32_0 : i32, i32, i32
  }
  func.func @transform_2(%arg0: i32) -> (i32, i32, i32) {
    %c0_i32 = arith.constant 0 : i32
    %c0_i32_0 = arith.constant 0 : i32
    %c0_i32_1 = arith.constant 0 : i32
    return %c0_i32, %arg0, %c0_i32_0 : i32, i32, i32
  }
  func.func @transform_3(%arg0: i32) -> (i32, i32) {
    %c0_i32 = arith.constant 0 : i32
    %c0_i32_0 = arith.constant 0 : i32
    return %c0_i32, %arg0 : i32, i32
  }
  func.func @transform_4(%arg0: i32) -> (i32, i32) {
    %c0_i32 = arith.constant 0 : i32
    %c0_i32_0 = arith.constant 0 : i32
    return %c0_i32, %arg0 : i32, i32
  }
  func.func @transform_5(%arg0: i32) -> (i32, i32) {
    %c0_i32 = arith.constant 0 : i32
    %c0_i32_0 = arith.constant 0 : i32
    %c0_i32_1 = arith.constant 0 : i32
    return %c0_i32, %c0_i32_0 : i32, i32
  }
  func.func @transform_6(%arg0: i32) -> (i32, i32) {
    %c0_i32 = arith.constant 0 : i32
    %c0_i32_0 = arith.constant 0 : i32
    %c0_i32_1 = arith.constant 0 : i32
    return %c0_i32, %c0_i32_0 : i32, i32
  }
  func.func @transform_7(%arg0: i32) -> (i32, i32) {
    %c0_i32 = arith.constant 0 : i32
    %c0_i32_0 = arith.constant 0 : i32
    %c0_i32_1 = arith.constant 0 : i32
    return %c0_i32, %c0_i32_0 : i32, i32
  }
  func.func @transform_8(%arg0: i32) -> (i32, i32) {
    %c0_i32 = arith.constant 0 : i32
    %c0_i32_0 = arith.constant 0 : i32
    %c0_i32_1 = arith.constant 0 : i32
    return %c0_i32, %c0_i32_0 : i32, i32
  }
  func.func @transform_9(%arg0: i32) -> (i32, i32) {
    %c0_i32 = arith.constant 0 : i32
    %c0_i32_0 = arith.constant 0 : i32
    return %arg0, %c0_i32 : i32, i32
  }
  func.func @transform_10(%arg0: i32) -> (i32, i32) {
    %c0_i32 = arith.constant 0 : i32
    %c0_i32_0 = arith.constant 0 : i32
    return %arg0, %c0_i32 : i32, i32
  }
  func.func @transform_11(%arg0: i32) -> (i32, i32) {
    %c0_i32 = arith.constant 0 : i32
    %c0_i32_0 = arith.constant 0 : i32
    return %arg0, %c0_i32 : i32, i32
  }
}

</mosaic_0001>

<sc_bundles>
// kernel: kernel.10.cloned.1.call-start
scs
__scs_entry_jumppad:
0x0: {  	(pc) =	sbr.rel $0x88, $3  }
0x1: {  	(tag) =	ssettag $0x0;
	lr =	simm.s32 $0x1  }
0x2: {  	[smem:$0x3F8F] =	sst lr;
	_ =	strace $0xD0000000  }
0x3: {  	_ = 	snop  }
0x4: {  	_ = 	snop  }
0x5: {  	_ = 	snop  }
0x6: {  	_ = 	snop  }
0x7: {  	_ = 	snop  }
__scs_overlays_trampoline_lowered:
0x8: {  	[smem:$0x3F9E] =	sst s0  }
0x9: {  	[smem:$0x3F9F] =	sst s1  }
0xa: {  	[smem:$0x3FA0] =	sst s2  }
0xb: {  	[smem:$0x3FA1] =	sst s3  }
0xc: {  	[smem:$0x3FA2] =	sst s4  }
0xd: {  	[smem:$0x3FA3] =	sst s5  }
0xe: {  	[smem:$0x3FA4] =	sst s6  }
0xf: {  	[smem:$0x3FA5] =	sst s7  }
0x10: {  	[smem:$0x3FA6] =	sst s8  }
0x11: {  	[smem:$0x3FA7] =	sst s9;
	s0 =	simm.s32 @!p0 $0x0  }
0x12: {  	s1 =	sld [smem:$0x3F8D];
	s0 =	simm.s32 @p0 $0x1  }
0x13: {  	[smem:$0x3FA8] =	sst s0;
	s0 =	simm.s32 @!p1 $0x0  }
0x14: {  	s2 =	sld [smem:$0x3F8C];
	s0 =	simm.s32 @p1 $0x1  }
0x15: {  	[smem:$0x3FA9] =	sst s0;
	s0 =	simm.s32 @!p2 $0x0  }
0x16: {  	s3 =	sld [smem:$0x3FDB];
	s0 =	simm.s32 @p2 $0x1  }
0x17: {  	s4 =	simm.s32 $0x1BF5;
	[smem:$0x3FAB] =	sst s0  }
0x18: {  	s0 =	sld [smem:$0x3F8E];
	_ =	swait.ge [sflag:s4], $0x0  }
0x19: {  	s7 =	sld [smem:$0x3F8F]  }
0x1a: {  	s8 =	sadd.s32 $0xFFFFE003, lr  }
0x1b: {  	s9 =	sadd.s32 $0xFFFFFEF7, lr;
	s5 =	simm.s32 $0xFFFFFFFF;
	p2 =	slt.u32 s8, $0xFFFFF086  }
0x1c: {  	p1 =	slt.u32 s9, $0xF7A;
	s5 =	simm.s32 @!p2 $0x0  }
0x1d: {  	s5 =	simm.s32 @p1 $0x1;
	p0 =	seq.s32 s7, s2  }
0x1e: {  	s7 =	smul.u32 @!p0 $0xF7A, s2;
	p2 =	seq.s32 @!p0 s5, $0x0  }
0x1f: {  	s9 =	smul.u32 $0xF7A, s1;
	s8 =	simm.s32 @!p0 $0x1BF5;
	p2 =	por !p2, p0  }
0x20: {  	[sflag:s8] =	ssyncset.s32 @!p0 $0xFFFFF086;
	s6 =	sadd.s32 @!p0 s3, s7;
	s7 =	simm.s32 @!p0 $0x108  }
0x21: {  	s3 =	sadd.s32 s3, s9;
	s6 =	sadd.s32 @!p0 $0x88, s6;
	s7 =	simm.s32 @p2 $0x1082  }
0x22: {  	[simem:s7], [sflag:s8] =	dma.local @!p0 [hbm:s6], $0xF7A  }
0x23: {  	s9 =	sor.u32 $0xD0000000, s2;
	s6 =	simm.s32 $0x108;
	_ =	swait.ge @!p0 [sflag:s8], $0x0  }
0x24: {  	s3 =	sadd.s32 $0x88, s3;
	s6 =	simm.s32 @!p1 $0x1082;
	[sflag:s4] =	ssyncset.s32 $0xFFFFF086  }
0x25: {  	[simem:s6], [sflag:s4] =	dma.local [hbm:s3], $0xF7A  }
0x26: {  	[smem:$0x3F8F] =	sst s1;
	(tag) =	ssettag s2;
	_ =	strace s9  }
0x27: {  	s1 =	sld [smem:$0x3F9F]  }
0x28: {  	s2 =	sld [smem:$0x3FA0]  }
0x29: {  	s4 =	sld [smem:$0x3FA2]  }
0x2a: {  	p0 =	seq.s32 s5, $0x0;
	s5 =	sld [smem:$0x3FA3]  }
0x2b: {  	s6 =	sld [smem:$0x3FA4]  }
0x2c: {  	s7 =	sld [smem:$0x3FA5]  }
0x2d: {  	s3 =	simm.s32 $0x108;
	s8 =	sld [smem:$0x3FA6]  }
0x2e: {  	s3 =	simm.s32 @!p0 $0x1082;
	s9 =	sld [smem:$0x3FA7]  }
0x2f: {  	lr =	sadd.s32 s0, s3;
	s0 =	sld [smem:$0x3F9E]  }
0x30: {  	s3 =	sld [smem:$0x3FA1]  }
0x31: {  	[smem:$0x3FAA] =	sst s10  }
0x32: {  	s10 =	sld [smem:$0x3FA8];
	_ =	sdelay $0x3  }
0x33: {  	p0 =	seq.s32 s10, $0x1;
	s10 =	sld [smem:$0x3FAA];
	_ =	sdelay $0x3  }
0x34: {  	[smem:$0x3FAA] =	sst s10  }
0x35: {  	s10 =	sld [smem:$0x3FA9];
	_ =	sdelay $0x3  }
0x36: {  	p1 =	seq.s32 s10, $0x1;
	s10 =	sld [smem:$0x3FAA];
	_ =	sdelay $0x3  }
0x37: {  	[smem:$0x3FAA] =	sst s10  }
0x38: {  	s10 =	sld [smem:$0x3FAB]  }
0x39: {  	_ = 	snop;
	(pc) =	sbr.ind lr, $3  }
0x3a: {  	_ = 	snop  }
0x3b: {  	_ = 	snop  }
0x3c: {  	p2 =	seq.s32 s10, $0x1;
	s10 =	sld [smem:$0x3FAA]  }
0x3d: {  	_ =	shalt  }
0x3e: {  	_ =	shalt  }
0x3f: {  	_ =	shalt  }
0x40: {  	_ =	shalt  }
0x41: {  	_ =	shalt  }
0x42: {  	_ =	shalt  }
0x43: {  	_ =	shalt  }
0x44: {  	_ =	shalt  }
0x45: {  	_ =	shalt  }
0x46: {  	_ =	shalt  }
0x47: {  	_ =	shalt  }
0x48: {  	_ =	shalt  }
0x49: {  	_ =	shalt  }
0x4a: {  	_ =	shalt  }
0x4b: {  	_ =	shalt  }
0x4c: {  	_ =	shalt  }
0x4d: {  	_ =	shalt  }
0x4e: {  	_ =	shalt  }
0x4f: {  	_ =	shalt  }
0x50: {  	_ =	shalt  }
0x51: {  	_ =	shalt  }
0x52: {  	_ =	shalt  }
0x53: {  	_ =	shalt  }
0x54: {  	_ =	shalt  }
0x55: {  	_ =	shalt  }
0x56: {  	_ =	shalt  }
0x57: {  	_ =	shalt  }
0x58: {  	_ =	shalt  }
0x59: {  	_ =	shalt  }
0x5a: {  	_ =	shalt  }
0x5b: {  	_ =	shalt  }
0x5c: {  	_ =	shalt  }
0x5d: {  	_ =	shalt  }
0x5e: {  	_ =	shalt  }
0x5f: {  	_ =	shalt  }
0x60: {  	_ =	shalt  }
0x61: {  	_ =	shalt  }
0x62: {  	_ =	shalt  }
0x63: {  	_ =	shalt  }
0x64: {  	_ =	shalt  }
0x65: {  	_ =	shalt  }
0x66: {  	_ =	shalt  }
0x67: {  	_ =	shalt  }
0x68: {  	_ =	shalt  }
0x69: {  	_ =	shalt  }
0x6a: {  	_ =	shalt  }
0x6b: {  	_ =	shalt  }
0x6c: {  	_ =	shalt  }
0x6d: {  	_ =	shalt  }
0x6e: {  	_ =	shalt  }
0x6f: {  	_ =	shalt  }
0x70: {  	_ =	shalt  }
0x71: {  	_ =	shalt  }
0x72: {  	_ =	shalt  }
0x73: {  	_ =	shalt  }
0x74: {  	_ =	shalt  }
0x75: {  	_ =	shalt  }
0x76: {  	_ =	shalt  }
0x77: {  	_ =	shalt  }
0x78: {  	_ =	shalt  }
0x79: {  	_ =	shalt  }
0x7a: {  	_ =	shalt  }
0x7b: {  	_ =	shalt  }
0x7c: {  	_ =	shalt  }
0x7d: {  	_ =	shalt  }
0x7e: {  	_ =	shalt  }
0x7f: {  	_ =	shalt  }
0x80: {  	_ =	shalt  }
0x81: {  	_ =	shalt  }
0x82: {  	_ =	shalt  }
0x83: {  	_ =	shalt  }
0x84: {  	_ =	shalt  }
0x85: {  	_ =	shalt  }
0x86: {  	_ =	shalt  }
0x87: {  	_ =	shalt  }
.Lfunc_end0:
.L_simem_size_0:
called_computation.1_lowered:
.L_overlay_start_0:
0x88: {  	s2 =	sld [smem:$0x3FD9]  }
0x89: {  	s3 =	sld [smem:$0x3FFE];
	_ =	sdelay $0x1  }
0x8a: {  	s1 =	srdreg.scid  }
0x8b: {  	s0 =	sand.u32 $0x1, s1  }
0x8c: {  	s14 =	sshll.u32 s0, $0xA;
	s2 =	sadd.s32 s3, s2  }
0x8d: {  	s2 =	sadd.s32 s2, s14  }
0x8e: {  	[smem:$0x3FB6] =	sst s2  }
0x8f: {  	_ = 	snop  }
0x90: {  	s2 =	sld [smem:$0x3FD0];
	_ =	sdelay $0x2  }
0x91: {  	s15 =	simm.s32 $0xA;
	s4 =	simm.s32 $0x10  }
0x92: {  	[smem:s4], [sflag:s15] =	dma.local [hbm:s2], $0x1  }
0x93: {  	_ =	swait.eq [sflag:s15], $0x1  }
0x94: {  	[sflag:s15] =	ssyncset.done $0x0  }
0x95: {  	[sflag:s15] =	ssyncadd.s32 $0xFFFFFFFF  }
0x96: {  	s16 =	sld [smem:$0x10];
	(tm) =	ssettm $0x1  }
0x97: {  	s17 =	sld [smem:$0x3FFB];
	_ =	sdelay $0x3  }
0x98: {  	_ =	strace s17  }
0x99: {  	s3 =	sld [smem:$0x3FFC];
	_ =	sdelay $0x3  }
0x9a: {  	_ =	strace s3  }
0x9b: {  	s3 =	sld [smem:$0x3FFD];
	_ =	sdelay $0x3  }
0x9c: {  	_ =	strace s3  }
0x9d: {  	_ =	strace $0x8FFFFFFF  }
0x9e: {  	s18 =	sld [smem:$0x3FDB];
	_ =	sdelay $0x1  }
0x9f: {  	s19 =	simm.s32 $_scs_section_size  }
0xa0: {  	s5 =	simm.s32 $_size__tile_overlayer_lowered;
	s6 =	simm.s32 $_tile_overlayer_lowered  }
0xa1: {  	s22 =	simm.s32 $0x1BFF;
	s21 =	sshll.u32 s6, $0x1;
	s3 =	sadd.s32 s19, s18  }
0xa2: {  	s7 =	simm.s32 $0x0;
	s20 =	sshll.u32 s5, $0x1;
	s5 =	sadd.s32 s21, s3  }
0xa3: {  	[timem:s7], [sflag:s22] =	dma.local [hbm:s5], s20  }
0xa4: {  	_ =	swait.ge [sflag:s22], s20  }
0xa5: {  	s4 =	ssub.s32 $0x0, s20;
	[sflag:s22] =	ssyncset.done $0x0  }
0xa6: {  	[sflag:s22] =	ssyncadd.s32 s4;
	_ =	sdelay $0x1  }
0xa7: {  	s23 =	simm.s32 $0x1B8B  }
0xa8: {  	_ =	swait.ge [sflag:s23], $0x1  }
0xa9: {  	[sflag:s23] =	ssyncset.done $0x0  }
0xaa: {  	s25 =	simm.s32 $0x1B8E;
	s24 =	sld [smem:$0x3FFE];
	[sflag:s23] =	ssyncadd.s32 $0xFFFFFFFF  }
0xab: {  	s26 =	simm.s32 $execute0_lowered;
	[smem:$0x3FD2] =	sst s25  }
0xac: {  	s5 =	sshll.u32 s26, $0x1;
	_ =	strace $0x80000049;
	[dreg:$0x1] =	wrdreg $0xFFFFFFFF  }
0xad: {  	s28 =	simm.s32 $_size_execute0_lowered;
	s3 =	sadd.s32 s3, s5;
	[dreg:$0x0] =	wrdreg $0x0  }
0xae: {  	s5 =	sshll.u32 s28, $0x1;
	[dreg:$0x2] =	wrdreg s3  }
0xaf: {  	[dreg:$0x3] =	wrdreg s5  }
0xb0: {  	[dreg:$0x4] =	wrdreg $0xC0  }
0xb1: {  	_ =	task [dreg:s7], $0x5FFFF  }
0xb2: {  	[dreg:$0x1] =	wrdreg $0xFFFFFFFF  }
0xb3: {  	[dreg:$0x0] =	wrdreg $0x60  }
0xb4: {  	[dreg:$0x2] =	wrdreg s24  }
0xb5: {  	[dreg:$0x3] =	wrdreg s16  }
0xb6: {  	[dreg:$0x4] =	wrdreg $0x0  }
0xb7: {  	[dreg:$0x5] =	wrdreg $0x9  }
0xb8: {  	_ =	task.clear_ibuf [dreg:s7], $0x6FFFF;
	_ =	strace $0x90000049  }
0xb9: {  	s29 =	simm.s32 $0x9;
	_ =	strace $0x8000004B  }
0xba: {  	_ =	swait.ge [sflag:s29], $0x1  }
0xbb: {  	[sflag:s29] =	ssyncadd.s32 $0xFFFFFFFF  }
0xbc: {  	_ =	strace $0x9000004B  }
0xbd: {  	_ =	sfence  }
0xbe: {  	s30 =	sld [smem:$0x0];
	_ =	sdelay $0x2  }
0xbf: {  	s31 =	sshll.u32 s1, $0xD;
	s1 =	sshrl.u32 s1, $0x2  }
0xc0: {  	s3 =	sand.u32 $0x4000, s31;
	s1 =	sadd.s32 s1, s30  }
0xc1: {  	s0 =	sor.u32 s3, s0;
	s1 =	sshll.u32 s1, $0x11  }
0xc2: {  	s0 =	sor.u32 s1, s0  }
0xc3: {  	s0 =	sadd.s32 $0x8F2B, s0  }
0xc4: {  	[sflag:s0] =	ssyncadd.remote.s32 $0x1  }
0xc5: {  	_ =	sfence.sel $0xFFFF  }
0xc6: {  	[dreg:$0x0] =	wrdreg $0xFFFFFFFF;
	(pc) =	sbr.abs _section_cstart, $3  }
0xc7: {  	[dreg:$0x1] =	wrdreg $0xFFFFFFFF  }
0xc8: {  	_ =	task.clear_ibuf [dreg:s7], $0x2FFFF;
	_ =	strace $0x9FFFFFFF  }
0xc9: {  	(tm) =	ssettm $0x7FFFFFFF  }
tec
execute0_lowered:
.L_overlay_start_1:
0x0: {  	(tag) =	ssettag $0x1  }
0x1: {  	s4 =	rddreg [dreg:$0x0];
	s1 =	srdreg.scid  }
0x2: {  	s0 =	stileid.u32;
	s7 =	rddreg [dreg:$0x1]  }
0x3: {  	s2 =	rddreg [dreg:$0x2];
	s3 =	simm.s32 $0x0;
	s18 =	simm.s32 $0x1  }
0x4: {  	s19 =	simm.s32 $0x16800;
	s20 =	simm.s32 $0x16900;
	s6 =	smul.u32 $0x2710, s0  }
0x5: {  	s21 =	simm.s32 $0x16A00;
	s22 =	simm.s32 $0xC8;
	s24 =	smul.u32 $0x14000, s0  }
0x6: {  	s5 =	sand.u32 $0x1, s1;
	s1 =	rddreg [dreg:$0x3];
	s9 =	smul.u32 $0x27100, s0  }
0x7: {  	s23 =	simm.s32 $0x14000;
	[smem:$0x7FF] =	sst s3;
	s28 =	smul.u32 $0x50000, s0  }
0x8: {  	s26 =	sshll.u32 s0, $0x1;
	s29 =	sshll.u32 s0, $0x6;
	s8 =	smul.u32 $0x1388, s5  }
0x9: {  	_ =	strace $0x8000004A;
	s10 =	smul.u32 $0x140000, s5;
	s12 =	ssub.s32 $0x2, s5  }
0xa: {  	s30 =	smul.u32 $0x13880, s5;
	s25 =	sshrl.u32 s24, $0x3;
	s11 =	sadd.s32 s9, s4  }
0xb: {  	s9 =	sor.u32 s5, s26;
	s13 =	sshrl.u32 s12, $0x1;
	s5 =	sor.u32 $0x1C01, s29  }
0xc: {  	s6 =	sadd.s32 s8, s6;
	s8 =	sadd.s32 s24, s10;
	s9 =	smul.u32 $0x500, s9  }
0xd: {  	s10 =	sshrl.u32 s28, $0x2;
	s12 =	ssub.s32 s12, s13;
	s31 =	sadd.s32 s30, s11  }
0xe: {  	s24 =	simm.s32 $0x0;
	s6 =	sshrl.u32 s6, $0x3;
	s8 =	sshrl.u32 s8, $0x3  }
0xf: {  	s17 =	sadd.s32 s10, s2;
	s10 =	smax.u32 s12, $0x1;
	s11 =	sadd.s32 $0x1394E00, s31  }
0x10: {  	s16 =	sadd.s32 s6, s4;
	s6 =	sadd.s32 s25, s4;
	s8 =	sadd.s32 s8, s4  }
0x11: {  	s14 =	sadd.s32 s9, s4;
	s7 =	sadd.s32 s7, s9;
	s17 =	sshrl.u32 s17, $0x3  }
0x12: {  	s4 =	sadd.s32 $0x16A00, s6;
	s6 =	sadd.s32 $0x48A00, s8;
	s8 =	sadd.s32 $0x98A00, s8  }
0x13: {  	s9 =	sadd.s32 $0x3EA00, s14;
	s12 =	sadd.s32 $0xCA00, s16;
	s13 =	sadd.s32 $0x7A00, s16  }
0x14: {  	v0 =	vimm.f32 $0.0e+00;
	vm0 =	vmmov $0xff;
	s14 =	sadd.s32 $0x1605E00, s31;
	s15 =	sadd.s32 $0x11A00, s16;
	s16 =	sadd.s32 $0x2A00, s16  }
.LBB2_1:
0x15: {  	[spmem:s17], [sflag:s5] =	dma.local [hbm:s4], $0x2800  }
0x16: {  	_ =	swait.ge [sflag:s18], $0x2800  }
0x17: {  	[sflag:s18] =	ssyncset.done $0x0  }
0x18: {  	s25 =	simm.s32 $0x40;
	s26 =	simm.s32 $0x0;
	[sflag:s18] =	ssyncadd.s32 $0xFFFFD800  }
.LBB2_2:
0x19: {  	p0 =	sne.s32 s25, $0x9FC0;
	[tilespmem:s26+$0x14000] =	vst v0;
	s26 =	smov.u32 s25;
	s25 =	sadd.s32 $0x40, s25  }
.Ltmp0:
0x1a: {  	(pc) =	sbr.rel @p0 .LBB2_2-.Ltmp0, $2  }
0x1b: {  	_ =	sdelay $0x2  }
0x1c: {  	s26 =	sshra.s32 s26, $0x2  }
0x1d: {  	[tilespmem:s26+$0x14000] =	vst v0  }
0x1e: {  	s25 =	simm.s32 $0x0;
	s26 =	smov.u32 s11;
	[bflag:$0x0] =	sbarrier.arrive $0xFFFF  }
.LBB2_4:
0x1f: {  	s28 =	sadd.s32 s25, s13  }
0x20: {  	[tilespmem:s19], [sflag:$0x1] =	stream.linear.gather [hbm4b:s28+s3], $0xC8, $0x38;
	[tilespmem:$0x1CE00] =	vst v63  }
0x21: {  	_ =	swait.ge [sflag:s18], $0xC8  }
0x22: {  	[sflag:s18] =	ssyncset.done $0x0  }
0x23: {  	s31 =	sadd.s32 s25, s12;
	[sflag:s18] =	ssyncadd.s32 $0xFFFFFF38  }
0x24: {  	[tilespmem:s20], [sflag:$0x1] =	stream.linear.gather [hbm4b:s31+s3], $0xC8, $0x38;
	[tilespmem:$0x1CE00] =	vst v63  }
0x25: {  	_ =	swait.ge [sflag:s18], $0xC8  }
0x26: {  	[sflag:s18] =	ssyncset.done $0x0  }
0x27: {  	[sflag:s18] =	ssyncadd.s32 $0xFFFFFF38  }
0x28: {  	[tilespmem:s21], [sflag:$0x1] =	stream.linear.gather [hbm4b:s26+s3], $0x6400, $0x38;
	[tilespmem:$0x1CE00] =	vst v63  }
0x29: {  	_ =	swait.ge [sflag:s18], $0x6400  }
0x2a: {  	[sflag:s18] =	ssyncset.done $0x0  }
0x2b: {  	[sflag:s18] =	ssyncadd.s32 $0xFFFF9C00  }
0x2c: {  	[spmem:s2] =	stream.indirect.scatter.add.f32 [tilespmem:s21], [sflag:$0x1], $0x80, s19, s22, $0xb8;
	[tilespmem:$0x1CE00] =	vst v63  }
0x2d: {  	_ =	swait.ge [sflag:s18], $0x6400  }
0x2e: {  	[sflag:s18] =	ssyncset.done $0x0  }
0x2f: {  	[sflag:s18] =	ssyncadd.s32 $0xFFFF9C00  }
0x30: {  	v1 =	vld [tilespmem:$0x16800];
	_ =	sdelay $0x2  }
0x31: {  	v2 =	vld [tilespmem:$0x16900];
	_ =	sdelay $0x4  }
0x32: {  	[tilespmem:v1+s23+$0x0] =	vst.idx.add.f32.msk $0xffff, v2  }
0x33: {  	v1 =	vld [tilespmem:$0x16810];
	_ =	sdelay $0x2  }
0x34: {  	v2 =	vld [tilespmem:$0x16910];
	_ =	sdelay $0x4  }
0x35: {  	[tilespmem:v1+s23+$0x0] =	vst.idx.add.f32.msk $0xffff, v2  }
0x36: {  	v1 =	vld [tilespmem:$0x16820];
	_ =	sdelay $0x2  }
0x37: {  	v2 =	vld [tilespmem:$0x16920];
	_ =	sdelay $0x4  }
0x38: {  	[tilespmem:v1+s23+$0x0] =	vst.idx.add.f32.msk $0xffff, v2  }
0x39: {  	v1 =	vld [tilespmem:$0x16830];
	_ =	sdelay $0x2  }
0x3a: {  	v2 =	vld [tilespmem:$0x16930];
	_ =	sdelay $0x4  }
0x3b: {  	[tilespmem:v1+s23+$0x0] =	vst.idx.add.f32.msk $0xffff, v2  }
0x3c: {  	v1 =	vld [tilespmem:$0x16840];
	_ =	sdelay $0x2  }
0x3d: {  	v2 =	vld [tilespmem:$0x16940];
	_ =	sdelay $0x4  }
0x3e: {  	[tilespmem:v1+s23+$0x0] =	vst.idx.add.f32.msk $0xffff, v2  }
0x3f: {  	v1 =	vld [tilespmem:$0x16850];
	_ =	sdelay $0x2  }
0x40: {  	v2 =	vld [tilespmem:$0x16950];
	_ =	sdelay $0x4  }
0x41: {  	[tilespmem:v1+s23+$0x0] =	vst.idx.add.f32.msk $0xffff, v2  }
0x42: {  	v1 =	vld [tilespmem:$0x16860];
	_ =	sdelay $0x2  }
0x43: {  	v2 =	vld [tilespmem:$0x16960];
	_ =	sdelay $0x4  }
0x44: {  	[tilespmem:v1+s23+$0x0] =	vst.idx.add.f32.msk $0xffff, v2  }
0x45: {  	v1 =	vld [tilespmem:$0x16870];
	_ =	sdelay $0x2  }
0x46: {  	v2 =	vld [tilespmem:$0x16970];
	_ =	sdelay $0x4  }
0x47: {  	[tilespmem:v1+s23+$0x0] =	vst.idx.add.f32.msk $0xffff, v2  }
0x48: {  	v1 =	vld [tilespmem:$0x16880];
	_ =	sdelay $0x2  }
0x49: {  	v2 =	vld [tilespmem:$0x16980];
	_ =	sdelay $0x4  }
0x4a: {  	[tilespmem:v1+s23+$0x0] =	vst.idx.add.f32.msk $0xffff, v2  }
0x4b: {  	v1 =	vld [tilespmem:$0x16890];
	_ =	sdelay $0x2  }
0x4c: {  	v2 =	vld [tilespmem:$0x16990];
	_ =	sdelay $0x4  }
0x4d: {  	[tilespmem:v1+s23+$0x0] =	vst.idx.add.f32.msk $0xffff, v2  }
0x4e: {  	v1 =	vld [tilespmem:$0x168A0];
	_ =	sdelay $0x2  }
0x4f: {  	v2 =	vld [tilespmem:$0x169A0];
	_ =	sdelay $0x4  }
0x50: {  	[tilespmem:v1+s23+$0x0] =	vst.idx.add.f32.msk $0xffff, v2  }
0x51: {  	v1 =	vld [tilespmem:$0x168B0];
	_ =	sdelay $0x2  }
0x52: {  	v2 =	vld [tilespmem:$0x169B0];
	_ =	sdelay $0x4  }
0x53: {  	[tilespmem:v1+s23+$0x0] =	vst.idx.add.f32.msk $0xffff, v2  }
0x54: {  	v1 =	vld [tilespmem:$0x168C0];
	_ =	sdelay $0x3  }
0x55: {  	v2 =	vld [tilespmem:$0x169C0]  }
0x56: {  	p0 =	sne.s32 s25, $0x258;
	v1 =	vnsel vm0, $0x0, v1  }
.Ltmp1:
0x57: {  	_ = 	snop;
	(pc) =	sbr.rel @p0 .LBB2_4-.Ltmp1, $3  }
0x58: {  	_ =	sdelay $0x1  }
0x59: {  	v2 =	vnsel vm0, $0x0, v2  }
0x5a: {  	s25 =	sadd.s32 $0x19, s25;
	s26 =	sadd.s32 $0xC80, s26;
	[tilespmem:v1+s23+$0x0] =	vst.idx.add.f32.msk $0xffff, v2  }
0x5b: {  	[bflag:$0x0] =	sbarrier.arrive $0xFFFF  }
0x5c: {  	[hbm:s6], [sflag:s5] =	dma.local [spmem:s17], $0x2800  }
0x5d: {  	_ =	swait.ge [sflag:s18], $0x2800  }
0x5e: {  	[sflag:s18] =	ssyncset.done $0x0  }
0x5f: {  	s25 =	simm.s32 $0x0;
	[sflag:s18] =	ssyncadd.s32 $0xFFFFD800  }
0x60: {  	[hbm4b:s7+s25] =	stream.linear.scatter [tilespmem:s23], [sflag:$0x1], $0x2800, $0x38;
	[tilespmem:$0x1CE00] =	vst v63  }
0x61: {  	_ =	swait.ge [sflag:s18], $0x2800  }
0x62: {  	[sflag:s18] =	ssyncset.done $0x0  }
0x63: {  	[sflag:s18] =	ssyncadd.s32 $0xFFFFD800  }
0x64: {  	[bflag:$0x0] =	sbarrier.arrive $0xFFFF  }
0x65: {  	[spmem:s17], [sflag:s5] =	dma.local [hbm:s4], $0x2800  }
0x66: {  	_ =	swait.ge [sflag:s18], $0x2800  }
0x67: {  	[sflag:s18] =	ssyncset.done $0x0  }
0x68: {  	s26 =	simm.s32 $0x0;
	s25 =	simm.s32 $0x40;
	[sflag:s18] =	ssyncadd.s32 $0xFFFFD800  }
.LBB2_6:
0x69: {  	p0 =	sne.s32 s25, $0x9FC0;
	[tilespmem:s26+$0x14000] =	vst v0;
	s26 =	smov.u32 s25;
	s25 =	sadd.s32 $0x40, s25  }
.Ltmp2:
0x6a: {  	(pc) =	sbr.rel @p0 .LBB2_6-.Ltmp2, $2  }
0x6b: {  	_ =	sdelay $0x2  }
0x6c: {  	s26 =	sshra.s32 s26, $0x2  }
0x6d: {  	[tilespmem:s26+$0x14000] =	vst v0  }
0x6e: {  	s25 =	simm.s32 $0x0;
	s26 =	smov.u32 s14;
	[bflag:$0x0] =	sbarrier.arrive $0xFFFF  }
.LBB2_8:
0x6f: {  	s28 =	sadd.s32 s25, s16  }
0x70: {  	[tilespmem:s19], [sflag:$0x1] =	stream.linear.gather [hbm4b:s28+s3], $0xC8, $0x38;
	[tilespmem:$0x1CE00] =	vst v63  }
0x71: {  	_ =	swait.ge [sflag:s18], $0xC8  }
0x72: {  	[sflag:s18] =	ssyncset.done $0x0  }
0x73: {  	s31 =	sadd.s32 s25, s15;
	[sflag:s18] =	ssyncadd.s32 $0xFFFFFF38  }
0x74: {  	[tilespmem:s20], [sflag:$0x1] =	stream.linear.gather [hbm4b:s31+s3], $0xC8, $0x38;
	[tilespmem:$0x1CE00] =	vst v63  }
0x75: {  	_ =	swait.ge [sflag:s18], $0xC8  }
0x76: {  	[sflag:s18] =	ssyncset.done $0x0  }
0x77: {  	[sflag:s18] =	ssyncadd.s32 $0xFFFFFF38  }
0x78: {  	[tilespmem:s21], [sflag:$0x1] =	stream.linear.gather [hbm4b:s26+s3], $0x6400, $0x38;
	[tilespmem:$0x1CE00] =	vst v63  }
0x79: {  	_ =	swait.ge [sflag:s18], $0x6400  }
0x7a: {  	[sflag:s18] =	ssyncset.done $0x0  }
0x7b: {  	[sflag:s18] =	ssyncadd.s32 $0xFFFF9C00  }
0x7c: {  	[spmem:s2] =	stream.indirect.scatter.add.f32 [tilespmem:s21], [sflag:$0x1], $0x80, s19, s22, $0xb8;
	[tilespmem:$0x1CE00] =	vst v63  }
0x7d: {  	_ =	swait.ge [sflag:s18], $0x6400  }
0x7e: {  	[sflag:s18] =	ssyncset.done $0x0  }
0x7f: {  	[sflag:s18] =	ssyncadd.s32 $0xFFFF9C00  }
0x80: {  	v1 =	vld [tilespmem:$0x16800];
	_ =	sdelay $0x2  }
0x81: {  	v2 =	vld [tilespmem:$0x16900];
	_ =	sdelay $0x4  }
0x82: {  	[tilespmem:v1+s23+$0x0] =	vst.idx.add.f32.msk $0xffff, v2  }
0x83: {  	v1 =	vld [tilespmem:$0x16810];
	_ =	sdelay $0x2  }
0x84: {  	v2 =	vld [tilespmem:$0x16910];
	_ =	sdelay $0x4  }
0x85: {  	[tilespmem:v1+s23+$0x0] =	vst.idx.add.f32.msk $0xffff, v2  }
0x86: {  	v1 =	vld [tilespmem:$0x16820];
	_ =	sdelay $0x2  }
0x87: {  	v2 =	vld [tilespmem:$0x16920];
	_ =	sdelay $0x4  }
0x88: {  	[tilespmem:v1+s23+$0x0] =	vst.idx.add.f32.msk $0xffff, v2  }
0x89: {  	v1 =	vld [tilespmem:$0x16830];
	_ =	sdelay $0x2  }
0x8a: {  	v2 =	vld [tilespmem:$0x16930];
	_ =	sdelay $0x4  }
0x8b: {  	[tilespmem:v1+s23+$0x0] =	vst.idx.add.f32.msk $0xffff, v2  }
0x8c: {  	v1 =	vld [tilespmem:$0x16840];
	_ =	sdelay $0x2  }
0x8d: {  	v2 =	vld [tilespmem:$0x16940];
	_ =	sdelay $0x4  }
0x8e: {  	[tilespmem:v1+s23+$0x0] =	vst.idx.add.f32.msk $0xffff, v2  }
0x8f: {  	v1 =	vld [tilespmem:$0x16850];
	_ =	sdelay $0x2  }
0x90: {  	v2 =	vld [tilespmem:$0x16950];
	_ =	sdelay $0x4  }
0x91: {  	[tilespmem:v1+s23+$0x0] =	vst.idx.add.f32.msk $0xffff, v2  }
0x92: {  	v1 =	vld [tilespmem:$0x16860];
	_ =	sdelay $0x2  }
0x93: {  	v2 =	vld [tilespmem:$0x16960];
	_ =	sdelay $0x4  }
0x94: {  	[tilespmem:v1+s23+$0x0] =	vst.idx.add.f32.msk $0xffff, v2  }
0x95: {  	v1 =	vld [tilespmem:$0x16870];
	_ =	sdelay $0x2  }
0x96: {  	v2 =	vld [tilespmem:$0x16970];
	_ =	sdelay $0x4  }
0x97: {  	[tilespmem:v1+s23+$0x0] =	vst.idx.add.f32.msk $0xffff, v2  }
0x98: {  	v1 =	vld [tilespmem:$0x16880];
	_ =	sdelay $0x2  }
0x99: {  	v2 =	vld [tilespmem:$0x16980];
	_ =	sdelay $0x4  }
0x9a: {  	[tilespmem:v1+s23+$0x0] =	vst.idx.add.f32.msk $0xffff, v2  }
0x9b: {  	v1 =	vld [tilespmem:$0x16890];
	_ =	sdelay $0x2  }
0x9c: {  	v2 =	vld [tilespmem:$0x16990];
	_ =	sdelay $0x4  }
0x9d: {  	[tilespmem:v1+s23+$0x0] =	vst.idx.add.f32.msk $0xffff, v2  }
0x9e: {  	v1 =	vld [tilespmem:$0x168A0];
	_ =	sdelay $0x2  }
0x9f: {  	v2 =	vld [tilespmem:$0x169A0];
	_ =	sdelay $0x4  }
0xa0: {  	[tilespmem:v1+s23+$0x0] =	vst.idx.add.f32.msk $0xffff, v2  }
0xa1: {  	v1 =	vld [tilespmem:$0x168B0];
	_ =	sdelay $0x2  }
0xa2: {  	v2 =	vld [tilespmem:$0x169B0];
	_ =	sdelay $0x4  }
0xa3: {  	[tilespmem:v1+s23+$0x0] =	vst.idx.add.f32.msk $0xffff, v2  }
0xa4: {  	v1 =	vld [tilespmem:$0x168C0];
	_ =	sdelay $0x3  }
0xa5: {  	v2 =	vld [tilespmem:$0x169C0]  }
0xa6: {  	p0 =	sne.s32 s25, $0x258;
	v1 =	vnsel vm0, $0x0, v1  }
.Ltmp3:
0xa7: {  	_ = 	snop;
	(pc) =	sbr.rel @p0 .LBB2_8-.Ltmp3, $3  }
0xa8: {  	_ =	sdelay $0x1  }
0xa9: {  	v2 =	vnsel vm0, $0x0, v2  }
0xaa: {  	s25 =	sadd.s32 $0x19, s25;
	s26 =	sadd.s32 $0xC80, s26;
	[tilespmem:v1+s23+$0x0] =	vst.idx.add.f32.msk $0xffff, v2  }
0xab: {  	[bflag:$0x0] =	sbarrier.arrive $0xFFFF  }
0xac: {  	[hbm:s8], [sflag:s5] =	dma.local [spmem:s17], $0x2800  }
0xad: {  	_ =	swait.ge [sflag:s18], $0x2800  }
0xae: {  	s24 =	sadd.s32 $0x1, s24;
	[sflag:s18] =	ssyncset.done $0x0  }
0xaf: {  	p0 =	sne.s32 s24, s10;
	[sflag:s18] =	ssyncadd.s32 $0xFFFFD800  }
0xb0: {  	[hbm4b:s9+s3] =	stream.linear.scatter [tilespmem:s23], [sflag:$0x1], $0x2800, $0x38;
	[tilespmem:$0x1CE00] =	vst v63  }
.Ltmp4:
0xb1: {  	_ =	swait.ge [sflag:s18], $0x2800;
	(pc) =	sbr.rel @p0 .LBB2_1-.Ltmp4, $3  }
0xb2: {  	[sflag:s18] =	ssyncset.done $0x0  }
0xb3: {  	[sflag:s18] =	ssyncadd.s32 $0xFFFFD800  }
0xb4: {  	[bflag:$0x0] =	sbarrier.arrive $0xFFFF;
	_ =	sdelay $0x1  }
0xb5: {  	_ =	sfence.sel $0x180000  }
0xb6: {  	[bflag:$0x0] =	sbarrier.arrive $0xFFFF  }
0xb7: {  	p0 =	sne.s32 s0, $0x0;
	_ =	strace $0x9000004A  }
0xb8: {  	s0 =	sadd.s32 @!p0 $0x100000, s1;
	[bflag:$0x2] =	sbarrier.arrive $0xFFFF  }
0xb9: {  	[sflag:s0] =	ssyncadd.tile.s32 @!p0 $0x1;
	_ =	shalt  }
.Lfunc_end2:
_tile_overlayer_lowered:
.L_overlay_start_2:
0xba: {  	(tag) =	ssettag $0x2  }
0xbb: {  	s0 =	rddreg [dreg:$0x0];
	s2 =	stileid.u32  }
0xbc: {  	s1 =	rddreg [dreg:$0x1];
	p0 =	sne.s32 s2, $0x0  }
0xbd: {  	s3 =	rddreg [dreg:$0x2];
	[bflag:$0x3] =	sbarrier.arrive $0xFFFF;
	s2 =	simm.s32 @!p0 $0x1C01  }
0xbe: {  	[timem:s3], [sflag:s2] =	dma.local @!p0 [hbm:s0], s1  }
0xbf: {  	s0 =	simm.s32 @!p0 $0x1  }
0xc0: {  	_ =	swait.ge @!p0 [sflag:s0], s1  }
0xc1: {  	s1 =	ssub.s32 @!p0 $0x0, s1;
	[sflag:s0] =	ssyncset.done @!p0 $0x0  }
0xc2: {  	[sflag:s0] =	ssyncadd.s32 @!p0 s1  }
0xc3: {  	[bflag:$0x3] =	sbarrier.arrive $0xFFFF  }
0xc4: {  	_ =	shalt  }

// kernel: kernel.13.cloned.1.call-start
scs
__scs_entry_jumppad:
0x0: {  	(pc) =	sbr.rel $0x88, $3  }
0x1: {  	(tag) =	ssettag $0x0;
	lr =	simm.s32 $0x1  }
0x2: {  	[smem:$0x3F8F] =	sst lr;
	_ =	strace $0xD0000000  }
0x3: {  	_ = 	snop  }
0x4: {  	_ = 	snop  }
0x5: {  	_ = 	snop  }
0x6: {  	_ = 	snop  }
0x7: {  	_ = 	snop  }
__scs_overlays_trampoline_lowered:
0x8: {  	[smem:$0x3F9E] =	sst s0  }
0x9: {  	[smem:$0x3F9F] =	sst s1  }
0xa: {  	[smem:$0x3FA0] =	sst s2  }
0xb: {  	[smem:$0x3FA1] =	sst s3  }
0xc: {  	[smem:$0x3FA2] =	sst s4  }
0xd: {  	[smem:$0x3FA3] =	sst s5  }
0xe: {  	[smem:$0x3FA4] =	sst s6  }
0xf: {  	[smem:$0x3FA5] =	sst s7  }
0x10: {  	[smem:$0x3FA6] =	sst s8  }
0x11: {  	[smem:$0x3FA7] =	sst s9;
	s0 =	simm.s32 @!p0 $0x0  }
0x12: {  	s1 =	sld [smem:$0x3F8D];
	s0 =	simm.s32 @p0 $0x1  }
0x13: {  	[smem:$0x3FA8] =	sst s0;
	s0 =	simm.s32 @!p1 $0x0  }
0x14: {  	s2 =	sld [smem:$0x3F8C];
	s0 =	simm.s32 @p1 $0x1  }
0x15: {  	[smem:$0x3FA9] =	sst s0;
	s0 =	simm.s32 @!p2 $0x0  }
0x16: {  	s3 =	sld [smem:$0x3FDB];
	s0 =	simm.s32 @p2 $0x1  }
0x17: {  	s4 =	simm.s32 $0x1BF5;
	[smem:$0x3FAB] =	sst s0  }
0x18: {  	s0 =	sld [smem:$0x3F8E];
	_ =	swait.ge [sflag:s4], $0x0  }
0x19: {  	s7 =	sld [smem:$0x3F8F]  }
0x1a: {  	s8 =	sadd.s32 $0xFFFFE003, lr  }
0x1b: {  	s9 =	sadd.s32 $0xFFFFFEF7, lr;
	s5 =	simm.s32 $0xFFFFFFFF;
	p2 =	slt.u32 s8, $0xFFFFF086  }
0x1c: {  	p1 =	slt.u32 s9, $0xF7A;
	s5 =	simm.s32 @!p2 $0x0  }
0x1d: {  	s5 =	simm.s32 @p1 $0x1;
	p0 =	seq.s32 s7, s2  }
0x1e: {  	s7 =	smul.u32 @!p0 $0xF7A, s2;
	p2 =	seq.s32 @!p0 s5, $0x0  }
0x1f: {  	s9 =	smul.u32 $0xF7A, s1;
	s8 =	simm.s32 @!p0 $0x1BF5;
	p2 =	por !p2, p0  }
0x20: {  	[sflag:s8] =	ssyncset.s32 @!p0 $0xFFFFF086;
	s6 =	sadd.s32 @!p0 s3, s7;
	s7 =	simm.s32 @!p0 $0x108  }
0x21: {  	s3 =	sadd.s32 s3, s9;
	s6 =	sadd.s32 @!p0 $0x88, s6;
	s7 =	simm.s32 @p2 $0x1082  }
0x22: {  	[simem:s7], [sflag:s8] =	dma.local @!p0 [hbm:s6], $0xF7A  }
0x23: {  	s9 =	sor.u32 $0xD0000000, s2;
	s6 =	simm.s32 $0x108;
	_ =	swait.ge @!p0 [sflag:s8], $0x0  }
0x24: {  	s3 =	sadd.s32 $0x88, s3;
	s6 =	simm.s32 @!p1 $0x1082;
	[sflag:s4] =	ssyncset.s32 $0xFFFFF086  }
0x25: {  	[simem:s6], [sflag:s4] =	dma.local [hbm:s3], $0xF7A  }
0x26: {  	[smem:$0x3F8F] =	sst s1;
	(tag) =	ssettag s2;
	_ =	strace s9  }
0x27: {  	s1 =	sld [smem:$0x3F9F]  }
0x28: {  	s2 =	sld [smem:$0x3FA0]  }
0x29: {  	s4 =	sld [smem:$0x3FA2]  }
0x2a: {  	p0 =	seq.s32 s5, $0x0;
	s5 =	sld [smem:$0x3FA3]  }
0x2b: {  	s6 =	sld [smem:$0x3FA4]  }
0x2c: {  	s7 =	sld [smem:$0x3FA5]  }
0x2d: {  	s3 =	simm.s32 $0x108;
	s8 =	sld [smem:$0x3FA6]  }
0x2e: {  	s3 =	simm.s32 @!p0 $0x1082;
	s9 =	sld [smem:$0x3FA7]  }
0x2f: {  	lr =	sadd.s32 s0, s3;
	s0 =	sld [smem:$0x3F9E]  }
0x30: {  	s3 =	sld [smem:$0x3FA1]  }
0x31: {  	[smem:$0x3FAA] =	sst s10  }
0x32: {  	s10 =	sld [smem:$0x3FA8];
	_ =	sdelay $0x3  }
0x33: {  	p0 =	seq.s32 s10, $0x1;
	s10 =	sld [smem:$0x3FAA];
	_ =	sdelay $0x3  }
0x34: {  	[smem:$0x3FAA] =	sst s10  }
0x35: {  	s10 =	sld [smem:$0x3FA9];
	_ =	sdelay $0x3  }
0x36: {  	p1 =	seq.s32 s10, $0x1;
	s10 =	sld [smem:$0x3FAA];
	_ =	sdelay $0x3  }
0x37: {  	[smem:$0x3FAA] =	sst s10  }
0x38: {  	s10 =	sld [smem:$0x3FAB]  }
0x39: {  	_ = 	snop;
	(pc) =	sbr.ind lr, $3  }
0x3a: {  	_ = 	snop  }
0x3b: {  	_ = 	snop  }
0x3c: {  	p2 =	seq.s32 s10, $0x1;
	s10 =	sld [smem:$0x3FAA]  }
0x3d: {  	_ =	shalt  }
0x3e: {  	_ =	shalt  }
0x3f: {  	_ =	shalt  }
0x40: {  	_ =	shalt  }
0x41: {  	_ =	shalt  }
0x42: {  	_ =	shalt  }
0x43: {  	_ =	shalt  }
0x44: {  	_ =	shalt  }
0x45: {  	_ =	shalt  }
0x46: {  	_ =	shalt  }
0x47: {  	_ =	shalt  }
0x48: {  	_ =	shalt  }
0x49: {  	_ =	shalt  }
0x4a: {  	_ =	shalt  }
0x4b: {  	_ =	shalt  }
0x4c: {  	_ =	shalt  }
0x4d: {  	_ =	shalt  }
0x4e: {  	_ =	shalt  }
0x4f: {  	_ =	shalt  }
0x50: {  	_ =	shalt  }
0x51: {  	_ =	shalt  }
0x52: {  	_ =	shalt  }
0x53: {  	_ =	shalt  }
0x54: {  	_ =	shalt  }
0x55: {  	_ =	shalt  }
0x56: {  	_ =	shalt  }
0x57: {  	_ =	shalt  }
0x58: {  	_ =	shalt  }
0x59: {  	_ =	shalt  }
0x5a: {  	_ =	shalt  }
0x5b: {  	_ =	shalt  }
0x5c: {  	_ =	shalt  }
0x5d: {  	_ =	shalt  }
0x5e: {  	_ =	shalt  }
0x5f: {  	_ =	shalt  }
0x60: {  	_ =	shalt  }
0x61: {  	_ =	shalt  }
0x62: {  	_ =	shalt  }
0x63: {  	_ =	shalt  }
0x64: {  	_ =	shalt  }
0x65: {  	_ =	shalt  }
0x66: {  	_ =	shalt  }
0x67: {  	_ =	shalt  }
0x68: {  	_ =	shalt  }
0x69: {  	_ =	shalt  }
0x6a: {  	_ =	shalt  }
0x6b: {  	_ =	shalt  }
0x6c: {  	_ =	shalt  }
0x6d: {  	_ =	shalt  }
0x6e: {  	_ =	shalt  }
0x6f: {  	_ =	shalt  }
0x70: {  	_ =	shalt  }
0x71: {  	_ =	shalt  }
0x72: {  	_ =	shalt  }
0x73: {  	_ =	shalt  }
0x74: {  	_ =	shalt  }
0x75: {  	_ =	shalt  }
0x76: {  	_ =	shalt  }
0x77: {  	_ =	shalt  }
0x78: {  	_ =	shalt  }
0x79: {  	_ =	shalt  }
0x7a: {  	_ =	shalt  }
0x7b: {  	_ =	shalt  }
0x7c: {  	_ =	shalt  }
0x7d: {  	_ =	shalt  }
0x7e: {  	_ =	shalt  }
0x7f: {  	_ =	shalt  }
0x80: {  	_ =	shalt  }
0x81: {  	_ =	shalt  }
0x82: {  	_ =	shalt  }
0x83: {  	_ =	shalt  }
0x84: {  	_ =	shalt  }
0x85: {  	_ =	shalt  }
0x86: {  	_ =	shalt  }
0x87: {  	_ =	shalt  }
.Lfunc_end0:
.L_simem_size_0:
called_computation.2_lowered:
.L_overlay_start_0:
0x88: {  	s2 =	sld [smem:$0x3FD9]  }
0x89: {  	s3 =	sld [smem:$0x3FFE];
	_ =	sdelay $0x1  }
0x8a: {  	s1 =	srdreg.scid  }
0x8b: {  	s0 =	sand.u32 $0x1, s1  }
0x8c: {  	s14 =	sshll.u32 s0, $0xA;
	s2 =	sadd.s32 s3, s2  }
0x8d: {  	s2 =	sadd.s32 s2, s14  }
0x8e: {  	[smem:$0x3FB6] =	sst s2  }
0x8f: {  	_ = 	snop  }
0x90: {  	s2 =	sld [smem:$0x3FD0];
	_ =	sdelay $0x2  }
0x91: {  	s15 =	simm.s32 $0xA;
	s4 =	simm.s32 $0x10  }
0x92: {  	[smem:s4], [sflag:s15] =	dma.local [hbm:s2], $0x1  }
0x93: {  	_ =	swait.eq [sflag:s15], $0x1  }
0x94: {  	[sflag:s15] =	ssyncset.done $0x0  }
0x95: {  	s16 =	sld [smem:$0x11];
	[sflag:s15] =	ssyncadd.s32 $0xFFFFFFFF  }
0x96: {  	s17 =	sld [smem:$0x12];
	(tm) =	ssettm $0x1  }
0x97: {  	s18 =	sld [smem:$0x3FFB];
	_ =	sdelay $0x3  }
0x98: {  	_ =	strace s18  }
0x99: {  	s4 =	sld [smem:$0x3FFC];
	_ =	sdelay $0x3  }
0x9a: {  	_ =	strace s4  }
0x9b: {  	s4 =	sld [smem:$0x3FFD];
	_ =	sdelay $0x3  }
0x9c: {  	_ =	strace s4  }
0x9d: {  	_ =	strace $0x8FFFFFFF  }
0x9e: {  	s19 =	sld [smem:$0x3FDB];
	_ =	sdelay $0x1  }
0x9f: {  	s5 =	simm.s32 $_scs_section_size  }
0xa0: {  	s6 =	simm.s32 $_size__tile_overlayer_lowered;
	s7 =	simm.s32 $_tile_overlayer_lowered  }
0xa1: {  	s22 =	simm.s32 $0x1BFF;
	s21 =	sshll.u32 s7, $0x1;
	s4 =	sadd.s32 s5, s19  }
0xa2: {  	s8 =	simm.s32 $0x0;
	s20 =	sshll.u32 s6, $0x1;
	s6 =	sadd.s32 s21, s4  }
0xa3: {  	[timem:s8], [sflag:s22] =	dma.local [hbm:s6], s20  }
0xa4: {  	_ =	swait.ge [sflag:s22], s20  }
0xa5: {  	s5 =	ssub.s32 $0x0, s20;
	[sflag:s22] =	ssyncset.done $0x0  }
0xa6: {  	[sflag:s22] =	ssyncadd.s32 s5;
	_ =	sdelay $0x1  }
0xa7: {  	s23 =	simm.s32 $0x1B8B  }
0xa8: {  	_ =	swait.ge [sflag:s23], $0x1  }
0xa9: {  	[sflag:s23] =	ssyncset.done $0x0  }
0xaa: {  	s25 =	simm.s32 $0x1B8E;
	s24 =	sld [smem:$0x3FFE];
	[sflag:s23] =	ssyncadd.s32 $0xFFFFFFFF  }
0xab: {  	s26 =	simm.s32 $execute0_lowered;
	[smem:$0x3FD2] =	sst s25  }
0xac: {  	s6 =	sshll.u32 s26, $0x1;
	_ =	strace $0x8000004C;
	[dreg:$0x1] =	wrdreg $0xFFFFFFFF  }
0xad: {  	s28 =	simm.s32 $_size_execute0_lowered;
	s4 =	sadd.s32 s4, s6;
	[dreg:$0x0] =	wrdreg $0x0  }
0xae: {  	s6 =	sshll.u32 s28, $0x1;
	[dreg:$0x2] =	wrdreg s4  }
0xaf: {  	[dreg:$0x3] =	wrdreg s6  }
0xb0: {  	[dreg:$0x4] =	wrdreg $0xC0  }
0xb1: {  	_ =	task [dreg:s8], $0x5FFFF  }
0xb2: {  	[dreg:$0x1] =	wrdreg $0xFFFFFFFF  }
0xb3: {  	[dreg:$0x0] =	wrdreg $0x60  }
0xb4: {  	[dreg:$0x2] =	wrdreg s24  }
0xb5: {  	[dreg:$0x3] =	wrdreg s16  }
0xb6: {  	[dreg:$0x4] =	wrdreg s17  }
0xb7: {  	[dreg:$0x5] =	wrdreg $0x9  }
0xb8: {  	_ =	task.clear_ibuf [dreg:s8], $0x6FFFF;
	_ =	strace $0x9000004C  }
0xb9: {  	s29 =	simm.s32 $0x9;
	_ =	strace $0x8000004E  }
0xba: {  	_ =	swait.ge [sflag:s29], $0x1  }
0xbb: {  	[sflag:s29] =	ssyncadd.s32 $0xFFFFFFFF  }
0xbc: {  	_ =	strace $0x9000004E  }
0xbd: {  	_ =	sfence  }
0xbe: {  	s30 =	sld [smem:$0x0];
	_ =	sdelay $0x2  }
0xbf: {  	s31 =	sshll.u32 s1, $0xD;
	s1 =	sshrl.u32 s1, $0x2  }
0xc0: {  	s3 =	sand.u32 $0x4000, s31;
	s1 =	sadd.s32 s1, s30  }
0xc1: {  	s0 =	sor.u32 s3, s0;
	s1 =	sshll.u32 s1, $0x11  }
0xc2: {  	s0 =	sor.u32 s1, s0  }
0xc3: {  	s0 =	sadd.s32 $0x8F2B, s0  }
0xc4: {  	[sflag:s0] =	ssyncadd.remote.s32 $0x1  }
0xc5: {  	_ =	sfence.sel $0xFFFF  }
0xc6: {  	[dreg:$0x0] =	wrdreg $0xFFFFFFFF;
	(pc) =	sbr.abs _section_cstart, $3  }
0xc7: {  	[dreg:$0x1] =	wrdreg $0xFFFFFFFF  }
0xc8: {  	_ =	task.clear_ibuf [dreg:s8], $0x2FFFF;
	_ =	strace $0x9FFFFFFF  }
0xc9: {  	(tm) =	ssettm $0x7FFFFFFF  }
tec
execute0_lowered:
.L_overlay_start_1:
0x0: {  	(tag) =	ssettag $0x1  }
0x1: {  	s4 =	rddreg [dreg:$0x0]  }
0x2: {  	s1 =	srdreg.scid;
	s6 =	rddreg [dreg:$0x1]  }
0x3: {  	s0 =	stileid.u32;
	s9 =	rddreg [dreg:$0x2];
	s2 =	simm.s32 $0x0  }
0x4: {  	s12 =	simm.s32 $0x1;
	s13 =	simm.s32 $0x2780;
	s14 =	simm.s32 $0x4F00  }
0x5: {  	s15 =	simm.s32 $0x5000;
	s3 =	sand.u32 $0x1, s1;
	s5 =	smul.u32 $0x2710, s0  }
0x6: {  	s16 =	simm.s32 $0x5100;
	s1 =	rddreg [dreg:$0x3];
	s7 =	smul.u32 $0x1388, s3  }
0x7: {  	s17 =	simm.s32 $0x0;
	[smem:$0x7FF] =	sst s2;
	s3 =	ssub.s32 $0x2, s3  }
0x8: {  	_ =	strace $0x8000004D;
	s31 =	sshrl.u32 s3, $0x1;
	s5 =	sadd.s32 s7, s5  }
0x9: {  	s10 =	sshrl.u32 s5, $0x3;
	s5 =	ssub.s32 s3, s31;
	s3 =	sadd.s32 $0x16A00, s4  }
0xa: {  	s11 =	sadd.s32 s10, s4;
	s4 =	sadd.s32 $0x17000, s4;
	s5 =	smax.u32 s5, $0x1  }
0xb: {  	s6 =	sadd.s32 s10, s6;
	s9 =	sadd.s32 s10, s9;
	s7 =	sadd.s32 $0xCA00, s11  }
0xc: {  	vm0 =	vmmov $0xff;
	s8 =	sadd.s32 $0x7A00, s11;
	s10 =	sadd.s32 $0x11A00, s11;
	s11 =	sadd.s32 $0x2A00, s11  }
.LBB2_1:
0xd: {  	[tilespmem:s2], [sflag:$0x1] =	stream.linear.gather [hbm4b:s3+s2], $0x2780, $0x38;
	[tilespmem:$0x5200] =	vst v63  }
0xe: {  	_ =	swait.ge [sflag:s12], $0x2780  }
0xf: {  	[sflag:s12] =	ssyncset.done $0x0  }
0x10: {  	[sflag:s12] =	ssyncadd.s32 $0xFFFFD880  }
0x11: {  	[tilespmem:s13], [sflag:$0x1] =	stream.linear.gather [hbm4b:s4+s2], $0x2780, $0x38;
	[tilespmem:$0x5200] =	vst v63  }
0x12: {  	_ =	swait.ge [sflag:s12], $0x2780  }
0x13: {  	[sflag:s12] =	ssyncset.done $0x0  }
0x14: {  	s18 =	sadd.s32 $0x0, s8;
	[sflag:s12] =	ssyncadd.s32 $0xFFFFD880  }
0x15: {  	[tilespmem:s14], [sflag:$0x1] =	stream.linear.gather [hbm4b:s18+s2], $0xC8, $0x38;
	[tilespmem:$0x5200] =	vst v63  }
0x16: {  	_ =	swait.ge [sflag:s12], $0xC8  }
0x17: {  	[sflag:s12] =	ssyncset.done $0x0  }
0x18: {  	s30 =	sadd.s32 $0x0, s7;
	[sflag:s12] =	ssyncadd.s32 $0xFFFFFF38  }
0x19: {  	[tilespmem:s15], [sflag:$0x1] =	stream.linear.gather [hbm4b:s30+s2], $0xC8, $0x38;
	[tilespmem:$0x5200] =	vst v63  }
0x1a: {  	_ =	swait.ge [sflag:s12], $0xC8  }
0x1b: {  	[sflag:s12] =	ssyncset.done $0x0  }
0x1c: {  	[sflag:s12] =	ssyncadd.s32 $0xFFFFFF38  }
0x1d: {  	v0 =	vld [tilespmem:$0x4F00];
	_ =	sdelay $0x5  }
0x1e: {  	v1 =	vld [tilespmem:$0x4F10]  }
0x1f: {  	v2 =	vld [tilespmem:$0x5000]  }
0x20: {  	v0 =	vld.idx.msk [tilespmem:v0+s2+$0x0], $0xffff;
	_ =	sdelay $0x4  }
0x21: {  	v0 =	vmul.f32 v2, v0  }
0x22: {  	v40 =	vld [tilespmem:$0x4F20]  }
0x23: {  	v41 =	vld [tilespmem:$0x5010];
	[tilespmem:$0x5100] =	vst v0  }
0x24: {  	v1 =	vld.idx.msk [tilespmem:v1+s2+$0x0], $0xffff;
	_ =	sdelay $0x4  }
0x25: {  	v1 =	vmul.f32 v41, v1  }
0x26: {  	v42 =	vld [tilespmem:$0x4F30]  }
0x27: {  	v43 =	vld [tilespmem:$0x5020];
	[tilespmem:$0x5110] =	vst v1  }
0x28: {  	v0 =	vld.idx.msk [tilespmem:v40+s2+$0x0], $0xffff;
	_ =	sdelay $0x4  }
0x29: {  	v0 =	vmul.f32 v43, v0  }
0x2a: {  	v44 =	vld [tilespmem:$0x4F40]  }
0x2b: {  	v45 =	vld [tilespmem:$0x5030];
	[tilespmem:$0x5120] =	vst v0  }
0x2c: {  	v1 =	vld.idx.msk [tilespmem:v42+s2+$0x0], $0xffff;
	_ =	sdelay $0x4  }
0x2d: {  	v1 =	vmul.f32 v45, v1  }
0x2e: {  	v46 =	vld [tilespmem:$0x4F50]  }
0x2f: {  	v47 =	vld [tilespmem:$0x5040];
	[tilespmem:$0x5130] =	vst v1  }
0x30: {  	v0 =	vld.idx.msk [tilespmem:v44+s2+$0x0], $0xffff;
	_ =	sdelay $0x4  }
0x31: {  	v0 =	vmul.f32 v47, v0  }
0x32: {  	v48 =	vld [tilespmem:$0x4F60]  }
0x33: {  	v49 =	vld [tilespmem:$0x5050];
	[tilespmem:$0x5140] =	vst v0  }
0x34: {  	v1 =	vld.idx.msk [tilespmem:v46+s2+$0x0], $0xffff;
	_ =	sdelay $0x4  }
0x35: {  	v1 =	vmul.f32 v49, v1  }
0x36: {  	v50 =	vld [tilespmem:$0x5060]  }
0x37: {  	v51 =	vld [tilespmem:$0x4F70];
	[tilespmem:$0x5150] =	vst v1  }
0x38: {  	v0 =	vld.idx.msk [tilespmem:v48+s2+$0x0], $0xffff;
	_ =	sdelay $0x4  }
0x39: {  	v0 =	vmul.f32 v50, v0  }
0x3a: {  	v52 =	vld [tilespmem:$0x4F80]  }
0x3b: {  	v54 =	vld [tilespmem:$0x5070];
	[tilespmem:$0x5160] =	vst v0  }
0x3c: {  	v53 =	vld.idx.msk [tilespmem:v51+s2+$0x0], $0xffff;
	_ =	sdelay $0x4  }
0x3d: {  	v1 =	vmul.f32 v54, v53  }
0x3e: {  	v55 =	vld [tilespmem:$0x4F90]  }
0x3f: {  	v56 =	vld [tilespmem:$0x5080];
	[tilespmem:$0x5170] =	vst v1  }
0x40: {  	v0 =	vld.idx.msk [tilespmem:v52+s2+$0x0], $0xffff;
	_ =	sdelay $0x4  }
0x41: {  	v0 =	vmul.f32 v56, v0  }
0x42: {  	v57 =	vld [tilespmem:$0x4FA0]  }
0x43: {  	v58 =	vld [tilespmem:$0x5090];
	[tilespmem:$0x5180] =	vst v0  }
0x44: {  	v1 =	vld.idx.msk [tilespmem:v55+s2+$0x0], $0xffff;
	_ =	sdelay $0x4  }
0x45: {  	v1 =	vmul.f32 v58, v1  }
0x46: {  	v59 =	vld [tilespmem:$0x4FB0]  }
0x47: {  	v60 =	vld [tilespmem:$0x50A0];
	[tilespmem:$0x5190] =	vst v1  }
0x48: {  	v0 =	vld.idx.msk [tilespmem:v57+s2+$0x0], $0xffff;
	_ =	sdelay $0x4  }
0x49: {  	v0 =	vmul.f32 v60, v0  }
0x4a: {  	v61 =	vld [tilespmem:$0x4FC0]  }
0x4b: {  	v62 =	vld [tilespmem:$0x50B0];
	[tilespmem:$0x51A0] =	vst v0  }
0x4c: {  	v0 =	vld.idx.msk [tilespmem:v59+s2+$0x0], $0xffff;
	_ =	sdelay $0x2  }
0x4d: {  	v2 =	vnsel vm0, $0x0, v61;
	_ =	sdelay $0x1  }
0x4e: {  	v0 =	vmul.f32 v62, v0;
	_ =	sdelay $0x1  }
0x4f: {  	v63 =	vld [tilespmem:$0x50C0];
	[tilespmem:$0x51B0] =	vst v0  }
0x50: {  	v0 =	vld.idx.msk [tilespmem:v2+s2+$0x0], $0xffff;
	_ =	sdelay $0x4  }
0x51: {  	v0 =	vmul.f32 v63, v0;
	_ =	sdelay $0x1  }
0x52: {  	s31 =	sadd.s32 $0x0, s6;
	[tilespmem:$0x51C0] =	vst v0  }
0x53: {  	[hbm4b:s31+s2] =	stream.linear.scatter [tilespmem:s16], [sflag:$0x1], $0xC8, $0x38;
	[tilespmem:$0x5200] =	vst v63  }
0x54: {  	s19 =	simm.s32 $0x19;
	_ =	swait.ge [sflag:s12], $0xC8  }
0x55: {  	s21 =	sadd.s32 $0x19, s8;
	s20 =	simm.s32 $0x32;
	[sflag:s12] =	ssyncset.done $0x0  }
.LBB2_2:
0x56: {  	s23 =	sadd.s32 s20, s8  }
0x57: {  	s18 =	simm.s32 $0x0;
	[sflag:s12] =	ssyncadd.s32 $0xFFFFFF38;
	s22 =	smov.u32 s20  }
0x58: {  	[tilespmem:s14], [sflag:$0x1] =	stream.linear.gather [hbm4b:s21+s18], $0xC8, $0x38;
	[tilespmem:$0x5200] =	vst v63  }
0x59: {  	p0 =	sne.s32 s20, $0x258;
	s20 =	sadd.s32 $0x19, s20;
	_ =	swait.ge [sflag:s12], $0xC8  }
0x5a: {  	s21 =	smov.u32 s23;
	[sflag:s12] =	ssyncset.done $0x0  }
0x5b: {  	s23 =	sadd.s32 s19, s7;
	[sflag:s12] =	ssyncadd.s32 $0xFFFFFF38  }
0x5c: {  	[tilespmem:s15], [sflag:$0x1] =	stream.linear.gather [hbm4b:s23+s18], $0xC8, $0x38;
	[tilespmem:$0x5200] =	vst v63  }
0x5d: {  	_ =	swait.ge [sflag:s12], $0xC8  }
0x5e: {  	[sflag:s12] =	ssyncset.done $0x0  }
0x5f: {  	[sflag:s12] =	ssyncadd.s32 $0xFFFFFF38  }
0x60: {  	v1 =	vld [tilespmem:$0x4F00]  }
0x61: {  	v0 =	vld [tilespmem:$0x4FC0];
	_ =	sdelay $0x5  }
0x62: {  	v2 =	vld [tilespmem:$0x4F10]  }
0x63: {  	v1 =	vld.idx.msk [tilespmem:v1+s18+$0x0], $0xffff  }
0x64: {  	v3 =	vld [tilespmem:$0x5000];
	_ =	sdelay $0x4  }
0x65: {  	v1 =	vmul.f32 v3, v1;
	_ =	sdelay $0x1  }
0x66: {  	[tilespmem:$0x5100] =	vst v1;
	v1 =	vld [tilespmem:$0x4F20]  }
0x67: {  	v2 =	vld.idx.msk [tilespmem:v2+s18+$0x0], $0xffff  }
0x68: {  	v3 =	vld [tilespmem:$0x5010];
	_ =	sdelay $0x4  }
0x69: {  	v2 =	vmul.f32 v3, v2;
	_ =	sdelay $0x1  }
0x6a: {  	[tilespmem:$0x5110] =	vst v2;
	v2 =	vld [tilespmem:$0x4F30]  }
0x6b: {  	v1 =	vld.idx.msk [tilespmem:v1+s18+$0x0], $0xffff  }
0x6c: {  	v3 =	vld [tilespmem:$0x5020];
	_ =	sdelay $0x4  }
0x6d: {  	v1 =	vmul.f32 v3, v1;
	_ =	sdelay $0x1  }
0x6e: {  	[tilespmem:$0x5120] =	vst v1;
	v1 =	vld [tilespmem:$0x4F40]  }
0x6f: {  	v2 =	vld.idx.msk [tilespmem:v2+s18+$0x0], $0xffff  }
0x70: {  	v3 =	vld [tilespmem:$0x5030];
	_ =	sdelay $0x4  }
0x71: {  	v2 =	vmul.f32 v3, v2;
	_ =	sdelay $0x1  }
0x72: {  	[tilespmem:$0x5130] =	vst v2;
	v2 =	vld [tilespmem:$0x4F50]  }
0x73: {  	v1 =	vld.idx.msk [tilespmem:v1+s18+$0x0], $0xffff  }
0x74: {  	v3 =	vld [tilespmem:$0x5040];
	_ =	sdelay $0x4  }
0x75: {  	v1 =	vmul.f32 v3, v1;
	_ =	sdelay $0x1  }
0x76: {  	[tilespmem:$0x5140] =	vst v1;
	v1 =	vld [tilespmem:$0x4F60]  }
0x77: {  	v2 =	vld.idx.msk [tilespmem:v2+s18+$0x0], $0xffff  }
0x78: {  	v3 =	vld [tilespmem:$0x5050];
	_ =	sdelay $0x4  }
0x79: {  	v2 =	vmul.f32 v3, v2;
	_ =	sdelay $0x1  }
0x7a: {  	[tilespmem:$0x5150] =	vst v2;
	v2 =	vld [tilespmem:$0x5060]  }
0x7b: {  	v1 =	vld.idx.msk [tilespmem:v1+s18+$0x0], $0xffff  }
0x7c: {  	v3 =	vld [tilespmem:$0x4F70];
	_ =	sdelay $0x4  }
0x7d: {  	v1 =	vmul.f32 v2, v1;
	_ =	sdelay $0x1  }
0x7e: {  	[tilespmem:$0x5160] =	vst v1;
	v1 =	vld [tilespmem:$0x4F80]  }
0x7f: {  	v2 =	vld.idx.msk [tilespmem:v3+s18+$0x0], $0xffff  }
0x80: {  	v3 =	vld [tilespmem:$0x5070];
	_ =	sdelay $0x4  }
0x81: {  	v2 =	vmul.f32 v3, v2;
	_ =	sdelay $0x1  }
0x82: {  	[tilespmem:$0x5170] =	vst v2;
	v2 =	vld [tilespmem:$0x4F90]  }
0x83: {  	v1 =	vld.idx.msk [tilespmem:v1+s18+$0x0], $0xffff  }
0x84: {  	v3 =	vld [tilespmem:$0x5080];
	_ =	sdelay $0x4  }
0x85: {  	v1 =	vmul.f32 v3, v1;
	_ =	sdelay $0x1  }
0x86: {  	[tilespmem:$0x5180] =	vst v1;
	v1 =	vld [tilespmem:$0x4FA0]  }
0x87: {  	v2 =	vld.idx.msk [tilespmem:v2+s18+$0x0], $0xffff  }
0x88: {  	v3 =	vld [tilespmem:$0x5090];
	_ =	sdelay $0x4  }
0x89: {  	v2 =	vmul.f32 v3, v2;
	_ =	sdelay $0x1  }
0x8a: {  	[tilespmem:$0x5190] =	vst v2;
	v2 =	vld [tilespmem:$0x4FB0]  }
0x8b: {  	v1 =	vld.idx.msk [tilespmem:v1+s18+$0x0], $0xffff  }
0x8c: {  	v3 =	vld [tilespmem:$0x50A0];
	_ =	sdelay $0x4  }
0x8d: {  	v1 =	vmul.f32 v3, v1;
	_ =	sdelay $0x1  }
0x8e: {  	[tilespmem:$0x51A0] =	vst v1  }
0x8f: {  	v1 =	vld.idx.msk [tilespmem:v2+s18+$0x0], $0xffff  }
0x90: {  	v2 =	vld [tilespmem:$0x50B0];
	_ =	sdelay $0x2  }
0x91: {  	v0 =	vnsel vm0, $0x0, v0;
	_ =	sdelay $0x1  }
0x92: {  	v1 =	vmul.f32 v2, v1;
	_ =	sdelay $0x1  }
0x93: {  	[tilespmem:$0x51B0] =	vst v1  }
0x94: {  	v0 =	vld.idx.msk [tilespmem:v0+s18+$0x0], $0xffff  }
0x95: {  	v1 =	vld [tilespmem:$0x50C0];
	_ =	sdelay $0x4  }
0x96: {  	v0 =	vmul.f32 v1, v0  }
.Ltmp0:
0x97: {  	(pc) =	sbr.rel @p0 .LBB2_2-.Ltmp0, $4  }
0x98: {  	s23 =	sadd.s32 s19, s6;
	s19 =	smov.u32 s22;
	[tilespmem:$0x51C0] =	vst v0  }
0x99: {  	[hbm4b:s23+s18] =	stream.linear.scatter [tilespmem:s16], [sflag:$0x1], $0xC8, $0x38;
	[tilespmem:$0x5200] =	vst v63  }
0x9a: {  	_ =	swait.ge [sflag:s12], $0xC8  }
0x9b: {  	[sflag:s12] =	ssyncset.done $0x0  }
0x9c: {  	[sflag:s12] =	ssyncadd.s32 $0xFFFFFF38  }
0x9d: {  	[tilespmem:s14], [sflag:$0x1] =	stream.linear.gather [hbm4b:s21+s18], $0xC8, $0x38;
	[tilespmem:$0x5200] =	vst v63  }
0x9e: {  	_ =	swait.ge [sflag:s12], $0xC8  }
0x9f: {  	[sflag:s12] =	ssyncset.done $0x0  }
0xa0: {  	s20 =	sadd.s32 s19, s7;
	[sflag:s12] =	ssyncadd.s32 $0xFFFFFF38  }
0xa1: {  	[tilespmem:s15], [sflag:$0x1] =	stream.linear.gather [hbm4b:s20+s18], $0xC8, $0x38;
	[tilespmem:$0x5200] =	vst v63  }
0xa2: {  	_ =	swait.ge [sflag:s12], $0xC8  }
0xa3: {  	[sflag:s12] =	ssyncset.done $0x0  }
0xa4: {  	[sflag:s12] =	ssyncadd.s32 $0xFFFFFF38  }
0xa5: {  	v0 =	vld [tilespmem:$0x4F00];
	_ =	sdelay $0x5  }
0xa6: {  	v1 =	vld [tilespmem:$0x4F10]  }
0xa7: {  	v2 =	vld [tilespmem:$0x5000]  }
0xa8: {  	v0 =	vld.idx.msk [tilespmem:v0+s18+$0x0], $0xffff;
	_ =	sdelay $0x4  }
0xa9: {  	v0 =	vmul.f32 v2, v0  }
0xaa: {  	v40 =	vld [tilespmem:$0x4F20]  }
0xab: {  	v41 =	vld [tilespmem:$0x5010];
	[tilespmem:$0x5100] =	vst v0  }
0xac: {  	v1 =	vld.idx.msk [tilespmem:v1+s18+$0x0], $0xffff;
	_ =	sdelay $0x4  }
0xad: {  	v1 =	vmul.f32 v41, v1  }
0xae: {  	v42 =	vld [tilespmem:$0x4F30]  }
0xaf: {  	v43 =	vld [tilespmem:$0x5020];
	[tilespmem:$0x5110] =	vst v1  }
0xb0: {  	v0 =	vld.idx.msk [tilespmem:v40+s18+$0x0], $0xffff;
	_ =	sdelay $0x4  }
0xb1: {  	v0 =	vmul.f32 v43, v0  }
0xb2: {  	v44 =	vld [tilespmem:$0x4F40]  }
0xb3: {  	v45 =	vld [tilespmem:$0x5030];
	[tilespmem:$0x5120] =	vst v0  }
0xb4: {  	v1 =	vld.idx.msk [tilespmem:v42+s18+$0x0], $0xffff;
	_ =	sdelay $0x4  }
0xb5: {  	v1 =	vmul.f32 v45, v1  }
0xb6: {  	v46 =	vld [tilespmem:$0x4F50]  }
0xb7: {  	v47 =	vld [tilespmem:$0x5040];
	[tilespmem:$0x5130] =	vst v1  }
0xb8: {  	v0 =	vld.idx.msk [tilespmem:v44+s18+$0x0], $0xffff;
	_ =	sdelay $0x4  }
0xb9: {  	v0 =	vmul.f32 v47, v0  }
0xba: {  	v48 =	vld [tilespmem:$0x4F60]  }
0xbb: {  	v49 =	vld [tilespmem:$0x5050];
	[tilespmem:$0x5140] =	vst v0  }
0xbc: {  	v1 =	vld.idx.msk [tilespmem:v46+s18+$0x0], $0xffff;
	_ =	sdelay $0x4  }
0xbd: {  	v1 =	vmul.f32 v49, v1  }
0xbe: {  	v50 =	vld [tilespmem:$0x5060]  }
0xbf: {  	v51 =	vld [tilespmem:$0x4F70];
	[tilespmem:$0x5150] =	vst v1  }
0xc0: {  	v0 =	vld.idx.msk [tilespmem:v48+s18+$0x0], $0xffff;
	_ =	sdelay $0x4  }
0xc1: {  	v0 =	vmul.f32 v50, v0  }
0xc2: {  	v52 =	vld [tilespmem:$0x4F80]  }
0xc3: {  	v54 =	vld [tilespmem:$0x5070];
	[tilespmem:$0x5160] =	vst v0  }
0xc4: {  	v53 =	vld.idx.msk [tilespmem:v51+s18+$0x0], $0xffff;
	_ =	sdelay $0x4  }
0xc5: {  	v1 =	vmul.f32 v54, v53  }
0xc6: {  	v55 =	vld [tilespmem:$0x4F90]  }
0xc7: {  	v56 =	vld [tilespmem:$0x5080];
	[tilespmem:$0x5170] =	vst v1  }
0xc8: {  	v0 =	vld.idx.msk [tilespmem:v52+s18+$0x0], $0xffff;
	_ =	sdelay $0x4  }
0xc9: {  	v0 =	vmul.f32 v56, v0  }
0xca: {  	v57 =	vld [tilespmem:$0x4FA0]  }
0xcb: {  	v58 =	vld [tilespmem:$0x5090];
	[tilespmem:$0x5180] =	vst v0  }
0xcc: {  	v1 =	vld.idx.msk [tilespmem:v55+s18+$0x0], $0xffff;
	_ =	sdelay $0x4  }
0xcd: {  	v1 =	vmul.f32 v58, v1  }
0xce: {  	v59 =	vld [tilespmem:$0x4FB0]  }
0xcf: {  	v60 =	vld [tilespmem:$0x50A0];
	[tilespmem:$0x5190] =	vst v1  }
0xd0: {  	v0 =	vld.idx.msk [tilespmem:v57+s18+$0x0], $0xffff;
	_ =	sdelay $0x4  }
0xd1: {  	v0 =	vmul.f32 v60, v0  }
0xd2: {  	v61 =	vld [tilespmem:$0x4FC0]  }
0xd3: {  	v62 =	vld [tilespmem:$0x50B0];
	[tilespmem:$0x51A0] =	vst v0  }
0xd4: {  	v0 =	vld.idx.msk [tilespmem:v59+s18+$0x0], $0xffff;
	_ =	sdelay $0x2  }
0xd5: {  	v2 =	vnsel vm0, $0x0, v61;
	_ =	sdelay $0x1  }
0xd6: {  	v0 =	vmul.f32 v62, v0;
	_ =	sdelay $0x1  }
0xd7: {  	v63 =	vld [tilespmem:$0x50C0];
	[tilespmem:$0x51B0] =	vst v0  }
0xd8: {  	v0 =	vld.idx.msk [tilespmem:v2+s18+$0x0], $0xffff;
	_ =	sdelay $0x4  }
0xd9: {  	v0 =	vmul.f32 v63, v0  }
0xda: {  	p1 =	por $0x1, $0x1  }
.Ltmp1:
0xdb: {  	s31 =	sadd.s32 s19, s6;
	[tilespmem:$0x51C0] =	vst v0;
	(pc) =	sbr.rel @!p1 .LBB2_8-.Ltmp1, $4  }
0xdc: {  	[hbm4b:s31+s18] =	stream.linear.scatter [tilespmem:s16], [sflag:$0x1], $0xC8, $0x38;
	[tilespmem:$0x5200] =	vst v63  }
0xdd: {  	_ =	swait.ge [sflag:s12], $0xC8  }
0xde: {  	[sflag:s12] =	ssyncset.done $0x0  }
0xdf: {  	s19 =	simm.s32 $0x19;
	p0 =	por $0x0, $0x0;
	[sflag:s12] =	ssyncadd.s32 $0xFFFFFF38  }
0xe0: {  	s18 =	sadd.s32 $0x0, s11  }
0xe1: {  	[tilespmem:s14], [sflag:$0x1] =	stream.linear.gather [hbm4b:s18+s2], $0xC8, $0x38;
	[tilespmem:$0x5200] =	vst v63  }
0xe2: {  	_ =	swait.ge [sflag:s12], $0xC8  }
0xe3: {  	[sflag:s12] =	ssyncset.done $0x0  }
0xe4: {  	s30 =	sadd.s32 $0x0, s10;
	[sflag:s12] =	ssyncadd.s32 $0xFFFFFF38  }
0xe5: {  	[tilespmem:s15], [sflag:$0x1] =	stream.linear.gather [hbm4b:s30+s2], $0xC8, $0x38;
	[tilespmem:$0x5200] =	vst v63  }
0xe6: {  	_ =	swait.ge [sflag:s12], $0xC8  }
0xe7: {  	[sflag:s12] =	ssyncset.done $0x0  }
0xe8: {  	[sflag:s12] =	ssyncadd.s32 $0xFFFFFF38  }
0xe9: {  	v0 =	vld [tilespmem:$0x4F00];
	_ =	sdelay $0x5  }
0xea: {  	v1 =	vld [tilespmem:$0x4F10]  }
0xeb: {  	v2 =	vld [tilespmem:$0x5000]  }
0xec: {  	v0 =	vld.idx.msk [tilespmem:v0+s13+$0x0], $0xffff;
	_ =	sdelay $0x4  }
0xed: {  	v0 =	vmul.f32 v2, v0  }
0xee: {  	v41 =	vld [tilespmem:$0x4F20]  }
0xef: {  	v42 =	vld [tilespmem:$0x5010];
	[tilespmem:$0x5100] =	vst v0  }
0xf0: {  	v1 =	vld.idx.msk [tilespmem:v1+s13+$0x0], $0xffff;
	_ =	sdelay $0x4  }
0xf1: {  	v1 =	vmul.f32 v42, v1  }
0xf2: {  	v43 =	vld [tilespmem:$0x4F30]  }
0xf3: {  	v44 =	vld [tilespmem:$0x5020];
	[tilespmem:$0x5110] =	vst v1  }
0xf4: {  	v0 =	vld.idx.msk [tilespmem:v41+s13+$0x0], $0xffff;
	_ =	sdelay $0x4  }
0xf5: {  	v0 =	vmul.f32 v44, v0  }
0xf6: {  	v45 =	vld [tilespmem:$0x4F40]  }
0xf7: {  	v46 =	vld [tilespmem:$0x5030];
	[tilespmem:$0x5120] =	vst v0  }
0xf8: {  	v1 =	vld.idx.msk [tilespmem:v43+s13+$0x0], $0xffff;
	_ =	sdelay $0x4  }
0xf9: {  	v1 =	vmul.f32 v46, v1  }
0xfa: {  	v47 =	vld [tilespmem:$0x4F50]  }
0xfb: {  	v48 =	vld [tilespmem:$0x5040];
	[tilespmem:$0x5130] =	vst v1  }
0xfc: {  	v0 =	vld.idx.msk [tilespmem:v45+s13+$0x0], $0xffff;
	_ =	sdelay $0x4  }
0xfd: {  	v0 =	vmul.f32 v48, v0  }
0xfe: {  	v49 =	vld [tilespmem:$0x4F60]  }
0xff: {  	v50 =	vld [tilespmem:$0x5050];
	[tilespmem:$0x5140] =	vst v0  }
0x100: {  	v1 =	vld.idx.msk [tilespmem:v47+s13+$0x0], $0xffff;
	_ =	sdelay $0x4  }
0x101: {  	v1 =	vmul.f32 v50, v1  }
0x102: {  	v51 =	vld [tilespmem:$0x4F70]  }
0x103: {  	v52 =	vld [tilespmem:$0x5060];
	[tilespmem:$0x5150] =	vst v1  }
0x104: {  	v0 =	vld.idx.msk [tilespmem:v49+s13+$0x0], $0xffff;
	_ =	sdelay $0x4  }
0x105: {  	v0 =	vmul.f32 v52, v0  }
0x106: {  	v53 =	vld [tilespmem:$0x4F80]  }
0x107: {  	v54 =	vld [tilespmem:$0x5070];
	[tilespmem:$0x5160] =	vst v0  }
0x108: {  	v1 =	vld.idx.msk [tilespmem:v51+s13+$0x0], $0xffff;
	_ =	sdelay $0x4  }
0x109: {  	v1 =	vmul.f32 v54, v1  }
0x10a: {  	v55 =	vld [tilespmem:$0x4F90]  }
0x10b: {  	v56 =	vld [tilespmem:$0x5080];
	[tilespmem:$0x5170] =	vst v1  }
0x10c: {  	v0 =	vld.idx.msk [tilespmem:v53+s13+$0x0], $0xffff;
	_ =	sdelay $0x4  }
0x10d: {  	v0 =	vmul.f32 v56, v0  }
0x10e: {  	v57 =	vld [tilespmem:$0x4FA0]  }
0x10f: {  	v58 =	vld [tilespmem:$0x5090];
	[tilespmem:$0x5180] =	vst v0  }
0x110: {  	v1 =	vld.idx.msk [tilespmem:v55+s13+$0x0], $0xffff;
	_ =	sdelay $0x4  }
0x111: {  	v1 =	vmul.f32 v58, v1  }
0x112: {  	v59 =	vld [tilespmem:$0x4FB0]  }
0x113: {  	v60 =	vld [tilespmem:$0x50A0];
	[tilespmem:$0x5190] =	vst v1  }
0x114: {  	v0 =	vld.idx.msk [tilespmem:v57+s13+$0x0], $0xffff;
	_ =	sdelay $0x4  }
0x115: {  	v0 =	vmul.f32 v60, v0  }
0x116: {  	v61 =	vld [tilespmem:$0x4FC0]  }
0x117: {  	v62 =	vld [tilespmem:$0x50B0];
	[tilespmem:$0x51A0] =	vst v0  }
0x118: {  	v0 =	vld.idx.msk [tilespmem:v59+s13+$0x0], $0xffff;
	_ =	sdelay $0x2  }
0x119: {  	v2 =	vnsel vm0, $0x0, v61;
	_ =	sdelay $0x1  }
0x11a: {  	v0 =	vmul.f32 v62, v0;
	_ =	sdelay $0x1  }
0x11b: {  	v63 =	vld [tilespmem:$0x50C0];
	[tilespmem:$0x51B0] =	vst v0  }
0x11c: {  	v0 =	vld.idx.msk [tilespmem:v2+s13+$0x0], $0xffff;
	_ =	sdelay $0x4  }
0x11d: {  	p1 =	por $0x1, $0x1;
	v0 =	vmul.f32 v63, v0  }
.Ltmp2:
0x11e: {  	_ = 	snop;
	(pc) =	sbr.rel @!p1 .LBB2_5-.Ltmp2, $4  }
0x11f: {  	s31 =	sadd.s32 $0x0, s9;
	[tilespmem:$0x51C0] =	vst v0  }
0x120: {  	[hbm4b:s31+s2] =	stream.linear.scatter [tilespmem:s16], [sflag:$0x1], $0xC8, $0x38;
	[tilespmem:$0x5200] =	vst v63  }
0x121: {  	_ =	swait.ge [sflag:s12], $0xC8  }
0x122: {  	s21 =	simm.s32 $0x32;
	p0 =	por $0x1, $0x1;
	[sflag:s12] =	ssyncset.done $0x0  }
.LBB2_6:
0x123: {  	s22 =	sadd.s32 s19, s11  }
0x124: {  	[sflag:s12] =	ssyncadd.s32 $0xFFFFFF38;
	s20 =	smov.u32 s21;
	s18 =	sadd.s32 $0x19, s21  }
0x125: {  	[tilespmem:s14], [sflag:$0x1] =	stream.linear.gather [hbm4b:s22+s2], $0xC8, $0x38;
	[tilespmem:$0x5200] =	vst v63  }
0x126: {  	p1 =	sne.s32 s21, $0x258;
	_ =	swait.ge [sflag:s12], $0xC8  }
0x127: {  	[sflag:s12] =	ssyncset.done $0x0  }
0x128: {  	s21 =	sadd.s32 s19, s10;
	[sflag:s12] =	ssyncadd.s32 $0xFFFFFF38  }
0x129: {  	[tilespmem:s15], [sflag:$0x1] =	stream.linear.gather [hbm4b:s21+s2], $0xC8, $0x38;
	[tilespmem:$0x5200] =	vst v63  }
0x12a: {  	_ =	swait.ge [sflag:s12], $0xC8  }
0x12b: {  	[sflag:s12] =	ssyncset.done $0x0  }
0x12c: {  	[sflag:s12] =	ssyncadd.s32 $0xFFFFFF38  }
0x12d: {  	v1 =	vld [tilespmem:$0x4F00]  }
0x12e: {  	v0 =	vld [tilespmem:$0x4FC0];
	_ =	sdelay $0x5  }
0x12f: {  	v2 =	vld [tilespmem:$0x4F10]  }
0x130: {  	v1 =	vld.idx.msk [tilespmem:v1+s13+$0x0], $0xffff  }
0x131: {  	v3 =	vld [tilespmem:$0x5000];
	_ =	sdelay $0x4  }
0x132: {  	v1 =	vmul.f32 v3, v1;
	_ =	sdelay $0x1  }
0x133: {  	[tilespmem:$0x5100] =	vst v1;
	v1 =	vld [tilespmem:$0x4F20]  }
0x134: {  	v2 =	vld.idx.msk [tilespmem:v2+s13+$0x0], $0xffff  }
0x135: {  	v3 =	vld [tilespmem:$0x5010];
	_ =	sdelay $0x4  }
0x136: {  	v2 =	vmul.f32 v3, v2;
	_ =	sdelay $0x1  }
0x137: {  	[tilespmem:$0x5110] =	vst v2;
	v2 =	vld [tilespmem:$0x4F30]  }
0x138: {  	v1 =	vld.idx.msk [tilespmem:v1+s13+$0x0], $0xffff  }
0x139: {  	v3 =	vld [tilespmem:$0x5020];
	_ =	sdelay $0x4  }
0x13a: {  	v1 =	vmul.f32 v3, v1;
	_ =	sdelay $0x1  }
0x13b: {  	[tilespmem:$0x5120] =	vst v1;
	v1 =	vld [tilespmem:$0x4F40]  }
0x13c: {  	v2 =	vld.idx.msk [tilespmem:v2+s13+$0x0], $0xffff  }
0x13d: {  	v3 =	vld [tilespmem:$0x5030];
	_ =	sdelay $0x4  }
0x13e: {  	v2 =	vmul.f32 v3, v2;
	_ =	sdelay $0x1  }
0x13f: {  	[tilespmem:$0x5130] =	vst v2;
	v2 =	vld [tilespmem:$0x4F50]  }
0x140: {  	v1 =	vld.idx.msk [tilespmem:v1+s13+$0x0], $0xffff  }
0x141: {  	v3 =	vld [tilespmem:$0x5040];
	_ =	sdelay $0x4  }
0x142: {  	v1 =	vmul.f32 v3, v1;
	_ =	sdelay $0x1  }
0x143: {  	[tilespmem:$0x5140] =	vst v1;
	v1 =	vld [tilespmem:$0x4F60]  }
0x144: {  	v2 =	vld.idx.msk [tilespmem:v2+s13+$0x0], $0xffff  }
0x145: {  	v3 =	vld [tilespmem:$0x5050];
	_ =	sdelay $0x4  }
0x146: {  	v2 =	vmul.f32 v3, v2;
	_ =	sdelay $0x1  }
0x147: {  	[tilespmem:$0x5150] =	vst v2;
	v2 =	vld [tilespmem:$0x4F70]  }
0x148: {  	v1 =	vld.idx.msk [tilespmem:v1+s13+$0x0], $0xffff  }
0x149: {  	v3 =	vld [tilespmem:$0x5060];
	_ =	sdelay $0x4  }
0x14a: {  	v1 =	vmul.f32 v3, v1;
	_ =	sdelay $0x1  }
0x14b: {  	[tilespmem:$0x5160] =	vst v1;
	v1 =	vld [tilespmem:$0x4F80]  }
0x14c: {  	v2 =	vld.idx.msk [tilespmem:v2+s13+$0x0], $0xffff  }
0x14d: {  	v3 =	vld [tilespmem:$0x5070];
	_ =	sdelay $0x4  }
0x14e: {  	v2 =	vmul.f32 v3, v2;
	_ =	sdelay $0x1  }
0x14f: {  	[tilespmem:$0x5170] =	vst v2;
	v2 =	vld [tilespmem:$0x4F90]  }
0x150: {  	v1 =	vld.idx.msk [tilespmem:v1+s13+$0x0], $0xffff  }
0x151: {  	v3 =	vld [tilespmem:$0x5080];
	_ =	sdelay $0x4  }
0x152: {  	v1 =	vmul.f32 v3, v1;
	_ =	sdelay $0x1  }
0x153: {  	[tilespmem:$0x5180] =	vst v1;
	v1 =	vld [tilespmem:$0x4FA0]  }
0x154: {  	v2 =	vld.idx.msk [tilespmem:v2+s13+$0x0], $0xffff  }
0x155: {  	v3 =	vld [tilespmem:$0x5090];
	_ =	sdelay $0x4  }
0x156: {  	v2 =	vmul.f32 v3, v2;
	_ =	sdelay $0x1  }
0x157: {  	[tilespmem:$0x5190] =	vst v2;
	v2 =	vld [tilespmem:$0x4FB0]  }
0x158: {  	v1 =	vld.idx.msk [tilespmem:v1+s13+$0x0], $0xffff  }
0x159: {  	v3 =	vld [tilespmem:$0x50A0];
	_ =	sdelay $0x4  }
0x15a: {  	v1 =	vmul.f32 v3, v1;
	_ =	sdelay $0x1  }
0x15b: {  	[tilespmem:$0x51A0] =	vst v1  }
0x15c: {  	v1 =	vld.idx.msk [tilespmem:v2+s13+$0x0], $0xffff  }
0x15d: {  	v2 =	vld [tilespmem:$0x50B0];
	_ =	sdelay $0x2  }
0x15e: {  	v0 =	vnsel vm0, $0x0, v0;
	_ =	sdelay $0x1  }
0x15f: {  	v1 =	vmul.f32 v2, v1;
	_ =	sdelay $0x1  }
0x160: {  	[tilespmem:$0x51B0] =	vst v1  }
0x161: {  	v0 =	vld.idx.msk [tilespmem:v0+s13+$0x0], $0xffff  }
0x162: {  	v1 =	vld [tilespmem:$0x50C0];
	_ =	sdelay $0x4  }
0x163: {  	v0 =	vmul.f32 v1, v0  }
.Ltmp3:
0x164: {  	(pc) =	sbr.rel @p1 .LBB2_6-.Ltmp3, $4  }
0x165: {  	s21 =	sadd.s32 s19, s9;
	s19 =	smov.u32 s20;
	[tilespmem:$0x51C0] =	vst v0  }
0x166: {  	[hbm4b:s21+s2] =	stream.linear.scatter [tilespmem:s16], [sflag:$0x1], $0xC8, $0x38;
	[tilespmem:$0x5200] =	vst v63  }
0x167: {  	_ =	swait.ge [sflag:s12], $0xC8  }
0x168: {  	s21 =	smov.u32 s18;
	[sflag:s12] =	ssyncset.done $0x0  }
0x169: {  	s18 =	smov.u32 s19  }
.LBB2_8:
0x16a: {  	s19 =	sadd.s32 s18, s11;
	[sflag:s12] =	ssyncadd.s32 @p0 $0xFFFFFF38  }
0x16b: {  	[tilespmem:s14], [sflag:$0x1] =	stream.linear.gather [hbm4b:s19+s2], $0xC8, $0x38;
	[tilespmem:$0x5200] =	vst v63  }
0x16c: {  	_ =	swait.ge [sflag:s12], $0xC8  }
0x16d: {  	[sflag:s12] =	ssyncset.done $0x0  }
0x16e: {  	s30 =	sadd.s32 s18, s10;
	[sflag:s12] =	ssyncadd.s32 $0xFFFFFF38  }
0x16f: {  	[tilespmem:s15], [sflag:$0x1] =	stream.linear.gather [hbm4b:s30+s2], $0xC8, $0x38;
	[tilespmem:$0x5200] =	vst v63  }
0x170: {  	_ =	swait.ge [sflag:s12], $0xC8  }
0x171: {  	[sflag:s12] =	ssyncset.done $0x0  }
0x172: {  	[sflag:s12] =	ssyncadd.s32 $0xFFFFFF38  }
0x173: {  	v0 =	vld [tilespmem:$0x4F00];
	_ =	sdelay $0x5  }
0x174: {  	v1 =	vld [tilespmem:$0x4F10]  }
0x175: {  	v2 =	vld [tilespmem:$0x5000]  }
0x176: {  	v0 =	vld.idx.msk [tilespmem:v0+s13+$0x0], $0xffff;
	_ =	sdelay $0x4  }
0x177: {  	v0 =	vmul.f32 v2, v0  }
0x178: {  	v41 =	vld [tilespmem:$0x4F20]  }
0x179: {  	v42 =	vld [tilespmem:$0x5010];
	[tilespmem:$0x5100] =	vst v0  }
0x17a: {  	v1 =	vld.idx.msk [tilespmem:v1+s13+$0x0], $0xffff;
	_ =	sdelay $0x4  }
0x17b: {  	v1 =	vmul.f32 v42, v1  }
0x17c: {  	v43 =	vld [tilespmem:$0x4F30]  }
0x17d: {  	v44 =	vld [tilespmem:$0x5020];
	[tilespmem:$0x5110] =	vst v1  }
0x17e: {  	v0 =	vld.idx.msk [tilespmem:v41+s13+$0x0], $0xffff;
	_ =	sdelay $0x4  }
0x17f: {  	v0 =	vmul.f32 v44, v0  }
0x180: {  	v45 =	vld [tilespmem:$0x4F40]  }
0x181: {  	v46 =	vld [tilespmem:$0x5030];
	[tilespmem:$0x5120] =	vst v0  }
0x182: {  	v1 =	vld.idx.msk [tilespmem:v43+s13+$0x0], $0xffff;
	_ =	sdelay $0x4  }
0x183: {  	v1 =	vmul.f32 v46, v1  }
0x184: {  	v47 =	vld [tilespmem:$0x4F50]  }
0x185: {  	v48 =	vld [tilespmem:$0x5040];
	[tilespmem:$0x5130] =	vst v1  }
0x186: {  	v0 =	vld.idx.msk [tilespmem:v45+s13+$0x0], $0xffff;
	_ =	sdelay $0x4  }
0x187: {  	v0 =	vmul.f32 v48, v0  }
0x188: {  	v49 =	vld [tilespmem:$0x4F60]  }
0x189: {  	v50 =	vld [tilespmem:$0x5050];
	[tilespmem:$0x5140] =	vst v0  }
0x18a: {  	v1 =	vld.idx.msk [tilespmem:v47+s13+$0x0], $0xffff;
	_ =	sdelay $0x4  }
0x18b: {  	v1 =	vmul.f32 v50, v1  }
0x18c: {  	v51 =	vld [tilespmem:$0x4F70]  }
0x18d: {  	v52 =	vld [tilespmem:$0x5060];
	[tilespmem:$0x5150] =	vst v1  }
0x18e: {  	v0 =	vld.idx.msk [tilespmem:v49+s13+$0x0], $0xffff;
	_ =	sdelay $0x4  }
0x18f: {  	v0 =	vmul.f32 v52, v0  }
0x190: {  	v53 =	vld [tilespmem:$0x4F80]  }
0x191: {  	v54 =	vld [tilespmem:$0x5070];
	[tilespmem:$0x5160] =	vst v0  }
0x192: {  	v1 =	vld.idx.msk [tilespmem:v51+s13+$0x0], $0xffff;
	_ =	sdelay $0x4  }
0x193: {  	v1 =	vmul.f32 v54, v1  }
0x194: {  	v55 =	vld [tilespmem:$0x4F90]  }
0x195: {  	v56 =	vld [tilespmem:$0x5080];
	[tilespmem:$0x5170] =	vst v1  }
0x196: {  	v0 =	vld.idx.msk [tilespmem:v53+s13+$0x0], $0xffff;
	_ =	sdelay $0x4  }
0x197: {  	v0 =	vmul.f32 v56, v0  }
0x198: {  	v57 =	vld [tilespmem:$0x4FA0]  }
0x199: {  	v58 =	vld [tilespmem:$0x5090];
	[tilespmem:$0x5180] =	vst v0  }
0x19a: {  	v1 =	vld.idx.msk [tilespmem:v55+s13+$0x0], $0xffff;
	_ =	sdelay $0x4  }
0x19b: {  	v1 =	vmul.f32 v58, v1  }
0x19c: {  	v59 =	vld [tilespmem:$0x4FB0]  }
0x19d: {  	v60 =	vld [tilespmem:$0x50A0];
	[tilespmem:$0x5190] =	vst v1  }
0x19e: {  	v0 =	vld.idx.msk [tilespmem:v57+s13+$0x0], $0xffff;
	_ =	sdelay $0x4  }
0x19f: {  	v0 =	vmul.f32 v60, v0  }
0x1a0: {  	v61 =	vld [tilespmem:$0x4FC0]  }
0x1a1: {  	v62 =	vld [tilespmem:$0x50B0];
	[tilespmem:$0x51A0] =	vst v0  }
0x1a2: {  	v0 =	vld.idx.msk [tilespmem:v59+s13+$0x0], $0xffff;
	_ =	sdelay $0x2  }
0x1a3: {  	v2 =	vnsel vm0, $0x0, v61;
	_ =	sdelay $0x1  }
0x1a4: {  	v0 =	vmul.f32 v62, v0;
	_ =	sdelay $0x1  }
0x1a5: {  	v63 =	vld [tilespmem:$0x50C0];
	[tilespmem:$0x51B0] =	vst v0  }
0x1a6: {  	v0 =	vld.idx.msk [tilespmem:v2+s13+$0x0], $0xffff;
	_ =	sdelay $0x4  }
0x1a7: {  	v0 =	vmul.f32 v63, v0  }
0x1a8: {  	s17 =	sadd.s32 $0x1, s17  }
0x1a9: {  	s31 =	sadd.s32 s18, s9;
	p0 =	sne.s32 s17, s5;
	[tilespmem:$0x51C0] =	vst v0  }
0x1aa: {  	[hbm4b:s31+s2] =	stream.linear.scatter [tilespmem:s16], [sflag:$0x1], $0xC8, $0x38;
	[tilespmem:$0x5200] =	vst v63  }
.Ltmp4:
0x1ab: {  	_ = 	snop;
	(pc) =	sbr.rel @p0 .LBB2_1-.Ltmp4, $4  }
.Ltmp5:
0x1ac: {  	_ = 	snop;
	(pc) =	sbr.rel @!p0 .LBB2_9-.Ltmp5, $4  }
0x1ad: {  	_ =	swait.ge [sflag:s12], $0xC8  }
0x1ae: {  	[sflag:s12] =	ssyncset.done $0x0  }
0x1af: {  	[sflag:s12] =	ssyncadd.s32 $0xFFFFFF38  }
0x1b0: {  	_ = 	snop  }
.LBB2_5:
.Ltmp6:
0x1b1: {  	(pc) =	sbr.rel .LBB2_8-.Ltmp6, $2  }
0x1b2: {  	_ =	sdelay $0x2  }
0x1b3: {  	s18 =	simm.s32 $0x19  }
.LBB2_9:
0x1b4: {  	_ =	sfence.sel $0x180000  }
0x1b5: {  	[bflag:$0x0] =	sbarrier.arrive $0xFFFF  }
0x1b6: {  	p0 =	sne.s32 s0, $0x0;
	_ =	strace $0x9000004D  }
0x1b7: {  	s0 =	sadd.s32 @!p0 $0x100000, s1;
	[bflag:$0x2] =	sbarrier.arrive $0xFFFF  }
0x1b8: {  	[sflag:s0] =	ssyncadd.tile.s32 @!p0 $0x1;
	_ =	shalt  }
.Lfunc_end2:
_tile_overlayer_lowered:
.L_overlay_start_2:
0x1b9: {  	(tag) =	ssettag $0x2  }
0x1ba: {  	s0 =	rddreg [dreg:$0x0];
	s2 =	stileid.u32  }
0x1bb: {  	s1 =	rddreg [dreg:$0x1];
	p0 =	sne.s32 s2, $0x0  }
0x1bc: {  	s3 =	rddreg [dreg:$0x2];
	[bflag:$0x3] =	sbarrier.arrive $0xFFFF;
	s2 =	simm.s32 @!p0 $0x1C01  }
0x1bd: {  	[timem:s3], [sflag:s2] =	dma.local @!p0 [hbm:s0], s1  }
0x1be: {  	s0 =	simm.s32 @!p0 $0x1  }
0x1bf: {  	_ =	swait.ge @!p0 [sflag:s0], s1  }
0x1c0: {  	s1 =	ssub.s32 @!p0 $0x0, s1;
	[sflag:s0] =	ssyncset.done @!p0 $0x0  }
0x1c1: {  	[sflag:s0] =	ssyncadd.s32 @!p0 s1  }
0x1c2: {  	[bflag:$0x3] =	sbarrier.arrive $0xFFFF  }
0x1c3: {  	_ =	shalt  }

// kernel: kernel.7.cloned.1.call-start
scs
__scs_entry_jumppad:
0x0: {  	(pc) =	sbr.rel $0x88, $3  }
0x1: {  	(tag) =	ssettag $0x0;
	lr =	simm.s32 $0x1  }
0x2: {  	[smem:$0x3F8F] =	sst lr;
	_ =	strace $0xD0000000  }
0x3: {  	_ = 	snop  }
0x4: {  	_ = 	snop  }
0x5: {  	_ = 	snop  }
0x6: {  	_ = 	snop  }
0x7: {  	_ = 	snop  }
__scs_overlays_trampoline_lowered:
0x8: {  	[smem:$0x3F9E] =	sst s0  }
0x9: {  	[smem:$0x3F9F] =	sst s1  }
0xa: {  	[smem:$0x3FA0] =	sst s2  }
0xb: {  	[smem:$0x3FA1] =	sst s3  }
0xc: {  	[smem:$0x3FA2] =	sst s4  }
0xd: {  	[smem:$0x3FA3] =	sst s5  }
0xe: {  	[smem:$0x3FA4] =	sst s6  }
0xf: {  	[smem:$0x3FA5] =	sst s7  }
0x10: {  	[smem:$0x3FA6] =	sst s8  }
0x11: {  	[smem:$0x3FA7] =	sst s9;
	s0 =	simm.s32 @!p0 $0x0  }
0x12: {  	s1 =	sld [smem:$0x3F8D];
	s0 =	simm.s32 @p0 $0x1  }
0x13: {  	[smem:$0x3FA8] =	sst s0;
	s0 =	simm.s32 @!p1 $0x0  }
0x14: {  	s2 =	sld [smem:$0x3F8C];
	s0 =	simm.s32 @p1 $0x1  }
0x15: {  	[smem:$0x3FA9] =	sst s0;
	s0 =	simm.s32 @!p2 $0x0  }
0x16: {  	s3 =	sld [smem:$0x3FDB];
	s0 =	simm.s32 @p2 $0x1  }
0x17: {  	s4 =	simm.s32 $0x1BF5;
	[smem:$0x3FAB] =	sst s0  }
0x18: {  	s0 =	sld [smem:$0x3F8E];
	_ =	swait.ge [sflag:s4], $0x0  }
0x19: {  	s7 =	sld [smem:$0x3F8F]  }
0x1a: {  	s8 =	sadd.s32 $0xFFFFE003, lr  }
0x1b: {  	s9 =	sadd.s32 $0xFFFFFEF7, lr;
	s5 =	simm.s32 $0xFFFFFFFF;
	p2 =	slt.u32 s8, $0xFFFFF086  }
0x1c: {  	p1 =	slt.u32 s9, $0xF7A;
	s5 =	simm.s32 @!p2 $0x0  }
0x1d: {  	s5 =	simm.s32 @p1 $0x1;
	p0 =	seq.s32 s7, s2  }
0x1e: {  	s7 =	smul.u32 @!p0 $0xF7A, s2;
	p2 =	seq.s32 @!p0 s5, $0x0  }
0x1f: {  	s9 =	smul.u32 $0xF7A, s1;
	s8 =	simm.s32 @!p0 $0x1BF5;
	p2 =	por !p2, p0  }
0x20: {  	[sflag:s8] =	ssyncset.s32 @!p0 $0xFFFFF086;
	s6 =	sadd.s32 @!p0 s3, s7;
	s7 =	simm.s32 @!p0 $0x108  }
0x21: {  	s3 =	sadd.s32 s3, s9;
	s6 =	sadd.s32 @!p0 $0x88, s6;
	s7 =	simm.s32 @p2 $0x1082  }
0x22: {  	[simem:s7], [sflag:s8] =	dma.local @!p0 [hbm:s6], $0xF7A  }
0x23: {  	s9 =	sor.u32 $0xD0000000, s2;
	s6 =	simm.s32 $0x108;
	_ =	swait.ge @!p0 [sflag:s8], $0x0  }
0x24: {  	s3 =	sadd.s32 $0x88, s3;
	s6 =	simm.s32 @!p1 $0x1082;
	[sflag:s4] =	ssyncset.s32 $0xFFFFF086  }
0x25: {  	[simem:s6], [sflag:s4] =	dma.local [hbm:s3], $0xF7A  }
0x26: {  	[smem:$0x3F8F] =	sst s1;
	(tag) =	ssettag s2;
	_ =	strace s9  }
0x27: {  	s1 =	sld [smem:$0x3F9F]  }
0x28: {  	s2 =	sld [smem:$0x3FA0]  }
0x29: {  	s4 =	sld [smem:$0x3FA2]  }
0x2a: {  	p0 =	seq.s32 s5, $0x0;
	s5 =	sld [smem:$0x3FA3]  }
0x2b: {  	s6 =	sld [smem:$0x3FA4]  }
0x2c: {  	s7 =	sld [smem:$0x3FA5]  }
0x2d: {  	s3 =	simm.s32 $0x108;
	s8 =	sld [smem:$0x3FA6]  }
0x2e: {  	s3 =	simm.s32 @!p0 $0x1082;
	s9 =	sld [smem:$0x3FA7]  }
0x2f: {  	lr =	sadd.s32 s0, s3;
	s0 =	sld [smem:$0x3F9E]  }
0x30: {  	s3 =	sld [smem:$0x3FA1]  }
0x31: {  	[smem:$0x3FAA] =	sst s10  }
0x32: {  	s10 =	sld [smem:$0x3FA8];
	_ =	sdelay $0x3  }
0x33: {  	p0 =	seq.s32 s10, $0x1;
	s10 =	sld [smem:$0x3FAA];
	_ =	sdelay $0x3  }
0x34: {  	[smem:$0x3FAA] =	sst s10  }
0x35: {  	s10 =	sld [smem:$0x3FA9];
	_ =	sdelay $0x3  }
0x36: {  	p1 =	seq.s32 s10, $0x1;
	s10 =	sld [smem:$0x3FAA];
	_ =	sdelay $0x3  }
0x37: {  	[smem:$0x3FAA] =	sst s10  }
0x38: {  	s10 =	sld [smem:$0x3FAB]  }
0x39: {  	_ = 	snop;
	(pc) =	sbr.ind lr, $3  }
0x3a: {  	_ = 	snop  }
0x3b: {  	_ = 	snop  }
0x3c: {  	p2 =	seq.s32 s10, $0x1;
	s10 =	sld [smem:$0x3FAA]  }
0x3d: {  	_ =	shalt  }
0x3e: {  	_ =	shalt  }
0x3f: {  	_ =	shalt  }
0x40: {  	_ =	shalt  }
0x41: {  	_ =	shalt  }
0x42: {  	_ =	shalt  }
0x43: {  	_ =	shalt  }
0x44: {  	_ =	shalt  }
0x45: {  	_ =	shalt  }
0x46: {  	_ =	shalt  }
0x47: {  	_ =	shalt  }
0x48: {  	_ =	shalt  }
0x49: {  	_ =	shalt  }
0x4a: {  	_ =	shalt  }
0x4b: {  	_ =	shalt  }
0x4c: {  	_ =	shalt  }
0x4d: {  	_ =	shalt  }
0x4e: {  	_ =	shalt  }
0x4f: {  	_ =	shalt  }
0x50: {  	_ =	shalt  }
0x51: {  	_ =	shalt  }
0x52: {  	_ =	shalt  }
0x53: {  	_ =	shalt  }
0x54: {  	_ =	shalt  }
0x55: {  	_ =	shalt  }
0x56: {  	_ =	shalt  }
0x57: {  	_ =	shalt  }
0x58: {  	_ =	shalt  }
0x59: {  	_ =	shalt  }
0x5a: {  	_ =	shalt  }
0x5b: {  	_ =	shalt  }
0x5c: {  	_ =	shalt  }
0x5d: {  	_ =	shalt  }
0x5e: {  	_ =	shalt  }
0x5f: {  	_ =	shalt  }
0x60: {  	_ =	shalt  }
0x61: {  	_ =	shalt  }
0x62: {  	_ =	shalt  }
0x63: {  	_ =	shalt  }
0x64: {  	_ =	shalt  }
0x65: {  	_ =	shalt  }
0x66: {  	_ =	shalt  }
0x67: {  	_ =	shalt  }
0x68: {  	_ =	shalt  }
0x69: {  	_ =	shalt  }
0x6a: {  	_ =	shalt  }
0x6b: {  	_ =	shalt  }
0x6c: {  	_ =	shalt  }
0x6d: {  	_ =	shalt  }
0x6e: {  	_ =	shalt  }
0x6f: {  	_ =	shalt  }
0x70: {  	_ =	shalt  }
0x71: {  	_ =	shalt  }
0x72: {  	_ =	shalt  }
0x73: {  	_ =	shalt  }
0x74: {  	_ =	shalt  }
0x75: {  	_ =	shalt  }
0x76: {  	_ =	shalt  }
0x77: {  	_ =	shalt  }
0x78: {  	_ =	shalt  }
0x79: {  	_ =	shalt  }
0x7a: {  	_ =	shalt  }
0x7b: {  	_ =	shalt  }
0x7c: {  	_ =	shalt  }
0x7d: {  	_ =	shalt  }
0x7e: {  	_ =	shalt  }
0x7f: {  	_ =	shalt  }
0x80: {  	_ =	shalt  }
0x81: {  	_ =	shalt  }
0x82: {  	_ =	shalt  }
0x83: {  	_ =	shalt  }
0x84: {  	_ =	shalt  }
0x85: {  	_ =	shalt  }
0x86: {  	_ =	shalt  }
0x87: {  	_ =	shalt  }
.Lfunc_end0:
.L_simem_size_0:
called_computation_lowered:
.L_overlay_start_0:
0x88: {  	s2 =	sld [smem:$0x3FD9]  }
0x89: {  	s3 =	sld [smem:$0x3FFE];
	_ =	sdelay $0x1  }
0x8a: {  	s1 =	srdreg.scid  }
0x8b: {  	s0 =	sand.u32 $0x1, s1  }
0x8c: {  	s14 =	sshll.u32 s0, $0xA;
	s2 =	sadd.s32 s3, s2  }
0x8d: {  	s2 =	sadd.s32 s2, s14  }
0x8e: {  	[smem:$0x3FB6] =	sst s2  }
0x8f: {  	_ = 	snop  }
0x90: {  	s2 =	sld [smem:$0x3FD0];
	_ =	sdelay $0x2  }
0x91: {  	s15 =	simm.s32 $0xA;
	s4 =	simm.s32 $0x10  }
0x92: {  	[smem:s4], [sflag:s15] =	dma.local [hbm:s2], $0x1  }
0x93: {  	_ =	swait.eq [sflag:s15], $0x1  }
0x94: {  	s16 =	sld [smem:$0x10];
	[sflag:s15] =	ssyncset.done $0x0  }
0x95: {  	s17 =	sld [smem:$0x11];
	[sflag:s15] =	ssyncadd.s32 $0xFFFFFFFF  }
0x96: {  	s18 =	sld [smem:$0x12];
	(tm) =	ssettm $0x1  }
0x97: {  	s5 =	sld [smem:$0x3FFB];
	_ =	sdelay $0x3  }
0x98: {  	_ =	strace s5  }
0x99: {  	s5 =	sld [smem:$0x3FFC];
	_ =	sdelay $0x3  }
0x9a: {  	_ =	strace s5  }
0x9b: {  	s5 =	sld [smem:$0x3FFD];
	_ =	sdelay $0x3  }
0x9c: {  	_ =	strace s5  }
0x9d: {  	_ =	strace $0x8FFFFFFF  }
0x9e: {  	s19 =	sld [smem:$0x3FDB];
	_ =	sdelay $0x1  }
0x9f: {  	s6 =	simm.s32 $_scs_section_size  }
0xa0: {  	s7 =	simm.s32 $_size__tile_overlayer_lowered;
	s8 =	simm.s32 $_tile_overlayer_lowered  }
0xa1: {  	s22 =	simm.s32 $0x1BFF;
	s21 =	sshll.u32 s8, $0x1;
	s5 =	sadd.s32 s6, s19  }
0xa2: {  	s9 =	simm.s32 $0x0;
	s20 =	sshll.u32 s7, $0x1;
	s7 =	sadd.s32 s21, s5  }
0xa3: {  	[timem:s9], [sflag:s22] =	dma.local [hbm:s7], s20  }
0xa4: {  	_ =	swait.ge [sflag:s22], s20  }
0xa5: {  	s6 =	ssub.s32 $0x0, s20;
	[sflag:s22] =	ssyncset.done $0x0  }
0xa6: {  	[sflag:s22] =	ssyncadd.s32 s6;
	_ =	sdelay $0x1  }
0xa7: {  	s23 =	simm.s32 $0x1B8B  }
0xa8: {  	_ =	swait.ge [sflag:s23], $0x1  }
0xa9: {  	[sflag:s23] =	ssyncset.done $0x0  }
0xaa: {  	s25 =	simm.s32 $0x1B8E;
	s24 =	sld [smem:$0x3FFE];
	[sflag:s23] =	ssyncadd.s32 $0xFFFFFFFF  }
0xab: {  	s26 =	simm.s32 $execute0_lowered;
	[smem:$0x3FD2] =	sst s25  }
0xac: {  	s7 =	sshll.u32 s26, $0x1;
	_ =	strace $0x80000046;
	[dreg:$0x1] =	wrdreg $0xFFFFFFFF  }
0xad: {  	s28 =	simm.s32 $_size_execute0_lowered;
	s5 =	sadd.s32 s5, s7;
	[dreg:$0x0] =	wrdreg $0x0  }
0xae: {  	s7 =	sshll.u32 s28, $0x1;
	[dreg:$0x2] =	wrdreg s5  }
0xaf: {  	[dreg:$0x3] =	wrdreg s7  }
0xb0: {  	[dreg:$0x4] =	wrdreg $0xC0  }
0xb1: {  	_ =	task [dreg:s9], $0x5FFFF  }
0xb2: {  	[dreg:$0x1] =	wrdreg $0xFFFFFFFF  }
0xb3: {  	[dreg:$0x0] =	wrdreg $0x60  }
0xb4: {  	[dreg:$0x2] =	wrdreg s16  }
0xb5: {  	[dreg:$0x3] =	wrdreg s17  }
0xb6: {  	[dreg:$0x4] =	wrdreg s24  }
0xb7: {  	[dreg:$0x5] =	wrdreg s18  }
0xb8: {  	[dreg:$0x6] =	wrdreg $0x9  }
0xb9: {  	_ =	task.clear_ibuf [dreg:s9], $0x7FFFF;
	_ =	strace $0x90000046  }
0xba: {  	s29 =	simm.s32 $0x9;
	_ =	strace $0x80000048  }
0xbb: {  	_ =	swait.ge [sflag:s29], $0x1  }
0xbc: {  	[sflag:s29] =	ssyncadd.s32 $0xFFFFFFFF  }
0xbd: {  	_ =	strace $0x90000048  }
0xbe: {  	_ =	sfence  }
0xbf: {  	s30 =	sld [smem:$0x0];
	_ =	sdelay $0x2  }
0xc0: {  	s31 =	sshll.u32 s1, $0xD;
	s1 =	sshrl.u32 s1, $0x2  }
0xc1: {  	s3 =	sand.u32 $0x4000, s31;
	s1 =	sadd.s32 s1, s30  }
0xc2: {  	s0 =	sor.u32 s3, s0;
	s1 =	sshll.u32 s1, $0x11  }
0xc3: {  	s0 =	sor.u32 s1, s0  }
0xc4: {  	s0 =	sadd.s32 $0x8F2B, s0  }
0xc5: {  	[sflag:s0] =	ssyncadd.remote.s32 $0x1  }
0xc6: {  	_ =	sfence.sel $0xFFFF  }
0xc7: {  	[dreg:$0x0] =	wrdreg $0xFFFFFFFF;
	(pc) =	sbr.abs _section_cstart, $3  }
0xc8: {  	[dreg:$0x1] =	wrdreg $0xFFFFFFFF  }
0xc9: {  	_ =	task.clear_ibuf [dreg:s9], $0x2FFFF;
	_ =	strace $0x9FFFFFFF  }
0xca: {  	(tm) =	ssettm $0x7FFFFFFF  }
0xcb: {  	_ =	shalt  }
tec
execute0_lowered:
.L_overlay_start_1:
0x0: {  	(tag) =	ssettag $0x1  }
0x1: {  	s1 =	rddreg [dreg:$0x0]  }
0x2: {  	s0 =	rddreg [dreg:$0x1]  }
0x3: {  	s2 =	srdreg.scid;
	s4 =	rddreg [dreg:$0x2]  }
0x4: {  	s15 =	stileid.u32;
	s5 =	rddreg [dreg:$0x3]  }
0x5: {  	s28 =	simm.s32 $0xC8;
	s29 =	simm.s32 $0x2800;
	s30 =	simm.s32 $0xF000  }
0x6: {  	s31 =	simm.s32 $0x8C00;
	s2 =	sand.u32 $0x1, s2;
	s3 =	sshll.u32 s15, $0x1  }
0x7: {  	s9 =	sadd.s32 $0xCA00, s4;
	s11 =	sadd.s32 $0x27DA00, s4;
	s16 =	smul.u32 $0x27100, s15  }
0x8: {  	s6 =	sor.u32 s2, s3;
	s13 =	ssub.s32 $0x2, s2;
	s2 =	smul.u32 $0x13880, s2  }
0x9: {  	s12 =	sadd.s32 $0x4EEA00, s4;
	s3 =	simm.s32 $0x0;
	s7 =	smul.u32 $0x1388, s6  }
0xa: {  	[smem:$0x7FF] =	sst s3;
	s10 =	smul.u32 $0x9C400, s6;
	s14 =	sshrl.u32 s13, $0x1  }
0xb: {  	s6 =	smul.u32 $0x13880, s6;
	_ =	strace $0x80000047;
	s7 =	sshrl.u32 s7, $0x3  }
0xc: {  	s13 =	ssub.s32 s13, s14;
	s10 =	sshrl.u32 s10, $0x3;
	s0 =	sadd.s32 s0, s7  }
0xd: {  	s23 =	sadd.s32 $0x11300, s6;
	s21 =	sadd.s32 s5, s7;
	[dreg:$0x5] =	wrdreg s0  }
0xe: {  	s26 =	sadd.s32 $0x11F80, s6;
	s25 =	sadd.s32 s9, s23;
	[dreg:$0x8] =	wrdreg s21  }
0xf: {  	s6 =	simm.s32 $0x5;
	s14 =	sadd.s32 s9, s26;
	[dreg:$0xb] =	wrdreg s25  }
0x10: {  	s8 =	sadd.s32 s7, s4;
	s17 =	sadd.s32 s11, s26;
	[dreg:$0xd] =	wrdreg s14  }
0x11: {  	s10 =	sadd.s32 $0x12C00, s10;
	s18 =	sadd.s32 s12, s23;
	[dreg:$0xe] =	wrdreg s17  }
0x12: {  	s4 =	sadd.s32 $0x75FA00, s4;
	s19 =	sadd.s32 s9, s10;
	[dreg:$0xf] =	wrdreg s18  }
0x13: {  	s5 =	simm.s32 $0x3;
	s20 =	sadd.s32 s11, s10;
	[dreg:$0x6] =	wrdreg s19  }
0x14: {  	s7 =	simm.s32 $0x7;
	s22 =	sadd.s32 s12, s10;
	[dreg:$0x7] =	wrdreg s20  }
0x15: {  	s24 =	sadd.s32 s4, s10;
	s10 =	sadd.s32 s11, s23;
	[dreg:$0x9] =	wrdreg s22  }
0x16: {  	s0 =	sadd.s32 s4, s23;
	s21 =	sadd.s32 s16, s9;
	[dreg:$0xa] =	wrdreg s24  }
0x17: {  	s23 =	sadd.s32 s16, s12;
	s25 =	sadd.s32 $0x2A00, s8;
	[dreg:$0xc] =	wrdreg s10  }
0x18: {  	s9 =	simm.s32 $0x4;
	s14 =	simm.s32 $0x0;
	[dreg:$0x10] =	wrdreg s0  }
0x19: {  	s19 =	sadd.s32 s12, s26;
	s20 =	sadd.s32 s4, s26;
	s22 =	sadd.s32 s16, s11  }
0x1a: {  	s4 =	sadd.s32 s16, s4;
	s24 =	sadd.s32 $0x7A00, s8;
	[dreg:$0x14] =	wrdreg s25  }
0x1b: {  	s26 =	smax.u32 s13, $0x1;
	s21 =	sadd.s32 s2, s21;
	s23 =	sadd.s32 s2, s23  }
0x1c: {  	s25 =	simm.s32 $0x9;
	s0 =	simm.s32 $0x15400;
	[dreg:$0x11] =	wrdreg s19  }
0x1d: {  	s8 =	simm.s32 $0x2;
	s10 =	simm.s32 $0x6;
	[dreg:$0x12] =	wrdreg s20  }
0x1e: {  	s11 =	simm.s32 $0x8;
	s12 =	simm.s32 $0x12C0;
	[dreg:$0x13] =	wrdreg s24  }
0x1f: {  	s13 =	simm.s32 $0x26C0;
	[dreg:$0x15] =	wrdreg s26;
	s22 =	sadd.s32 s2, s22  }
0x20: {  	s24 =	sadd.s32 s2, s4;
	s26 =	simm.s32 $0x1400;
	s4 =	simm.s32 $0x1  }
.LBB2_1:
0x21: {  	s2 =	rddreg [dreg:$0x5]  }
0x22: {  	[tilespmem:s3], [sflag:$0x9] =	stream.linear.gather [hbm4b:s2+s3], $0x1388, $0x38;
	[tilespmem:$0x1B800] =	vst v63  }
0x23: {  	_ =	swait.ge [sflag:s25], $0x1388  }
0x24: {  	[sflag:s25] =	ssyncset.done $0x0  }
0x25: {  	s16 =	rddreg [dreg:$0x13];
	[sflag:s25] =	ssyncadd.s32 $0xFFFFEC78  }
0x26: {  	[tilespmem:s26], [sflag:$0x9] =	stream.linear.gather [hbm4b:s16+s3], $0x1388, $0x38;
	[tilespmem:$0x1B800] =	vst v63  }
0x27: {  	_ =	swait.ge [sflag:s25], $0x1388  }
0x28: {  	[sflag:s25] =	ssyncset.done $0x0  }
0x29: {  	[sflag:s25] =	ssyncadd.s32 $0xFFFFEC78  }
0x2a: {  	[tilespmem:s29], [sflag:$0x1] =	stream.indirect.gather [hbm4b:s1+s28], $0x80, s3, s28, $0xb8;
	[tilespmem:$0x1B800] =	vst v63  }
0x2b: {  	_ = 	snop  }
0x2c: {  	[tilespmem:s30], [sflag:$0x3] =	stream.indirect.gather [hbm4b:s1+s28], $0x80, s26, s28, $0xb8;
	[tilespmem:$0x1B800] =	vst v63  }
0x2d: {  	_ = 	snop  }
0x2e: {  	[tilespmem:s31], [sflag:$0x2] =	stream.indirect.gather [hbm4b:s1+s28], $0x80, s28, s28, $0xb8;
	[tilespmem:$0x1B800] =	vst v63  }
0x2f: {  	s17 =	simm.s32 $0x14C8  }
0x30: {  	[tilespmem:s0], [sflag:$0x4] =	stream.indirect.gather [hbm4b:s1+s28], $0x80, s17, s28, $0xb8;
	[tilespmem:$0x1B800] =	vst v63  }
0x31: {  	_ =	swait.ge [sflag:s4], $0x6400  }
0x32: {  	[sflag:s4] =	ssyncset.done $0x0  }
0x33: {  	[sflag:s4] =	ssyncadd.s32 $0xFFFF9C00  }
0x34: {  	_ =	swait.ge [sflag:s5], $0x6400  }
0x35: {  	[sflag:s5] =	ssyncset.done $0x0  }
0x36: {  	s15 =	sadd.s32 $0x0, s21;
	[sflag:s5] =	ssyncadd.s32 $0xFFFF9C00  }
0x37: {  	[hbm4b:s15+s3] =	stream.linear.scatter [tilespmem:s29], [sflag:$0x5], $0x6400, $0x38;
	[tilespmem:$0x1B800] =	vst v63  }
0x38: {  	s16 =	sadd.s32 $0x0, s22  }
0x39: {  	[hbm4b:s16+s3] =	stream.linear.scatter [tilespmem:s30], [sflag:$0x7], $0x6400, $0x38;
	[tilespmem:$0x1B800] =	vst v63  }
0x3a: {  	_ =	swait.ge [sflag:s6], $0x6400  }
0x3b: {  	[sflag:s6] =	ssyncset.done $0x0  }
0x3c: {  	[sflag:s6] =	ssyncadd.s32 $0xFFFF9C00  }
0x3d: {  	_ =	swait.ge [sflag:s7], $0x6400  }
0x3e: {  	[sflag:s7] =	ssyncset.done $0x0  }
0x3f: {  	s17 =	simm.s32 $0x190;
	[sflag:s7] =	ssyncadd.s32 $0xFFFF9C00  }
0x40: {  	[tilespmem:s29], [sflag:$0x1] =	stream.indirect.gather [hbm4b:s1+s28], $0x80, s17, s28, $0xb8;
	[tilespmem:$0x1B800] =	vst v63  }
0x41: {  	s18 =	simm.s32 $0x1590  }
0x42: {  	[tilespmem:s30], [sflag:$0x3] =	stream.indirect.gather [hbm4b:s1+s28], $0x80, s18, s28, $0xb8;
	[tilespmem:$0x1B800] =	vst v63  }
0x43: {  	_ =	swait.ge [sflag:s8], $0x6400  }
0x44: {  	[sflag:s8] =	ssyncset.done $0x0  }
0x45: {  	[sflag:s8] =	ssyncadd.s32 $0xFFFF9C00  }
0x46: {  	_ =	swait.ge [sflag:s9], $0x6400  }
0x47: {  	[sflag:s9] =	ssyncset.done $0x0  }
0x48: {  	s15 =	sadd.s32 $0xC80, s15;
	[sflag:s9] =	ssyncadd.s32 $0xFFFF9C00  }
0x49: {  	[hbm4b:s15+s3] =	stream.linear.scatter [tilespmem:s31], [sflag:$0x6], $0x6400, $0x38;
	[tilespmem:$0x1B800] =	vst v63  }
0x4a: {  	s19 =	sadd.s32 $0xC80, s16  }
0x4b: {  	[hbm4b:s19+s3] =	stream.linear.scatter [tilespmem:s0], [sflag:$0x8], $0x6400, $0x38;
	[tilespmem:$0x1B800] =	vst v63  }
0x4c: {  	_ =	swait.ge [sflag:s10], $0x6400  }
0x4d: {  	[sflag:s10] =	ssyncset.done $0x0  }
0x4e: {  	[sflag:s10] =	ssyncadd.s32 $0xFFFF9C00  }
0x4f: {  	s20 =	simm.s32 $0x258;
	_ =	swait.ge [sflag:s11], $0x6400  }
0x50: {  	s16 =	simm.s32 $0x1900;
	s17 =	simm.s32 $0x3E8;
	[sflag:s11] =	ssyncset.done $0x0  }
0x51: {  	s18 =	simm.s32 $0x17E8;
	s15 =	simm.s32 $0x1658;
	[sflag:s11] =	ssyncadd.s32 $0xFFFF9C00  }
0x52: {  	[tilespmem:s31], [sflag:$0x2] =	stream.indirect.gather [hbm4b:s1+s28], $0x80, s20, s28, $0xb8;
	[tilespmem:$0x1B800] =	vst v63  }
.LBB2_2:
0x53: {  	[tilespmem:s0], [sflag:$0x4] =	stream.indirect.gather [hbm4b:s1+s28], $0x80, s15, s28, $0xb8;
	[tilespmem:$0x1B800] =	vst v63  }
0x54: {  	s19 =	smov.u32 s16;
	s15 =	smov.u32 s18  }
0x55: {  	p0 =	sne.s32 s16, $0xFA00;
	s16 =	sadd.s32 $0x1900, s16;
	_ =	swait.ge [sflag:s4], $0x6400  }
0x56: {  	[sflag:s4] =	ssyncset.done $0x0  }
0x57: {  	[sflag:s4] =	ssyncadd.s32 $0xFFFF9C00  }
0x58: {  	_ =	swait.ge [sflag:s5], $0x6400  }
0x59: {  	[sflag:s5] =	ssyncset.done $0x0  }
0x5a: {  	s20 =	sadd.s32 s19, s21;
	[sflag:s5] =	ssyncadd.s32 $0xFFFF9C00  }
0x5b: {  	[hbm4b:s20+s3] =	stream.linear.scatter [tilespmem:s29], [sflag:$0x5], $0x6400, $0x38;
	[tilespmem:$0x1B800] =	vst v63  }
0x5c: {  	s19 =	sadd.s32 s19, s22  }
0x5d: {  	[hbm4b:s19+s3] =	stream.linear.scatter [tilespmem:s30], [sflag:$0x7], $0x6400, $0x38;
	[tilespmem:$0x1B800] =	vst v63  }
0x5e: {  	_ =	swait.ge [sflag:s6], $0x6400  }
0x5f: {  	[sflag:s6] =	ssyncset.done $0x0  }
0x60: {  	[sflag:s6] =	ssyncadd.s32 $0xFFFF9C00  }
0x61: {  	_ =	swait.ge [sflag:s7], $0x6400  }
0x62: {  	[sflag:s7] =	ssyncset.done $0x0  }
0x63: {  	s2 =	sadd.s32 $0xFFFFFF38, s17;
	[sflag:s7] =	ssyncadd.s32 $0xFFFF9C00  }
0x64: {  	[tilespmem:s29], [sflag:$0x1] =	stream.indirect.gather [hbm4b:s1+s28], $0x80, s2, s28, $0xb8;
	[tilespmem:$0x1B800] =	vst v63  }
0x65: {  	s2 =	sadd.s32 $0xFFFFFF38, s18  }
0x66: {  	[tilespmem:s30], [sflag:$0x3] =	stream.indirect.gather [hbm4b:s1+s28], $0x80, s2, s28, $0xb8;
	[tilespmem:$0x1B800] =	vst v63  }
0x67: {  	_ =	swait.ge [sflag:s8], $0x6400  }
0x68: {  	[sflag:s8] =	ssyncset.done $0x0  }
0x69: {  	[sflag:s8] =	ssyncadd.s32 $0xFFFF9C00  }
0x6a: {  	_ =	swait.ge [sflag:s9], $0x6400  }
0x6b: {  	[sflag:s9] =	ssyncset.done $0x0  }
0x6c: {  	s2 =	sadd.s32 $0xC80, s20;
	[sflag:s9] =	ssyncadd.s32 $0xFFFF9C00  }
0x6d: {  	[hbm4b:s2+s3] =	stream.linear.scatter [tilespmem:s31], [sflag:$0x6], $0x6400, $0x38;
	[tilespmem:$0x1B800] =	vst v63  }
0x6e: {  	s2 =	sadd.s32 $0xC80, s19  }
0x6f: {  	[hbm4b:s2+s3] =	stream.linear.scatter [tilespmem:s0], [sflag:$0x8], $0x6400, $0x38;
	[tilespmem:$0x1B800] =	vst v63  }
0x70: {  	_ =	swait.ge [sflag:s10], $0x6400  }
0x71: {  	[sflag:s10] =	ssyncset.done $0x0  }
0x72: {  	[sflag:s10] =	ssyncadd.s32 $0xFFFF9C00  }
.Ltmp0:
0x73: {  	_ =	swait.ge [sflag:s11], $0x6400;
	(pc) =	sbr.rel @p0 .LBB2_2-.Ltmp0, $4  }
0x74: {  	[sflag:s11] =	ssyncset.done $0x0  }
0x75: {  	[sflag:s11] =	ssyncadd.s32 $0xFFFF9C00  }
0x76: {  	[tilespmem:s31], [sflag:$0x2] =	stream.indirect.gather [hbm4b:s1+s28], $0x80, s17, s28, $0xb8;
	[tilespmem:$0x1B800] =	vst v63  }
0x77: {  	s18 =	sadd.s32 $0x190, s18;
	s17 =	sadd.s32 $0x190, s17  }
0x78: {  	[tilespmem:s0], [sflag:$0x4] =	stream.indirect.gather [hbm4b:s1+s28], $0x80, s15, s28, $0xb8;
	[tilespmem:$0x1B800] =	vst v63  }
0x79: {  	_ =	swait.ge [sflag:s4], $0x6400  }
0x7a: {  	[sflag:s4] =	ssyncset.done $0x0  }
0x7b: {  	[sflag:s4] =	ssyncadd.s32 $0xFFFF9C00  }
0x7c: {  	_ =	swait.ge [sflag:s5], $0x6400  }
0x7d: {  	[sflag:s5] =	ssyncset.done $0x0  }
0x7e: {  	s2 =	simm.s32 $0x0;
	s17 =	rddreg [dreg:$0xb];
	[sflag:s5] =	ssyncadd.s32 $0xFFFF9C00  }
0x7f: {  	[hbm4b:s17+s2] =	stream.linear.scatter [tilespmem:s29], [sflag:$0x5], $0x6400, $0x38;
	[tilespmem:$0x1B800] =	vst v63  }
0x80: {  	s18 =	rddreg [dreg:$0xc]  }
0x81: {  	[hbm4b:s18+s2] =	stream.linear.scatter [tilespmem:s30], [sflag:$0x7], $0x6400, $0x38;
	[tilespmem:$0x1B800] =	vst v63  }
0x82: {  	_ =	swait.ge [sflag:s6], $0x6400  }
0x83: {  	[sflag:s6] =	ssyncset.done $0x0  }
0x84: {  	[sflag:s6] =	ssyncadd.s32 $0xFFFF9C00  }
0x85: {  	_ =	swait.ge [sflag:s7], $0x6400  }
0x86: {  	[sflag:s7] =	ssyncset.done $0x0  }
0x87: {  	[sflag:s7] =	ssyncadd.s32 $0xFFFF9C00  }
0x88: {  	[tilespmem:s29], [sflag:$0x1] =	stream.indirect.gather [hbm4b:s1+s28], $0x80, s12, s28, $0xb8;
	[tilespmem:$0x1B800] =	vst v63  }
0x89: {  	_ = 	snop  }
0x8a: {  	[tilespmem:s30], [sflag:$0x3] =	stream.indirect.gather [hbm4b:s1+s28], $0x80, s13, s28, $0xb8;
	[tilespmem:$0x1B800] =	vst v63  }
0x8b: {  	_ =	swait.ge [sflag:s8], $0x6400  }
0x8c: {  	[sflag:s8] =	ssyncset.done $0x0  }
0x8d: {  	[sflag:s8] =	ssyncadd.s32 $0xFFFF9C00  }
0x8e: {  	_ =	swait.ge [sflag:s9], $0x6400  }
0x8f: {  	[sflag:s9] =	ssyncset.done $0x0  }
0x90: {  	s19 =	rddreg [dreg:$0xd];
	[sflag:s9] =	ssyncadd.s32 $0xFFFF9C00  }
0x91: {  	[hbm4b:s19+s2] =	stream.linear.scatter [tilespmem:s31], [sflag:$0x6], $0x6400, $0x38;
	[tilespmem:$0x1B800] =	vst v63  }
0x92: {  	s20 =	rddreg [dreg:$0xe]  }
0x93: {  	[hbm4b:s20+s2] =	stream.linear.scatter [tilespmem:s0], [sflag:$0x8], $0x6400, $0x38;
	[tilespmem:$0x1B800] =	vst v63  }
0x94: {  	_ =	swait.ge [sflag:s10], $0x6400  }
0x95: {  	[sflag:s10] =	ssyncset.done $0x0  }
0x96: {  	[sflag:s10] =	ssyncadd.s32 $0xFFFF9C00  }
0x97: {  	_ =	swait.ge [sflag:s11], $0x6400  }
0x98: {  	[sflag:s11] =	ssyncset.done $0x0  }
0x99: {  	[sflag:s11] =	ssyncadd.s32 $0xFFFF9C00  }
0x9a: {  	_ =	swait.ge [sflag:s4], $0x6400  }
0x9b: {  	[sflag:s4] =	ssyncset.done $0x0  }
0x9c: {  	[sflag:s4] =	ssyncadd.s32 $0xFFFF9C00  }
0x9d: {  	_ =	swait.ge [sflag:s5], $0x6400  }
0x9e: {  	[sflag:s5] =	ssyncset.done $0x0  }
0x9f: {  	s16 =	rddreg [dreg:$0x6];
	[sflag:s5] =	ssyncadd.s32 $0xFFFF9C00  }
0xa0: {  	[hbm4b:s16+s2] =	stream.linear.scatter [tilespmem:s29], [sflag:$0x5], $0x6400, $0x38;
	[tilespmem:$0x1B800] =	vst v63  }
0xa1: {  	s17 =	rddreg [dreg:$0x7]  }
0xa2: {  	[hbm4b:s17+s2] =	stream.linear.scatter [tilespmem:s30], [sflag:$0x7], $0x6400, $0x38;
	[tilespmem:$0x1B800] =	vst v63  }
0xa3: {  	_ =	swait.ge [sflag:s6], $0x6400  }
0xa4: {  	[sflag:s6] =	ssyncset.done $0x0  }
0xa5: {  	[sflag:s6] =	ssyncadd.s32 $0xFFFF9C00  }
0xa6: {  	_ =	swait.ge [sflag:s7], $0x6400  }
0xa7: {  	[sflag:s7] =	ssyncset.done $0x0  }
0xa8: {  	s18 =	rddreg [dreg:$0x8];
	[sflag:s7] =	ssyncadd.s32 $0xFFFF9C00  }
0xa9: {  	[tilespmem:s2], [sflag:$0x9] =	stream.linear.gather [hbm4b:s18+s2], $0x1388, $0x38;
	[tilespmem:$0x1B800] =	vst v63  }
0xaa: {  	_ =	swait.ge [sflag:s25], $0x1388  }
0xab: {  	[sflag:s25] =	ssyncset.done $0x0  }
0xac: {  	s19 =	rddreg [dreg:$0x14];
	[sflag:s25] =	ssyncadd.s32 $0xFFFFEC78  }
0xad: {  	[tilespmem:s26], [sflag:$0x9] =	stream.linear.gather [hbm4b:s19+s2], $0x1388, $0x38;
	[tilespmem:$0x1B800] =	vst v63  }
0xae: {  	_ =	swait.ge [sflag:s25], $0x1388  }
0xaf: {  	[sflag:s25] =	ssyncset.done $0x0  }
0xb0: {  	[sflag:s25] =	ssyncadd.s32 $0xFFFFEC78  }
0xb1: {  	[tilespmem:s29], [sflag:$0x1] =	stream.indirect.gather [hbm4b:s1+s28], $0x80, s2, s28, $0xb8;
	[tilespmem:$0x1B800] =	vst v63  }
0xb2: {  	_ = 	snop  }
0xb3: {  	[tilespmem:s30], [sflag:$0x3] =	stream.indirect.gather [hbm4b:s1+s28], $0x80, s26, s28, $0xb8;
	[tilespmem:$0x1B800] =	vst v63  }
0xb4: {  	_ = 	snop  }
0xb5: {  	[tilespmem:s31], [sflag:$0x2] =	stream.indirect.gather [hbm4b:s1+s28], $0x80, s28, s28, $0xb8;
	[tilespmem:$0x1B800] =	vst v63  }
0xb6: {  	s20 =	simm.s32 $0x14C8  }
0xb7: {  	[tilespmem:s0], [sflag:$0x4] =	stream.indirect.gather [hbm4b:s1+s28], $0x80, s20, s28, $0xb8;
	[tilespmem:$0x1B800] =	vst v63  }
0xb8: {  	_ =	swait.ge [sflag:s4], $0x6400  }
0xb9: {  	[sflag:s4] =	ssyncset.done $0x0  }
0xba: {  	[sflag:s4] =	ssyncadd.s32 $0xFFFF9C00  }
0xbb: {  	_ =	swait.ge [sflag:s5], $0x6400  }
0xbc: {  	[sflag:s5] =	ssyncset.done $0x0  }
0xbd: {  	s15 =	sadd.s32 $0x0, s23;
	[sflag:s5] =	ssyncadd.s32 $0xFFFF9C00  }
0xbe: {  	[hbm4b:s15+s3] =	stream.linear.scatter [tilespmem:s29], [sflag:$0x5], $0x6400, $0x38;
	[tilespmem:$0x1B800] =	vst v63  }
0xbf: {  	s17 =	sadd.s32 $0x0, s24  }
0xc0: {  	[hbm4b:s17+s3] =	stream.linear.scatter [tilespmem:s30], [sflag:$0x7], $0x6400, $0x38;
	[tilespmem:$0x1B800] =	vst v63  }
0xc1: {  	_ =	swait.ge [sflag:s6], $0x6400  }
0xc2: {  	[sflag:s6] =	ssyncset.done $0x0  }
0xc3: {  	[sflag:s6] =	ssyncadd.s32 $0xFFFF9C00  }
0xc4: {  	_ =	swait.ge [sflag:s7], $0x6400  }
0xc5: {  	[sflag:s7] =	ssyncset.done $0x0  }
0xc6: {  	s16 =	simm.s32 $0x190;
	[sflag:s7] =	ssyncadd.s32 $0xFFFF9C00  }
0xc7: {  	[tilespmem:s29], [sflag:$0x1] =	stream.indirect.gather [hbm4b:s1+s28], $0x80, s16, s28, $0xb8;
	[tilespmem:$0x1B800] =	vst v63  }
0xc8: {  	s18 =	simm.s32 $0x1590  }
0xc9: {  	[tilespmem:s30], [sflag:$0x3] =	stream.indirect.gather [hbm4b:s1+s28], $0x80, s18, s28, $0xb8;
	[tilespmem:$0x1B800] =	vst v63  }
0xca: {  	_ =	swait.ge [sflag:s8], $0x6400  }
0xcb: {  	[sflag:s8] =	ssyncset.done $0x0  }
0xcc: {  	[sflag:s8] =	ssyncadd.s32 $0xFFFF9C00  }
0xcd: {  	_ =	swait.ge [sflag:s9], $0x6400  }
0xce: {  	[sflag:s9] =	ssyncset.done $0x0  }
0xcf: {  	s2 =	sadd.s32 $0xC80, s15;
	[sflag:s9] =	ssyncadd.s32 $0xFFFF9C00  }
0xd0: {  	[hbm4b:s2+s3] =	stream.linear.scatter [tilespmem:s31], [sflag:$0x6], $0x6400, $0x38;
	[tilespmem:$0x1B800] =	vst v63  }
0xd1: {  	s19 =	sadd.s32 $0xC80, s17  }
0xd2: {  	[hbm4b:s19+s3] =	stream.linear.scatter [tilespmem:s0], [sflag:$0x8], $0x6400, $0x38;
	[tilespmem:$0x1B800] =	vst v63  }
0xd3: {  	_ =	swait.ge [sflag:s10], $0x6400  }
0xd4: {  	[sflag:s10] =	ssyncset.done $0x0  }
0xd5: {  	[sflag:s10] =	ssyncadd.s32 $0xFFFF9C00  }
0xd6: {  	s20 =	simm.s32 $0x258;
	_ =	swait.ge [sflag:s11], $0x6400  }
0xd7: {  	s15 =	simm.s32 $0x1658;
	s17 =	simm.s32 $0x3E8;
	[sflag:s11] =	ssyncset.done $0x0  }
0xd8: {  	s16 =	simm.s32 $0x1900;
	s18 =	simm.s32 $0x17E8;
	[sflag:s11] =	ssyncadd.s32 $0xFFFF9C00  }
0xd9: {  	[tilespmem:s31], [sflag:$0x2] =	stream.indirect.gather [hbm4b:s1+s28], $0x80, s20, s28, $0xb8;
	[tilespmem:$0x1B800] =	vst v63  }
.LBB2_4:
0xda: {  	[tilespmem:s0], [sflag:$0x4] =	stream.indirect.gather [hbm4b:s1+s28], $0x80, s15, s28, $0xb8;
	[tilespmem:$0x1B800] =	vst v63  }
0xdb: {  	s2 =	smov.u32 s16;
	s15 =	smov.u32 s18  }
0xdc: {  	p0 =	sne.s32 s16, $0xFA00;
	s16 =	sadd.s32 $0x1900, s16;
	_ =	swait.ge [sflag:s4], $0x6400  }
0xdd: {  	[sflag:s4] =	ssyncset.done $0x0  }
0xde: {  	[sflag:s4] =	ssyncadd.s32 $0xFFFF9C00  }
0xdf: {  	_ =	swait.ge [sflag:s5], $0x6400  }
0xe0: {  	[sflag:s5] =	ssyncset.done $0x0  }
0xe1: {  	s19 =	sadd.s32 s2, s23;
	[sflag:s5] =	ssyncadd.s32 $0xFFFF9C00  }
0xe2: {  	[hbm4b:s19+s3] =	stream.linear.scatter [tilespmem:s29], [sflag:$0x5], $0x6400, $0x38;
	[tilespmem:$0x1B800] =	vst v63  }
0xe3: {  	s2 =	sadd.s32 s2, s24  }
0xe4: {  	[hbm4b:s2+s3] =	stream.linear.scatter [tilespmem:s30], [sflag:$0x7], $0x6400, $0x38;
	[tilespmem:$0x1B800] =	vst v63  }
0xe5: {  	_ =	swait.ge [sflag:s6], $0x6400  }
0xe6: {  	[sflag:s6] =	ssyncset.done $0x0  }
0xe7: {  	[sflag:s6] =	ssyncadd.s32 $0xFFFF9C00  }
0xe8: {  	_ =	swait.ge [sflag:s7], $0x6400  }
0xe9: {  	[sflag:s7] =	ssyncset.done $0x0  }
0xea: {  	s20 =	sadd.s32 $0xFFFFFF38, s17;
	[sflag:s7] =	ssyncadd.s32 $0xFFFF9C00  }
0xeb: {  	[tilespmem:s29], [sflag:$0x1] =	stream.indirect.gather [hbm4b:s1+s28], $0x80, s20, s28, $0xb8;
	[tilespmem:$0x1B800] =	vst v63  }
0xec: {  	s20 =	sadd.s32 $0xFFFFFF38, s18  }
0xed: {  	[tilespmem:s30], [sflag:$0x3] =	stream.indirect.gather [hbm4b:s1+s28], $0x80, s20, s28, $0xb8;
	[tilespmem:$0x1B800] =	vst v63  }
0xee: {  	_ =	swait.ge [sflag:s8], $0x6400  }
0xef: {  	[sflag:s8] =	ssyncset.done $0x0  }
0xf0: {  	[sflag:s8] =	ssyncadd.s32 $0xFFFF9C00  }
0xf1: {  	_ =	swait.ge [sflag:s9], $0x6400  }
0xf2: {  	[sflag:s9] =	ssyncset.done $0x0  }
0xf3: {  	s19 =	sadd.s32 $0xC80, s19;
	[sflag:s9] =	ssyncadd.s32 $0xFFFF9C00  }
0xf4: {  	[hbm4b:s19+s3] =	stream.linear.scatter [tilespmem:s31], [sflag:$0x6], $0x6400, $0x38;
	[tilespmem:$0x1B800] =	vst v63  }
0xf5: {  	s2 =	sadd.s32 $0xC80, s2  }
0xf6: {  	[hbm4b:s2+s3] =	stream.linear.scatter [tilespmem:s0], [sflag:$0x8], $0x6400, $0x38;
	[tilespmem:$0x1B800] =	vst v63  }
0xf7: {  	_ =	swait.ge [sflag:s10], $0x6400  }
0xf8: {  	[sflag:s10] =	ssyncset.done $0x0  }
0xf9: {  	[sflag:s10] =	ssyncadd.s32 $0xFFFF9C00  }
.Ltmp1:
0xfa: {  	_ =	swait.ge [sflag:s11], $0x6400;
	(pc) =	sbr.rel @p0 .LBB2_4-.Ltmp1, $4  }
0xfb: {  	[sflag:s11] =	ssyncset.done $0x0  }
0xfc: {  	[sflag:s11] =	ssyncadd.s32 $0xFFFF9C00  }
0xfd: {  	[tilespmem:s31], [sflag:$0x2] =	stream.indirect.gather [hbm4b:s1+s28], $0x80, s17, s28, $0xb8;
	[tilespmem:$0x1B800] =	vst v63  }
0xfe: {  	s18 =	sadd.s32 $0x190, s18;
	s17 =	sadd.s32 $0x190, s17  }
0xff: {  	[tilespmem:s0], [sflag:$0x4] =	stream.indirect.gather [hbm4b:s1+s28], $0x80, s15, s28, $0xb8;
	[tilespmem:$0x1B800] =	vst v63  }
0x100: {  	_ =	swait.ge [sflag:s4], $0x6400  }
0x101: {  	[sflag:s4] =	ssyncset.done $0x0  }
0x102: {  	[sflag:s4] =	ssyncadd.s32 $0xFFFF9C00  }
0x103: {  	_ =	swait.ge [sflag:s5], $0x6400  }
0x104: {  	[sflag:s5] =	ssyncset.done $0x0  }
0x105: {  	s2 =	rddreg [dreg:$0xf];
	[sflag:s5] =	ssyncadd.s32 $0xFFFF9C00  }
0x106: {  	[hbm4b:s2+s3] =	stream.linear.scatter [tilespmem:s29], [sflag:$0x5], $0x6400, $0x38;
	[tilespmem:$0x1B800] =	vst v63  }
0x107: {  	s15 =	rddreg [dreg:$0x10]  }
0x108: {  	[hbm4b:s15+s3] =	stream.linear.scatter [tilespmem:s30], [sflag:$0x7], $0x6400, $0x38;
	[tilespmem:$0x1B800] =	vst v63  }
0x109: {  	_ =	swait.ge [sflag:s6], $0x6400  }
0x10a: {  	[sflag:s6] =	ssyncset.done $0x0  }
0x10b: {  	[sflag:s6] =	ssyncadd.s32 $0xFFFF9C00  }
0x10c: {  	_ =	swait.ge [sflag:s7], $0x6400  }
0x10d: {  	[sflag:s7] =	ssyncset.done $0x0  }
0x10e: {  	[sflag:s7] =	ssyncadd.s32 $0xFFFF9C00  }
0x10f: {  	[tilespmem:s29], [sflag:$0x1] =	stream.indirect.gather [hbm4b:s1+s28], $0x80, s12, s28, $0xb8;
	[tilespmem:$0x1B800] =	vst v63  }
0x110: {  	_ = 	snop  }
0x111: {  	[tilespmem:s30], [sflag:$0x3] =	stream.indirect.gather [hbm4b:s1+s28], $0x80, s13, s28, $0xb8;
	[tilespmem:$0x1B800] =	vst v63  }
0x112: {  	_ =	swait.ge [sflag:s8], $0x6400  }
0x113: {  	[sflag:s8] =	ssyncset.done $0x0  }
0x114: {  	[sflag:s8] =	ssyncadd.s32 $0xFFFF9C00  }
0x115: {  	_ =	swait.ge [sflag:s9], $0x6400  }
0x116: {  	[sflag:s9] =	ssyncset.done $0x0  }
0x117: {  	s16 =	rddreg [dreg:$0x11];
	[sflag:s9] =	ssyncadd.s32 $0xFFFF9C00  }
0x118: {  	[hbm4b:s16+s3] =	stream.linear.scatter [tilespmem:s31], [sflag:$0x6], $0x6400, $0x38;
	[tilespmem:$0x1B800] =	vst v63  }
0x119: {  	s17 =	rddreg [dreg:$0x12]  }
0x11a: {  	[hbm4b:s17+s3] =	stream.linear.scatter [tilespmem:s0], [sflag:$0x8], $0x6400, $0x38;
	[tilespmem:$0x1B800] =	vst v63  }
0x11b: {  	_ =	swait.ge [sflag:s10], $0x6400  }
0x11c: {  	[sflag:s10] =	ssyncset.done $0x0  }
0x11d: {  	[sflag:s10] =	ssyncadd.s32 $0xFFFF9C00  }
0x11e: {  	_ =	swait.ge [sflag:s11], $0x6400  }
0x11f: {  	[sflag:s11] =	ssyncset.done $0x0  }
0x120: {  	[sflag:s11] =	ssyncadd.s32 $0xFFFF9C00  }
0x121: {  	_ =	swait.ge [sflag:s4], $0x6400  }
0x122: {  	[sflag:s4] =	ssyncset.done $0x0  }
0x123: {  	[sflag:s4] =	ssyncadd.s32 $0xFFFF9C00  }
0x124: {  	_ =	swait.ge [sflag:s5], $0x6400  }
0x125: {  	[sflag:s5] =	ssyncset.done $0x0  }
0x126: {  	s18 =	rddreg [dreg:$0x9];
	[sflag:s5] =	ssyncadd.s32 $0xFFFF9C00  }
0x127: {  	[hbm4b:s18+s3] =	stream.linear.scatter [tilespmem:s29], [sflag:$0x5], $0x6400, $0x38;
	[tilespmem:$0x1B800] =	vst v63  }
0x128: {  	s19 =	rddreg [dreg:$0xa]  }
0x129: {  	[hbm4b:s19+s3] =	stream.linear.scatter [tilespmem:s30], [sflag:$0x7], $0x6400, $0x38;
	[tilespmem:$0x1B800] =	vst v63  }
0x12a: {  	_ =	swait.ge [sflag:s6], $0x6400  }
0x12b: {  	[sflag:s6] =	ssyncset.done $0x0  }
0x12c: {  	[sflag:s6] =	ssyncadd.s32 $0xFFFF9C00  }
0x12d: {  	_ =	swait.ge [sflag:s7], $0x6400  }
0x12e: {  	s14 =	sadd.s32 $0x1, s14;
	s20 =	rddreg [dreg:$0x15]  }
0x12f: {  	p0 =	sne.s32 s14, s20  }
.Ltmp2:
0x130: {  	_ = 	snop;
	(pc) =	sbr.rel @p0 .LBB2_1-.Ltmp2, $3  }
0x131: {  	_ =	sdelay $0x1  }
0x132: {  	[sflag:s7] =	ssyncset.done $0x0  }
0x133: {  	[sflag:s7] =	ssyncadd.s32 $0xFFFF9C00  }
0x134: {  	_ =	sfence.sel $0x180000  }
0x135: {  	[bflag:$0x0] =	sbarrier.arrive $0xFFFF  }
0x136: {  	_ =	strace $0x90000047  }
0x137: {  	s0 =	stileid.u32;
	[bflag:$0x2] =	sbarrier.arrive $0xFFFF  }
0x138: {  	p0 =	sne.s32 s0, $0x0;
	s0 =	rddreg [dreg:$0x4]  }
0x139: {  	s0 =	sadd.s32 @!p0 $0x100000, s0  }
0x13a: {  	[sflag:s0] =	ssyncadd.tile.s32 @!p0 $0x1;
	_ =	shalt  }
.Lfunc_end2:
_tile_overlayer_lowered:
.L_overlay_start_2:
0x13b: {  	(tag) =	ssettag $0x2  }
0x13c: {  	s0 =	rddreg [dreg:$0x0];
	s2 =	stileid.u32  }
0x13d: {  	s1 =	rddreg [dreg:$0x1];
	p0 =	sne.s32 s2, $0x0  }
0x13e: {  	s3 =	rddreg [dreg:$0x2];
	[bflag:$0x3] =	sbarrier.arrive $0xFFFF;
	s2 =	simm.s32 @!p0 $0x1C09  }
0x13f: {  	[timem:s3], [sflag:s2] =	dma.local @!p0 [hbm:s0], s1  }
0x140: {  	s0 =	simm.s32 @!p0 $0x9  }
0x141: {  	_ =	swait.ge @!p0 [sflag:s0], s1  }
0x142: {  	s1 =	ssub.s32 @!p0 $0x0, s1;
	[sflag:s0] =	ssyncset.done @!p0 $0x0  }
0x143: {  	[sflag:s0] =	ssyncadd.s32 @!p0 s1  }
0x144: {  	[bflag:$0x3] =	sbarrier.arrive $0xFFFF  }
0x145: {  	_ =	shalt  }

</sc_bundles>
